<compile_context>
chip_gen: v7x
topology: tpu7x:2x2x1
jax: 0.10.2.dev20260603
libtpu: 0.0.44.dev20260713+nightly
codegen_flags: <defaults>
</compile_context>

<pallas_src>
import functools

import jax
import jax.numpy as jnp
from jax import lax
from jax.experimental import pallas as pl
from jax.experimental.pallas import tpu as pltpu
from jax.experimental.pallas import tpu_sc as plsc

BATCH = 4
NODE_NUM = 10000
INPUT_DIM = 10
DIM = 64
TOPK = 20

N_TOTAL = BATCH * NODE_NUM
NEGF = -1e30
BIGI = 2**30


CA = 128
GRID_TK = (NODE_NUM + CA - 1) // CA
NPAD = GRID_TK * CA


def _topk_body(emb_ref, embT_ref, tkT_ref, s_ref):
    emb = emb_ref[...]
    nrm2 = jnp.sum(emb * emb, axis=1, keepdims=True)
    embT = embT_ref[...]
    nrm2T = jnp.sum(embT * embT, axis=0, keepdims=True)
    s0 = jnp.dot(emb, embT,
                 preferred_element_type=jnp.float32)
    s0 = s0 / (jnp.sqrt(nrm2) * jnp.sqrt(nrm2T))
    s_ref[...] = s0
    ii = lax.broadcasted_iota(jnp.int32, (NODE_NUM, CA), 0)

    def step(k, m):
        s = s_ref[...]
        em = s == m
        idx = jnp.min(jnp.where(em, ii, BIGI), axis=0, keepdims=True)
        sn = jnp.where(em, NEGF, s)
        s_ref[...] = sn
        tkT_ref[pl.ds(k, 1), :] = idx
        return jnp.max(sn, axis=0, keepdims=True)

    lax.fori_loop(0, TOPK, step, jnp.max(s0, axis=0, keepdims=True))


def _run_topk(emb, embT):
    return pl.pallas_call(
        _topk_body,
        grid=(GRID_TK,),
        in_specs=[
            pl.BlockSpec((NODE_NUM, DIM), lambda i: (0, 0)),
            pl.BlockSpec((DIM, CA), lambda i: (0, i)),
        ],
        out_specs=pl.BlockSpec((TOPK, CA), lambda i: (0, i)),
        out_shape=jax.ShapeDtypeStruct((TOPK, NPAD), jnp.int32),
        scratch_shapes=[pltpu.VMEM((NODE_NUM, CA), jnp.float32)],
    )(emb, embT)



GRID_X = 50
RX = N_TOTAL // GRID_X


def _lin_body(x_ref, emb4_ref, linW_ref, ai_ref, aj_ref, aei_ref, aej_ref,
              xl_ref, ci_ref, cj_ref):
    xl = jnp.dot(x_ref[...], linW_ref[...],
                 preferred_element_type=jnp.float32)
    xl_ref[...] = xl
    e4 = emb4_ref[...]
    ci_ref[...] = (jnp.sum(xl * ai_ref[...], axis=1, keepdims=True)
                   + jnp.sum(e4 * aei_ref[...], axis=1, keepdims=True))
    cj_ref[...] = (jnp.sum(xl * aj_ref[...], axis=1, keepdims=True)
                   + jnp.sum(e4 * aej_ref[...], axis=1, keepdims=True))


def _run_lin(x, emb4, lin_W, ai, aj, aei, aej):
    full = lambda i: (0, 0)
    row = lambda i: (i, 0)
    return pl.pallas_call(
        _lin_body,
        grid=(GRID_X,),
        in_specs=[
            pl.BlockSpec((RX, INPUT_DIM), row),
            pl.BlockSpec((RX, DIM), row),
            pl.BlockSpec((INPUT_DIM, DIM), full),
            pl.BlockSpec((1, DIM), full),
            pl.BlockSpec((1, DIM), full),
            pl.BlockSpec((1, DIM), full),
            pl.BlockSpec((1, DIM), full),
        ],
        out_specs=[
            pl.BlockSpec((RX, DIM), row),
            pl.BlockSpec((RX, 1), row),
            pl.BlockSpec((RX, 1), row),
        ],
        out_shape=[
            jax.ShapeDtypeStruct((N_TOTAL, DIM), jnp.float32),
            jax.ShapeDtypeStruct((N_TOTAL, 1), jnp.float32),
            jax.ShapeDtypeStruct((N_TOTAL, 1), jnp.float32),
        ],
    )(x, emb4, lin_W, ai, aj, aei, aej)



NW = 32
NPW = N_TOTAL // NW
CHUNK = 5
KSLOT = 24
NCHUNK = NPW // CHUNK


def _stage_b_body(xl_hbm, ci_hbm, cj_hbm, nbr_hbm, out_hbm,
                  cib, cjb, idxs, rows, outc, sem):
    wid = lax.axis_index("s") * 2 + lax.axis_index("c")
    base = wid * NPW
    bb = (base // NODE_NUM) * NODE_NUM

    pltpu.sync_copy(ci_hbm.at[pl.ds(bb, NODE_NUM)], cib)
    pltpu.sync_copy(cj_hbm.at[pl.ds(bb, NODE_NUM)], cjb)

    lane = lax.broadcasted_iota(jnp.int32, (16,), 0)

    def chunk_body(c, carry):
        nb = base + c * CHUNK
        pltpu.sync_copy(nbr_hbm.at[pl.ds(nb * KSLOT, CHUNK * KSLOT)], idxs)
        pltpu.async_copy(xl_hbm.at[idxs], rows, sem).wait()
        for i in range(CHUNK):
            n = nb + i
            off = i * KSLOT
            iv0 = idxs[pl.ds(off, 16)]
            iv1 = idxs[pl.ds(off + 8, 16)]
            cj0 = plsc.load_gather(cjb, [iv0 - bb])
            cj1 = plsc.load_gather(cjb, [iv1 - bb])
            ci_s = plsc.load_gather(cib, [jnp.full((16,), n - bb, jnp.int32)])
            z0 = ci_s + cj0
            z1 = ci_s + cj1
            a0 = jnp.where(z0 > 0, z0, jnp.float32(0.2) * z0)
            a1 = jnp.where(z1 > 0, z1, jnp.float32(0.2) * z1)
            nsp = jnp.full((16,), n, jnp.int32)
            p1 = lane + 8
            act0 = iv0 != nsp
            act1 = (p1 == TOPK) | ((p1 >= 16) & (p1 < TOPK) & (iv1 != nsp))
            m0 = jnp.where(act0, a0, NEGF)
            m1 = jnp.where(act1, a1, NEGF)
            mx = jnp.maximum(jnp.max(m0, axis=0), jnp.max(m1, axis=0))
            e0 = jnp.exp(m0 - mx)
            e1 = jnp.exp(m1 - mx)
            ssum = jnp.sum(e0, axis=0) + jnp.sum(e1, axis=0)
            dv = jnp.broadcast_to(ssum + jnp.float32(1e-16), (16,))
            ek = [jnp.max(jnp.where(lane == k, e0, 0.0), axis=0)
                  for k in range(16)]
            ek += [jnp.max(jnp.where(lane == (k - 8), e1, 0.0), axis=0)
                   for k in range(16, TOPK + 1)]
            for j in range(DIM // 16):
                acc = jnp.zeros((16,), jnp.float32)
                for k in range(TOPK + 1):
                    acc = acc + ek[k] * rows[off + k, pl.ds(j * 16, 16)]
                outc[pl.ds(i * DIM + j * 16, 16)] = acc / dv
        pltpu.sync_copy(outc, out_hbm.at[pl.ds(nb * DIM, CHUNK * DIM)])
        return carry

    lax.fori_loop(0, NCHUNK, chunk_body, 0)


def _run_stage_b(xl, ci, cj, nbr):
    mesh = plsc.VectorSubcoreMesh(core_axis_name="c", subcore_axis_name="s")
    f = functools.partial(
        pl.kernel, mesh=mesh,
        compiler_params=pltpu.CompilerParams(needs_layout_passes=False,
                                             use_tc_tiling_on_sc=False),
        out_type=jax.ShapeDtypeStruct((N_TOTAL * DIM,), jnp.float32),
        scratch_types=[
            pltpu.VMEM((NODE_NUM,), jnp.float32),
            pltpu.VMEM((NODE_NUM,), jnp.float32),
            pltpu.VMEM((CHUNK * KSLOT,), jnp.int32),
            pltpu.VMEM((CHUNK * KSLOT, DIM), jnp.float32),
            pltpu.VMEM((CHUNK * DIM,), jnp.float32),
            pltpu.SemaphoreType.DMA,
        ],
    )(_stage_b_body)
    return f(xl, ci, cj, nbr)




def _sums_body(h_ref, s1_ref, s2_ref):
    @pl.when(pl.program_id(0) == 0)
    def _():
        s1_ref[...] = jnp.zeros_like(s1_ref)
        s2_ref[...] = jnp.zeros_like(s2_ref)
    h = h_ref[...]
    s1_ref[...] += jnp.sum(h, axis=0, keepdims=True)
    s2_ref[...] += jnp.sum(h * h, axis=0, keepdims=True)


def _run_sums(h):
    return pl.pallas_call(
        _sums_body,
        grid=(GRID_X,),
        in_specs=[pl.BlockSpec((RX, DIM), lambda i: (i, 0))],
        out_specs=[pl.BlockSpec((1, DIM), lambda i: (0, 0)),
                   pl.BlockSpec((1, DIM), lambda i: (0, 0))],
        out_shape=[jax.ShapeDtypeStruct((1, DIM), jnp.float32),
                   jax.ShapeDtypeStruct((1, DIM), jnp.float32)],
    )(h)


def _bn1_body(h_ref, emb4_ref, mu_ref, rs_ref, g_ref, b_ref,
              h1_ref, s1_ref, s2_ref):
    @pl.when(pl.program_id(0) == 0)
    def _():
        s1_ref[...] = jnp.zeros_like(s1_ref)
        s2_ref[...] = jnp.zeros_like(s2_ref)
    h = (h_ref[...] - mu_ref[...]) * rs_ref[...] * g_ref[...] + b_ref[...]
    h = jnp.maximum(h, 0.0) * emb4_ref[...]
    h1_ref[...] = h
    s1_ref[...] += jnp.sum(h, axis=0, keepdims=True)
    s2_ref[...] += jnp.sum(h * h, axis=0, keepdims=True)


def _run_bn1(h, emb4, mu, rs, g, b):
    full = lambda i: (0, 0)
    row = lambda i: (i, 0)
    return pl.pallas_call(
        _bn1_body,
        grid=(GRID_X,),
        in_specs=[pl.BlockSpec((RX, DIM), row), pl.BlockSpec((RX, DIM), row),
                  pl.BlockSpec((1, DIM), full), pl.BlockSpec((1, DIM), full),
                  pl.BlockSpec((1, DIM), full), pl.BlockSpec((1, DIM), full)],
        out_specs=[pl.BlockSpec((RX, DIM), row),
                   pl.BlockSpec((1, DIM), full), pl.BlockSpec((1, DIM), full)],
        out_shape=[jax.ShapeDtypeStruct((N_TOTAL, DIM), jnp.float32),
                   jax.ShapeDtypeStruct((1, DIM), jnp.float32),
                   jax.ShapeDtypeStruct((1, DIM), jnp.float32)],
    )(h, emb4, mu, rs, g, b)


def _bn2_body(h_ref, mu_ref, rs_ref, g_ref, b_ref, ow_ref, ob_ref, y_ref):
    h = (h_ref[...] - mu_ref[...]) * rs_ref[...] * g_ref[...] + b_ref[...]
    h = jnp.maximum(h, 0.0)
    y_ref[...] = jnp.sum(h * ow_ref[...], axis=1, keepdims=True) + ob_ref[...]


def _run_bn2(h, mu, rs, g, b, ow, ob):
    full = lambda i: (0, 0)
    row = lambda i: (i, 0)
    return pl.pallas_call(
        _bn2_body,
        grid=(GRID_X,),
        in_specs=[pl.BlockSpec((RX, DIM), row),
                  pl.BlockSpec((1, DIM), full), pl.BlockSpec((1, DIM), full),
                  pl.BlockSpec((1, DIM), full), pl.BlockSpec((1, DIM), full),
                  pl.BlockSpec((1, DIM), full),
                  pl.BlockSpec((1, 1), full)],
        out_specs=pl.BlockSpec((RX, 1), row),
        out_shape=jax.ShapeDtypeStruct((N_TOTAL, 1), jnp.float32),
    )(h, mu, rs, g, b, ow, ob)




def kernel(data, org_edge_index, emb, lin_W, att_i, att_j, att_em_i,
           att_em_j, gl_bias, bn1_g, bn1_b, bn2_g, bn2_b, out_W, out_b):
    del org_edge_index, gl_bias
    x = data.reshape(-1, INPUT_DIM)
    embT = emb.T
    emb4 = jnp.tile(emb, (BATCH, 1))
    r1 = lambda v: v.reshape(1, -1)

    tkT = _run_topk(emb, embT)
    topk = tkT[:, :NODE_NUM].T
    xl, ci, cj = _run_lin(x, emb4, lin_W, r1(att_i), r1(att_j),
                          r1(att_em_i), r1(att_em_j))

    selfc = jnp.broadcast_to(jnp.arange(NODE_NUM, dtype=jnp.int32)[:, None],
                             (NODE_NUM, KSLOT - TOPK))
    nbr = jnp.concatenate([topk, selfc], axis=1)
    offs = (jnp.arange(BATCH, dtype=jnp.int32) * NODE_NUM)[:, None, None]
    nbr = (nbr[None] + offs).reshape(-1)

    outb = _run_stage_b(xl, ci.reshape(-1), cj.reshape(-1), nbr)
    outb = outb.reshape(N_TOTAL, DIM)

    inv_n = 1.0 / N_TOTAL
    s1, s2 = _run_sums(outb)
    mu1 = s1 * inv_n
    rs1 = 1.0 / jnp.sqrt(s2 * inv_n - mu1 * mu1 + 1e-5)
    h1, t1, t2 = _run_bn1(outb, emb4, mu1, rs1, r1(bn1_g), r1(bn1_b))
    mu2 = t1 * inv_n
    rs2 = 1.0 / jnp.sqrt(t2 * inv_n - mu2 * mu2 + 1e-5)
    y = _run_bn2(h1, mu2, rs2, r1(bn2_g), r1(bn2_b), out_W.reshape(1, -1),
                 out_b.reshape(1, 1))
    return y.reshape(BATCH, NODE_NUM)

# --- scband reference (transcript-rebuilt; emitter-appended) ---
"""Pipeline reference for scband-gdn-64003602645026 (READ-ONLY COPY).

The authoritative reference and input builder live on the scoring server;
editing this copy changes nothing except your own understanding.
"""

import jax, jax.numpy as jnp
import numpy as np

BATCH = 4
NODE_NUM = 10000
INPUT_DIM = 10
DIM = 64
TOPK = 20

def setup_inputs(seed: int = 0):
    key = jax.random.key(seed)
    ks = jax.random.split(key, 12)
    inp = {}
    inp["data"] = jax.random.normal(ks[0], (BATCH, NODE_NUM, INPUT_DIM), dtype=jnp.float32)
    inp["org_edge_index"] = jax.random.randint(ks[1], (2, 4096), 0, NODE_NUM, dtype=jnp.int32)
    inp["emb"] = jax.random.normal(ks[2], (NODE_NUM, DIM), dtype=jnp.float32) * 0.1
    inp["lin_W"] = jax.random.normal(ks[3], (INPUT_DIM, DIM), dtype=jnp.float32) * (1.0 / np.sqrt(INPUT_DIM))
    inp["att_i"] = jax.random.normal(ks[4], (DIM,), dtype=jnp.float32) * 0.1
    inp["att_j"] = jax.random.normal(ks[5], (DIM,), dtype=jnp.float32) * 0.1
    inp["att_em_i"] = jax.random.normal(ks[6], (DIM,), dtype=jnp.float32) * 0.1
    inp["att_em_j"] = jax.random.normal(ks[7], (DIM,), dtype=jnp.float32) * 0.1
    inp["gl_bias"] = jnp.zeros((DIM,), dtype=jnp.float32)
    inp["bn1_g"] = jnp.ones((DIM,), dtype=jnp.float32)
    inp["bn1_b"] = jnp.zeros((DIM,), dtype=jnp.float32)
    inp["bn2_g"] = jnp.ones((DIM,), dtype=jnp.float32)
    inp["bn2_b"] = jnp.zeros((DIM,), dtype=jnp.float32)
    inp["out_W"] = jax.random.normal(ks[8], (DIM, 1), dtype=jnp.float32) * 0.1
    inp["out_b"] = jnp.zeros((1,), dtype=jnp.float32)
    return inp

def _build_edges(emb, batch_num):
    # GDN learns its graph: topk cosine-similarity neighbors of the (detached) node embeddings.
    node_num = emb.shape[0]
    nrm = jnp.linalg.norm(emb, axis=-1)
    cos = (emb @ emb.T) / (nrm[:, None] * nrm[None, :])
    topk_idx = jax.lax.top_k(cos, TOPK)[1]
    dst = jnp.repeat(jnp.arange(node_num), TOPK)  # gated_i
    src = topk_idx.reshape(-1)                    # gated_j
    offs = (jnp.arange(batch_num) * node_num)[:, None]
    src_b = (src[None, :] + offs).reshape(-1)
    dst_b = (dst[None, :] + offs).reshape(-1)
    # remove_self_loops then add_self_loops (as in GraphLayer.forward)
    mask = src_b != dst_b
    n_total = batch_num * node_num
    loop = jnp.arange(n_total)
    src_b = jnp.concatenate([src_b, loop])
    dst_b = jnp.concatenate([dst_b, loop])
    edge_mask = jnp.concatenate([mask, jnp.ones((n_total,), dtype=bool)])
    return src_b.astype(jnp.int32), dst_b.astype(jnp.int32), edge_mask

def _forward(data, emb, lin_W, att_i, att_j, att_em_i, att_em_j, gl_bias, bn1_g, bn1_b, bn2_g, bn2_b, out_W, out_b, src, dst, edge_mask):
    batch_num, node_num, feat = data.shape
    n_total = batch_num * node_num
    x = data.reshape(-1, feat)
    # GraphLayer (GAT-style attention with embedding-augmented keys, heads=1, concat=False)
    xl = x @ lin_W
    all_emb = jnp.tile(emb, (batch_num, 1))
    x_i = xl[dst]
    x_j = xl[src]
    e_i = all_emb[dst]
    e_j = all_emb[src]
    alpha = (x_i * att_i).sum(-1) + (e_i * att_em_i).sum(-1) + (x_j * att_j).sum(-1) + (e_j * att_em_j).sum(-1)
    alpha = jax.nn.leaky_relu(alpha, 0.2)
    alpha = jnp.where(edge_mask, alpha, -jnp.inf)
    seg_max = jax.lax.stop_gradient(jax.ops.segment_max(alpha, dst, num_segments=n_total))
    a = jnp.exp(alpha - seg_max[dst])
    denom = jax.ops.segment_sum(a, dst, num_segments=n_total)
    a = a / (denom[dst] + 1e-16)
    out = jax.ops.segment_sum(x_j * a[:, None], dst, num_segments=n_total)
    out = out + gl_bias
    # GNNLayer: BatchNorm1d (training-mode batch stats) + ReLU
    mu = out.mean(axis=0)
    var = out.var(axis=0)
    out = (out - mu) / jnp.sqrt(var + 1e-5) * bn1_g + bn1_b
    out = jax.nn.relu(out)
    # GDN tail: multiply by node embedding, BN over channel dim, ReLU, dropout(eval=identity), OutLayer
    x3 = out.reshape(batch_num, node_num, -1)
    out = x3 * emb[None, :, :]
    mu2 = out.mean(axis=(0, 1))
    var2 = out.var(axis=(0, 1))
    out = (out - mu2) / jnp.sqrt(var2 + 1e-5) * bn2_g + bn2_b
    out = jax.nn.relu(out)
    out = out @ out_W + out_b
    return out.reshape(-1, node_num)

def reference(data, org_edge_index, emb, lin_W, att_i, att_j, att_em_i, att_em_j, gl_bias, bn1_g, bn1_b, bn2_g, bn2_b, out_W, out_b):
    # org_edge_index is an unused forward arg in the torch module; prior_graph=True uses the learned topk graph.
    src, dst, edge_mask = _build_edges(jax.lax.stop_gradient(emb), data.shape[0])
    return _forward(data, emb, lin_W, att_i, att_j, att_em_i, att_em_j, gl_bias, bn1_g, bn1_b, bn2_g, bn2_b, out_W, out_b, src, dst, edge_mask)

if __name__ == "__main__":
    import jax
    _d = setup_inputs()
    print(jax.jit(kernel)(*tuple(_d.values())))

</pallas_src>

<mosaic_0001>
#map = affine_map<(d0, d1) -> (0, 0)>
#map1 = affine_map<(d0, d1) -> (0)>
module attributes {stable_mosaic.version = 14 : i64} {
  func.func @_stage_b_body(%arg0: i32, %arg1: i32, %arg2: memref<40000x64xf32, #tpu.memory_space<hbm>>, %arg3: memref<40000xf32, #tpu.memory_space<hbm>>, %arg4: memref<40000xf32, #tpu.memory_space<hbm>>, %arg5: memref<960000xi32, #tpu.memory_space<hbm>>, %arg6: memref<2560000xf32, #tpu.memory_space<hbm>>, %arg7: memref<10000xf32, #tpu.memory_space<vmem>>, %arg8: memref<10000xf32, #tpu.memory_space<vmem>>, %arg9: memref<120xi32, #tpu.memory_space<vmem>>, %arg10: memref<120x64xf32, #tpu.memory_space<vmem>>, %arg11: memref<320xf32, #tpu.memory_space<vmem>>, %arg12: memref<!tpu.dma_semaphore, #tpu.memory_space<semaphore_mem>>) attributes {dimension_semantics = [#tpu.dimension_semantics<core_parallel>, #tpu.dimension_semantics<subcore_parallel>], iteration_bounds = array<i64: 2, 16>, scalar_prefetch = 0 : i64, scratch_operands = 6 : i64, tpu.core_type = #tpu.core_type<sc_vector_subcore>, window_params = [{transform_indices = #map}, {transform_indices = #map1}, {transform_indices = #map1}, {transform_indices = #map1}, {transform_indices = #map1}]} {
    %mul3A = arith.constant 2 : i32
    %mul3A_0 = arith.muli %arg1, %mul3A : i32
    %add3A = arith.addi %mul3A_0, %arg0 : i32
    %mul3A_1 = arith.constant 1250 : i32
    %mul3A_2 = arith.muli %add3A, %mul3A_1 : i32
    %jit3A = arith.constant 10000 : i32
    %div3A = arith.divsi %mul3A_2, %jit3A : i32
    %sign3A = arith.constant 0 : i32
    %sign3A_3 = arith.cmpi sgt, %mul3A_2, %sign3A : i32
    %sign3A_4 = arith.extui %sign3A_3 : i1 to i32
    %sign3A_5 = arith.constant 0 : i32
    %sign3A_6 = arith.cmpi slt, %mul3A_2, %sign3A_5 : i32
    %sign3A_7 = arith.extui %sign3A_6 : i1 to i32
    %sign3A_8 = arith.subi %sign3A_4, %sign3A_7 : i32
    %sign3A_9 = arith.constant 0 : i32
    %sign3A_10 = arith.cmpi sgt, %jit3A, %sign3A_9 : i32
    %sign3A_11 = arith.extui %sign3A_10 : i1 to i32
    %sign3A_12 = arith.constant 0 : i32
    %sign3A_13 = arith.cmpi slt, %jit3A, %sign3A_12 : i32
    %sign3A_14 = arith.extui %sign3A_13 : i1 to i32
    %sign3A_15 = arith.subi %sign3A_11, %sign3A_14 : i32
    %ne3A = arith.cmpi ne, %sign3A_8, %sign3A_15 : i32
    %rem3A = arith.remsi %mul3A_2, %jit3A : i32
    %ne3A_16 = arith.constant 0 : i32
    %ne3A_17 = arith.cmpi ne, %rem3A, %ne3A_16 : i32
    %and3A = arith.andi %ne3A, %ne3A_17 : i1
    %sub3A = arith.constant 1 : i32
    %sub3A_18 = arith.subi %div3A, %sub3A : i32
    %select_n3A = arith.select %and3A, %sub3A_18, %div3A : i32
    %mul3A_19 = arith.constant 10000 : i32
    %mul3A_20 = arith.muli %select_n3A, %mul3A_19 : i32
    "tpu.region"() ({
      %run_scoped3A = tpu.sem_alloc : memref<!tpu.dma_semaphore, #tpu.memory_space<semaphore_mem>>
      %dma_start3A = tpu.memref_slice %arg3[%mul3A_20] : memref<40000xf32, #tpu.memory_space<hbm>> -> memref<10000xf32, #tpu.memory_space<hbm>>
      %dma_start3A_26 = tpu.memref_slice %arg3[%mul3A_20] : memref<40000xf32, #tpu.memory_space<hbm>> -> memref<10000xf32, #tpu.memory_space<hbm>>
      tpu.enqueue_dma source(%dma_start3A_26 : memref<10000xf32, #tpu.memory_space<hbm>>) target(%arg7 : memref<10000xf32, #tpu.memory_space<vmem>>) target_semaphore(%run_scoped3A : memref<!tpu.dma_semaphore, #tpu.memory_space<semaphore_mem>>)
      %dma_wait3A = tpu.memref_slice %arg3[%mul3A_20] : memref<40000xf32, #tpu.memory_space<hbm>> -> memref<10000xf32, #tpu.memory_space<hbm>>
      %dma_wait3A_27 = tpu.memref_slice %arg3[%mul3A_20] : memref<40000xf32, #tpu.memory_space<hbm>> -> memref<10000xf32, #tpu.memory_space<hbm>>
      tpu.wait_dma2 semaphore(%run_scoped3A : memref<!tpu.dma_semaphore, #tpu.memory_space<semaphore_mem>>) src(%dma_wait3A_27 : memref<10000xf32, #tpu.memory_space<hbm>>) dst(%arg7 : memref<10000xf32, #tpu.memory_space<vmem>>)
      tpu.yield
    }) : () -> ()
    "tpu.region"() ({
      %run_scoped3A = tpu.sem_alloc : memref<!tpu.dma_semaphore, #tpu.memory_space<semaphore_mem>>
      %dma_start3A = tpu.memref_slice %arg4[%mul3A_20] : memref<40000xf32, #tpu.memory_space<hbm>> -> memref<10000xf32, #tpu.memory_space<hbm>>
      %dma_start3A_26 = tpu.memref_slice %arg4[%mul3A_20] : memref<40000xf32, #tpu.memory_space<hbm>> -> memref<10000xf32, #tpu.memory_space<hbm>>
      tpu.enqueue_dma source(%dma_start3A_26 : memref<10000xf32, #tpu.memory_space<hbm>>) target(%arg8 : memref<10000xf32, #tpu.memory_space<vmem>>) target_semaphore(%run_scoped3A : memref<!tpu.dma_semaphore, #tpu.memory_space<semaphore_mem>>)
      %dma_wait3A = tpu.memref_slice %arg4[%mul3A_20] : memref<40000xf32, #tpu.memory_space<hbm>> -> memref<10000xf32, #tpu.memory_space<hbm>>
      %dma_wait3A_27 = tpu.memref_slice %arg4[%mul3A_20] : memref<40000xf32, #tpu.memory_space<hbm>> -> memref<10000xf32, #tpu.memory_space<hbm>>
      tpu.wait_dma2 semaphore(%run_scoped3A : memref<!tpu.dma_semaphore, #tpu.memory_space<semaphore_mem>>) src(%dma_wait3A_27 : memref<10000xf32, #tpu.memory_space<hbm>>) dst(%arg8 : memref<10000xf32, #tpu.memory_space<vmem>>)
      tpu.yield
    }) : () -> ()
    %iota3A = tpu.iota {dimensions = array<i32: 0>} : vector<16xi32>
    %scan3A = arith.constant 0 : i32
    %scan3A_21 = arith.constant 0 : i32
    %scan3A_22 = arith.constant 250 : i32
    %scan3A_23 = arith.addi %scan3A_21, %scan3A_22 : i32
    %scan3A_24 = arith.constant 1 : i32
    scf.for %scan3A_26 = %scan3A_21 to %scan3A_23 step %scan3A_24  : i32 {
      %mul3A_27 = arith.constant 5 : i32
      %mul3A_28 = arith.muli %scan3A_26, %mul3A_27 : i32
      %add3A_29 = arith.addi %mul3A_2, %mul3A_28 : i32
      %mul3A_30 = arith.constant 24 : i32
      %mul3A_31 = arith.muli %add3A_29, %mul3A_30 : i32
      "tpu.region"() ({
        %run_scoped3A = tpu.sem_alloc : memref<!tpu.dma_semaphore, #tpu.memory_space<semaphore_mem>>
        %dma_start3A_4525 = tpu.memref_slice %arg5[%mul3A_31] : memref<960000xi32, #tpu.memory_space<hbm>> -> memref<120xi32, #tpu.memory_space<hbm>>
        %dma_start3A_4526 = tpu.memref_slice %arg5[%mul3A_31] : memref<960000xi32, #tpu.memory_space<hbm>> -> memref<120xi32, #tpu.memory_space<hbm>>
        tpu.enqueue_dma source(%dma_start3A_4526 : memref<120xi32, #tpu.memory_space<hbm>>) target(%arg9 : memref<120xi32, #tpu.memory_space<vmem>>) target_semaphore(%run_scoped3A : memref<!tpu.dma_semaphore, #tpu.memory_space<semaphore_mem>>)
        %dma_wait3A_4527 = tpu.memref_slice %arg5[%mul3A_31] : memref<960000xi32, #tpu.memory_space<hbm>> -> memref<120xi32, #tpu.memory_space<hbm>>
        %dma_wait3A_4528 = tpu.memref_slice %arg5[%mul3A_31] : memref<960000xi32, #tpu.memory_space<hbm>> -> memref<120xi32, #tpu.memory_space<hbm>>
        tpu.wait_dma2 semaphore(%run_scoped3A : memref<!tpu.dma_semaphore, #tpu.memory_space<semaphore_mem>>) src(%dma_wait3A_4528 : memref<120xi32, #tpu.memory_space<hbm>>) dst(%arg9 : memref<120xi32, #tpu.memory_space<vmem>>)
        tpu.yield
      }) : () -> ()
      %dma_start3A = arith.constant 0 : i32
      %dma_start3A_32 = arith.constant 0 : i32
      %dma_start3A_33 = tpu.memref_slice %arg2[%dma_start3A, %dma_start3A_32] : memref<40000x64xf32, #tpu.memory_space<hbm>> -> memref<40000x64xf32, #tpu.memory_space<hbm>>
      tpu.enqueue_indirect_dma source(%dma_start3A_33 : memref<40000x64xf32, #tpu.memory_space<hbm>>) target(%arg10 : memref<120x64xf32, #tpu.memory_space<vmem>>) offsets(%arg9 : memref<120xi32, #tpu.memory_space<vmem>>) semaphore(%arg12 : memref<!tpu.dma_semaphore, #tpu.memory_space<semaphore_mem>>)
      %dma_wait3A = arith.constant 0 : i32
      %dma_wait3A_34 = arith.constant 0 : i32
      %dma_wait3A_35 = tpu.memref_slice %arg2[%dma_wait3A, %dma_wait3A_34] : memref<40000x64xf32, #tpu.memory_space<hbm>> -> memref<40000x64xf32, #tpu.memory_space<hbm>>
      tpu.wait_indirect_dma semaphore(%arg12 : memref<!tpu.dma_semaphore, #tpu.memory_space<semaphore_mem>>) src(%dma_wait3A_35 : memref<40000x64xf32, #tpu.memory_space<hbm>>) dst(%arg10 : memref<120x64xf32, #tpu.memory_space<vmem>>)
      %add3A_36 = arith.constant 0 : i32
      %add3A_37 = arith.addi %add3A_29, %add3A_36 : i32
      %get3A = arith.constant 0 : index
      %get3A_38 = tpu.vector_load %arg9[%get3A] {strides = array<i32>} : memref<120xi32, #tpu.memory_space<vmem>>, vector<16xi32>,
      %get3A_39 = arith.constant 8 : index
      %get3A_40 = tpu.vector_load %arg9[%get3A_39] {strides = array<i32>} : memref<120xi32, #tpu.memory_space<vmem>>, vector<16xi32>,
      %sub3A_41 = vector.broadcast %mul3A_20 : i32 to vector<16xi32>
      %sub3A_42 = arith.subi %get3A_38, %sub3A_41 : vector<16xi32>
      %gather3A = tpu.vector_load_idx %arg8[%sub3A_42] : memref<10000xf32, #tpu.memory_space<vmem>>[vector<16xi32>], vector<16xf32>,
      %sub3A_43 = vector.broadcast %mul3A_20 : i32 to vector<16xi32>
      %sub3A_44 = arith.subi %get3A_40, %sub3A_43 : vector<16xi32>
      %gather3A_45 = tpu.vector_load_idx %arg8[%sub3A_44] : memref<10000xf32, #tpu.memory_space<vmem>>[vector<16xi32>], vector<16xf32>,
      %sub3A_46 = arith.subi %add3A_37, %mul3A_20 : i32
      %broadcast_in_dim3A = vector.broadcast %sub3A_46 : i32 to vector<16xi32>
      %gather3A_47 = tpu.vector_load_idx %arg7[%broadcast_in_dim3A] : memref<10000xf32, #tpu.memory_space<vmem>>[vector<16xi32>], vector<16xf32>,
      %add3A_48 = arith.addf %gather3A_47, %gather3A : vector<16xf32>
      %add3A_49 = arith.addf %gather3A_47, %gather3A_45 : vector<16xf32>
      %gt3A = arith.constant 0.000000e+00 : f32
      %gt3A_50 = vector.broadcast %gt3A : f32 to vector<16xf32>
      %gt3A_51 = arith.cmpf ogt, %add3A_48, %gt3A_50 : vector<16xf32>
      %mul3A_52 = arith.constant 2.000000e-01 : f32
      %mul3A_53 = vector.broadcast %mul3A_52 : f32 to vector<16xf32>
      %mul3A_54 = arith.mulf %mul3A_53, %add3A_48 : vector<16xf32>
      %select_n3A_55 = arith.select %gt3A_51, %add3A_48, %mul3A_54 : vector<16xi1>, vector<16xf32>
      %gt3A_56 = arith.constant 0.000000e+00 : f32
      %gt3A_57 = vector.broadcast %gt3A_56 : f32 to vector<16xf32>
      %gt3A_58 = arith.cmpf ogt, %add3A_49, %gt3A_57 : vector<16xf32>
      %mul3A_59 = arith.constant 2.000000e-01 : f32
      %mul3A_60 = vector.broadcast %mul3A_59 : f32 to vector<16xf32>
      %mul3A_61 = arith.mulf %mul3A_60, %add3A_49 : vector<16xf32>
      %select_n3A_62 = arith.select %gt3A_58, %add3A_49, %mul3A_61 : vector<16xi1>, vector<16xf32>
      %broadcast_in_dim3A_63 = vector.broadcast %add3A_37 : i32 to vector<16xi32>
      %add3A_64 = arith.constant 8 : i32
      %add3A_65 = vector.broadcast %add3A_64 : i32 to vector<16xi32>
      %add3A_66 = arith.addi %iota3A, %add3A_65 : vector<16xi32>
      %ne3A_67 = arith.cmpi ne, %get3A_38, %broadcast_in_dim3A_63 : vector<16xi32>
      %eq3A = arith.constant 20 : i32
      %eq3A_68 = vector.broadcast %eq3A : i32 to vector<16xi32>
      %eq3A_69 = arith.cmpi eq, %add3A_66, %eq3A_68 : vector<16xi32>
      %ge3A = arith.constant 16 : i32
      %ge3A_70 = vector.broadcast %ge3A : i32 to vector<16xi32>
      %ge3A_71 = arith.cmpi sge, %add3A_66, %ge3A_70 : vector<16xi32>
      %lt3A = arith.constant 20 : i32
      %lt3A_72 = vector.broadcast %lt3A : i32 to vector<16xi32>
      %lt3A_73 = arith.cmpi slt, %add3A_66, %lt3A_72 : vector<16xi32>
      %and3A_74 = arith.andi %ge3A_71, %lt3A_73 : vector<16xi1>
      %ne3A_75 = arith.cmpi ne, %get3A_40, %broadcast_in_dim3A_63 : vector<16xi32>
      %and3A_76 = arith.andi %and3A_74, %ne3A_75 : vector<16xi1>
      %or3A = arith.ori %eq3A_69, %and3A_76 : vector<16xi1>
      %jit3A_77 = arith.constant -1.000000e+30 : f32
      %broadcast_in_dim3A_78 = vector.broadcast %jit3A_77 : f32 to vector<16xf32>
      %select_n3A_79 = arith.select %ne3A_67, %select_n3A_55, %broadcast_in_dim3A_78 : vector<16xi1>, vector<16xf32>
      %jit3A_80 = arith.constant -1.000000e+30 : f32
      %broadcast_in_dim3A_81 = vector.broadcast %jit3A_80 : f32 to vector<16xf32>
      %select_n3A_82 = arith.select %or3A, %select_n3A_62, %broadcast_in_dim3A_81 : vector<16xi1>, vector<16xf32>
      %reduce_max3A = arith.constant true
      %reduce_max3A_83 = vector.broadcast %reduce_max3A : i1 to vector<16xi1>
      %reduce_max3A_84 = tpu.scan <max>, %select_n3A_79 masked %reduce_max3A_83 : vector<16xf32>, vector<16xi1> -> vector<16xf32>
      %reduce_max3A_85 = vector.extract %reduce_max3A_84[15] : f32 from vector<16xf32>
      %reduce_max3A_86 = arith.constant true
      %reduce_max3A_87 = vector.broadcast %reduce_max3A_86 : i1 to vector<16xi1>
      %reduce_max3A_88 = tpu.scan <max>, %select_n3A_82 masked %reduce_max3A_87 : vector<16xf32>, vector<16xi1> -> vector<16xf32>
      %reduce_max3A_89 = vector.extract %reduce_max3A_88[15] : f32 from vector<16xf32>
      %max3A = arith.maximumf %reduce_max3A_85, %reduce_max3A_89 : f32
      %sub3A_90 = vector.broadcast %max3A : f32 to vector<16xf32>
      %sub3A_91 = arith.subf %select_n3A_79, %sub3A_90 : vector<16xf32>
      %exp3A = math.exp %sub3A_91 : vector<16xf32>
      %sub3A_92 = vector.broadcast %max3A : f32 to vector<16xf32>
      %sub3A_93 = arith.subf %select_n3A_82, %sub3A_92 : vector<16xf32>
      %exp3A_94 = math.exp %sub3A_93 : vector<16xf32>
      %reduce_sum3A = arith.constant true
      %reduce_sum3A_95 = vector.broadcast %reduce_sum3A : i1 to vector<16xi1>
      %reduce_sum3A_96 = tpu.scan <sum>, %exp3A masked %reduce_sum3A_95 : vector<16xf32>, vector<16xi1> -> vector<16xf32>
      %reduce_sum3A_97 = vector.extract %reduce_sum3A_96[15] : f32 from vector<16xf32>
      %reduce_sum3A_98 = arith.constant true
      %reduce_sum3A_99 = vector.broadcast %reduce_sum3A_98 : i1 to vector<16xi1>
      %reduce_sum3A_100 = tpu.scan <sum>, %exp3A_94 masked %reduce_sum3A_99 : vector<16xf32>, vector<16xi1> -> vector<16xf32>
      %reduce_sum3A_101 = vector.extract %reduce_sum3A_100[15] : f32 from vector<16xf32>
      %add3A_102 = arith.addf %reduce_sum3A_97, %reduce_sum3A_101 : f32
      %add3A_103 = arith.constant 1.000000e-16 : f32
      %add3A_104 = arith.addf %add3A_102, %add3A_103 : f32
      %broadcast_in_dim3A_105 = vector.broadcast %add3A_104 : f32 to vector<16xf32>
      %eq3A_106 = arith.constant 0 : i32
      %eq3A_107 = vector.broadcast %eq3A_106 : i32 to vector<16xi32>
      %eq3A_108 = arith.cmpi eq, %iota3A, %eq3A_107 : vector<16xi32>
      %jit3A_109 = arith.constant 0.000000e+00 : f32
      %broadcast_in_dim3A_110 = vector.broadcast %jit3A_109 : f32 to vector<16xf32>
      %select_n3A_111 = arith.select %eq3A_108, %exp3A, %broadcast_in_dim3A_110 : vector<16xi1>, vector<16xf32>
      %reduce_max3A_112 = arith.constant true
      %reduce_max3A_113 = vector.broadcast %reduce_max3A_112 : i1 to vector<16xi1>
      %reduce_max3A_114 = tpu.scan <max>, %select_n3A_111 masked %reduce_max3A_113 : vector<16xf32>, vector<16xi1> -> vector<16xf32>
      %reduce_max3A_115 = vector.extract %reduce_max3A_114[15] : f32 from vector<16xf32>
      %eq3A_116 = arith.constant 1 : i32
      %eq3A_117 = vector.broadcast %eq3A_116 : i32 to vector<16xi32>
      %eq3A_118 = arith.cmpi eq, %iota3A, %eq3A_117 : vector<16xi32>
      %jit3A_119 = arith.constant 0.000000e+00 : f32
      %broadcast_in_dim3A_120 = vector.broadcast %jit3A_119 : f32 to vector<16xf32>
      %select_n3A_121 = arith.select %eq3A_118, %exp3A, %broadcast_in_dim3A_120 : vector<16xi1>, vector<16xf32>
      %reduce_max3A_122 = arith.constant true
      %reduce_max3A_123 = vector.broadcast %reduce_max3A_122 : i1 to vector<16xi1>
      %reduce_max3A_124 = tpu.scan <max>, %select_n3A_121 masked %reduce_max3A_123 : vector<16xf32>, vector<16xi1> -> vector<16xf32>
      %reduce_max3A_125 = vector.extract %reduce_max3A_124[15] : f32 from vector<16xf32>
      %eq3A_126 = arith.constant 2 : i32
      %eq3A_127 = vector.broadcast %eq3A_126 : i32 to vector<16xi32>
      %eq3A_128 = arith.cmpi eq, %iota3A, %eq3A_127 : vector<16xi32>
      %jit3A_129 = arith.constant 0.000000e+00 : f32
      %broadcast_in_dim3A_130 = vector.broadcast %jit3A_129 : f32 to vector<16xf32>
      %select_n3A_131 = arith.select %eq3A_128, %exp3A, %broadcast_in_dim3A_130 : vector<16xi1>, vector<16xf32>
      %reduce_max3A_132 = arith.constant true
      %reduce_max3A_133 = vector.broadcast %reduce_max3A_132 : i1 to vector<16xi1>
      %reduce_max3A_134 = tpu.scan <max>, %select_n3A_131 masked %reduce_max3A_133 : vector<16xf32>, vector<16xi1> -> vector<16xf32>
      %reduce_max3A_135 = vector.extract %reduce_max3A_134[15] : f32 from vector<16xf32>
      %eq3A_136 = arith.constant 3 : i32
      %eq3A_137 = vector.broadcast %eq3A_136 : i32 to vector<16xi32>
      %eq3A_138 = arith.cmpi eq, %iota3A, %eq3A_137 : vector<16xi32>
      %jit3A_139 = arith.constant 0.000000e+00 : f32
      %broadcast_in_dim3A_140 = vector.broadcast %jit3A_139 : f32 to vector<16xf32>
      %select_n3A_141 = arith.select %eq3A_138, %exp3A, %broadcast_in_dim3A_140 : vector<16xi1>, vector<16xf32>
      %reduce_max3A_142 = arith.constant true
      %reduce_max3A_143 = vector.broadcast %reduce_max3A_142 : i1 to vector<16xi1>
      %reduce_max3A_144 = tpu.scan <max>, %select_n3A_141 masked %reduce_max3A_143 : vector<16xf32>, vector<16xi1> -> vector<16xf32>
      %reduce_max3A_145 = vector.extract %reduce_max3A_144[15] : f32 from vector<16xf32>
      %eq3A_146 = arith.constant 4 : i32
      %eq3A_147 = vector.broadcast %eq3A_146 : i32 to vector<16xi32>
      %eq3A_148 = arith.cmpi eq, %iota3A, %eq3A_147 : vector<16xi32>
      %jit3A_149 = arith.constant 0.000000e+00 : f32
      %broadcast_in_dim3A_150 = vector.broadcast %jit3A_149 : f32 to vector<16xf32>
      %select_n3A_151 = arith.select %eq3A_148, %exp3A, %broadcast_in_dim3A_150 : vector<16xi1>, vector<16xf32>
      %reduce_max3A_152 = arith.constant true
      %reduce_max3A_153 = vector.broadcast %reduce_max3A_152 : i1 to vector<16xi1>
      %reduce_max3A_154 = tpu.scan <max>, %select_n3A_151 masked %reduce_max3A_153 : vector<16xf32>, vector<16xi1> -> vector<16xf32>
      %reduce_max3A_155 = vector.extract %reduce_max3A_154[15] : f32 from vector<16xf32>
      %eq3A_156 = arith.constant 5 : i32
      %eq3A_157 = vector.broadcast %eq3A_156 : i32 to vector<16xi32>
      %eq3A_158 = arith.cmpi eq, %iota3A, %eq3A_157 : vector<16xi32>
      %jit3A_159 = arith.constant 0.000000e+00 : f32
      %broadcast_in_dim3A_160 = vector.broadcast %jit3A_159 : f32 to vector<16xf32>
      %select_n3A_161 = arith.select %eq3A_158, %exp3A, %broadcast_in_dim3A_160 : vector<16xi1>, vector<16xf32>
      %reduce_max3A_162 = arith.constant true
      %reduce_max3A_163 = vector.broadcast %reduce_max3A_162 : i1 to vector<16xi1>
      %reduce_max3A_164 = tpu.scan <max>, %select_n3A_161 masked %reduce_max3A_163 : vector<16xf32>, vector<16xi1> -> vector<16xf32>
      %reduce_max3A_165 = vector.extract %reduce_max3A_164[15] : f32 from vector<16xf32>
      %eq3A_166 = arith.constant 6 : i32
      %eq3A_167 = vector.broadcast %eq3A_166 : i32 to vector<16xi32>
      %eq3A_168 = arith.cmpi eq, %iota3A, %eq3A_167 : vector<16xi32>
      %jit3A_169 = arith.constant 0.000000e+00 : f32
      %broadcast_in_dim3A_170 = vector.broadcast %jit3A_169 : f32 to vector<16xf32>
      %select_n3A_171 = arith.select %eq3A_168, %exp3A, %broadcast_in_dim3A_170 : vector<16xi1>, vector<16xf32>
      %reduce_max3A_172 = arith.constant true
      %reduce_max3A_173 = vector.broadcast %reduce_max3A_172 : i1 to vector<16xi1>
      %reduce_max3A_174 = tpu.scan <max>, %select_n3A_171 masked %reduce_max3A_173 : vector<16xf32>, vector<16xi1> -> vector<16xf32>
      %reduce_max3A_175 = vector.extract %reduce_max3A_174[15] : f32 from vector<16xf32>
      %eq3A_176 = arith.constant 7 : i32
      %eq3A_177 = vector.broadcast %eq3A_176 : i32 to vector<16xi32>
      %eq3A_178 = arith.cmpi eq, %iota3A, %eq3A_177 : vector<16xi32>
      %jit3A_179 = arith.constant 0.000000e+00 : f32
      %broadcast_in_dim3A_180 = vector.broadcast %jit3A_179 : f32 to vector<16xf32>
      %select_n3A_181 = arith.select %eq3A_178, %exp3A, %broadcast_in_dim3A_180 : vector<16xi1>, vector<16xf32>
      %reduce_max3A_182 = arith.constant true
      %reduce_max3A_183 = vector.broadcast %reduce_max3A_182 : i1 to vector<16xi1>
      %reduce_max3A_184 = tpu.scan <max>, %select_n3A_181 masked %reduce_max3A_183 : vector<16xf32>, vector<16xi1> -> vector<16xf32>
      %reduce_max3A_185 = vector.extract %reduce_max3A_184[15] : f32 from vector<16xf32>
      %eq3A_186 = arith.constant 8 : i32
      %eq3A_187 = vector.broadcast %eq3A_186 : i32 to vector<16xi32>
      %eq3A_188 = arith.cmpi eq, %iota3A, %eq3A_187 : vector<16xi32>
      %jit3A_189 = arith.constant 0.000000e+00 : f32
      %broadcast_in_dim3A_190 = vector.broadcast %jit3A_189 : f32 to vector<16xf32>
      %select_n3A_191 = arith.select %eq3A_188, %exp3A, %broadcast_in_dim3A_190 : vector<16xi1>, vector<16xf32>
      %reduce_max3A_192 = arith.constant true
      %reduce_max3A_193 = vector.broadcast %reduce_max3A_192 : i1 to vector<16xi1>
      %reduce_max3A_194 = tpu.scan <max>, %select_n3A_191 masked %reduce_max3A_193 : vector<16xf32>, vector<16xi1> -> vector<16xf32>
      %reduce_max3A_195 = vector.extract %reduce_max3A_194[15] : f32 from vector<16xf32>
      %eq3A_196 = arith.constant 9 : i32
      %eq3A_197 = vector.broadcast %eq3A_196 : i32 to vector<16xi32>
      %eq3A_198 = arith.cmpi eq, %iota3A, %eq3A_197 : vector<16xi32>
      %jit3A_199 = arith.constant 0.000000e+00 : f32
      %broadcast_in_dim3A_200 = vector.broadcast %jit3A_199 : f32 to vector<16xf32>
      %select_n3A_201 = arith.select %eq3A_198, %exp3A, %broadcast_in_dim3A_200 : vector<16xi1>, vector<16xf32>
      %reduce_max3A_202 = arith.constant true
      %reduce_max3A_203 = vector.broadcast %reduce_max3A_202 : i1 to vector<16xi1>
      %reduce_max3A_204 = tpu.scan <max>, %select_n3A_201 masked %reduce_max3A_203 : vector<16xf32>, vector<16xi1> -> vector<16xf32>
      %reduce_max3A_205 = vector.extract %reduce_max3A_204[15] : f32 from vector<16xf32>
      %eq3A_206 = arith.constant 10 : i32
      %eq3A_207 = vector.broadcast %eq3A_206 : i32 to vector<16xi32>
      %eq3A_208 = arith.cmpi eq, %iota3A, %eq3A_207 : vector<16xi32>
      %jit3A_209 = arith.constant 0.000000e+00 : f32
      %broadcast_in_dim3A_210 = vector.broadcast %jit3A_209 : f32 to vector<16xf32>
      %select_n3A_211 = arith.select %eq3A_208, %exp3A, %broadcast_in_dim3A_210 : vector<16xi1>, vector<16xf32>
      %reduce_max3A_212 = arith.constant true
      %reduce_max3A_213 = vector.broadcast %reduce_max3A_212 : i1 to vector<16xi1>
      %reduce_max3A_214 = tpu.scan <max>, %select_n3A_211 masked %reduce_max3A_213 : vector<16xf32>, vector<16xi1> -> vector<16xf32>
      %reduce_max3A_215 = vector.extract %reduce_max3A_214[15] : f32 from vector<16xf32>
      %eq3A_216 = arith.constant 11 : i32
      %eq3A_217 = vector.broadcast %eq3A_216 : i32 to vector<16xi32>
      %eq3A_218 = arith.cmpi eq, %iota3A, %eq3A_217 : vector<16xi32>
      %jit3A_219 = arith.constant 0.000000e+00 : f32
      %broadcast_in_dim3A_220 = vector.broadcast %jit3A_219 : f32 to vector<16xf32>
      %select_n3A_221 = arith.select %eq3A_218, %exp3A, %broadcast_in_dim3A_220 : vector<16xi1>, vector<16xf32>
      %reduce_max3A_222 = arith.constant true
      %reduce_max3A_223 = vector.broadcast %reduce_max3A_222 : i1 to vector<16xi1>
      %reduce_max3A_224 = tpu.scan <max>, %select_n3A_221 masked %reduce_max3A_223 : vector<16xf32>, vector<16xi1> -> vector<16xf32>
      %reduce_max3A_225 = vector.extract %reduce_max3A_224[15] : f32 from vector<16xf32>
      %eq3A_226 = arith.constant 12 : i32
      %eq3A_227 = vector.broadcast %eq3A_226 : i32 to vector<16xi32>
      %eq3A_228 = arith.cmpi eq, %iota3A, %eq3A_227 : vector<16xi32>
      %jit3A_229 = arith.constant 0.000000e+00 : f32
      %broadcast_in_dim3A_230 = vector.broadcast %jit3A_229 : f32 to vector<16xf32>
      %select_n3A_231 = arith.select %eq3A_228, %exp3A, %broadcast_in_dim3A_230 : vector<16xi1>, vector<16xf32>
      %reduce_max3A_232 = arith.constant true
      %reduce_max3A_233 = vector.broadcast %reduce_max3A_232 : i1 to vector<16xi1>
      %reduce_max3A_234 = tpu.scan <max>, %select_n3A_231 masked %reduce_max3A_233 : vector<16xf32>, vector<16xi1> -> vector<16xf32>
      %reduce_max3A_235 = vector.extract %reduce_max3A_234[15] : f32 from vector<16xf32>
      %eq3A_236 = arith.constant 13 : i32
      %eq3A_237 = vector.broadcast %eq3A_236 : i32 to vector<16xi32>
      %eq3A_238 = arith.cmpi eq, %iota3A, %eq3A_237 : vector<16xi32>
      %jit3A_239 = arith.constant 0.000000e+00 : f32
      %broadcast_in_dim3A_240 = vector.broadcast %jit3A_239 : f32 to vector<16xf32>
      %select_n3A_241 = arith.select %eq3A_238, %exp3A, %broadcast_in_dim3A_240 : vector<16xi1>, vector<16xf32>
      %reduce_max3A_242 = arith.constant true
      %reduce_max3A_243 = vector.broadcast %reduce_max3A_242 : i1 to vector<16xi1>
      %reduce_max3A_244 = tpu.scan <max>, %select_n3A_241 masked %reduce_max3A_243 : vector<16xf32>, vector<16xi1> -> vector<16xf32>
      %reduce_max3A_245 = vector.extract %reduce_max3A_244[15] : f32 from vector<16xf32>
      %eq3A_246 = arith.constant 14 : i32
      %eq3A_247 = vector.broadcast %eq3A_246 : i32 to vector<16xi32>
      %eq3A_248 = arith.cmpi eq, %iota3A, %eq3A_247 : vector<16xi32>
      %jit3A_249 = arith.constant 0.000000e+00 : f32
      %broadcast_in_dim3A_250 = vector.broadcast %jit3A_249 : f32 to vector<16xf32>
      %select_n3A_251 = arith.select %eq3A_248, %exp3A, %broadcast_in_dim3A_250 : vector<16xi1>, vector<16xf32>
      %reduce_max3A_252 = arith.constant true
      %reduce_max3A_253 = vector.broadcast %reduce_max3A_252 : i1 to vector<16xi1>
      %reduce_max3A_254 = tpu.scan <max>, %select_n3A_251 masked %reduce_max3A_253 : vector<16xf32>, vector<16xi1> -> vector<16xf32>
      %reduce_max3A_255 = vector.extract %reduce_max3A_254[15] : f32 from vector<16xf32>
      %eq3A_256 = arith.constant 15 : i32
      %eq3A_257 = vector.broadcast %eq3A_256 : i32 to vector<16xi32>
      %eq3A_258 = arith.cmpi eq, %iota3A, %eq3A_257 : vector<16xi32>
      %jit3A_259 = arith.constant 0.000000e+00 : f32
      %broadcast_in_dim3A_260 = vector.broadcast %jit3A_259 : f32 to vector<16xf32>
      %select_n3A_261 = arith.select %eq3A_258, %exp3A, %broadcast_in_dim3A_260 : vector<16xi1>, vector<16xf32>
      %reduce_max3A_262 = arith.constant true
      %reduce_max3A_263 = vector.broadcast %reduce_max3A_262 : i1 to vector<16xi1>
      %reduce_max3A_264 = tpu.scan <max>, %select_n3A_261 masked %reduce_max3A_263 : vector<16xf32>, vector<16xi1> -> vector<16xf32>
      %reduce_max3A_265 = vector.extract %reduce_max3A_264[15] : f32 from vector<16xf32>
      %eq3A_266 = arith.constant 8 : i32
      %eq3A_267 = vector.broadcast %eq3A_266 : i32 to vector<16xi32>
      %eq3A_268 = arith.cmpi eq, %iota3A, %eq3A_267 : vector<16xi32>
      %jit3A_269 = arith.constant 0.000000e+00 : f32
      %broadcast_in_dim3A_270 = vector.broadcast %jit3A_269 : f32 to vector<16xf32>
      %select_n3A_271 = arith.select %eq3A_268, %exp3A_94, %broadcast_in_dim3A_270 : vector<16xi1>, vector<16xf32>
      %reduce_max3A_272 = arith.constant true
      %reduce_max3A_273 = vector.broadcast %reduce_max3A_272 : i1 to vector<16xi1>
      %reduce_max3A_274 = tpu.scan <max>, %select_n3A_271 masked %reduce_max3A_273 : vector<16xf32>, vector<16xi1> -> vector<16xf32>
      %reduce_max3A_275 = vector.extract %reduce_max3A_274[15] : f32 from vector<16xf32>
      %eq3A_276 = arith.constant 9 : i32
      %eq3A_277 = vector.broadcast %eq3A_276 : i32 to vector<16xi32>
      %eq3A_278 = arith.cmpi eq, %iota3A, %eq3A_277 : vector<16xi32>
      %jit3A_279 = arith.constant 0.000000e+00 : f32
      %broadcast_in_dim3A_280 = vector.broadcast %jit3A_279 : f32 to vector<16xf32>
      %select_n3A_281 = arith.select %eq3A_278, %exp3A_94, %broadcast_in_dim3A_280 : vector<16xi1>, vector<16xf32>
      %reduce_max3A_282 = arith.constant true
      %reduce_max3A_283 = vector.broadcast %reduce_max3A_282 : i1 to vector<16xi1>
      %reduce_max3A_284 = tpu.scan <max>, %select_n3A_281 masked %reduce_max3A_283 : vector<16xf32>, vector<16xi1> -> vector<16xf32>
      %reduce_max3A_285 = vector.extract %reduce_max3A_284[15] : f32 from vector<16xf32>
      %eq3A_286 = arith.constant 10 : i32
      %eq3A_287 = vector.broadcast %eq3A_286 : i32 to vector<16xi32>
      %eq3A_288 = arith.cmpi eq, %iota3A, %eq3A_287 : vector<16xi32>
      %jit3A_289 = arith.constant 0.000000e+00 : f32
      %broadcast_in_dim3A_290 = vector.broadcast %jit3A_289 : f32 to vector<16xf32>
      %select_n3A_291 = arith.select %eq3A_288, %exp3A_94, %broadcast_in_dim3A_290 : vector<16xi1>, vector<16xf32>
      %reduce_max3A_292 = arith.constant true
      %reduce_max3A_293 = vector.broadcast %reduce_max3A_292 : i1 to vector<16xi1>
      %reduce_max3A_294 = tpu.scan <max>, %select_n3A_291 masked %reduce_max3A_293 : vector<16xf32>, vector<16xi1> -> vector<16xf32>
      %reduce_max3A_295 = vector.extract %reduce_max3A_294[15] : f32 from vector<16xf32>
      %eq3A_296 = arith.constant 11 : i32
      %eq3A_297 = vector.broadcast %eq3A_296 : i32 to vector<16xi32>
      %eq3A_298 = arith.cmpi eq, %iota3A, %eq3A_297 : vector<16xi32>
      %jit3A_299 = arith.constant 0.000000e+00 : f32
      %broadcast_in_dim3A_300 = vector.broadcast %jit3A_299 : f32 to vector<16xf32>
      %select_n3A_301 = arith.select %eq3A_298, %exp3A_94, %broadcast_in_dim3A_300 : vector<16xi1>, vector<16xf32>
      %reduce_max3A_302 = arith.constant true
      %reduce_max3A_303 = vector.broadcast %reduce_max3A_302 : i1 to vector<16xi1>
      %reduce_max3A_304 = tpu.scan <max>, %select_n3A_301 masked %reduce_max3A_303 : vector<16xf32>, vector<16xi1> -> vector<16xf32>
      %reduce_max3A_305 = vector.extract %reduce_max3A_304[15] : f32 from vector<16xf32>
      %eq3A_306 = arith.constant 12 : i32
      %eq3A_307 = vector.broadcast %eq3A_306 : i32 to vector<16xi32>
      %eq3A_308 = arith.cmpi eq, %iota3A, %eq3A_307 : vector<16xi32>
      %jit3A_309 = arith.constant 0.000000e+00 : f32
      %broadcast_in_dim3A_310 = vector.broadcast %jit3A_309 : f32 to vector<16xf32>
      %select_n3A_311 = arith.select %eq3A_308, %exp3A_94, %broadcast_in_dim3A_310 : vector<16xi1>, vector<16xf32>
      %reduce_max3A_312 = arith.constant true
      %reduce_max3A_313 = vector.broadcast %reduce_max3A_312 : i1 to vector<16xi1>
      %reduce_max3A_314 = tpu.scan <max>, %select_n3A_311 masked %reduce_max3A_313 : vector<16xf32>, vector<16xi1> -> vector<16xf32>
      %reduce_max3A_315 = vector.extract %reduce_max3A_314[15] : f32 from vector<16xf32>
      %broadcast_in_dim3A_316 = arith.constant 0.000000e+00 : f32
      %broadcast_in_dim3A_317 = vector.broadcast %broadcast_in_dim3A_316 : f32 to vector<16xf32>
      %get3A_318 = arith.constant 0 : i32
      %get3A_319 = arith.index_cast %get3A_318 : i32 to index
      %get3A_320 = arith.constant 0 : index
      %get3A_321 = tpu.vector_load %arg10[%get3A_319, %get3A_320] {strides = array<i32>} : memref<120x64xf32, #tpu.memory_space<vmem>>, vector<16xf32>,
      %mul3A_322 = vector.broadcast %reduce_max3A_115 : f32 to vector<16xf32>
      %mul3A_323 = arith.mulf %mul3A_322, %get3A_321 : vector<16xf32>
      %add3A_324 = arith.addf %broadcast_in_dim3A_317, %mul3A_323 : vector<16xf32>
      %get3A_325 = arith.constant 1 : i32
      %get3A_326 = arith.index_cast %get3A_325 : i32 to index
      %get3A_327 = arith.constant 0 : index
      %get3A_328 = tpu.vector_load %arg10[%get3A_326, %get3A_327] {strides = array<i32>} : memref<120x64xf32, #tpu.memory_space<vmem>>, vector<16xf32>,
      %mul3A_329 = vector.broadcast %reduce_max3A_125 : f32 to vector<16xf32>
      %mul3A_330 = arith.mulf %mul3A_329, %get3A_328 : vector<16xf32>
      %add3A_331 = arith.addf %add3A_324, %mul3A_330 : vector<16xf32>
      %get3A_332 = arith.constant 2 : i32
      %get3A_333 = arith.index_cast %get3A_332 : i32 to index
      %get3A_334 = arith.constant 0 : index
      %get3A_335 = tpu.vector_load %arg10[%get3A_333, %get3A_334] {strides = array<i32>} : memref<120x64xf32, #tpu.memory_space<vmem>>, vector<16xf32>,
      %mul3A_336 = vector.broadcast %reduce_max3A_135 : f32 to vector<16xf32>
      %mul3A_337 = arith.mulf %mul3A_336, %get3A_335 : vector<16xf32>
      %add3A_338 = arith.addf %add3A_331, %mul3A_337 : vector<16xf32>
      %get3A_339 = arith.constant 3 : i32
      %get3A_340 = arith.index_cast %get3A_339 : i32 to index
      %get3A_341 = arith.constant 0 : index
      %get3A_342 = tpu.vector_load %arg10[%get3A_340, %get3A_341] {strides = array<i32>} : memref<120x64xf32, #tpu.memory_space<vmem>>, vector<16xf32>,
      %mul3A_343 = vector.broadcast %reduce_max3A_145 : f32 to vector<16xf32>
      %mul3A_344 = arith.mulf %mul3A_343, %get3A_342 : vector<16xf32>
      %add3A_345 = arith.addf %add3A_338, %mul3A_344 : vector<16xf32>
      %get3A_346 = arith.constant 4 : i32
      %get3A_347 = arith.index_cast %get3A_346 : i32 to index
      %get3A_348 = arith.constant 0 : index
      %get3A_349 = tpu.vector_load %arg10[%get3A_347, %get3A_348] {strides = array<i32>} : memref<120x64xf32, #tpu.memory_space<vmem>>, vector<16xf32>,
      %mul3A_350 = vector.broadcast %reduce_max3A_155 : f32 to vector<16xf32>
      %mul3A_351 = arith.mulf %mul3A_350, %get3A_349 : vector<16xf32>
      %add3A_352 = arith.addf %add3A_345, %mul3A_351 : vector<16xf32>
      %get3A_353 = arith.constant 5 : i32
      %get3A_354 = arith.index_cast %get3A_353 : i32 to index
      %get3A_355 = arith.constant 0 : index
      %get3A_356 = tpu.vector_load %arg10[%get3A_354, %get3A_355] {strides = array<i32>} : memref<120x64xf32, #tpu.memory_space<vmem>>, vector<16xf32>,
      %mul3A_357 = vector.broadcast %reduce_max3A_165 : f32 to vector<16xf32>
      %mul3A_358 = arith.mulf %mul3A_357, %get3A_356 : vector<16xf32>
      %add3A_359 = arith.addf %add3A_352, %mul3A_358 : vector<16xf32>
      %get3A_360 = arith.constant 6 : i32
      %get3A_361 = arith.index_cast %get3A_360 : i32 to index
      %get3A_362 = arith.constant 0 : index
      %get3A_363 = tpu.vector_load %arg10[%get3A_361, %get3A_362] {strides = array<i32>} : memref<120x64xf32, #tpu.memory_space<vmem>>, vector<16xf32>,
      %mul3A_364 = vector.broadcast %reduce_max3A_175 : f32 to vector<16xf32>
      %mul3A_365 = arith.mulf %mul3A_364, %get3A_363 : vector<16xf32>
      %add3A_366 = arith.addf %add3A_359, %mul3A_365 : vector<16xf32>
      %get3A_367 = arith.constant 7 : i32
      %get3A_368 = arith.index_cast %get3A_367 : i32 to index
      %get3A_369 = arith.constant 0 : index
      %get3A_370 = tpu.vector_load %arg10[%get3A_368, %get3A_369] {strides = array<i32>} : memref<120x64xf32, #tpu.memory_space<vmem>>, vector<16xf32>,
      %mul3A_371 = vector.broadcast %reduce_max3A_185 : f32 to vector<16xf32>
      %mul3A_372 = arith.mulf %mul3A_371, %get3A_370 : vector<16xf32>
      %add3A_373 = arith.addf %add3A_366, %mul3A_372 : vector<16xf32>
      %get3A_374 = arith.constant 8 : i32
      %get3A_375 = arith.index_cast %get3A_374 : i32 to index
      %get3A_376 = arith.constant 0 : index
      %get3A_377 = tpu.vector_load %arg10[%get3A_375, %get3A_376] {strides = array<i32>} : memref<120x64xf32, #tpu.memory_space<vmem>>, vector<16xf32>,
      %mul3A_378 = vector.broadcast %reduce_max3A_195 : f32 to vector<16xf32>
      %mul3A_379 = arith.mulf %mul3A_378, %get3A_377 : vector<16xf32>
      %add3A_380 = arith.addf %add3A_373, %mul3A_379 : vector<16xf32>
      %get3A_381 = arith.constant 9 : i32
      %get3A_382 = arith.index_cast %get3A_381 : i32 to index
      %get3A_383 = arith.constant 0 : index
      %get3A_384 = tpu.vector_load %arg10[%get3A_382, %get3A_383] {strides = array<i32>} : memref<120x64xf32, #tpu.memory_space<vmem>>, vector<16xf32>,
      %mul3A_385 = vector.broadcast %reduce_max3A_205 : f32 to vector<16xf32>
      %mul3A_386 = arith.mulf %mul3A_385, %get3A_384 : vector<16xf32>
      %add3A_387 = arith.addf %add3A_380, %mul3A_386 : vector<16xf32>
      %get3A_388 = arith.constant 10 : i32
      %get3A_389 = arith.index_cast %get3A_388 : i32 to index
      %get3A_390 = arith.constant 0 : index
      %get3A_391 = tpu.vector_load %arg10[%get3A_389, %get3A_390] {strides = array<i32>} : memref<120x64xf32, #tpu.memory_space<vmem>>, vector<16xf32>,
      %mul3A_392 = vector.broadcast %reduce_max3A_215 : f32 to vector<16xf32>
      %mul3A_393 = arith.mulf %mul3A_392, %get3A_391 : vector<16xf32>
      %add3A_394 = arith.addf %add3A_387, %mul3A_393 : vector<16xf32>
      %get3A_395 = arith.constant 11 : i32
      %get3A_396 = arith.index_cast %get3A_395 : i32 to index
      %get3A_397 = arith.constant 0 : index
      %get3A_398 = tpu.vector_load %arg10[%get3A_396, %get3A_397] {strides = array<i32>} : memref<120x64xf32, #tpu.memory_space<vmem>>, vector<16xf32>,
      %mul3A_399 = vector.broadcast %reduce_max3A_225 : f32 to vector<16xf32>
      %mul3A_400 = arith.mulf %mul3A_399, %get3A_398 : vector<16xf32>
      %add3A_401 = arith.addf %add3A_394, %mul3A_400 : vector<16xf32>
      %get3A_402 = arith.constant 12 : i32
      %get3A_403 = arith.index_cast %get3A_402 : i32 to index
      %get3A_404 = arith.constant 0 : index
      %get3A_405 = tpu.vector_load %arg10[%get3A_403, %get3A_404] {strides = array<i32>} : memref<120x64xf32, #tpu.memory_space<vmem>>, vector<16xf32>,
      %mul3A_406 = vector.broadcast %reduce_max3A_235 : f32 to vector<16xf32>
      %mul3A_407 = arith.mulf %mul3A_406, %get3A_405 : vector<16xf32>
      %add3A_408 = arith.addf %add3A_401, %mul3A_407 : vector<16xf32>
      %get3A_409 = arith.constant 13 : i32
      %get3A_410 = arith.index_cast %get3A_409 : i32 to index
      %get3A_411 = arith.constant 0 : index
      %get3A_412 = tpu.vector_load %arg10[%get3A_410, %get3A_411] {strides = array<i32>} : memref<120x64xf32, #tpu.memory_space<vmem>>, vector<16xf32>,
      %mul3A_413 = vector.broadcast %reduce_max3A_245 : f32 to vector<16xf32>
      %mul3A_414 = arith.mulf %mul3A_413, %get3A_412 : vector<16xf32>
      %add3A_415 = arith.addf %add3A_408, %mul3A_414 : vector<16xf32>
      %get3A_416 = arith.constant 14 : i32
      %get3A_417 = arith.index_cast %get3A_416 : i32 to index
      %get3A_418 = arith.constant 0 : index
      %get3A_419 = tpu.vector_load %arg10[%get3A_417, %get3A_418] {strides = array<i32>} : memref<120x64xf32, #tpu.memory_space<vmem>>, vector<16xf32>,
      %mul3A_420 = vector.broadcast %reduce_max3A_255 : f32 to vector<16xf32>
      %mul3A_421 = arith.mulf %mul3A_420, %get3A_419 : vector<16xf32>
      %add3A_422 = arith.addf %add3A_415, %mul3A_421 : vector<16xf32>
      %get3A_423 = arith.constant 15 : i32
      %get3A_424 = arith.index_cast %get3A_423 : i32 to index
      %get3A_425 = arith.constant 0 : index
      %get3A_426 = tpu.vector_load %arg10[%get3A_424, %get3A_425] {strides = array<i32>} : memref<120x64xf32, #tpu.memory_space<vmem>>, vector<16xf32>,
      %mul3A_427 = vector.broadcast %reduce_max3A_265 : f32 to vector<16xf32>
      %mul3A_428 = arith.mulf %mul3A_427, %get3A_426 : vector<16xf32>
      %add3A_429 = arith.addf %add3A_422, %mul3A_428 : vector<16xf32>
      %get3A_430 = arith.constant 16 : i32
      %get3A_431 = arith.index_cast %get3A_430 : i32 to index
      %get3A_432 = arith.constant 0 : index
      %get3A_433 = tpu.vector_load %arg10[%get3A_431, %get3A_432] {strides = array<i32>} : memref<120x64xf32, #tpu.memory_space<vmem>>, vector<16xf32>,
      %mul3A_434 = vector.broadcast %reduce_max3A_275 : f32 to vector<16xf32>
      %mul3A_435 = arith.mulf %mul3A_434, %get3A_433 : vector<16xf32>
      %add3A_436 = arith.addf %add3A_429, %mul3A_435 : vector<16xf32>
      %get3A_437 = arith.constant 17 : i32
      %get3A_438 = arith.index_cast %get3A_437 : i32 to index
      %get3A_439 = arith.constant 0 : index
      %get3A_440 = tpu.vector_load %arg10[%get3A_438, %get3A_439] {strides = array<i32>} : memref<120x64xf32, #tpu.memory_space<vmem>>, vector<16xf32>,
      %mul3A_441 = vector.broadcast %reduce_max3A_285 : f32 to vector<16xf32>
      %mul3A_442 = arith.mulf %mul3A_441, %get3A_440 : vector<16xf32>
      %add3A_443 = arith.addf %add3A_436, %mul3A_442 : vector<16xf32>
      %get3A_444 = arith.constant 18 : i32
      %get3A_445 = arith.index_cast %get3A_444 : i32 to index
      %get3A_446 = arith.constant 0 : index
      %get3A_447 = tpu.vector_load %arg10[%get3A_445, %get3A_446] {strides = array<i32>} : memref<120x64xf32, #tpu.memory_space<vmem>>, vector<16xf32>,
      %mul3A_448 = vector.broadcast %reduce_max3A_295 : f32 to vector<16xf32>
      %mul3A_449 = arith.mulf %mul3A_448, %get3A_447 : vector<16xf32>
      %add3A_450 = arith.addf %add3A_443, %mul3A_449 : vector<16xf32>
      %get3A_451 = arith.constant 19 : i32
      %get3A_452 = arith.index_cast %get3A_451 : i32 to index
      %get3A_453 = arith.constant 0 : index
      %get3A_454 = tpu.vector_load %arg10[%get3A_452, %get3A_453] {strides = array<i32>} : memref<120x64xf32, #tpu.memory_space<vmem>>, vector<16xf32>,
      %mul3A_455 = vector.broadcast %reduce_max3A_305 : f32 to vector<16xf32>
      %mul3A_456 = arith.mulf %mul3A_455, %get3A_454 : vector<16xf32>
      %add3A_457 = arith.addf %add3A_450, %mul3A_456 : vector<16xf32>
      %get3A_458 = arith.constant 20 : i32
      %get3A_459 = arith.index_cast %get3A_458 : i32 to index
      %get3A_460 = arith.constant 0 : index
      %get3A_461 = tpu.vector_load %arg10[%get3A_459, %get3A_460] {strides = array<i32>} : memref<120x64xf32, #tpu.memory_space<vmem>>, vector<16xf32>,
      %mul3A_462 = vector.broadcast %reduce_max3A_315 : f32 to vector<16xf32>
      %mul3A_463 = arith.mulf %mul3A_462, %get3A_461 : vector<16xf32>
      %add3A_464 = arith.addf %add3A_457, %mul3A_463 : vector<16xf32>
      %div3A_465 = arith.divf %add3A_464, %broadcast_in_dim3A_105 : vector<16xf32>
      %swap3A = arith.constant 0 : index
      %swap3A_466 = tpu.vector_load %arg11[%swap3A] {strides = array<i32>} : memref<320xf32, #tpu.memory_space<vmem>>, vector<16xf32>,
      tpu.vector_store %arg11[%swap3A], %div3A_465 {strides = array<i32>} : memref<320xf32, #tpu.memory_space<vmem>>, vector<16xf32>,
      %broadcast_in_dim3A_467 = arith.constant 0.000000e+00 : f32
      %broadcast_in_dim3A_468 = vector.broadcast %broadcast_in_dim3A_467 : f32 to vector<16xf32>
      %get3A_469 = arith.constant 0 : i32
      %get3A_470 = arith.index_cast %get3A_469 : i32 to index
      %get3A_471 = arith.constant 16 : index
      %get3A_472 = tpu.vector_load %arg10[%get3A_470, %get3A_471] {strides = array<i32>} : memref<120x64xf32, #tpu.memory_space<vmem>>, vector<16xf32>,
      %mul3A_473 = vector.broadcast %reduce_max3A_115 : f32 to vector<16xf32>
      %mul3A_474 = arith.mulf %mul3A_473, %get3A_472 : vector<16xf32>
      %add3A_475 = arith.addf %broadcast_in_dim3A_468, %mul3A_474 : vector<16xf32>
      %get3A_476 = arith.constant 1 : i32
      %get3A_477 = arith.index_cast %get3A_476 : i32 to index
      %get3A_478 = arith.constant 16 : index
      %get3A_479 = tpu.vector_load %arg10[%get3A_477, %get3A_478] {strides = array<i32>} : memref<120x64xf32, #tpu.memory_space<vmem>>, vector<16xf32>,
      %mul3A_480 = vector.broadcast %reduce_max3A_125 : f32 to vector<16xf32>
      %mul3A_481 = arith.mulf %mul3A_480, %get3A_479 : vector<16xf32>
      %add3A_482 = arith.addf %add3A_475, %mul3A_481 : vector<16xf32>
      %get3A_483 = arith.constant 2 : i32
      %get3A_484 = arith.index_cast %get3A_483 : i32 to index
      %get3A_485 = arith.constant 16 : index
      %get3A_486 = tpu.vector_load %arg10[%get3A_484, %get3A_485] {strides = array<i32>} : memref<120x64xf32, #tpu.memory_space<vmem>>, vector<16xf32>,
      %mul3A_487 = vector.broadcast %reduce_max3A_135 : f32 to vector<16xf32>
      %mul3A_488 = arith.mulf %mul3A_487, %get3A_486 : vector<16xf32>
      %add3A_489 = arith.addf %add3A_482, %mul3A_488 : vector<16xf32>
      %get3A_490 = arith.constant 3 : i32
      %get3A_491 = arith.index_cast %get3A_490 : i32 to index
      %get3A_492 = arith.constant 16 : index
      %get3A_493 = tpu.vector_load %arg10[%get3A_491, %get3A_492] {strides = array<i32>} : memref<120x64xf32, #tpu.memory_space<vmem>>, vector<16xf32>,
      %mul3A_494 = vector.broadcast %reduce_max3A_145 : f32 to vector<16xf32>
      %mul3A_495 = arith.mulf %mul3A_494, %get3A_493 : vector<16xf32>
      %add3A_496 = arith.addf %add3A_489, %mul3A_495 : vector<16xf32>
      %get3A_497 = arith.constant 4 : i32
      %get3A_498 = arith.index_cast %get3A_497 : i32 to index
      %get3A_499 = arith.constant 16 : index
      %get3A_500 = tpu.vector_load %arg10[%get3A_498, %get3A_499] {strides = array<i32>} : memref<120x64xf32, #tpu.memory_space<vmem>>, vector<16xf32>,
      %mul3A_501 = vector.broadcast %reduce_max3A_155 : f32 to vector<16xf32>
      %mul3A_502 = arith.mulf %mul3A_501, %get3A_500 : vector<16xf32>
      %add3A_503 = arith.addf %add3A_496, %mul3A_502 : vector<16xf32>
      %get3A_504 = arith.constant 5 : i32
      %get3A_505 = arith.index_cast %get3A_504 : i32 to index
      %get3A_506 = arith.constant 16 : index
      %get3A_507 = tpu.vector_load %arg10[%get3A_505, %get3A_506] {strides = array<i32>} : memref<120x64xf32, #tpu.memory_space<vmem>>, vector<16xf32>,
      %mul3A_508 = vector.broadcast %reduce_max3A_165 : f32 to vector<16xf32>
      %mul3A_509 = arith.mulf %mul3A_508, %get3A_507 : vector<16xf32>
      %add3A_510 = arith.addf %add3A_503, %mul3A_509 : vector<16xf32>
      %get3A_511 = arith.constant 6 : i32
      %get3A_512 = arith.index_cast %get3A_511 : i32 to index
      %get3A_513 = arith.constant 16 : index
      %get3A_514 = tpu.vector_load %arg10[%get3A_512, %get3A_513] {strides = array<i32>} : memref<120x64xf32, #tpu.memory_space<vmem>>, vector<16xf32>,
      %mul3A_515 = vector.broadcast %reduce_max3A_175 : f32 to vector<16xf32>
      %mul3A_516 = arith.mulf %mul3A_515, %get3A_514 : vector<16xf32>
      %add3A_517 = arith.addf %add3A_510, %mul3A_516 : vector<16xf32>
      %get3A_518 = arith.constant 7 : i32
      %get3A_519 = arith.index_cast %get3A_518 : i32 to index
      %get3A_520 = arith.constant 16 : index
      %get3A_521 = tpu.vector_load %arg10[%get3A_519, %get3A_520] {strides = array<i32>} : memref<120x64xf32, #tpu.memory_space<vmem>>, vector<16xf32>,
      %mul3A_522 = vector.broadcast %reduce_max3A_185 : f32 to vector<16xf32>
      %mul3A_523 = arith.mulf %mul3A_522, %get3A_521 : vector<16xf32>
      %add3A_524 = arith.addf %add3A_517, %mul3A_523 : vector<16xf32>
      %get3A_525 = arith.constant 8 : i32
      %get3A_526 = arith.index_cast %get3A_525 : i32 to index
      %get3A_527 = arith.constant 16 : index
      %get3A_528 = tpu.vector_load %arg10[%get3A_526, %get3A_527] {strides = array<i32>} : memref<120x64xf32, #tpu.memory_space<vmem>>, vector<16xf32>,
      %mul3A_529 = vector.broadcast %reduce_max3A_195 : f32 to vector<16xf32>
      %mul3A_530 = arith.mulf %mul3A_529, %get3A_528 : vector<16xf32>
      %add3A_531 = arith.addf %add3A_524, %mul3A_530 : vector<16xf32>
      %get3A_532 = arith.constant 9 : i32
      %get3A_533 = arith.index_cast %get3A_532 : i32 to index
      %get3A_534 = arith.constant 16 : index
      %get3A_535 = tpu.vector_load %arg10[%get3A_533, %get3A_534] {strides = array<i32>} : memref<120x64xf32, #tpu.memory_space<vmem>>, vector<16xf32>,
      %mul3A_536 = vector.broadcast %reduce_max3A_205 : f32 to vector<16xf32>
      %mul3A_537 = arith.mulf %mul3A_536, %get3A_535 : vector<16xf32>
      %add3A_538 = arith.addf %add3A_531, %mul3A_537 : vector<16xf32>
      %get3A_539 = arith.constant 10 : i32
      %get3A_540 = arith.index_cast %get3A_539 : i32 to index
      %get3A_541 = arith.constant 16 : index
      %get3A_542 = tpu.vector_load %arg10[%get3A_540, %get3A_541] {strides = array<i32>} : memref<120x64xf32, #tpu.memory_space<vmem>>, vector<16xf32>,
      %mul3A_543 = vector.broadcast %reduce_max3A_215 : f32 to vector<16xf32>
      %mul3A_544 = arith.mulf %mul3A_543, %get3A_542 : vector<16xf32>
      %add3A_545 = arith.addf %add3A_538, %mul3A_544 : vector<16xf32>
      %get3A_546 = arith.constant 11 : i32
      %get3A_547 = arith.index_cast %get3A_546 : i32 to index
      %get3A_548 = arith.constant 16 : index
      %get3A_549 = tpu.vector_load %arg10[%get3A_547, %get3A_548] {strides = array<i32>} : memref<120x64xf32, #tpu.memory_space<vmem>>, vector<16xf32>,
      %mul3A_550 = vector.broadcast %reduce_max3A_225 : f32 to vector<16xf32>
      %mul3A_551 = arith.mulf %mul3A_550, %get3A_549 : vector<16xf32>
      %add3A_552 = arith.addf %add3A_545, %mul3A_551 : vector<16xf32>
      %get3A_553 = arith.constant 12 : i32
      %get3A_554 = arith.index_cast %get3A_553 : i32 to index
      %get3A_555 = arith.constant 16 : index
      %get3A_556 = tpu.vector_load %arg10[%get3A_554, %get3A_555] {strides = array<i32>} : memref<120x64xf32, #tpu.memory_space<vmem>>, vector<16xf32>,
      %mul3A_557 = vector.broadcast %reduce_max3A_235 : f32 to vector<16xf32>
      %mul3A_558 = arith.mulf %mul3A_557, %get3A_556 : vector<16xf32>
      %add3A_559 = arith.addf %add3A_552, %mul3A_558 : vector<16xf32>
      %get3A_560 = arith.constant 13 : i32
      %get3A_561 = arith.index_cast %get3A_560 : i32 to index
      %get3A_562 = arith.constant 16 : index
      %get3A_563 = tpu.vector_load %arg10[%get3A_561, %get3A_562] {strides = array<i32>} : memref<120x64xf32, #tpu.memory_space<vmem>>, vector<16xf32>,
      %mul3A_564 = vector.broadcast %reduce_max3A_245 : f32 to vector<16xf32>
      %mul3A_565 = arith.mulf %mul3A_564, %get3A_563 : vector<16xf32>
      %add3A_566 = arith.addf %add3A_559, %mul3A_565 : vector<16xf32>
      %get3A_567 = arith.constant 14 : i32
      %get3A_568 = arith.index_cast %get3A_567 : i32 to index
      %get3A_569 = arith.constant 16 : index
      %get3A_570 = tpu.vector_load %arg10[%get3A_568, %get3A_569] {strides = array<i32>} : memref<120x64xf32, #tpu.memory_space<vmem>>, vector<16xf32>,
      %mul3A_571 = vector.broadcast %reduce_max3A_255 : f32 to vector<16xf32>
      %mul3A_572 = arith.mulf %mul3A_571, %get3A_570 : vector<16xf32>
      %add3A_573 = arith.addf %add3A_566, %mul3A_572 : vector<16xf32>
      %get3A_574 = arith.constant 15 : i32
      %get3A_575 = arith.index_cast %get3A_574 : i32 to index
      %get3A_576 = arith.constant 16 : index
      %get3A_577 = tpu.vector_load %arg10[%get3A_575, %get3A_576] {strides = array<i32>} : memref<120x64xf32, #tpu.memory_space<vmem>>, vector<16xf32>,
      %mul3A_578 = vector.broadcast %reduce_max3A_265 : f32 to vector<16xf32>
      %mul3A_579 = arith.mulf %mul3A_578, %get3A_577 : vector<16xf32>
      %add3A_580 = arith.addf %add3A_573, %mul3A_579 : vector<16xf32>
      %get3A_581 = arith.constant 16 : i32
      %get3A_582 = arith.index_cast %get3A_581 : i32 to index
      %get3A_583 = arith.constant 16 : index
      %get3A_584 = tpu.vector_load %arg10[%get3A_582, %get3A_583] {strides = array<i32>} : memref<120x64xf32, #tpu.memory_space<vmem>>, vector<16xf32>,
      %mul3A_585 = vector.broadcast %reduce_max3A_275 : f32 to vector<16xf32>
      %mul3A_586 = arith.mulf %mul3A_585, %get3A_584 : vector<16xf32>
      %add3A_587 = arith.addf %add3A_580, %mul3A_586 : vector<16xf32>
      %get3A_588 = arith.constant 17 : i32
      %get3A_589 = arith.index_cast %get3A_588 : i32 to index
      %get3A_590 = arith.constant 16 : index
      %get3A_591 = tpu.vector_load %arg10[%get3A_589, %get3A_590] {strides = array<i32>} : memref<120x64xf32, #tpu.memory_space<vmem>>, vector<16xf32>,
      %mul3A_592 = vector.broadcast %reduce_max3A_285 : f32 to vector<16xf32>
      %mul3A_593 = arith.mulf %mul3A_592, %get3A_591 : vector<16xf32>
      %add3A_594 = arith.addf %add3A_587, %mul3A_593 : vector<16xf32>
      %get3A_595 = arith.constant 18 : i32
      %get3A_596 = arith.index_cast %get3A_595 : i32 to index
      %get3A_597 = arith.constant 16 : index
      %get3A_598 = tpu.vector_load %arg10[%get3A_596, %get3A_597] {strides = array<i32>} : memref<120x64xf32, #tpu.memory_space<vmem>>, vector<16xf32>,
      %mul3A_599 = vector.broadcast %reduce_max3A_295 : f32 to vector<16xf32>
      %mul3A_600 = arith.mulf %mul3A_599, %get3A_598 : vector<16xf32>
      %add3A_601 = arith.addf %add3A_594, %mul3A_600 : vector<16xf32>
      %get3A_602 = arith.constant 19 : i32
      %get3A_603 = arith.index_cast %get3A_602 : i32 to index
      %get3A_604 = arith.constant 16 : index
      %get3A_605 = tpu.vector_load %arg10[%get3A_603, %get3A_604] {strides = array<i32>} : memref<120x64xf32, #tpu.memory_space<vmem>>, vector<16xf32>,
      %mul3A_606 = vector.broadcast %reduce_max3A_305 : f32 to vector<16xf32>
      %mul3A_607 = arith.mulf %mul3A_606, %get3A_605 : vector<16xf32>
      %add3A_608 = arith.addf %add3A_601, %mul3A_607 : vector<16xf32>
      %get3A_609 = arith.constant 20 : i32
      %get3A_610 = arith.index_cast %get3A_609 : i32 to index
      %get3A_611 = arith.constant 16 : index
      %get3A_612 = tpu.vector_load %arg10[%get3A_610, %get3A_611] {strides = array<i32>} : memref<120x64xf32, #tpu.memory_space<vmem>>, vector<16xf32>,
      %mul3A_613 = vector.broadcast %reduce_max3A_315 : f32 to vector<16xf32>
      %mul3A_614 = arith.mulf %mul3A_613, %get3A_612 : vector<16xf32>
      %add3A_615 = arith.addf %add3A_608, %mul3A_614 : vector<16xf32>
      %div3A_616 = arith.divf %add3A_615, %broadcast_in_dim3A_105 : vector<16xf32>
      %swap3A_617 = arith.constant 16 : index
      %swap3A_618 = tpu.vector_load %arg11[%swap3A_617] {strides = array<i32>} : memref<320xf32, #tpu.memory_space<vmem>>, vector<16xf32>,
      tpu.vector_store %arg11[%swap3A_617], %div3A_616 {strides = array<i32>} : memref<320xf32, #tpu.memory_space<vmem>>, vector<16xf32>,
      %broadcast_in_dim3A_619 = arith.constant 0.000000e+00 : f32
      %broadcast_in_dim3A_620 = vector.broadcast %broadcast_in_dim3A_619 : f32 to vector<16xf32>
      %get3A_621 = arith.constant 0 : i32
      %get3A_622 = arith.index_cast %get3A_621 : i32 to index
      %get3A_623 = arith.constant 32 : index
      %get3A_624 = tpu.vector_load %arg10[%get3A_622, %get3A_623] {strides = array<i32>} : memref<120x64xf32, #tpu.memory_space<vmem>>, vector<16xf32>,
      %mul3A_625 = vector.broadcast %reduce_max3A_115 : f32 to vector<16xf32>
      %mul3A_626 = arith.mulf %mul3A_625, %get3A_624 : vector<16xf32>
      %add3A_627 = arith.addf %broadcast_in_dim3A_620, %mul3A_626 : vector<16xf32>
      %get3A_628 = arith.constant 1 : i32
      %get3A_629 = arith.index_cast %get3A_628 : i32 to index
      %get3A_630 = arith.constant 32 : index
      %get3A_631 = tpu.vector_load %arg10[%get3A_629, %get3A_630] {strides = array<i32>} : memref<120x64xf32, #tpu.memory_space<vmem>>, vector<16xf32>,
      %mul3A_632 = vector.broadcast %reduce_max3A_125 : f32 to vector<16xf32>
      %mul3A_633 = arith.mulf %mul3A_632, %get3A_631 : vector<16xf32>
      %add3A_634 = arith.addf %add3A_627, %mul3A_633 : vector<16xf32>
      %get3A_635 = arith.constant 2 : i32
      %get3A_636 = arith.index_cast %get3A_635 : i32 to index
      %get3A_637 = arith.constant 32 : index
      %get3A_638 = tpu.vector_load %arg10[%get3A_636, %get3A_637] {strides = array<i32>} : memref<120x64xf32, #tpu.memory_space<vmem>>, vector<16xf32>,
      %mul3A_639 = vector.broadcast %reduce_max3A_135 : f32 to vector<16xf32>
      %mul3A_640 = arith.mulf %mul3A_639, %get3A_638 : vector<16xf32>
      %add3A_641 = arith.addf %add3A_634, %mul3A_640 : vector<16xf32>
      %get3A_642 = arith.constant 3 : i32
      %get3A_643 = arith.index_cast %get3A_642 : i32 to index
      %get3A_644 = arith.constant 32 : index
      %get3A_645 = tpu.vector_load %arg10[%get3A_643, %get3A_644] {strides = array<i32>} : memref<120x64xf32, #tpu.memory_space<vmem>>, vector<16xf32>,
      %mul3A_646 = vector.broadcast %reduce_max3A_145 : f32 to vector<16xf32>
      %mul3A_647 = arith.mulf %mul3A_646, %get3A_645 : vector<16xf32>
      %add3A_648 = arith.addf %add3A_641, %mul3A_647 : vector<16xf32>
      %get3A_649 = arith.constant 4 : i32
      %get3A_650 = arith.index_cast %get3A_649 : i32 to index
      %get3A_651 = arith.constant 32 : index
      %get3A_652 = tpu.vector_load %arg10[%get3A_650, %get3A_651] {strides = array<i32>} : memref<120x64xf32, #tpu.memory_space<vmem>>, vector<16xf32>,
      %mul3A_653 = vector.broadcast %reduce_max3A_155 : f32 to vector<16xf32>
      %mul3A_654 = arith.mulf %mul3A_653, %get3A_652 : vector<16xf32>
      %add3A_655 = arith.addf %add3A_648, %mul3A_654 : vector<16xf32>
      %get3A_656 = arith.constant 5 : i32
      %get3A_657 = arith.index_cast %get3A_656 : i32 to index
      %get3A_658 = arith.constant 32 : index
      %get3A_659 = tpu.vector_load %arg10[%get3A_657, %get3A_658] {strides = array<i32>} : memref<120x64xf32, #tpu.memory_space<vmem>>, vector<16xf32>,
      %mul3A_660 = vector.broadcast %reduce_max3A_165 : f32 to vector<16xf32>
      %mul3A_661 = arith.mulf %mul3A_660, %get3A_659 : vector<16xf32>
      %add3A_662 = arith.addf %add3A_655, %mul3A_661 : vector<16xf32>
      %get3A_663 = arith.constant 6 : i32
      %get3A_664 = arith.index_cast %get3A_663 : i32 to index
      %get3A_665 = arith.constant 32 : index
      %get3A_666 = tpu.vector_load %arg10[%get3A_664, %get3A_665] {strides = array<i32>} : memref<120x64xf32, #tpu.memory_space<vmem>>, vector<16xf32>,
      %mul3A_667 = vector.broadcast %reduce_max3A_175 : f32 to vector<16xf32>
      %mul3A_668 = arith.mulf %mul3A_667, %get3A_666 : vector<16xf32>
      %add3A_669 = arith.addf %add3A_662, %mul3A_668 : vector<16xf32>
      %get3A_670 = arith.constant 7 : i32
      %get3A_671 = arith.index_cast %get3A_670 : i32 to index
      %get3A_672 = arith.constant 32 : index
      %get3A_673 = tpu.vector_load %arg10[%get3A_671, %get3A_672] {strides = array<i32>} : memref<120x64xf32, #tpu.memory_space<vmem>>, vector<16xf32>,
      %mul3A_674 = vector.broadcast %reduce_max3A_185 : f32 to vector<16xf32>
      %mul3A_675 = arith.mulf %mul3A_674, %get3A_673 : vector<16xf32>
      %add3A_676 = arith.addf %add3A_669, %mul3A_675 : vector<16xf32>
      %get3A_677 = arith.constant 8 : i32
      %get3A_678 = arith.index_cast %get3A_677 : i32 to index
      %get3A_679 = arith.constant 32 : index
      %get3A_680 = tpu.vector_load %arg10[%get3A_678, %get3A_679] {strides = array<i32>} : memref<120x64xf32, #tpu.memory_space<vmem>>, vector<16xf32>,
      %mul3A_681 = vector.broadcast %reduce_max3A_195 : f32 to vector<16xf32>
      %mul3A_682 = arith.mulf %mul3A_681, %get3A_680 : vector<16xf32>
      %add3A_683 = arith.addf %add3A_676, %mul3A_682 : vector<16xf32>
      %get3A_684 = arith.constant 9 : i32
      %get3A_685 = arith.index_cast %get3A_684 : i32 to index
      %get3A_686 = arith.constant 32 : index
      %get3A_687 = tpu.vector_load %arg10[%get3A_685, %get3A_686] {strides = array<i32>} : memref<120x64xf32, #tpu.memory_space<vmem>>, vector<16xf32>,
      %mul3A_688 = vector.broadcast %reduce_max3A_205 : f32 to vector<16xf32>
      %mul3A_689 = arith.mulf %mul3A_688, %get3A_687 : vector<16xf32>
      %add3A_690 = arith.addf %add3A_683, %mul3A_689 : vector<16xf32>
      %get3A_691 = arith.constant 10 : i32
      %get3A_692 = arith.index_cast %get3A_691 : i32 to index
      %get3A_693 = arith.constant 32 : index
      %get3A_694 = tpu.vector_load %arg10[%get3A_692, %get3A_693] {strides = array<i32>} : memref<120x64xf32, #tpu.memory_space<vmem>>, vector<16xf32>,
      %mul3A_695 = vector.broadcast %reduce_max3A_215 : f32 to vector<16xf32>
      %mul3A_696 = arith.mulf %mul3A_695, %get3A_694 : vector<16xf32>
      %add3A_697 = arith.addf %add3A_690, %mul3A_696 : vector<16xf32>
      %get3A_698 = arith.constant 11 : i32
      %get3A_699 = arith.index_cast %get3A_698 : i32 to index
      %get3A_700 = arith.constant 32 : index
      %get3A_701 = tpu.vector_load %arg10[%get3A_699, %get3A_700] {strides = array<i32>} : memref<120x64xf32, #tpu.memory_space<vmem>>, vector<16xf32>,
      %mul3A_702 = vector.broadcast %reduce_max3A_225 : f32 to vector<16xf32>
      %mul3A_703 = arith.mulf %mul3A_702, %get3A_701 : vector<16xf32>
      %add3A_704 = arith.addf %add3A_697, %mul3A_703 : vector<16xf32>
      %get3A_705 = arith.constant 12 : i32
      %get3A_706 = arith.index_cast %get3A_705 : i32 to index
      %get3A_707 = arith.constant 32 : index
      %get3A_708 = tpu.vector_load %arg10[%get3A_706, %get3A_707] {strides = array<i32>} : memref<120x64xf32, #tpu.memory_space<vmem>>, vector<16xf32>,
      %mul3A_709 = vector.broadcast %reduce_max3A_235 : f32 to vector<16xf32>
      %mul3A_710 = arith.mulf %mul3A_709, %get3A_708 : vector<16xf32>
      %add3A_711 = arith.addf %add3A_704, %mul3A_710 : vector<16xf32>
      %get3A_712 = arith.constant 13 : i32
      %get3A_713 = arith.index_cast %get3A_712 : i32 to index
      %get3A_714 = arith.constant 32 : index
      %get3A_715 = tpu.vector_load %arg10[%get3A_713, %get3A_714] {strides = array<i32>} : memref<120x64xf32, #tpu.memory_space<vmem>>, vector<16xf32>,
      %mul3A_716 = vector.broadcast %reduce_max3A_245 : f32 to vector<16xf32>
      %mul3A_717 = arith.mulf %mul3A_716, %get3A_715 : vector<16xf32>
      %add3A_718 = arith.addf %add3A_711, %mul3A_717 : vector<16xf32>
      %get3A_719 = arith.constant 14 : i32
      %get3A_720 = arith.index_cast %get3A_719 : i32 to index
      %get3A_721 = arith.constant 32 : index
      %get3A_722 = tpu.vector_load %arg10[%get3A_720, %get3A_721] {strides = array<i32>} : memref<120x64xf32, #tpu.memory_space<vmem>>, vector<16xf32>,
      %mul3A_723 = vector.broadcast %reduce_max3A_255 : f32 to vector<16xf32>
      %mul3A_724 = arith.mulf %mul3A_723, %get3A_722 : vector<16xf32>
      %add3A_725 = arith.addf %add3A_718, %mul3A_724 : vector<16xf32>
      %get3A_726 = arith.constant 15 : i32
      %get3A_727 = arith.index_cast %get3A_726 : i32 to index
      %get3A_728 = arith.constant 32 : index
      %get3A_729 = tpu.vector_load %arg10[%get3A_727, %get3A_728] {strides = array<i32>} : memref<120x64xf32, #tpu.memory_space<vmem>>, vector<16xf32>,
      %mul3A_730 = vector.broadcast %reduce_max3A_265 : f32 to vector<16xf32>
      %mul3A_731 = arith.mulf %mul3A_730, %get3A_729 : vector<16xf32>
      %add3A_732 = arith.addf %add3A_725, %mul3A_731 : vector<16xf32>
      %get3A_733 = arith.constant 16 : i32
      %get3A_734 = arith.index_cast %get3A_733 : i32 to index
      %get3A_735 = arith.constant 32 : index
      %get3A_736 = tpu.vector_load %arg10[%get3A_734, %get3A_735] {strides = array<i32>} : memref<120x64xf32, #tpu.memory_space<vmem>>, vector<16xf32>,
      %mul3A_737 = vector.broadcast %reduce_max3A_275 : f32 to vector<16xf32>
      %mul3A_738 = arith.mulf %mul3A_737, %get3A_736 : vector<16xf32>
      %add3A_739 = arith.addf %add3A_732, %mul3A_738 : vector<16xf32>
      %get3A_740 = arith.constant 17 : i32
      %get3A_741 = arith.index_cast %get3A_740 : i32 to index
      %get3A_742 = arith.constant 32 : index
      %get3A_743 = tpu.vector_load %arg10[%get3A_741, %get3A_742] {strides = array<i32>} : memref<120x64xf32, #tpu.memory_space<vmem>>, vector<16xf32>,
      %mul3A_744 = vector.broadcast %reduce_max3A_285 : f32 to vector<16xf32>
      %mul3A_745 = arith.mulf %mul3A_744, %get3A_743 : vector<16xf32>
      %add3A_746 = arith.addf %add3A_739, %mul3A_745 : vector<16xf32>
      %get3A_747 = arith.constant 18 : i32
      %get3A_748 = arith.index_cast %get3A_747 : i32 to index
      %get3A_749 = arith.constant 32 : index
      %get3A_750 = tpu.vector_load %arg10[%get3A_748, %get3A_749] {strides = array<i32>} : memref<120x64xf32, #tpu.memory_space<vmem>>, vector<16xf32>,
      %mul3A_751 = vector.broadcast %reduce_max3A_295 : f32 to vector<16xf32>
      %mul3A_752 = arith.mulf %mul3A_751, %get3A_750 : vector<16xf32>
      %add3A_753 = arith.addf %add3A_746, %mul3A_752 : vector<16xf32>
      %get3A_754 = arith.constant 19 : i32
      %get3A_755 = arith.index_cast %get3A_754 : i32 to index
      %get3A_756 = arith.constant 32 : index
      %get3A_757 = tpu.vector_load %arg10[%get3A_755, %get3A_756] {strides = array<i32>} : memref<120x64xf32, #tpu.memory_space<vmem>>, vector<16xf32>,
      %mul3A_758 = vector.broadcast %reduce_max3A_305 : f32 to vector<16xf32>
      %mul3A_759 = arith.mulf %mul3A_758, %get3A_757 : vector<16xf32>
      %add3A_760 = arith.addf %add3A_753, %mul3A_759 : vector<16xf32>
      %get3A_761 = arith.constant 20 : i32
      %get3A_762 = arith.index_cast %get3A_761 : i32 to index
      %get3A_763 = arith.constant 32 : index
      %get3A_764 = tpu.vector_load %arg10[%get3A_762, %get3A_763] {strides = array<i32>} : memref<120x64xf32, #tpu.memory_space<vmem>>, vector<16xf32>,
      %mul3A_765 = vector.broadcast %reduce_max3A_315 : f32 to vector<16xf32>
      %mul3A_766 = arith.mulf %mul3A_765, %get3A_764 : vector<16xf32>
      %add3A_767 = arith.addf %add3A_760, %mul3A_766 : vector<16xf32>
      %div3A_768 = arith.divf %add3A_767, %broadcast_in_dim3A_105 : vector<16xf32>
      %swap3A_769 = arith.constant 32 : index
      %swap3A_770 = tpu.vector_load %arg11[%swap3A_769] {strides = array<i32>} : memref<320xf32, #tpu.memory_space<vmem>>, vector<16xf32>,
      tpu.vector_store %arg11[%swap3A_769], %div3A_768 {strides = array<i32>} : memref<320xf32, #tpu.memory_space<vmem>>, vector<16xf32>,
      %broadcast_in_dim3A_771 = arith.constant 0.000000e+00 : f32
      %broadcast_in_dim3A_772 = vector.broadcast %broadcast_in_dim3A_771 : f32 to vector<16xf32>
      %get3A_773 = arith.constant 0 : i32
      %get3A_774 = arith.index_cast %get3A_773 : i32 to index
      %get3A_775 = arith.constant 48 : index
      %get3A_776 = tpu.vector_load %arg10[%get3A_774, %get3A_775] {strides = array<i32>} : memref<120x64xf32, #tpu.memory_space<vmem>>, vector<16xf32>,
      %mul3A_777 = vector.broadcast %reduce_max3A_115 : f32 to vector<16xf32>
      %mul3A_778 = arith.mulf %mul3A_777, %get3A_776 : vector<16xf32>
      %add3A_779 = arith.addf %broadcast_in_dim3A_772, %mul3A_778 : vector<16xf32>
      %get3A_780 = arith.constant 1 : i32
      %get3A_781 = arith.index_cast %get3A_780 : i32 to index
      %get3A_782 = arith.constant 48 : index
      %get3A_783 = tpu.vector_load %arg10[%get3A_781, %get3A_782] {strides = array<i32>} : memref<120x64xf32, #tpu.memory_space<vmem>>, vector<16xf32>,
      %mul3A_784 = vector.broadcast %reduce_max3A_125 : f32 to vector<16xf32>
      %mul3A_785 = arith.mulf %mul3A_784, %get3A_783 : vector<16xf32>
      %add3A_786 = arith.addf %add3A_779, %mul3A_785 : vector<16xf32>
      %get3A_787 = arith.constant 2 : i32
      %get3A_788 = arith.index_cast %get3A_787 : i32 to index
      %get3A_789 = arith.constant 48 : index
      %get3A_790 = tpu.vector_load %arg10[%get3A_788, %get3A_789] {strides = array<i32>} : memref<120x64xf32, #tpu.memory_space<vmem>>, vector<16xf32>,
      %mul3A_791 = vector.broadcast %reduce_max3A_135 : f32 to vector<16xf32>
      %mul3A_792 = arith.mulf %mul3A_791, %get3A_790 : vector<16xf32>
      %add3A_793 = arith.addf %add3A_786, %mul3A_792 : vector<16xf32>
      %get3A_794 = arith.constant 3 : i32
      %get3A_795 = arith.index_cast %get3A_794 : i32 to index
      %get3A_796 = arith.constant 48 : index
      %get3A_797 = tpu.vector_load %arg10[%get3A_795, %get3A_796] {strides = array<i32>} : memref<120x64xf32, #tpu.memory_space<vmem>>, vector<16xf32>,
      %mul3A_798 = vector.broadcast %reduce_max3A_145 : f32 to vector<16xf32>
      %mul3A_799 = arith.mulf %mul3A_798, %get3A_797 : vector<16xf32>
      %add3A_800 = arith.addf %add3A_793, %mul3A_799 : vector<16xf32>
      %get3A_801 = arith.constant 4 : i32
      %get3A_802 = arith.index_cast %get3A_801 : i32 to index
      %get3A_803 = arith.constant 48 : index
      %get3A_804 = tpu.vector_load %arg10[%get3A_802, %get3A_803] {strides = array<i32>} : memref<120x64xf32, #tpu.memory_space<vmem>>, vector<16xf32>,
      %mul3A_805 = vector.broadcast %reduce_max3A_155 : f32 to vector<16xf32>
      %mul3A_806 = arith.mulf %mul3A_805, %get3A_804 : vector<16xf32>
      %add3A_807 = arith.addf %add3A_800, %mul3A_806 : vector<16xf32>
      %get3A_808 = arith.constant 5 : i32
      %get3A_809 = arith.index_cast %get3A_808 : i32 to index
      %get3A_810 = arith.constant 48 : index
      %get3A_811 = tpu.vector_load %arg10[%get3A_809, %get3A_810] {strides = array<i32>} : memref<120x64xf32, #tpu.memory_space<vmem>>, vector<16xf32>,
      %mul3A_812 = vector.broadcast %reduce_max3A_165 : f32 to vector<16xf32>
      %mul3A_813 = arith.mulf %mul3A_812, %get3A_811 : vector<16xf32>
      %add3A_814 = arith.addf %add3A_807, %mul3A_813 : vector<16xf32>
      %get3A_815 = arith.constant 6 : i32
      %get3A_816 = arith.index_cast %get3A_815 : i32 to index
      %get3A_817 = arith.constant 48 : index
      %get3A_818 = tpu.vector_load %arg10[%get3A_816, %get3A_817] {strides = array<i32>} : memref<120x64xf32, #tpu.memory_space<vmem>>, vector<16xf32>,
      %mul3A_819 = vector.broadcast %reduce_max3A_175 : f32 to vector<16xf32>
      %mul3A_820 = arith.mulf %mul3A_819, %get3A_818 : vector<16xf32>
      %add3A_821 = arith.addf %add3A_814, %mul3A_820 : vector<16xf32>
      %get3A_822 = arith.constant 7 : i32
      %get3A_823 = arith.index_cast %get3A_822 : i32 to index
      %get3A_824 = arith.constant 48 : index
      %get3A_825 = tpu.vector_load %arg10[%get3A_823, %get3A_824] {strides = array<i32>} : memref<120x64xf32, #tpu.memory_space<vmem>>, vector<16xf32>,
      %mul3A_826 = vector.broadcast %reduce_max3A_185 : f32 to vector<16xf32>
      %mul3A_827 = arith.mulf %mul3A_826, %get3A_825 : vector<16xf32>
      %add3A_828 = arith.addf %add3A_821, %mul3A_827 : vector<16xf32>
      %get3A_829 = arith.constant 8 : i32
      %get3A_830 = arith.index_cast %get3A_829 : i32 to index
      %get3A_831 = arith.constant 48 : index
      %get3A_832 = tpu.vector_load %arg10[%get3A_830, %get3A_831] {strides = array<i32>} : memref<120x64xf32, #tpu.memory_space<vmem>>, vector<16xf32>,
      %mul3A_833 = vector.broadcast %reduce_max3A_195 : f32 to vector<16xf32>
      %mul3A_834 = arith.mulf %mul3A_833, %get3A_832 : vector<16xf32>
      %add3A_835 = arith.addf %add3A_828, %mul3A_834 : vector<16xf32>
      %get3A_836 = arith.constant 9 : i32
      %get3A_837 = arith.index_cast %get3A_836 : i32 to index
      %get3A_838 = arith.constant 48 : index
      %get3A_839 = tpu.vector_load %arg10[%get3A_837, %get3A_838] {strides = array<i32>} : memref<120x64xf32, #tpu.memory_space<vmem>>, vector<16xf32>,
      %mul3A_840 = vector.broadcast %reduce_max3A_205 : f32 to vector<16xf32>
      %mul3A_841 = arith.mulf %mul3A_840, %get3A_839 : vector<16xf32>
      %add3A_842 = arith.addf %add3A_835, %mul3A_841 : vector<16xf32>
      %get3A_843 = arith.constant 10 : i32
      %get3A_844 = arith.index_cast %get3A_843 : i32 to index
      %get3A_845 = arith.constant 48 : index
      %get3A_846 = tpu.vector_load %arg10[%get3A_844, %get3A_845] {strides = array<i32>} : memref<120x64xf32, #tpu.memory_space<vmem>>, vector<16xf32>,
      %mul3A_847 = vector.broadcast %reduce_max3A_215 : f32 to vector<16xf32>
      %mul3A_848 = arith.mulf %mul3A_847, %get3A_846 : vector<16xf32>
      %add3A_849 = arith.addf %add3A_842, %mul3A_848 : vector<16xf32>
      %get3A_850 = arith.constant 11 : i32
      %get3A_851 = arith.index_cast %get3A_850 : i32 to index
      %get3A_852 = arith.constant 48 : index
      %get3A_853 = tpu.vector_load %arg10[%get3A_851, %get3A_852] {strides = array<i32>} : memref<120x64xf32, #tpu.memory_space<vmem>>, vector<16xf32>,
      %mul3A_854 = vector.broadcast %reduce_max3A_225 : f32 to vector<16xf32>
      %mul3A_855 = arith.mulf %mul3A_854, %get3A_853 : vector<16xf32>
      %add3A_856 = arith.addf %add3A_849, %mul3A_855 : vector<16xf32>
      %get3A_857 = arith.constant 12 : i32
      %get3A_858 = arith.index_cast %get3A_857 : i32 to index
      %get3A_859 = arith.constant 48 : index
      %get3A_860 = tpu.vector_load %arg10[%get3A_858, %get3A_859] {strides = array<i32>} : memref<120x64xf32, #tpu.memory_space<vmem>>, vector<16xf32>,
      %mul3A_861 = vector.broadcast %reduce_max3A_235 : f32 to vector<16xf32>
      %mul3A_862 = arith.mulf %mul3A_861, %get3A_860 : vector<16xf32>
      %add3A_863 = arith.addf %add3A_856, %mul3A_862 : vector<16xf32>
      %get3A_864 = arith.constant 13 : i32
      %get3A_865 = arith.index_cast %get3A_864 : i32 to index
      %get3A_866 = arith.constant 48 : index
      %get3A_867 = tpu.vector_load %arg10[%get3A_865, %get3A_866] {strides = array<i32>} : memref<120x64xf32, #tpu.memory_space<vmem>>, vector<16xf32>,
      %mul3A_868 = vector.broadcast %reduce_max3A_245 : f32 to vector<16xf32>
      %mul3A_869 = arith.mulf %mul3A_868, %get3A_867 : vector<16xf32>
      %add3A_870 = arith.addf %add3A_863, %mul3A_869 : vector<16xf32>
      %get3A_871 = arith.constant 14 : i32
      %get3A_872 = arith.index_cast %get3A_871 : i32 to index
      %get3A_873 = arith.constant 48 : index
      %get3A_874 = tpu.vector_load %arg10[%get3A_872, %get3A_873] {strides = array<i32>} : memref<120x64xf32, #tpu.memory_space<vmem>>, vector<16xf32>,
      %mul3A_875 = vector.broadcast %reduce_max3A_255 : f32 to vector<16xf32>
      %mul3A_876 = arith.mulf %mul3A_875, %get3A_874 : vector<16xf32>
      %add3A_877 = arith.addf %add3A_870, %mul3A_876 : vector<16xf32>
      %get3A_878 = arith.constant 15 : i32
      %get3A_879 = arith.index_cast %get3A_878 : i32 to index
      %get3A_880 = arith.constant 48 : index
      %get3A_881 = tpu.vector_load %arg10[%get3A_879, %get3A_880] {strides = array<i32>} : memref<120x64xf32, #tpu.memory_space<vmem>>, vector<16xf32>,
      %mul3A_882 = vector.broadcast %reduce_max3A_265 : f32 to vector<16xf32>
      %mul3A_883 = arith.mulf %mul3A_882, %get3A_881 : vector<16xf32>
      %add3A_884 = arith.addf %add3A_877, %mul3A_883 : vector<16xf32>
      %get3A_885 = arith.constant 16 : i32
      %get3A_886 = arith.index_cast %get3A_885 : i32 to index
      %get3A_887 = arith.constant 48 : index
      %get3A_888 = tpu.vector_load %arg10[%get3A_886, %get3A_887] {strides = array<i32>} : memref<120x64xf32, #tpu.memory_space<vmem>>, vector<16xf32>,
      %mul3A_889 = vector.broadcast %reduce_max3A_275 : f32 to vector<16xf32>
      %mul3A_890 = arith.mulf %mul3A_889, %get3A_888 : vector<16xf32>
      %add3A_891 = arith.addf %add3A_884, %mul3A_890 : vector<16xf32>
      %get3A_892 = arith.constant 17 : i32
      %get3A_893 = arith.index_cast %get3A_892 : i32 to index
      %get3A_894 = arith.constant 48 : index
      %get3A_895 = tpu.vector_load %arg10[%get3A_893, %get3A_894] {strides = array<i32>} : memref<120x64xf32, #tpu.memory_space<vmem>>, vector<16xf32>,
      %mul3A_896 = vector.broadcast %reduce_max3A_285 : f32 to vector<16xf32>
      %mul3A_897 = arith.mulf %mul3A_896, %get3A_895 : vector<16xf32>
      %add3A_898 = arith.addf %add3A_891, %mul3A_897 : vector<16xf32>
      %get3A_899 = arith.constant 18 : i32
      %get3A_900 = arith.index_cast %get3A_899 : i32 to index
      %get3A_901 = arith.constant 48 : index
      %get3A_902 = tpu.vector_load %arg10[%get3A_900, %get3A_901] {strides = array<i32>} : memref<120x64xf32, #tpu.memory_space<vmem>>, vector<16xf32>,
      %mul3A_903 = vector.broadcast %reduce_max3A_295 : f32 to vector<16xf32>
      %mul3A_904 = arith.mulf %mul3A_903, %get3A_902 : vector<16xf32>
      %add3A_905 = arith.addf %add3A_898, %mul3A_904 : vector<16xf32>
      %get3A_906 = arith.constant 19 : i32
      %get3A_907 = arith.index_cast %get3A_906 : i32 to index
      %get3A_908 = arith.constant 48 : index
      %get3A_909 = tpu.vector_load %arg10[%get3A_907, %get3A_908] {strides = array<i32>} : memref<120x64xf32, #tpu.memory_space<vmem>>, vector<16xf32>,
      %mul3A_910 = vector.broadcast %reduce_max3A_305 : f32 to vector<16xf32>
      %mul3A_911 = arith.mulf %mul3A_910, %get3A_909 : vector<16xf32>
      %add3A_912 = arith.addf %add3A_905, %mul3A_911 : vector<16xf32>
      %get3A_913 = arith.constant 20 : i32
      %get3A_914 = arith.index_cast %get3A_913 : i32 to index
      %get3A_915 = arith.constant 48 : index
      %get3A_916 = tpu.vector_load %arg10[%get3A_914, %get3A_915] {strides = array<i32>} : memref<120x64xf32, #tpu.memory_space<vmem>>, vector<16xf32>,
      %mul3A_917 = vector.broadcast %reduce_max3A_315 : f32 to vector<16xf32>
      %mul3A_918 = arith.mulf %mul3A_917, %get3A_916 : vector<16xf32>
      %add3A_919 = arith.addf %add3A_912, %mul3A_918 : vector<16xf32>
      %div3A_920 = arith.divf %add3A_919, %broadcast_in_dim3A_105 : vector<16xf32>
      %swap3A_921 = arith.constant 48 : index
      %swap3A_922 = tpu.vector_load %arg11[%swap3A_921] {strides = array<i32>} : memref<320xf32, #tpu.memory_space<vmem>>, vector<16xf32>,
      tpu.vector_store %arg11[%swap3A_921], %div3A_920 {strides = array<i32>} : memref<320xf32, #tpu.memory_space<vmem>>, vector<16xf32>,
      %add3A_923 = arith.constant 1 : i32
      %add3A_924 = arith.addi %add3A_29, %add3A_923 : i32
      %get3A_925 = arith.constant 24 : index
      %get3A_926 = tpu.vector_load %arg9[%get3A_925] {strides = array<i32>} : memref<120xi32, #tpu.memory_space<vmem>>, vector<16xi32>,
      %get3A_927 = arith.constant 32 : index
      %get3A_928 = tpu.vector_load %arg9[%get3A_927] {strides = array<i32>} : memref<120xi32, #tpu.memory_space<vmem>>, vector<16xi32>,
      %sub3A_929 = vector.broadcast %mul3A_20 : i32 to vector<16xi32>
      %sub3A_930 = arith.subi %get3A_926, %sub3A_929 : vector<16xi32>
      %gather3A_931 = tpu.vector_load_idx %arg8[%sub3A_930] : memref<10000xf32, #tpu.memory_space<vmem>>[vector<16xi32>], vector<16xf32>,
      %sub3A_932 = vector.broadcast %mul3A_20 : i32 to vector<16xi32>
      %sub3A_933 = arith.subi %get3A_928, %sub3A_932 : vector<16xi32>
      %gather3A_934 = tpu.vector_load_idx %arg8[%sub3A_933] : memref<10000xf32, #tpu.memory_space<vmem>>[vector<16xi32>], vector<16xf32>,
      %sub3A_935 = arith.subi %add3A_924, %mul3A_20 : i32
      %broadcast_in_dim3A_936 = vector.broadcast %sub3A_935 : i32 to vector<16xi32>
      %gather3A_937 = tpu.vector_load_idx %arg7[%broadcast_in_dim3A_936] : memref<10000xf32, #tpu.memory_space<vmem>>[vector<16xi32>], vector<16xf32>,
      %add3A_938 = arith.addf %gather3A_937, %gather3A_931 : vector<16xf32>
      %add3A_939 = arith.addf %gather3A_937, %gather3A_934 : vector<16xf32>
      %gt3A_940 = arith.constant 0.000000e+00 : f32
      %gt3A_941 = vector.broadcast %gt3A_940 : f32 to vector<16xf32>
      %gt3A_942 = arith.cmpf ogt, %add3A_938, %gt3A_941 : vector<16xf32>
      %mul3A_943 = arith.constant 2.000000e-01 : f32
      %mul3A_944 = vector.broadcast %mul3A_943 : f32 to vector<16xf32>
      %mul3A_945 = arith.mulf %mul3A_944, %add3A_938 : vector<16xf32>
      %select_n3A_946 = arith.select %gt3A_942, %add3A_938, %mul3A_945 : vector<16xi1>, vector<16xf32>
      %gt3A_947 = arith.constant 0.000000e+00 : f32
      %gt3A_948 = vector.broadcast %gt3A_947 : f32 to vector<16xf32>
      %gt3A_949 = arith.cmpf ogt, %add3A_939, %gt3A_948 : vector<16xf32>
      %mul3A_950 = arith.constant 2.000000e-01 : f32
      %mul3A_951 = vector.broadcast %mul3A_950 : f32 to vector<16xf32>
      %mul3A_952 = arith.mulf %mul3A_951, %add3A_939 : vector<16xf32>
      %select_n3A_953 = arith.select %gt3A_949, %add3A_939, %mul3A_952 : vector<16xi1>, vector<16xf32>
      %broadcast_in_dim3A_954 = vector.broadcast %add3A_924 : i32 to vector<16xi32>
      %add3A_955 = arith.constant 8 : i32
      %add3A_956 = vector.broadcast %add3A_955 : i32 to vector<16xi32>
      %add3A_957 = arith.addi %iota3A, %add3A_956 : vector<16xi32>
      %ne3A_958 = arith.cmpi ne, %get3A_926, %broadcast_in_dim3A_954 : vector<16xi32>
      %eq3A_959 = arith.constant 20 : i32
      %eq3A_960 = vector.broadcast %eq3A_959 : i32 to vector<16xi32>
      %eq3A_961 = arith.cmpi eq, %add3A_957, %eq3A_960 : vector<16xi32>
      %ge3A_962 = arith.constant 16 : i32
      %ge3A_963 = vector.broadcast %ge3A_962 : i32 to vector<16xi32>
      %ge3A_964 = arith.cmpi sge, %add3A_957, %ge3A_963 : vector<16xi32>
      %lt3A_965 = arith.constant 20 : i32
      %lt3A_966 = vector.broadcast %lt3A_965 : i32 to vector<16xi32>
      %lt3A_967 = arith.cmpi slt, %add3A_957, %lt3A_966 : vector<16xi32>
      %and3A_968 = arith.andi %ge3A_964, %lt3A_967 : vector<16xi1>
      %ne3A_969 = arith.cmpi ne, %get3A_928, %broadcast_in_dim3A_954 : vector<16xi32>
      %and3A_970 = arith.andi %and3A_968, %ne3A_969 : vector<16xi1>
      %or3A_971 = arith.ori %eq3A_961, %and3A_970 : vector<16xi1>
      %jit3A_972 = arith.constant -1.000000e+30 : f32
      %broadcast_in_dim3A_973 = vector.broadcast %jit3A_972 : f32 to vector<16xf32>
      %select_n3A_974 = arith.select %ne3A_958, %select_n3A_946, %broadcast_in_dim3A_973 : vector<16xi1>, vector<16xf32>
      %jit3A_975 = arith.constant -1.000000e+30 : f32
      %broadcast_in_dim3A_976 = vector.broadcast %jit3A_975 : f32 to vector<16xf32>
      %select_n3A_977 = arith.select %or3A_971, %select_n3A_953, %broadcast_in_dim3A_976 : vector<16xi1>, vector<16xf32>
      %reduce_max3A_978 = arith.constant true
      %reduce_max3A_979 = vector.broadcast %reduce_max3A_978 : i1 to vector<16xi1>
      %reduce_max3A_980 = tpu.scan <max>, %select_n3A_974 masked %reduce_max3A_979 : vector<16xf32>, vector<16xi1> -> vector<16xf32>
      %reduce_max3A_981 = vector.extract %reduce_max3A_980[15] : f32 from vector<16xf32>
      %reduce_max3A_982 = arith.constant true
      %reduce_max3A_983 = vector.broadcast %reduce_max3A_982 : i1 to vector<16xi1>
      %reduce_max3A_984 = tpu.scan <max>, %select_n3A_977 masked %reduce_max3A_983 : vector<16xf32>, vector<16xi1> -> vector<16xf32>
      %reduce_max3A_985 = vector.extract %reduce_max3A_984[15] : f32 from vector<16xf32>
      %max3A_986 = arith.maximumf %reduce_max3A_981, %reduce_max3A_985 : f32
      %sub3A_987 = vector.broadcast %max3A_986 : f32 to vector<16xf32>
      %sub3A_988 = arith.subf %select_n3A_974, %sub3A_987 : vector<16xf32>
      %exp3A_989 = math.exp %sub3A_988 : vector<16xf32>
      %sub3A_990 = vector.broadcast %max3A_986 : f32 to vector<16xf32>
      %sub3A_991 = arith.subf %select_n3A_977, %sub3A_990 : vector<16xf32>
      %exp3A_992 = math.exp %sub3A_991 : vector<16xf32>
      %reduce_sum3A_993 = arith.constant true
      %reduce_sum3A_994 = vector.broadcast %reduce_sum3A_993 : i1 to vector<16xi1>
      %reduce_sum3A_995 = tpu.scan <sum>, %exp3A_989 masked %reduce_sum3A_994 : vector<16xf32>, vector<16xi1> -> vector<16xf32>
      %reduce_sum3A_996 = vector.extract %reduce_sum3A_995[15] : f32 from vector<16xf32>
      %reduce_sum3A_997 = arith.constant true
      %reduce_sum3A_998 = vector.broadcast %reduce_sum3A_997 : i1 to vector<16xi1>
      %reduce_sum3A_999 = tpu.scan <sum>, %exp3A_992 masked %reduce_sum3A_998 : vector<16xf32>, vector<16xi1> -> vector<16xf32>
      %reduce_sum3A_1000 = vector.extract %reduce_sum3A_999[15] : f32 from vector<16xf32>
      %add3A_1001 = arith.addf %reduce_sum3A_996, %reduce_sum3A_1000 : f32
      %add3A_1002 = arith.constant 1.000000e-16 : f32
      %add3A_1003 = arith.addf %add3A_1001, %add3A_1002 : f32
      %broadcast_in_dim3A_1004 = vector.broadcast %add3A_1003 : f32 to vector<16xf32>
      %eq3A_1005 = arith.constant 0 : i32
      %eq3A_1006 = vector.broadcast %eq3A_1005 : i32 to vector<16xi32>
      %eq3A_1007 = arith.cmpi eq, %iota3A, %eq3A_1006 : vector<16xi32>
      %jit3A_1008 = arith.constant 0.000000e+00 : f32
      %broadcast_in_dim3A_1009 = vector.broadcast %jit3A_1008 : f32 to vector<16xf32>
      %select_n3A_1010 = arith.select %eq3A_1007, %exp3A_989, %broadcast_in_dim3A_1009 : vector<16xi1>, vector<16xf32>
      %reduce_max3A_1011 = arith.constant true
      %reduce_max3A_1012 = vector.broadcast %reduce_max3A_1011 : i1 to vector<16xi1>
      %reduce_max3A_1013 = tpu.scan <max>, %select_n3A_1010 masked %reduce_max3A_1012 : vector<16xf32>, vector<16xi1> -> vector<16xf32>
      %reduce_max3A_1014 = vector.extract %reduce_max3A_1013[15] : f32 from vector<16xf32>
      %eq3A_1015 = arith.constant 1 : i32
      %eq3A_1016 = vector.broadcast %eq3A_1015 : i32 to vector<16xi32>
      %eq3A_1017 = arith.cmpi eq, %iota3A, %eq3A_1016 : vector<16xi32>
      %jit3A_1018 = arith.constant 0.000000e+00 : f32
      %broadcast_in_dim3A_1019 = vector.broadcast %jit3A_1018 : f32 to vector<16xf32>
      %select_n3A_1020 = arith.select %eq3A_1017, %exp3A_989, %broadcast_in_dim3A_1019 : vector<16xi1>, vector<16xf32>
      %reduce_max3A_1021 = arith.constant true
      %reduce_max3A_1022 = vector.broadcast %reduce_max3A_1021 : i1 to vector<16xi1>
      %reduce_max3A_1023 = tpu.scan <max>, %select_n3A_1020 masked %reduce_max3A_1022 : vector<16xf32>, vector<16xi1> -> vector<16xf32>
      %reduce_max3A_1024 = vector.extract %reduce_max3A_1023[15] : f32 from vector<16xf32>
      %eq3A_1025 = arith.constant 2 : i32
      %eq3A_1026 = vector.broadcast %eq3A_1025 : i32 to vector<16xi32>
      %eq3A_1027 = arith.cmpi eq, %iota3A, %eq3A_1026 : vector<16xi32>
      %jit3A_1028 = arith.constant 0.000000e+00 : f32
      %broadcast_in_dim3A_1029 = vector.broadcast %jit3A_1028 : f32 to vector<16xf32>
      %select_n3A_1030 = arith.select %eq3A_1027, %exp3A_989, %broadcast_in_dim3A_1029 : vector<16xi1>, vector<16xf32>
      %reduce_max3A_1031 = arith.constant true
      %reduce_max3A_1032 = vector.broadcast %reduce_max3A_1031 : i1 to vector<16xi1>
      %reduce_max3A_1033 = tpu.scan <max>, %select_n3A_1030 masked %reduce_max3A_1032 : vector<16xf32>, vector<16xi1> -> vector<16xf32>
      %reduce_max3A_1034 = vector.extract %reduce_max3A_1033[15] : f32 from vector<16xf32>
      %eq3A_1035 = arith.constant 3 : i32
      %eq3A_1036 = vector.broadcast %eq3A_1035 : i32 to vector<16xi32>
      %eq3A_1037 = arith.cmpi eq, %iota3A, %eq3A_1036 : vector<16xi32>
      %jit3A_1038 = arith.constant 0.000000e+00 : f32
      %broadcast_in_dim3A_1039 = vector.broadcast %jit3A_1038 : f32 to vector<16xf32>
      %select_n3A_1040 = arith.select %eq3A_1037, %exp3A_989, %broadcast_in_dim3A_1039 : vector<16xi1>, vector<16xf32>
      %reduce_max3A_1041 = arith.constant true
      %reduce_max3A_1042 = vector.broadcast %reduce_max3A_1041 : i1 to vector<16xi1>
      %reduce_max3A_1043 = tpu.scan <max>, %select_n3A_1040 masked %reduce_max3A_1042 : vector<16xf32>, vector<16xi1> -> vector<16xf32>
      %reduce_max3A_1044 = vector.extract %reduce_max3A_1043[15] : f32 from vector<16xf32>
      %eq3A_1045 = arith.constant 4 : i32
      %eq3A_1046 = vector.broadcast %eq3A_1045 : i32 to vector<16xi32>
      %eq3A_1047 = arith.cmpi eq, %iota3A, %eq3A_1046 : vector<16xi32>
      %jit3A_1048 = arith.constant 0.000000e+00 : f32
      %broadcast_in_dim3A_1049 = vector.broadcast %jit3A_1048 : f32 to vector<16xf32>
      %select_n3A_1050 = arith.select %eq3A_1047, %exp3A_989, %broadcast_in_dim3A_1049 : vector<16xi1>, vector<16xf32>
      %reduce_max3A_1051 = arith.constant true
      %reduce_max3A_1052 = vector.broadcast %reduce_max3A_1051 : i1 to vector<16xi1>
      %reduce_max3A_1053 = tpu.scan <max>, %select_n3A_1050 masked %reduce_max3A_1052 : vector<16xf32>, vector<16xi1> -> vector<16xf32>
      %reduce_max3A_1054 = vector.extract %reduce_max3A_1053[15] : f32 from vector<16xf32>
      %eq3A_1055 = arith.constant 5 : i32
      %eq3A_1056 = vector.broadcast %eq3A_1055 : i32 to vector<16xi32>
      %eq3A_1057 = arith.cmpi eq, %iota3A, %eq3A_1056 : vector<16xi32>
      %jit3A_1058 = arith.constant 0.000000e+00 : f32
      %broadcast_in_dim3A_1059 = vector.broadcast %jit3A_1058 : f32 to vector<16xf32>
      %select_n3A_1060 = arith.select %eq3A_1057, %exp3A_989, %broadcast_in_dim3A_1059 : vector<16xi1>, vector<16xf32>
      %reduce_max3A_1061 = arith.constant true
      %reduce_max3A_1062 = vector.broadcast %reduce_max3A_1061 : i1 to vector<16xi1>
      %reduce_max3A_1063 = tpu.scan <max>, %select_n3A_1060 masked %reduce_max3A_1062 : vector<16xf32>, vector<16xi1> -> vector<16xf32>
      %reduce_max3A_1064 = vector.extract %reduce_max3A_1063[15] : f32 from vector<16xf32>
      %eq3A_1065 = arith.constant 6 : i32
      %eq3A_1066 = vector.broadcast %eq3A_1065 : i32 to vector<16xi32>
      %eq3A_1067 = arith.cmpi eq, %iota3A, %eq3A_1066 : vector<16xi32>
      %jit3A_1068 = arith.constant 0.000000e+00 : f32
      %broadcast_in_dim3A_1069 = vector.broadcast %jit3A_1068 : f32 to vector<16xf32>
      %select_n3A_1070 = arith.select %eq3A_1067, %exp3A_989, %broadcast_in_dim3A_1069 : vector<16xi1>, vector<16xf32>
      %reduce_max3A_1071 = arith.constant true
      %reduce_max3A_1072 = vector.broadcast %reduce_max3A_1071 : i1 to vector<16xi1>
      %reduce_max3A_1073 = tpu.scan <max>, %select_n3A_1070 masked %reduce_max3A_1072 : vector<16xf32>, vector<16xi1> -> vector<16xf32>
      %reduce_max3A_1074 = vector.extract %reduce_max3A_1073[15] : f32 from vector<16xf32>
      %eq3A_1075 = arith.constant 7 : i32
      %eq3A_1076 = vector.broadcast %eq3A_1075 : i32 to vector<16xi32>
      %eq3A_1077 = arith.cmpi eq, %iota3A, %eq3A_1076 : vector<16xi32>
      %jit3A_1078 = arith.constant 0.000000e+00 : f32
      %broadcast_in_dim3A_1079 = vector.broadcast %jit3A_1078 : f32 to vector<16xf32>
      %select_n3A_1080 = arith.select %eq3A_1077, %exp3A_989, %broadcast_in_dim3A_1079 : vector<16xi1>, vector<16xf32>
      %reduce_max3A_1081 = arith.constant true
      %reduce_max3A_1082 = vector.broadcast %reduce_max3A_1081 : i1 to vector<16xi1>
      %reduce_max3A_1083 = tpu.scan <max>, %select_n3A_1080 masked %reduce_max3A_1082 : vector<16xf32>, vector<16xi1> -> vector<16xf32>
      %reduce_max3A_1084 = vector.extract %reduce_max3A_1083[15] : f32 from vector<16xf32>
      %eq3A_1085 = arith.constant 8 : i32
      %eq3A_1086 = vector.broadcast %eq3A_1085 : i32 to vector<16xi32>
      %eq3A_1087 = arith.cmpi eq, %iota3A, %eq3A_1086 : vector<16xi32>
      %jit3A_1088 = arith.constant 0.000000e+00 : f32
      %broadcast_in_dim3A_1089 = vector.broadcast %jit3A_1088 : f32 to vector<16xf32>
      %select_n3A_1090 = arith.select %eq3A_1087, %exp3A_989, %broadcast_in_dim3A_1089 : vector<16xi1>, vector<16xf32>
      %reduce_max3A_1091 = arith.constant true
      %reduce_max3A_1092 = vector.broadcast %reduce_max3A_1091 : i1 to vector<16xi1>
      %reduce_max3A_1093 = tpu.scan <max>, %select_n3A_1090 masked %reduce_max3A_1092 : vector<16xf32>, vector<16xi1> -> vector<16xf32>
      %reduce_max3A_1094 = vector.extract %reduce_max3A_1093[15] : f32 from vector<16xf32>
      %eq3A_1095 = arith.constant 9 : i32
      %eq3A_1096 = vector.broadcast %eq3A_1095 : i32 to vector<16xi32>
      %eq3A_1097 = arith.cmpi eq, %iota3A, %eq3A_1096 : vector<16xi32>
      %jit3A_1098 = arith.constant 0.000000e+00 : f32
      %broadcast_in_dim3A_1099 = vector.broadcast %jit3A_1098 : f32 to vector<16xf32>
      %select_n3A_1100 = arith.select %eq3A_1097, %exp3A_989, %broadcast_in_dim3A_1099 : vector<16xi1>, vector<16xf32>
      %reduce_max3A_1101 = arith.constant true
      %reduce_max3A_1102 = vector.broadcast %reduce_max3A_1101 : i1 to vector<16xi1>
      %reduce_max3A_1103 = tpu.scan <max>, %select_n3A_1100 masked %reduce_max3A_1102 : vector<16xf32>, vector<16xi1> -> vector<16xf32>
      %reduce_max3A_1104 = vector.extract %reduce_max3A_1103[15] : f32 from vector<16xf32>
      %eq3A_1105 = arith.constant 10 : i32
      %eq3A_1106 = vector.broadcast %eq3A_1105 : i32 to vector<16xi32>
      %eq3A_1107 = arith.cmpi eq, %iota3A, %eq3A_1106 : vector<16xi32>
      %jit3A_1108 = arith.constant 0.000000e+00 : f32
      %broadcast_in_dim3A_1109 = vector.broadcast %jit3A_1108 : f32 to vector<16xf32>
      %select_n3A_1110 = arith.select %eq3A_1107, %exp3A_989, %broadcast_in_dim3A_1109 : vector<16xi1>, vector<16xf32>
      %reduce_max3A_1111 = arith.constant true
      %reduce_max3A_1112 = vector.broadcast %reduce_max3A_1111 : i1 to vector<16xi1>
      %reduce_max3A_1113 = tpu.scan <max>, %select_n3A_1110 masked %reduce_max3A_1112 : vector<16xf32>, vector<16xi1> -> vector<16xf32>
      %reduce_max3A_1114 = vector.extract %reduce_max3A_1113[15] : f32 from vector<16xf32>
      %eq3A_1115 = arith.constant 11 : i32
      %eq3A_1116 = vector.broadcast %eq3A_1115 : i32 to vector<16xi32>
      %eq3A_1117 = arith.cmpi eq, %iota3A, %eq3A_1116 : vector<16xi32>
      %jit3A_1118 = arith.constant 0.000000e+00 : f32
      %broadcast_in_dim3A_1119 = vector.broadcast %jit3A_1118 : f32 to vector<16xf32>
      %select_n3A_1120 = arith.select %eq3A_1117, %exp3A_989, %broadcast_in_dim3A_1119 : vector<16xi1>, vector<16xf32>
      %reduce_max3A_1121 = arith.constant true
      %reduce_max3A_1122 = vector.broadcast %reduce_max3A_1121 : i1 to vector<16xi1>
      %reduce_max3A_1123 = tpu.scan <max>, %select_n3A_1120 masked %reduce_max3A_1122 : vector<16xf32>, vector<16xi1> -> vector<16xf32>
      %reduce_max3A_1124 = vector.extract %reduce_max3A_1123[15] : f32 from vector<16xf32>
      %eq3A_1125 = arith.constant 12 : i32
      %eq3A_1126 = vector.broadcast %eq3A_1125 : i32 to vector<16xi32>
      %eq3A_1127 = arith.cmpi eq, %iota3A, %eq3A_1126 : vector<16xi32>
      %jit3A_1128 = arith.constant 0.000000e+00 : f32
      %broadcast_in_dim3A_1129 = vector.broadcast %jit3A_1128 : f32 to vector<16xf32>
      %select_n3A_1130 = arith.select %eq3A_1127, %exp3A_989, %broadcast_in_dim3A_1129 : vector<16xi1>, vector<16xf32>
      %reduce_max3A_1131 = arith.constant true
      %reduce_max3A_1132 = vector.broadcast %reduce_max3A_1131 : i1 to vector<16xi1>
      %reduce_max3A_1133 = tpu.scan <max>, %select_n3A_1130 masked %reduce_max3A_1132 : vector<16xf32>, vector<16xi1> -> vector<16xf32>
      %reduce_max3A_1134 = vector.extract %reduce_max3A_1133[15] : f32 from vector<16xf32>
      %eq3A_1135 = arith.constant 13 : i32
      %eq3A_1136 = vector.broadcast %eq3A_1135 : i32 to vector<16xi32>
      %eq3A_1137 = arith.cmpi eq, %iota3A, %eq3A_1136 : vector<16xi32>
      %jit3A_1138 = arith.constant 0.000000e+00 : f32
      %broadcast_in_dim3A_1139 = vector.broadcast %jit3A_1138 : f32 to vector<16xf32>
      %select_n3A_1140 = arith.select %eq3A_1137, %exp3A_989, %broadcast_in_dim3A_1139 : vector<16xi1>, vector<16xf32>
      %reduce_max3A_1141 = arith.constant true
      %reduce_max3A_1142 = vector.broadcast %reduce_max3A_1141 : i1 to vector<16xi1>
      %reduce_max3A_1143 = tpu.scan <max>, %select_n3A_1140 masked %reduce_max3A_1142 : vector<16xf32>, vector<16xi1> -> vector<16xf32>
      %reduce_max3A_1144 = vector.extract %reduce_max3A_1143[15] : f32 from vector<16xf32>
      %eq3A_1145 = arith.constant 14 : i32
      %eq3A_1146 = vector.broadcast %eq3A_1145 : i32 to vector<16xi32>
      %eq3A_1147 = arith.cmpi eq, %iota3A, %eq3A_1146 : vector<16xi32>
      %jit3A_1148 = arith.constant 0.000000e+00 : f32
      %broadcast_in_dim3A_1149 = vector.broadcast %jit3A_1148 : f32 to vector<16xf32>
      %select_n3A_1150 = arith.select %eq3A_1147, %exp3A_989, %broadcast_in_dim3A_1149 : vector<16xi1>, vector<16xf32>
      %reduce_max3A_1151 = arith.constant true
      %reduce_max3A_1152 = vector.broadcast %reduce_max3A_1151 : i1 to vector<16xi1>
      %reduce_max3A_1153 = tpu.scan <max>, %select_n3A_1150 masked %reduce_max3A_1152 : vector<16xf32>, vector<16xi1> -> vector<16xf32>
      %reduce_max3A_1154 = vector.extract %reduce_max3A_1153[15] : f32 from vector<16xf32>
      %eq3A_1155 = arith.constant 15 : i32
      %eq3A_1156 = vector.broadcast %eq3A_1155 : i32 to vector<16xi32>
      %eq3A_1157 = arith.cmpi eq, %iota3A, %eq3A_1156 : vector<16xi32>
      %jit3A_1158 = arith.constant 0.000000e+00 : f32
      %broadcast_in_dim3A_1159 = vector.broadcast %jit3A_1158 : f32 to vector<16xf32>
      %select_n3A_1160 = arith.select %eq3A_1157, %exp3A_989, %broadcast_in_dim3A_1159 : vector<16xi1>, vector<16xf32>
      %reduce_max3A_1161 = arith.constant true
      %reduce_max3A_1162 = vector.broadcast %reduce_max3A_1161 : i1 to vector<16xi1>
      %reduce_max3A_1163 = tpu.scan <max>, %select_n3A_1160 masked %reduce_max3A_1162 : vector<16xf32>, vector<16xi1> -> vector<16xf32>
      %reduce_max3A_1164 = vector.extract %reduce_max3A_1163[15] : f32 from vector<16xf32>
      %eq3A_1165 = arith.constant 8 : i32
      %eq3A_1166 = vector.broadcast %eq3A_1165 : i32 to vector<16xi32>
      %eq3A_1167 = arith.cmpi eq, %iota3A, %eq3A_1166 : vector<16xi32>
      %jit3A_1168 = arith.constant 0.000000e+00 : f32
      %broadcast_in_dim3A_1169 = vector.broadcast %jit3A_1168 : f32 to vector<16xf32>
      %select_n3A_1170 = arith.select %eq3A_1167, %exp3A_992, %broadcast_in_dim3A_1169 : vector<16xi1>, vector<16xf32>
      %reduce_max3A_1171 = arith.constant true
      %reduce_max3A_1172 = vector.broadcast %reduce_max3A_1171 : i1 to vector<16xi1>
      %reduce_max3A_1173 = tpu.scan <max>, %select_n3A_1170 masked %reduce_max3A_1172 : vector<16xf32>, vector<16xi1> -> vector<16xf32>
      %reduce_max3A_1174 = vector.extract %reduce_max3A_1173[15] : f32 from vector<16xf32>
      %eq3A_1175 = arith.constant 9 : i32
      %eq3A_1176 = vector.broadcast %eq3A_1175 : i32 to vector<16xi32>
      %eq3A_1177 = arith.cmpi eq, %iota3A, %eq3A_1176 : vector<16xi32>
      %jit3A_1178 = arith.constant 0.000000e+00 : f32
      %broadcast_in_dim3A_1179 = vector.broadcast %jit3A_1178 : f32 to vector<16xf32>
      %select_n3A_1180 = arith.select %eq3A_1177, %exp3A_992, %broadcast_in_dim3A_1179 : vector<16xi1>, vector<16xf32>
      %reduce_max3A_1181 = arith.constant true
      %reduce_max3A_1182 = vector.broadcast %reduce_max3A_1181 : i1 to vector<16xi1>
      %reduce_max3A_1183 = tpu.scan <max>, %select_n3A_1180 masked %reduce_max3A_1182 : vector<16xf32>, vector<16xi1> -> vector<16xf32>
      %reduce_max3A_1184 = vector.extract %reduce_max3A_1183[15] : f32 from vector<16xf32>
      %eq3A_1185 = arith.constant 10 : i32
      %eq3A_1186 = vector.broadcast %eq3A_1185 : i32 to vector<16xi32>
      %eq3A_1187 = arith.cmpi eq, %iota3A, %eq3A_1186 : vector<16xi32>
      %jit3A_1188 = arith.constant 0.000000e+00 : f32
      %broadcast_in_dim3A_1189 = vector.broadcast %jit3A_1188 : f32 to vector<16xf32>
      %select_n3A_1190 = arith.select %eq3A_1187, %exp3A_992, %broadcast_in_dim3A_1189 : vector<16xi1>, vector<16xf32>
      %reduce_max3A_1191 = arith.constant true
      %reduce_max3A_1192 = vector.broadcast %reduce_max3A_1191 : i1 to vector<16xi1>
      %reduce_max3A_1193 = tpu.scan <max>, %select_n3A_1190 masked %reduce_max3A_1192 : vector<16xf32>, vector<16xi1> -> vector<16xf32>
      %reduce_max3A_1194 = vector.extract %reduce_max3A_1193[15] : f32 from vector<16xf32>
      %eq3A_1195 = arith.constant 11 : i32
      %eq3A_1196 = vector.broadcast %eq3A_1195 : i32 to vector<16xi32>
      %eq3A_1197 = arith.cmpi eq, %iota3A, %eq3A_1196 : vector<16xi32>
      %jit3A_1198 = arith.constant 0.000000e+00 : f32
      %broadcast_in_dim3A_1199 = vector.broadcast %jit3A_1198 : f32 to vector<16xf32>
      %select_n3A_1200 = arith.select %eq3A_1197, %exp3A_992, %broadcast_in_dim3A_1199 : vector<16xi1>, vector<16xf32>
      %reduce_max3A_1201 = arith.constant true
      %reduce_max3A_1202 = vector.broadcast %reduce_max3A_1201 : i1 to vector<16xi1>
      %reduce_max3A_1203 = tpu.scan <max>, %select_n3A_1200 masked %reduce_max3A_1202 : vector<16xf32>, vector<16xi1> -> vector<16xf32>
      %reduce_max3A_1204 = vector.extract %reduce_max3A_1203[15] : f32 from vector<16xf32>
      %eq3A_1205 = arith.constant 12 : i32
      %eq3A_1206 = vector.broadcast %eq3A_1205 : i32 to vector<16xi32>
      %eq3A_1207 = arith.cmpi eq, %iota3A, %eq3A_1206 : vector<16xi32>
      %jit3A_1208 = arith.constant 0.000000e+00 : f32
      %broadcast_in_dim3A_1209 = vector.broadcast %jit3A_1208 : f32 to vector<16xf32>
      %select_n3A_1210 = arith.select %eq3A_1207, %exp3A_992, %broadcast_in_dim3A_1209 : vector<16xi1>, vector<16xf32>
      %reduce_max3A_1211 = arith.constant true
      %reduce_max3A_1212 = vector.broadcast %reduce_max3A_1211 : i1 to vector<16xi1>
      %reduce_max3A_1213 = tpu.scan <max>, %select_n3A_1210 masked %reduce_max3A_1212 : vector<16xf32>, vector<16xi1> -> vector<16xf32>
      %reduce_max3A_1214 = vector.extract %reduce_max3A_1213[15] : f32 from vector<16xf32>
      %broadcast_in_dim3A_1215 = arith.constant 0.000000e+00 : f32
      %broadcast_in_dim3A_1216 = vector.broadcast %broadcast_in_dim3A_1215 : f32 to vector<16xf32>
      %get3A_1217 = arith.constant 24 : i32
      %get3A_1218 = arith.index_cast %get3A_1217 : i32 to index
      %get3A_1219 = arith.constant 0 : index
      %get3A_1220 = tpu.vector_load %arg10[%get3A_1218, %get3A_1219] {strides = array<i32>} : memref<120x64xf32, #tpu.memory_space<vmem>>, vector<16xf32>,
      %mul3A_1221 = vector.broadcast %reduce_max3A_1014 : f32 to vector<16xf32>
      %mul3A_1222 = arith.mulf %mul3A_1221, %get3A_1220 : vector<16xf32>
      %add3A_1223 = arith.addf %broadcast_in_dim3A_1216, %mul3A_1222 : vector<16xf32>
      %get3A_1224 = arith.constant 25 : i32
      %get3A_1225 = arith.index_cast %get3A_1224 : i32 to index
      %get3A_1226 = arith.constant 0 : index
      %get3A_1227 = tpu.vector_load %arg10[%get3A_1225, %get3A_1226] {strides = array<i32>} : memref<120x64xf32, #tpu.memory_space<vmem>>, vector<16xf32>,
      %mul3A_1228 = vector.broadcast %reduce_max3A_1024 : f32 to vector<16xf32>
      %mul3A_1229 = arith.mulf %mul3A_1228, %get3A_1227 : vector<16xf32>
      %add3A_1230 = arith.addf %add3A_1223, %mul3A_1229 : vector<16xf32>
      %get3A_1231 = arith.constant 26 : i32
      %get3A_1232 = arith.index_cast %get3A_1231 : i32 to index
      %get3A_1233 = arith.constant 0 : index
      %get3A_1234 = tpu.vector_load %arg10[%get3A_1232, %get3A_1233] {strides = array<i32>} : memref<120x64xf32, #tpu.memory_space<vmem>>, vector<16xf32>,
      %mul3A_1235 = vector.broadcast %reduce_max3A_1034 : f32 to vector<16xf32>
      %mul3A_1236 = arith.mulf %mul3A_1235, %get3A_1234 : vector<16xf32>
      %add3A_1237 = arith.addf %add3A_1230, %mul3A_1236 : vector<16xf32>
      %get3A_1238 = arith.constant 27 : i32
      %get3A_1239 = arith.index_cast %get3A_1238 : i32 to index
      %get3A_1240 = arith.constant 0 : index
      %get3A_1241 = tpu.vector_load %arg10[%get3A_1239, %get3A_1240] {strides = array<i32>} : memref<120x64xf32, #tpu.memory_space<vmem>>, vector<16xf32>,
      %mul3A_1242 = vector.broadcast %reduce_max3A_1044 : f32 to vector<16xf32>
      %mul3A_1243 = arith.mulf %mul3A_1242, %get3A_1241 : vector<16xf32>
      %add3A_1244 = arith.addf %add3A_1237, %mul3A_1243 : vector<16xf32>
      %get3A_1245 = arith.constant 28 : i32
      %get3A_1246 = arith.index_cast %get3A_1245 : i32 to index
      %get3A_1247 = arith.constant 0 : index
      %get3A_1248 = tpu.vector_load %arg10[%get3A_1246, %get3A_1247] {strides = array<i32>} : memref<120x64xf32, #tpu.memory_space<vmem>>, vector<16xf32>,
      %mul3A_1249 = vector.broadcast %reduce_max3A_1054 : f32 to vector<16xf32>
      %mul3A_1250 = arith.mulf %mul3A_1249, %get3A_1248 : vector<16xf32>
      %add3A_1251 = arith.addf %add3A_1244, %mul3A_1250 : vector<16xf32>
      %get3A_1252 = arith.constant 29 : i32
      %get3A_1253 = arith.index_cast %get3A_1252 : i32 to index
      %get3A_1254 = arith.constant 0 : index
      %get3A_1255 = tpu.vector_load %arg10[%get3A_1253, %get3A_1254] {strides = array<i32>} : memref<120x64xf32, #tpu.memory_space<vmem>>, vector<16xf32>,
      %mul3A_1256 = vector.broadcast %reduce_max3A_1064 : f32 to vector<16xf32>
      %mul3A_1257 = arith.mulf %mul3A_1256, %get3A_1255 : vector<16xf32>
      %add3A_1258 = arith.addf %add3A_1251, %mul3A_1257 : vector<16xf32>
      %get3A_1259 = arith.constant 30 : i32
      %get3A_1260 = arith.index_cast %get3A_1259 : i32 to index
      %get3A_1261 = arith.constant 0 : index
      %get3A_1262 = tpu.vector_load %arg10[%get3A_1260, %get3A_1261] {strides = array<i32>} : memref<120x64xf32, #tpu.memory_space<vmem>>, vector<16xf32>,
      %mul3A_1263 = vector.broadcast %reduce_max3A_1074 : f32 to vector<16xf32>
      %mul3A_1264 = arith.mulf %mul3A_1263, %get3A_1262 : vector<16xf32>
      %add3A_1265 = arith.addf %add3A_1258, %mul3A_1264 : vector<16xf32>
      %get3A_1266 = arith.constant 31 : i32
      %get3A_1267 = arith.index_cast %get3A_1266 : i32 to index
      %get3A_1268 = arith.constant 0 : index
      %get3A_1269 = tpu.vector_load %arg10[%get3A_1267, %get3A_1268] {strides = array<i32>} : memref<120x64xf32, #tpu.memory_space<vmem>>, vector<16xf32>,
      %mul3A_1270 = vector.broadcast %reduce_max3A_1084 : f32 to vector<16xf32>
      %mul3A_1271 = arith.mulf %mul3A_1270, %get3A_1269 : vector<16xf32>
      %add3A_1272 = arith.addf %add3A_1265, %mul3A_1271 : vector<16xf32>
      %get3A_1273 = arith.constant 32 : i32
      %get3A_1274 = arith.index_cast %get3A_1273 : i32 to index
      %get3A_1275 = arith.constant 0 : index
      %get3A_1276 = tpu.vector_load %arg10[%get3A_1274, %get3A_1275] {strides = array<i32>} : memref<120x64xf32, #tpu.memory_space<vmem>>, vector<16xf32>,
      %mul3A_1277 = vector.broadcast %reduce_max3A_1094 : f32 to vector<16xf32>
      %mul3A_1278 = arith.mulf %mul3A_1277, %get3A_1276 : vector<16xf32>
      %add3A_1279 = arith.addf %add3A_1272, %mul3A_1278 : vector<16xf32>
      %get3A_1280 = arith.constant 33 : i32
      %get3A_1281 = arith.index_cast %get3A_1280 : i32 to index
      %get3A_1282 = arith.constant 0 : index
      %get3A_1283 = tpu.vector_load %arg10[%get3A_1281, %get3A_1282] {strides = array<i32>} : memref<120x64xf32, #tpu.memory_space<vmem>>, vector<16xf32>,
      %mul3A_1284 = vector.broadcast %reduce_max3A_1104 : f32 to vector<16xf32>
      %mul3A_1285 = arith.mulf %mul3A_1284, %get3A_1283 : vector<16xf32>
      %add3A_1286 = arith.addf %add3A_1279, %mul3A_1285 : vector<16xf32>
      %get3A_1287 = arith.constant 34 : i32
      %get3A_1288 = arith.index_cast %get3A_1287 : i32 to index
      %get3A_1289 = arith.constant 0 : index
      %get3A_1290 = tpu.vector_load %arg10[%get3A_1288, %get3A_1289] {strides = array<i32>} : memref<120x64xf32, #tpu.memory_space<vmem>>, vector<16xf32>,
      %mul3A_1291 = vector.broadcast %reduce_max3A_1114 : f32 to vector<16xf32>
      %mul3A_1292 = arith.mulf %mul3A_1291, %get3A_1290 : vector<16xf32>
      %add3A_1293 = arith.addf %add3A_1286, %mul3A_1292 : vector<16xf32>
      %get3A_1294 = arith.constant 35 : i32
      %get3A_1295 = arith.index_cast %get3A_1294 : i32 to index
      %get3A_1296 = arith.constant 0 : index
      %get3A_1297 = tpu.vector_load %arg10[%get3A_1295, %get3A_1296] {strides = array<i32>} : memref<120x64xf32, #tpu.memory_space<vmem>>, vector<16xf32>,
      %mul3A_1298 = vector.broadcast %reduce_max3A_1124 : f32 to vector<16xf32>
      %mul3A_1299 = arith.mulf %mul3A_1298, %get3A_1297 : vector<16xf32>
      %add3A_1300 = arith.addf %add3A_1293, %mul3A_1299 : vector<16xf32>
      %get3A_1301 = arith.constant 36 : i32
      %get3A_1302 = arith.index_cast %get3A_1301 : i32 to index
      %get3A_1303 = arith.constant 0 : index
      %get3A_1304 = tpu.vector_load %arg10[%get3A_1302, %get3A_1303] {strides = array<i32>} : memref<120x64xf32, #tpu.memory_space<vmem>>, vector<16xf32>,
      %mul3A_1305 = vector.broadcast %reduce_max3A_1134 : f32 to vector<16xf32>
      %mul3A_1306 = arith.mulf %mul3A_1305, %get3A_1304 : vector<16xf32>
      %add3A_1307 = arith.addf %add3A_1300, %mul3A_1306 : vector<16xf32>
      %get3A_1308 = arith.constant 37 : i32
      %get3A_1309 = arith.index_cast %get3A_1308 : i32 to index
      %get3A_1310 = arith.constant 0 : index
      %get3A_1311 = tpu.vector_load %arg10[%get3A_1309, %get3A_1310] {strides = array<i32>} : memref<120x64xf32, #tpu.memory_space<vmem>>, vector<16xf32>,
      %mul3A_1312 = vector.broadcast %reduce_max3A_1144 : f32 to vector<16xf32>
      %mul3A_1313 = arith.mulf %mul3A_1312, %get3A_1311 : vector<16xf32>
      %add3A_1314 = arith.addf %add3A_1307, %mul3A_1313 : vector<16xf32>
      %get3A_1315 = arith.constant 38 : i32
      %get3A_1316 = arith.index_cast %get3A_1315 : i32 to index
      %get3A_1317 = arith.constant 0 : index
      %get3A_1318 = tpu.vector_load %arg10[%get3A_1316, %get3A_1317] {strides = array<i32>} : memref<120x64xf32, #tpu.memory_space<vmem>>, vector<16xf32>,
      %mul3A_1319 = vector.broadcast %reduce_max3A_1154 : f32 to vector<16xf32>
      %mul3A_1320 = arith.mulf %mul3A_1319, %get3A_1318 : vector<16xf32>
      %add3A_1321 = arith.addf %add3A_1314, %mul3A_1320 : vector<16xf32>
      %get3A_1322 = arith.constant 39 : i32
      %get3A_1323 = arith.index_cast %get3A_1322 : i32 to index
      %get3A_1324 = arith.constant 0 : index
      %get3A_1325 = tpu.vector_load %arg10[%get3A_1323, %get3A_1324] {strides = array<i32>} : memref<120x64xf32, #tpu.memory_space<vmem>>, vector<16xf32>,
      %mul3A_1326 = vector.broadcast %reduce_max3A_1164 : f32 to vector<16xf32>
      %mul3A_1327 = arith.mulf %mul3A_1326, %get3A_1325 : vector<16xf32>
      %add3A_1328 = arith.addf %add3A_1321, %mul3A_1327 : vector<16xf32>
      %get3A_1329 = arith.constant 40 : i32
      %get3A_1330 = arith.index_cast %get3A_1329 : i32 to index
      %get3A_1331 = arith.constant 0 : index
      %get3A_1332 = tpu.vector_load %arg10[%get3A_1330, %get3A_1331] {strides = array<i32>} : memref<120x64xf32, #tpu.memory_space<vmem>>, vector<16xf32>,
      %mul3A_1333 = vector.broadcast %reduce_max3A_1174 : f32 to vector<16xf32>
      %mul3A_1334 = arith.mulf %mul3A_1333, %get3A_1332 : vector<16xf32>
      %add3A_1335 = arith.addf %add3A_1328, %mul3A_1334 : vector<16xf32>
      %get3A_1336 = arith.constant 41 : i32
      %get3A_1337 = arith.index_cast %get3A_1336 : i32 to index
      %get3A_1338 = arith.constant 0 : index
      %get3A_1339 = tpu.vector_load %arg10[%get3A_1337, %get3A_1338] {strides = array<i32>} : memref<120x64xf32, #tpu.memory_space<vmem>>, vector<16xf32>,
      %mul3A_1340 = vector.broadcast %reduce_max3A_1184 : f32 to vector<16xf32>
      %mul3A_1341 = arith.mulf %mul3A_1340, %get3A_1339 : vector<16xf32>
      %add3A_1342 = arith.addf %add3A_1335, %mul3A_1341 : vector<16xf32>
      %get3A_1343 = arith.constant 42 : i32
      %get3A_1344 = arith.index_cast %get3A_1343 : i32 to index
      %get3A_1345 = arith.constant 0 : index
      %get3A_1346 = tpu.vector_load %arg10[%get3A_1344, %get3A_1345] {strides = array<i32>} : memref<120x64xf32, #tpu.memory_space<vmem>>, vector<16xf32>,
      %mul3A_1347 = vector.broadcast %reduce_max3A_1194 : f32 to vector<16xf32>
      %mul3A_1348 = arith.mulf %mul3A_1347, %get3A_1346 : vector<16xf32>
      %add3A_1349 = arith.addf %add3A_1342, %mul3A_1348 : vector<16xf32>
      %get3A_1350 = arith.constant 43 : i32
      %get3A_1351 = arith.index_cast %get3A_1350 : i32 to index
      %get3A_1352 = arith.constant 0 : index
      %get3A_1353 = tpu.vector_load %arg10[%get3A_1351, %get3A_1352] {strides = array<i32>} : memref<120x64xf32, #tpu.memory_space<vmem>>, vector<16xf32>,
      %mul3A_1354 = vector.broadcast %reduce_max3A_1204 : f32 to vector<16xf32>
      %mul3A_1355 = arith.mulf %mul3A_1354, %get3A_1353 : vector<16xf32>
      %add3A_1356 = arith.addf %add3A_1349, %mul3A_1355 : vector<16xf32>
      %get3A_1357 = arith.constant 44 : i32
      %get3A_1358 = arith.index_cast %get3A_1357 : i32 to index
      %get3A_1359 = arith.constant 0 : index
      %get3A_1360 = tpu.vector_load %arg10[%get3A_1358, %get3A_1359] {strides = array<i32>} : memref<120x64xf32, #tpu.memory_space<vmem>>, vector<16xf32>,
      %mul3A_1361 = vector.broadcast %reduce_max3A_1214 : f32 to vector<16xf32>
      %mul3A_1362 = arith.mulf %mul3A_1361, %get3A_1360 : vector<16xf32>
      %add3A_1363 = arith.addf %add3A_1356, %mul3A_1362 : vector<16xf32>
      %div3A_1364 = arith.divf %add3A_1363, %broadcast_in_dim3A_1004 : vector<16xf32>
      %swap3A_1365 = arith.constant 64 : index
      %swap3A_1366 = tpu.vector_load %arg11[%swap3A_1365] {strides = array<i32>} : memref<320xf32, #tpu.memory_space<vmem>>, vector<16xf32>,
      tpu.vector_store %arg11[%swap3A_1365], %div3A_1364 {strides = array<i32>} : memref<320xf32, #tpu.memory_space<vmem>>, vector<16xf32>,
      %broadcast_in_dim3A_1367 = arith.constant 0.000000e+00 : f32
      %broadcast_in_dim3A_1368 = vector.broadcast %broadcast_in_dim3A_1367 : f32 to vector<16xf32>
      %get3A_1369 = arith.constant 24 : i32
      %get3A_1370 = arith.index_cast %get3A_1369 : i32 to index
      %get3A_1371 = arith.constant 16 : index
      %get3A_1372 = tpu.vector_load %arg10[%get3A_1370, %get3A_1371] {strides = array<i32>} : memref<120x64xf32, #tpu.memory_space<vmem>>, vector<16xf32>,
      %mul3A_1373 = vector.broadcast %reduce_max3A_1014 : f32 to vector<16xf32>
      %mul3A_1374 = arith.mulf %mul3A_1373, %get3A_1372 : vector<16xf32>
      %add3A_1375 = arith.addf %broadcast_in_dim3A_1368, %mul3A_1374 : vector<16xf32>
      %get3A_1376 = arith.constant 25 : i32
      %get3A_1377 = arith.index_cast %get3A_1376 : i32 to index
      %get3A_1378 = arith.constant 16 : index
      %get3A_1379 = tpu.vector_load %arg10[%get3A_1377, %get3A_1378] {strides = array<i32>} : memref<120x64xf32, #tpu.memory_space<vmem>>, vector<16xf32>,
      %mul3A_1380 = vector.broadcast %reduce_max3A_1024 : f32 to vector<16xf32>
      %mul3A_1381 = arith.mulf %mul3A_1380, %get3A_1379 : vector<16xf32>
      %add3A_1382 = arith.addf %add3A_1375, %mul3A_1381 : vector<16xf32>
      %get3A_1383 = arith.constant 26 : i32
      %get3A_1384 = arith.index_cast %get3A_1383 : i32 to index
      %get3A_1385 = arith.constant 16 : index
      %get3A_1386 = tpu.vector_load %arg10[%get3A_1384, %get3A_1385] {strides = array<i32>} : memref<120x64xf32, #tpu.memory_space<vmem>>, vector<16xf32>,
      %mul3A_1387 = vector.broadcast %reduce_max3A_1034 : f32 to vector<16xf32>
      %mul3A_1388 = arith.mulf %mul3A_1387, %get3A_1386 : vector<16xf32>
      %add3A_1389 = arith.addf %add3A_1382, %mul3A_1388 : vector<16xf32>
      %get3A_1390 = arith.constant 27 : i32
      %get3A_1391 = arith.index_cast %get3A_1390 : i32 to index
      %get3A_1392 = arith.constant 16 : index
      %get3A_1393 = tpu.vector_load %arg10[%get3A_1391, %get3A_1392] {strides = array<i32>} : memref<120x64xf32, #tpu.memory_space<vmem>>, vector<16xf32>,
      %mul3A_1394 = vector.broadcast %reduce_max3A_1044 : f32 to vector<16xf32>
      %mul3A_1395 = arith.mulf %mul3A_1394, %get3A_1393 : vector<16xf32>
      %add3A_1396 = arith.addf %add3A_1389, %mul3A_1395 : vector<16xf32>
      %get3A_1397 = arith.constant 28 : i32
      %get3A_1398 = arith.index_cast %get3A_1397 : i32 to index
      %get3A_1399 = arith.constant 16 : index
      %get3A_1400 = tpu.vector_load %arg10[%get3A_1398, %get3A_1399] {strides = array<i32>} : memref<120x64xf32, #tpu.memory_space<vmem>>, vector<16xf32>,
      %mul3A_1401 = vector.broadcast %reduce_max3A_1054 : f32 to vector<16xf32>
      %mul3A_1402 = arith.mulf %mul3A_1401, %get3A_1400 : vector<16xf32>
      %add3A_1403 = arith.addf %add3A_1396, %mul3A_1402 : vector<16xf32>
      %get3A_1404 = arith.constant 29 : i32
      %get3A_1405 = arith.index_cast %get3A_1404 : i32 to index
      %get3A_1406 = arith.constant 16 : index
      %get3A_1407 = tpu.vector_load %arg10[%get3A_1405, %get3A_1406] {strides = array<i32>} : memref<120x64xf32, #tpu.memory_space<vmem>>, vector<16xf32>,
      %mul3A_1408 = vector.broadcast %reduce_max3A_1064 : f32 to vector<16xf32>
      %mul3A_1409 = arith.mulf %mul3A_1408, %get3A_1407 : vector<16xf32>
      %add3A_1410 = arith.addf %add3A_1403, %mul3A_1409 : vector<16xf32>
      %get3A_1411 = arith.constant 30 : i32
      %get3A_1412 = arith.index_cast %get3A_1411 : i32 to index
      %get3A_1413 = arith.constant 16 : index
      %get3A_1414 = tpu.vector_load %arg10[%get3A_1412, %get3A_1413] {strides = array<i32>} : memref<120x64xf32, #tpu.memory_space<vmem>>, vector<16xf32>,
      %mul3A_1415 = vector.broadcast %reduce_max3A_1074 : f32 to vector<16xf32>
      %mul3A_1416 = arith.mulf %mul3A_1415, %get3A_1414 : vector<16xf32>
      %add3A_1417 = arith.addf %add3A_1410, %mul3A_1416 : vector<16xf32>
      %get3A_1418 = arith.constant 31 : i32
      %get3A_1419 = arith.index_cast %get3A_1418 : i32 to index
      %get3A_1420 = arith.constant 16 : index
      %get3A_1421 = tpu.vector_load %arg10[%get3A_1419, %get3A_1420] {strides = array<i32>} : memref<120x64xf32, #tpu.memory_space<vmem>>, vector<16xf32>,
      %mul3A_1422 = vector.broadcast %reduce_max3A_1084 : f32 to vector<16xf32>
      %mul3A_1423 = arith.mulf %mul3A_1422, %get3A_1421 : vector<16xf32>
      %add3A_1424 = arith.addf %add3A_1417, %mul3A_1423 : vector<16xf32>
      %get3A_1425 = arith.constant 32 : i32
      %get3A_1426 = arith.index_cast %get3A_1425 : i32 to index
      %get3A_1427 = arith.constant 16 : index
      %get3A_1428 = tpu.vector_load %arg10[%get3A_1426, %get3A_1427] {strides = array<i32>} : memref<120x64xf32, #tpu.memory_space<vmem>>, vector<16xf32>,
      %mul3A_1429 = vector.broadcast %reduce_max3A_1094 : f32 to vector<16xf32>
      %mul3A_1430 = arith.mulf %mul3A_1429, %get3A_1428 : vector<16xf32>
      %add3A_1431 = arith.addf %add3A_1424, %mul3A_1430 : vector<16xf32>
      %get3A_1432 = arith.constant 33 : i32
      %get3A_1433 = arith.index_cast %get3A_1432 : i32 to index
      %get3A_1434 = arith.constant 16 : index
      %get3A_1435 = tpu.vector_load %arg10[%get3A_1433, %get3A_1434] {strides = array<i32>} : memref<120x64xf32, #tpu.memory_space<vmem>>, vector<16xf32>,
      %mul3A_1436 = vector.broadcast %reduce_max3A_1104 : f32 to vector<16xf32>
      %mul3A_1437 = arith.mulf %mul3A_1436, %get3A_1435 : vector<16xf32>
      %add3A_1438 = arith.addf %add3A_1431, %mul3A_1437 : vector<16xf32>
      %get3A_1439 = arith.constant 34 : i32
      %get3A_1440 = arith.index_cast %get3A_1439 : i32 to index
      %get3A_1441 = arith.constant 16 : index
      %get3A_1442 = tpu.vector_load %arg10[%get3A_1440, %get3A_1441] {strides = array<i32>} : memref<120x64xf32, #tpu.memory_space<vmem>>, vector<16xf32>,
      %mul3A_1443 = vector.broadcast %reduce_max3A_1114 : f32 to vector<16xf32>
      %mul3A_1444 = arith.mulf %mul3A_1443, %get3A_1442 : vector<16xf32>
      %add3A_1445 = arith.addf %add3A_1438, %mul3A_1444 : vector<16xf32>
      %get3A_1446 = arith.constant 35 : i32
      %get3A_1447 = arith.index_cast %get3A_1446 : i32 to index
      %get3A_1448 = arith.constant 16 : index
      %get3A_1449 = tpu.vector_load %arg10[%get3A_1447, %get3A_1448] {strides = array<i32>} : memref<120x64xf32, #tpu.memory_space<vmem>>, vector<16xf32>,
      %mul3A_1450 = vector.broadcast %reduce_max3A_1124 : f32 to vector<16xf32>
      %mul3A_1451 = arith.mulf %mul3A_1450, %get3A_1449 : vector<16xf32>
      %add3A_1452 = arith.addf %add3A_1445, %mul3A_1451 : vector<16xf32>
      %get3A_1453 = arith.constant 36 : i32
      %get3A_1454 = arith.index_cast %get3A_1453 : i32 to index
      %get3A_1455 = arith.constant 16 : index
      %get3A_1456 = tpu.vector_load %arg10[%get3A_1454, %get3A_1455] {strides = array<i32>} : memref<120x64xf32, #tpu.memory_space<vmem>>, vector<16xf32>,
      %mul3A_1457 = vector.broadcast %reduce_max3A_1134 : f32 to vector<16xf32>
      %mul3A_1458 = arith.mulf %mul3A_1457, %get3A_1456 : vector<16xf32>
      %add3A_1459 = arith.addf %add3A_1452, %mul3A_1458 : vector<16xf32>
      %get3A_1460 = arith.constant 37 : i32
      %get3A_1461 = arith.index_cast %get3A_1460 : i32 to index
      %get3A_1462 = arith.constant 16 : index
      %get3A_1463 = tpu.vector_load %arg10[%get3A_1461, %get3A_1462] {strides = array<i32>} : memref<120x64xf32, #tpu.memory_space<vmem>>, vector<16xf32>,
      %mul3A_1464 = vector.broadcast %reduce_max3A_1144 : f32 to vector<16xf32>
      %mul3A_1465 = arith.mulf %mul3A_1464, %get3A_1463 : vector<16xf32>
      %add3A_1466 = arith.addf %add3A_1459, %mul3A_1465 : vector<16xf32>
      %get3A_1467 = arith.constant 38 : i32
      %get3A_1468 = arith.index_cast %get3A_1467 : i32 to index
      %get3A_1469 = arith.constant 16 : index
      %get3A_1470 = tpu.vector_load %arg10[%get3A_1468, %get3A_1469] {strides = array<i32>} : memref<120x64xf32, #tpu.memory_space<vmem>>, vector<16xf32>,
      %mul3A_1471 = vector.broadcast %reduce_max3A_1154 : f32 to vector<16xf32>
      %mul3A_1472 = arith.mulf %mul3A_1471, %get3A_1470 : vector<16xf32>
      %add3A_1473 = arith.addf %add3A_1466, %mul3A_1472 : vector<16xf32>
      %get3A_1474 = arith.constant 39 : i32
      %get3A_1475 = arith.index_cast %get3A_1474 : i32 to index
      %get3A_1476 = arith.constant 16 : index
      %get3A_1477 = tpu.vector_load %arg10[%get3A_1475, %get3A_1476] {strides = array<i32>} : memref<120x64xf32, #tpu.memory_space<vmem>>, vector<16xf32>,
      %mul3A_1478 = vector.broadcast %reduce_max3A_1164 : f32 to vector<16xf32>
      %mul3A_1479 = arith.mulf %mul3A_1478, %get3A_1477 : vector<16xf32>
      %add3A_1480 = arith.addf %add3A_1473, %mul3A_1479 : vector<16xf32>
      %get3A_1481 = arith.constant 40 : i32
      %get3A_1482 = arith.index_cast %get3A_1481 : i32 to index
      %get3A_1483 = arith.constant 16 : index
      %get3A_1484 = tpu.vector_load %arg10[%get3A_1482, %get3A_1483] {strides = array<i32>} : memref<120x64xf32, #tpu.memory_space<vmem>>, vector<16xf32>,
      %mul3A_1485 = vector.broadcast %reduce_max3A_1174 : f32 to vector<16xf32>
      %mul3A_1486 = arith.mulf %mul3A_1485, %get3A_1484 : vector<16xf32>
      %add3A_1487 = arith.addf %add3A_1480, %mul3A_1486 : vector<16xf32>
      %get3A_1488 = arith.constant 41 : i32
      %get3A_1489 = arith.index_cast %get3A_1488 : i32 to index
      %get3A_1490 = arith.constant 16 : index
      %get3A_1491 = tpu.vector_load %arg10[%get3A_1489, %get3A_1490] {strides = array<i32>} : memref<120x64xf32, #tpu.memory_space<vmem>>, vector<16xf32>,
      %mul3A_1492 = vector.broadcast %reduce_max3A_1184 : f32 to vector<16xf32>
      %mul3A_1493 = arith.mulf %mul3A_1492, %get3A_1491 : vector<16xf32>
      %add3A_1494 = arith.addf %add3A_1487, %mul3A_1493 : vector<16xf32>
      %get3A_1495 = arith.constant 42 : i32
      %get3A_1496 = arith.index_cast %get3A_1495 : i32 to index
      %get3A_1497 = arith.constant 16 : index
      %get3A_1498 = tpu.vector_load %arg10[%get3A_1496, %get3A_1497] {strides = array<i32>} : memref<120x64xf32, #tpu.memory_space<vmem>>, vector<16xf32>,
      %mul3A_1499 = vector.broadcast %reduce_max3A_1194 : f32 to vector<16xf32>
      %mul3A_1500 = arith.mulf %mul3A_1499, %get3A_1498 : vector<16xf32>
      %add3A_1501 = arith.addf %add3A_1494, %mul3A_1500 : vector<16xf32>
      %get3A_1502 = arith.constant 43 : i32
      %get3A_1503 = arith.index_cast %get3A_1502 : i32 to index
      %get3A_1504 = arith.constant 16 : index
      %get3A_1505 = tpu.vector_load %arg10[%get3A_1503, %get3A_1504] {strides = array<i32>} : memref<120x64xf32, #tpu.memory_space<vmem>>, vector<16xf32>,
      %mul3A_1506 = vector.broadcast %reduce_max3A_1204 : f32 to vector<16xf32>
      %mul3A_1507 = arith.mulf %mul3A_1506, %get3A_1505 : vector<16xf32>
      %add3A_1508 = arith.addf %add3A_1501, %mul3A_1507 : vector<16xf32>
      %get3A_1509 = arith.constant 44 : i32
      %get3A_1510 = arith.index_cast %get3A_1509 : i32 to index
      %get3A_1511 = arith.constant 16 : index
      %get3A_1512 = tpu.vector_load %arg10[%get3A_1510, %get3A_1511] {strides = array<i32>} : memref<120x64xf32, #tpu.memory_space<vmem>>, vector<16xf32>,
      %mul3A_1513 = vector.broadcast %reduce_max3A_1214 : f32 to vector<16xf32>
      %mul3A_1514 = arith.mulf %mul3A_1513, %get3A_1512 : vector<16xf32>
      %add3A_1515 = arith.addf %add3A_1508, %mul3A_1514 : vector<16xf32>
      %div3A_1516 = arith.divf %add3A_1515, %broadcast_in_dim3A_1004 : vector<16xf32>
      %swap3A_1517 = arith.constant 80 : index
      %swap3A_1518 = tpu.vector_load %arg11[%swap3A_1517] {strides = array<i32>} : memref<320xf32, #tpu.memory_space<vmem>>, vector<16xf32>,
      tpu.vector_store %arg11[%swap3A_1517], %div3A_1516 {strides = array<i32>} : memref<320xf32, #tpu.memory_space<vmem>>, vector<16xf32>,
      %broadcast_in_dim3A_1519 = arith.constant 0.000000e+00 : f32
      %broadcast_in_dim3A_1520 = vector.broadcast %broadcast_in_dim3A_1519 : f32 to vector<16xf32>
      %get3A_1521 = arith.constant 24 : i32
      %get3A_1522 = arith.index_cast %get3A_1521 : i32 to index
      %get3A_1523 = arith.constant 32 : index
      %get3A_1524 = tpu.vector_load %arg10[%get3A_1522, %get3A_1523] {strides = array<i32>} : memref<120x64xf32, #tpu.memory_space<vmem>>, vector<16xf32>,
      %mul3A_1525 = vector.broadcast %reduce_max3A_1014 : f32 to vector<16xf32>
      %mul3A_1526 = arith.mulf %mul3A_1525, %get3A_1524 : vector<16xf32>
      %add3A_1527 = arith.addf %broadcast_in_dim3A_1520, %mul3A_1526 : vector<16xf32>
      %get3A_1528 = arith.constant 25 : i32
      %get3A_1529 = arith.index_cast %get3A_1528 : i32 to index
      %get3A_1530 = arith.constant 32 : index
      %get3A_1531 = tpu.vector_load %arg10[%get3A_1529, %get3A_1530] {strides = array<i32>} : memref<120x64xf32, #tpu.memory_space<vmem>>, vector<16xf32>,
      %mul3A_1532 = vector.broadcast %reduce_max3A_1024 : f32 to vector<16xf32>
      %mul3A_1533 = arith.mulf %mul3A_1532, %get3A_1531 : vector<16xf32>
      %add3A_1534 = arith.addf %add3A_1527, %mul3A_1533 : vector<16xf32>
      %get3A_1535 = arith.constant 26 : i32
      %get3A_1536 = arith.index_cast %get3A_1535 : i32 to index
      %get3A_1537 = arith.constant 32 : index
      %get3A_1538 = tpu.vector_load %arg10[%get3A_1536, %get3A_1537] {strides = array<i32>} : memref<120x64xf32, #tpu.memory_space<vmem>>, vector<16xf32>,
      %mul3A_1539 = vector.broadcast %reduce_max3A_1034 : f32 to vector<16xf32>
      %mul3A_1540 = arith.mulf %mul3A_1539, %get3A_1538 : vector<16xf32>
      %add3A_1541 = arith.addf %add3A_1534, %mul3A_1540 : vector<16xf32>
      %get3A_1542 = arith.constant 27 : i32
      %get3A_1543 = arith.index_cast %get3A_1542 : i32 to index
      %get3A_1544 = arith.constant 32 : index
      %get3A_1545 = tpu.vector_load %arg10[%get3A_1543, %get3A_1544] {strides = array<i32>} : memref<120x64xf32, #tpu.memory_space<vmem>>, vector<16xf32>,
      %mul3A_1546 = vector.broadcast %reduce_max3A_1044 : f32 to vector<16xf32>
      %mul3A_1547 = arith.mulf %mul3A_1546, %get3A_1545 : vector<16xf32>
      %add3A_1548 = arith.addf %add3A_1541, %mul3A_1547 : vector<16xf32>
      %get3A_1549 = arith.constant 28 : i32
      %get3A_1550 = arith.index_cast %get3A_1549 : i32 to index
      %get3A_1551 = arith.constant 32 : index
      %get3A_1552 = tpu.vector_load %arg10[%get3A_1550, %get3A_1551] {strides = array<i32>} : memref<120x64xf32, #tpu.memory_space<vmem>>, vector<16xf32>,
      %mul3A_1553 = vector.broadcast %reduce_max3A_1054 : f32 to vector<16xf32>
      %mul3A_1554 = arith.mulf %mul3A_1553, %get3A_1552 : vector<16xf32>
      %add3A_1555 = arith.addf %add3A_1548, %mul3A_1554 : vector<16xf32>
      %get3A_1556 = arith.constant 29 : i32
      %get3A_1557 = arith.index_cast %get3A_1556 : i32 to index
      %get3A_1558 = arith.constant 32 : index
      %get3A_1559 = tpu.vector_load %arg10[%get3A_1557, %get3A_1558] {strides = array<i32>} : memref<120x64xf32, #tpu.memory_space<vmem>>, vector<16xf32>,
      %mul3A_1560 = vector.broadcast %reduce_max3A_1064 : f32 to vector<16xf32>
      %mul3A_1561 = arith.mulf %mul3A_1560, %get3A_1559 : vector<16xf32>
      %add3A_1562 = arith.addf %add3A_1555, %mul3A_1561 : vector<16xf32>
      %get3A_1563 = arith.constant 30 : i32
      %get3A_1564 = arith.index_cast %get3A_1563 : i32 to index
      %get3A_1565 = arith.constant 32 : index
      %get3A_1566 = tpu.vector_load %arg10[%get3A_1564, %get3A_1565] {strides = array<i32>} : memref<120x64xf32, #tpu.memory_space<vmem>>, vector<16xf32>,
      %mul3A_1567 = vector.broadcast %reduce_max3A_1074 : f32 to vector<16xf32>
      %mul3A_1568 = arith.mulf %mul3A_1567, %get3A_1566 : vector<16xf32>
      %add3A_1569 = arith.addf %add3A_1562, %mul3A_1568 : vector<16xf32>
      %get3A_1570 = arith.constant 31 : i32
      %get3A_1571 = arith.index_cast %get3A_1570 : i32 to index
      %get3A_1572 = arith.constant 32 : index
      %get3A_1573 = tpu.vector_load %arg10[%get3A_1571, %get3A_1572] {strides = array<i32>} : memref<120x64xf32, #tpu.memory_space<vmem>>, vector<16xf32>,
      %mul3A_1574 = vector.broadcast %reduce_max3A_1084 : f32 to vector<16xf32>
      %mul3A_1575 = arith.mulf %mul3A_1574, %get3A_1573 : vector<16xf32>
      %add3A_1576 = arith.addf %add3A_1569, %mul3A_1575 : vector<16xf32>
      %get3A_1577 = arith.constant 32 : i32
      %get3A_1578 = arith.index_cast %get3A_1577 : i32 to index
      %get3A_1579 = arith.constant 32 : index
      %get3A_1580 = tpu.vector_load %arg10[%get3A_1578, %get3A_1579] {strides = array<i32>} : memref<120x64xf32, #tpu.memory_space<vmem>>, vector<16xf32>,
      %mul3A_1581 = vector.broadcast %reduce_max3A_1094 : f32 to vector<16xf32>
      %mul3A_1582 = arith.mulf %mul3A_1581, %get3A_1580 : vector<16xf32>
      %add3A_1583 = arith.addf %add3A_1576, %mul3A_1582 : vector<16xf32>
      %get3A_1584 = arith.constant 33 : i32
      %get3A_1585 = arith.index_cast %get3A_1584 : i32 to index
      %get3A_1586 = arith.constant 32 : index
      %get3A_1587 = tpu.vector_load %arg10[%get3A_1585, %get3A_1586] {strides = array<i32>} : memref<120x64xf32, #tpu.memory_space<vmem>>, vector<16xf32>,
      %mul3A_1588 = vector.broadcast %reduce_max3A_1104 : f32 to vector<16xf32>
      %mul3A_1589 = arith.mulf %mul3A_1588, %get3A_1587 : vector<16xf32>
      %add3A_1590 = arith.addf %add3A_1583, %mul3A_1589 : vector<16xf32>
      %get3A_1591 = arith.constant 34 : i32
      %get3A_1592 = arith.index_cast %get3A_1591 : i32 to index
      %get3A_1593 = arith.constant 32 : index
      %get3A_1594 = tpu.vector_load %arg10[%get3A_1592, %get3A_1593] {strides = array<i32>} : memref<120x64xf32, #tpu.memory_space<vmem>>, vector<16xf32>,
      %mul3A_1595 = vector.broadcast %reduce_max3A_1114 : f32 to vector<16xf32>
      %mul3A_1596 = arith.mulf %mul3A_1595, %get3A_1594 : vector<16xf32>
      %add3A_1597 = arith.addf %add3A_1590, %mul3A_1596 : vector<16xf32>
      %get3A_1598 = arith.constant 35 : i32
      %get3A_1599 = arith.index_cast %get3A_1598 : i32 to index
      %get3A_1600 = arith.constant 32 : index
      %get3A_1601 = tpu.vector_load %arg10[%get3A_1599, %get3A_1600] {strides = array<i32>} : memref<120x64xf32, #tpu.memory_space<vmem>>, vector<16xf32>,
      %mul3A_1602 = vector.broadcast %reduce_max3A_1124 : f32 to vector<16xf32>
      %mul3A_1603 = arith.mulf %mul3A_1602, %get3A_1601 : vector<16xf32>
      %add3A_1604 = arith.addf %add3A_1597, %mul3A_1603 : vector<16xf32>
      %get3A_1605 = arith.constant 36 : i32
      %get3A_1606 = arith.index_cast %get3A_1605 : i32 to index
      %get3A_1607 = arith.constant 32 : index
      %get3A_1608 = tpu.vector_load %arg10[%get3A_1606, %get3A_1607] {strides = array<i32>} : memref<120x64xf32, #tpu.memory_space<vmem>>, vector<16xf32>,
      %mul3A_1609 = vector.broadcast %reduce_max3A_1134 : f32 to vector<16xf32>
      %mul3A_1610 = arith.mulf %mul3A_1609, %get3A_1608 : vector<16xf32>
      %add3A_1611 = arith.addf %add3A_1604, %mul3A_1610 : vector<16xf32>
      %get3A_1612 = arith.constant 37 : i32
      %get3A_1613 = arith.index_cast %get3A_1612 : i32 to index
      %get3A_1614 = arith.constant 32 : index
      %get3A_1615 = tpu.vector_load %arg10[%get3A_1613, %get3A_1614] {strides = array<i32>} : memref<120x64xf32, #tpu.memory_space<vmem>>, vector<16xf32>,
      %mul3A_1616 = vector.broadcast %reduce_max3A_1144 : f32 to vector<16xf32>
      %mul3A_1617 = arith.mulf %mul3A_1616, %get3A_1615 : vector<16xf32>
      %add3A_1618 = arith.addf %add3A_1611, %mul3A_1617 : vector<16xf32>
      %get3A_1619 = arith.constant 38 : i32
      %get3A_1620 = arith.index_cast %get3A_1619 : i32 to index
      %get3A_1621 = arith.constant 32 : index
      %get3A_1622 = tpu.vector_load %arg10[%get3A_1620, %get3A_1621] {strides = array<i32>} : memref<120x64xf32, #tpu.memory_space<vmem>>, vector<16xf32>,
      %mul3A_1623 = vector.broadcast %reduce_max3A_1154 : f32 to vector<16xf32>
      %mul3A_1624 = arith.mulf %mul3A_1623, %get3A_1622 : vector<16xf32>
      %add3A_1625 = arith.addf %add3A_1618, %mul3A_1624 : vector<16xf32>
      %get3A_1626 = arith.constant 39 : i32
      %get3A_1627 = arith.index_cast %get3A_1626 : i32 to index
      %get3A_1628 = arith.constant 32 : index
      %get3A_1629 = tpu.vector_load %arg10[%get3A_1627, %get3A_1628] {strides = array<i32>} : memref<120x64xf32, #tpu.memory_space<vmem>>, vector<16xf32>,
      %mul3A_1630 = vector.broadcast %reduce_max3A_1164 : f32 to vector<16xf32>
      %mul3A_1631 = arith.mulf %mul3A_1630, %get3A_1629 : vector<16xf32>
      %add3A_1632 = arith.addf %add3A_1625, %mul3A_1631 : vector<16xf32>
      %get3A_1633 = arith.constant 40 : i32
      %get3A_1634 = arith.index_cast %get3A_1633 : i32 to index
      %get3A_1635 = arith.constant 32 : index
      %get3A_1636 = tpu.vector_load %arg10[%get3A_1634, %get3A_1635] {strides = array<i32>} : memref<120x64xf32, #tpu.memory_space<vmem>>, vector<16xf32>,
      %mul3A_1637 = vector.broadcast %reduce_max3A_1174 : f32 to vector<16xf32>
      %mul3A_1638 = arith.mulf %mul3A_1637, %get3A_1636 : vector<16xf32>
      %add3A_1639 = arith.addf %add3A_1632, %mul3A_1638 : vector<16xf32>
      %get3A_1640 = arith.constant 41 : i32
      %get3A_1641 = arith.index_cast %get3A_1640 : i32 to index
      %get3A_1642 = arith.constant 32 : index
      %get3A_1643 = tpu.vector_load %arg10[%get3A_1641, %get3A_1642] {strides = array<i32>} : memref<120x64xf32, #tpu.memory_space<vmem>>, vector<16xf32>,
      %mul3A_1644 = vector.broadcast %reduce_max3A_1184 : f32 to vector<16xf32>
      %mul3A_1645 = arith.mulf %mul3A_1644, %get3A_1643 : vector<16xf32>
      %add3A_1646 = arith.addf %add3A_1639, %mul3A_1645 : vector<16xf32>
      %get3A_1647 = arith.constant 42 : i32
      %get3A_1648 = arith.index_cast %get3A_1647 : i32 to index
      %get3A_1649 = arith.constant 32 : index
      %get3A_1650 = tpu.vector_load %arg10[%get3A_1648, %get3A_1649] {strides = array<i32>} : memref<120x64xf32, #tpu.memory_space<vmem>>, vector<16xf32>,
      %mul3A_1651 = vector.broadcast %reduce_max3A_1194 : f32 to vector<16xf32>
      %mul3A_1652 = arith.mulf %mul3A_1651, %get3A_1650 : vector<16xf32>
      %add3A_1653 = arith.addf %add3A_1646, %mul3A_1652 : vector<16xf32>
      %get3A_1654 = arith.constant 43 : i32
      %get3A_1655 = arith.index_cast %get3A_1654 : i32 to index
      %get3A_1656 = arith.constant 32 : index
      %get3A_1657 = tpu.vector_load %arg10[%get3A_1655, %get3A_1656] {strides = array<i32>} : memref<120x64xf32, #tpu.memory_space<vmem>>, vector<16xf32>,
      %mul3A_1658 = vector.broadcast %reduce_max3A_1204 : f32 to vector<16xf32>
      %mul3A_1659 = arith.mulf %mul3A_1658, %get3A_1657 : vector<16xf32>
      %add3A_1660 = arith.addf %add3A_1653, %mul3A_1659 : vector<16xf32>
      %get3A_1661 = arith.constant 44 : i32
      %get3A_1662 = arith.index_cast %get3A_1661 : i32 to index
      %get3A_1663 = arith.constant 32 : index
      %get3A_1664 = tpu.vector_load %arg10[%get3A_1662, %get3A_1663] {strides = array<i32>} : memref<120x64xf32, #tpu.memory_space<vmem>>, vector<16xf32>,
      %mul3A_1665 = vector.broadcast %reduce_max3A_1214 : f32 to vector<16xf32>
      %mul3A_1666 = arith.mulf %mul3A_1665, %get3A_1664 : vector<16xf32>
      %add3A_1667 = arith.addf %add3A_1660, %mul3A_1666 : vector<16xf32>
      %div3A_1668 = arith.divf %add3A_1667, %broadcast_in_dim3A_1004 : vector<16xf32>
      %swap3A_1669 = arith.constant 96 : index
      %swap3A_1670 = tpu.vector_load %arg11[%swap3A_1669] {strides = array<i32>} : memref<320xf32, #tpu.memory_space<vmem>>, vector<16xf32>,
      tpu.vector_store %arg11[%swap3A_1669], %div3A_1668 {strides = array<i32>} : memref<320xf32, #tpu.memory_space<vmem>>, vector<16xf32>,
      %broadcast_in_dim3A_1671 = arith.constant 0.000000e+00 : f32
      %broadcast_in_dim3A_1672 = vector.broadcast %broadcast_in_dim3A_1671 : f32 to vector<16xf32>
      %get3A_1673 = arith.constant 24 : i32
      %get3A_1674 = arith.index_cast %get3A_1673 : i32 to index
      %get3A_1675 = arith.constant 48 : index
      %get3A_1676 = tpu.vector_load %arg10[%get3A_1674, %get3A_1675] {strides = array<i32>} : memref<120x64xf32, #tpu.memory_space<vmem>>, vector<16xf32>,
      %mul3A_1677 = vector.broadcast %reduce_max3A_1014 : f32 to vector<16xf32>
      %mul3A_1678 = arith.mulf %mul3A_1677, %get3A_1676 : vector<16xf32>
      %add3A_1679 = arith.addf %broadcast_in_dim3A_1672, %mul3A_1678 : vector<16xf32>
      %get3A_1680 = arith.constant 25 : i32
      %get3A_1681 = arith.index_cast %get3A_1680 : i32 to index
      %get3A_1682 = arith.constant 48 : index
      %get3A_1683 = tpu.vector_load %arg10[%get3A_1681, %get3A_1682] {strides = array<i32>} : memref<120x64xf32, #tpu.memory_space<vmem>>, vector<16xf32>,
      %mul3A_1684 = vector.broadcast %reduce_max3A_1024 : f32 to vector<16xf32>
      %mul3A_1685 = arith.mulf %mul3A_1684, %get3A_1683 : vector<16xf32>
      %add3A_1686 = arith.addf %add3A_1679, %mul3A_1685 : vector<16xf32>
      %get3A_1687 = arith.constant 26 : i32
      %get3A_1688 = arith.index_cast %get3A_1687 : i32 to index
      %get3A_1689 = arith.constant 48 : index
      %get3A_1690 = tpu.vector_load %arg10[%get3A_1688, %get3A_1689] {strides = array<i32>} : memref<120x64xf32, #tpu.memory_space<vmem>>, vector<16xf32>,
      %mul3A_1691 = vector.broadcast %reduce_max3A_1034 : f32 to vector<16xf32>
      %mul3A_1692 = arith.mulf %mul3A_1691, %get3A_1690 : vector<16xf32>
      %add3A_1693 = arith.addf %add3A_1686, %mul3A_1692 : vector<16xf32>
      %get3A_1694 = arith.constant 27 : i32
      %get3A_1695 = arith.index_cast %get3A_1694 : i32 to index
      %get3A_1696 = arith.constant 48 : index
      %get3A_1697 = tpu.vector_load %arg10[%get3A_1695, %get3A_1696] {strides = array<i32>} : memref<120x64xf32, #tpu.memory_space<vmem>>, vector<16xf32>,
      %mul3A_1698 = vector.broadcast %reduce_max3A_1044 : f32 to vector<16xf32>
      %mul3A_1699 = arith.mulf %mul3A_1698, %get3A_1697 : vector<16xf32>
      %add3A_1700 = arith.addf %add3A_1693, %mul3A_1699 : vector<16xf32>
      %get3A_1701 = arith.constant 28 : i32
      %get3A_1702 = arith.index_cast %get3A_1701 : i32 to index
      %get3A_1703 = arith.constant 48 : index
      %get3A_1704 = tpu.vector_load %arg10[%get3A_1702, %get3A_1703] {strides = array<i32>} : memref<120x64xf32, #tpu.memory_space<vmem>>, vector<16xf32>,
      %mul3A_1705 = vector.broadcast %reduce_max3A_1054 : f32 to vector<16xf32>
      %mul3A_1706 = arith.mulf %mul3A_1705, %get3A_1704 : vector<16xf32>
      %add3A_1707 = arith.addf %add3A_1700, %mul3A_1706 : vector<16xf32>
      %get3A_1708 = arith.constant 29 : i32
      %get3A_1709 = arith.index_cast %get3A_1708 : i32 to index
      %get3A_1710 = arith.constant 48 : index
      %get3A_1711 = tpu.vector_load %arg10[%get3A_1709, %get3A_1710] {strides = array<i32>} : memref<120x64xf32, #tpu.memory_space<vmem>>, vector<16xf32>,
      %mul3A_1712 = vector.broadcast %reduce_max3A_1064 : f32 to vector<16xf32>
      %mul3A_1713 = arith.mulf %mul3A_1712, %get3A_1711 : vector<16xf32>
      %add3A_1714 = arith.addf %add3A_1707, %mul3A_1713 : vector<16xf32>
      %get3A_1715 = arith.constant 30 : i32
      %get3A_1716 = arith.index_cast %get3A_1715 : i32 to index
      %get3A_1717 = arith.constant 48 : index
      %get3A_1718 = tpu.vector_load %arg10[%get3A_1716, %get3A_1717] {strides = array<i32>} : memref<120x64xf32, #tpu.memory_space<vmem>>, vector<16xf32>,
      %mul3A_1719 = vector.broadcast %reduce_max3A_1074 : f32 to vector<16xf32>
      %mul3A_1720 = arith.mulf %mul3A_1719, %get3A_1718 : vector<16xf32>
      %add3A_1721 = arith.addf %add3A_1714, %mul3A_1720 : vector<16xf32>
      %get3A_1722 = arith.constant 31 : i32
      %get3A_1723 = arith.index_cast %get3A_1722 : i32 to index
      %get3A_1724 = arith.constant 48 : index
      %get3A_1725 = tpu.vector_load %arg10[%get3A_1723, %get3A_1724] {strides = array<i32>} : memref<120x64xf32, #tpu.memory_space<vmem>>, vector<16xf32>,
      %mul3A_1726 = vector.broadcast %reduce_max3A_1084 : f32 to vector<16xf32>
      %mul3A_1727 = arith.mulf %mul3A_1726, %get3A_1725 : vector<16xf32>
      %add3A_1728 = arith.addf %add3A_1721, %mul3A_1727 : vector<16xf32>
      %get3A_1729 = arith.constant 32 : i32
      %get3A_1730 = arith.index_cast %get3A_1729 : i32 to index
      %get3A_1731 = arith.constant 48 : index
      %get3A_1732 = tpu.vector_load %arg10[%get3A_1730, %get3A_1731] {strides = array<i32>} : memref<120x64xf32, #tpu.memory_space<vmem>>, vector<16xf32>,
      %mul3A_1733 = vector.broadcast %reduce_max3A_1094 : f32 to vector<16xf32>
      %mul3A_1734 = arith.mulf %mul3A_1733, %get3A_1732 : vector<16xf32>
      %add3A_1735 = arith.addf %add3A_1728, %mul3A_1734 : vector<16xf32>
      %get3A_1736 = arith.constant 33 : i32
      %get3A_1737 = arith.index_cast %get3A_1736 : i32 to index
      %get3A_1738 = arith.constant 48 : index
      %get3A_1739 = tpu.vector_load %arg10[%get3A_1737, %get3A_1738] {strides = array<i32>} : memref<120x64xf32, #tpu.memory_space<vmem>>, vector<16xf32>,
      %mul3A_1740 = vector.broadcast %reduce_max3A_1104 : f32 to vector<16xf32>
      %mul3A_1741 = arith.mulf %mul3A_1740, %get3A_1739 : vector<16xf32>
      %add3A_1742 = arith.addf %add3A_1735, %mul3A_1741 : vector<16xf32>
      %get3A_1743 = arith.constant 34 : i32
      %get3A_1744 = arith.index_cast %get3A_1743 : i32 to index
      %get3A_1745 = arith.constant 48 : index
      %get3A_1746 = tpu.vector_load %arg10[%get3A_1744, %get3A_1745] {strides = array<i32>} : memref<120x64xf32, #tpu.memory_space<vmem>>, vector<16xf32>,
      %mul3A_1747 = vector.broadcast %reduce_max3A_1114 : f32 to vector<16xf32>
      %mul3A_1748 = arith.mulf %mul3A_1747, %get3A_1746 : vector<16xf32>
      %add3A_1749 = arith.addf %add3A_1742, %mul3A_1748 : vector<16xf32>
      %get3A_1750 = arith.constant 35 : i32
      %get3A_1751 = arith.index_cast %get3A_1750 : i32 to index
      %get3A_1752 = arith.constant 48 : index
      %get3A_1753 = tpu.vector_load %arg10[%get3A_1751, %get3A_1752] {strides = array<i32>} : memref<120x64xf32, #tpu.memory_space<vmem>>, vector<16xf32>,
      %mul3A_1754 = vector.broadcast %reduce_max3A_1124 : f32 to vector<16xf32>
      %mul3A_1755 = arith.mulf %mul3A_1754, %get3A_1753 : vector<16xf32>
      %add3A_1756 = arith.addf %add3A_1749, %mul3A_1755 : vector<16xf32>
      %get3A_1757 = arith.constant 36 : i32
      %get3A_1758 = arith.index_cast %get3A_1757 : i32 to index
      %get3A_1759 = arith.constant 48 : index
      %get3A_1760 = tpu.vector_load %arg10[%get3A_1758, %get3A_1759] {strides = array<i32>} : memref<120x64xf32, #tpu.memory_space<vmem>>, vector<16xf32>,
      %mul3A_1761 = vector.broadcast %reduce_max3A_1134 : f32 to vector<16xf32>
      %mul3A_1762 = arith.mulf %mul3A_1761, %get3A_1760 : vector<16xf32>
      %add3A_1763 = arith.addf %add3A_1756, %mul3A_1762 : vector<16xf32>
      %get3A_1764 = arith.constant 37 : i32
      %get3A_1765 = arith.index_cast %get3A_1764 : i32 to index
      %get3A_1766 = arith.constant 48 : index
      %get3A_1767 = tpu.vector_load %arg10[%get3A_1765, %get3A_1766] {strides = array<i32>} : memref<120x64xf32, #tpu.memory_space<vmem>>, vector<16xf32>,
      %mul3A_1768 = vector.broadcast %reduce_max3A_1144 : f32 to vector<16xf32>
      %mul3A_1769 = arith.mulf %mul3A_1768, %get3A_1767 : vector<16xf32>
      %add3A_1770 = arith.addf %add3A_1763, %mul3A_1769 : vector<16xf32>
      %get3A_1771 = arith.constant 38 : i32
      %get3A_1772 = arith.index_cast %get3A_1771 : i32 to index
      %get3A_1773 = arith.constant 48 : index
      %get3A_1774 = tpu.vector_load %arg10[%get3A_1772, %get3A_1773] {strides = array<i32>} : memref<120x64xf32, #tpu.memory_space<vmem>>, vector<16xf32>,
      %mul3A_1775 = vector.broadcast %reduce_max3A_1154 : f32 to vector<16xf32>
      %mul3A_1776 = arith.mulf %mul3A_1775, %get3A_1774 : vector<16xf32>
      %add3A_1777 = arith.addf %add3A_1770, %mul3A_1776 : vector<16xf32>
      %get3A_1778 = arith.constant 39 : i32
      %get3A_1779 = arith.index_cast %get3A_1778 : i32 to index
      %get3A_1780 = arith.constant 48 : index
      %get3A_1781 = tpu.vector_load %arg10[%get3A_1779, %get3A_1780] {strides = array<i32>} : memref<120x64xf32, #tpu.memory_space<vmem>>, vector<16xf32>,
      %mul3A_1782 = vector.broadcast %reduce_max3A_1164 : f32 to vector<16xf32>
      %mul3A_1783 = arith.mulf %mul3A_1782, %get3A_1781 : vector<16xf32>
      %add3A_1784 = arith.addf %add3A_1777, %mul3A_1783 : vector<16xf32>
      %get3A_1785 = arith.constant 40 : i32
      %get3A_1786 = arith.index_cast %get3A_1785 : i32 to index
      %get3A_1787 = arith.constant 48 : index
      %get3A_1788 = tpu.vector_load %arg10[%get3A_1786, %get3A_1787] {strides = array<i32>} : memref<120x64xf32, #tpu.memory_space<vmem>>, vector<16xf32>,
      %mul3A_1789 = vector.broadcast %reduce_max3A_1174 : f32 to vector<16xf32>
      %mul3A_1790 = arith.mulf %mul3A_1789, %get3A_1788 : vector<16xf32>
      %add3A_1791 = arith.addf %add3A_1784, %mul3A_1790 : vector<16xf32>
      %get3A_1792 = arith.constant 41 : i32
      %get3A_1793 = arith.index_cast %get3A_1792 : i32 to index
      %get3A_1794 = arith.constant 48 : index
      %get3A_1795 = tpu.vector_load %arg10[%get3A_1793, %get3A_1794] {strides = array<i32>} : memref<120x64xf32, #tpu.memory_space<vmem>>, vector<16xf32>,
      %mul3A_1796 = vector.broadcast %reduce_max3A_1184 : f32 to vector<16xf32>
      %mul3A_1797 = arith.mulf %mul3A_1796, %get3A_1795 : vector<16xf32>
      %add3A_1798 = arith.addf %add3A_1791, %mul3A_1797 : vector<16xf32>
      %get3A_1799 = arith.constant 42 : i32
      %get3A_1800 = arith.index_cast %get3A_1799 : i32 to index
      %get3A_1801 = arith.constant 48 : index
      %get3A_1802 = tpu.vector_load %arg10[%get3A_1800, %get3A_1801] {strides = array<i32>} : memref<120x64xf32, #tpu.memory_space<vmem>>, vector<16xf32>,
      %mul3A_1803 = vector.broadcast %reduce_max3A_1194 : f32 to vector<16xf32>
      %mul3A_1804 = arith.mulf %mul3A_1803, %get3A_1802 : vector<16xf32>
      %add3A_1805 = arith.addf %add3A_1798, %mul3A_1804 : vector<16xf32>
      %get3A_1806 = arith.constant 43 : i32
      %get3A_1807 = arith.index_cast %get3A_1806 : i32 to index
      %get3A_1808 = arith.constant 48 : index
      %get3A_1809 = tpu.vector_load %arg10[%get3A_1807, %get3A_1808] {strides = array<i32>} : memref<120x64xf32, #tpu.memory_space<vmem>>, vector<16xf32>,
      %mul3A_1810 = vector.broadcast %reduce_max3A_1204 : f32 to vector<16xf32>
      %mul3A_1811 = arith.mulf %mul3A_1810, %get3A_1809 : vector<16xf32>
      %add3A_1812 = arith.addf %add3A_1805, %mul3A_1811 : vector<16xf32>
      %get3A_1813 = arith.constant 44 : i32
      %get3A_1814 = arith.index_cast %get3A_1813 : i32 to index
      %get3A_1815 = arith.constant 48 : index
      %get3A_1816 = tpu.vector_load %arg10[%get3A_1814, %get3A_1815] {strides = array<i32>} : memref<120x64xf32, #tpu.memory_space<vmem>>, vector<16xf32>,
      %mul3A_1817 = vector.broadcast %reduce_max3A_1214 : f32 to vector<16xf32>
      %mul3A_1818 = arith.mulf %mul3A_1817, %get3A_1816 : vector<16xf32>
      %add3A_1819 = arith.addf %add3A_1812, %mul3A_1818 : vector<16xf32>
      %div3A_1820 = arith.divf %add3A_1819, %broadcast_in_dim3A_1004 : vector<16xf32>
      %swap3A_1821 = arith.constant 112 : index
      %swap3A_1822 = tpu.vector_load %arg11[%swap3A_1821] {strides = array<i32>} : memref<320xf32, #tpu.memory_space<vmem>>, vector<16xf32>,
      tpu.vector_store %arg11[%swap3A_1821], %div3A_1820 {strides = array<i32>} : memref<320xf32, #tpu.memory_space<vmem>>, vector<16xf32>,
      %add3A_1823 = arith.constant 2 : i32
      %add3A_1824 = arith.addi %add3A_29, %add3A_1823 : i32
      %get3A_1825 = arith.constant 48 : index
      %get3A_1826 = tpu.vector_load %arg9[%get3A_1825] {strides = array<i32>} : memref<120xi32, #tpu.memory_space<vmem>>, vector<16xi32>,
      %get3A_1827 = arith.constant 56 : index
      %get3A_1828 = tpu.vector_load %arg9[%get3A_1827] {strides = array<i32>} : memref<120xi32, #tpu.memory_space<vmem>>, vector<16xi32>,
      %sub3A_1829 = vector.broadcast %mul3A_20 : i32 to vector<16xi32>
      %sub3A_1830 = arith.subi %get3A_1826, %sub3A_1829 : vector<16xi32>
      %gather3A_1831 = tpu.vector_load_idx %arg8[%sub3A_1830] : memref<10000xf32, #tpu.memory_space<vmem>>[vector<16xi32>], vector<16xf32>,
      %sub3A_1832 = vector.broadcast %mul3A_20 : i32 to vector<16xi32>
      %sub3A_1833 = arith.subi %get3A_1828, %sub3A_1832 : vector<16xi32>
      %gather3A_1834 = tpu.vector_load_idx %arg8[%sub3A_1833] : memref<10000xf32, #tpu.memory_space<vmem>>[vector<16xi32>], vector<16xf32>,
      %sub3A_1835 = arith.subi %add3A_1824, %mul3A_20 : i32
      %broadcast_in_dim3A_1836 = vector.broadcast %sub3A_1835 : i32 to vector<16xi32>
      %gather3A_1837 = tpu.vector_load_idx %arg7[%broadcast_in_dim3A_1836] : memref<10000xf32, #tpu.memory_space<vmem>>[vector<16xi32>], vector<16xf32>,
      %add3A_1838 = arith.addf %gather3A_1837, %gather3A_1831 : vector<16xf32>
      %add3A_1839 = arith.addf %gather3A_1837, %gather3A_1834 : vector<16xf32>
      %gt3A_1840 = arith.constant 0.000000e+00 : f32
      %gt3A_1841 = vector.broadcast %gt3A_1840 : f32 to vector<16xf32>
      %gt3A_1842 = arith.cmpf ogt, %add3A_1838, %gt3A_1841 : vector<16xf32>
      %mul3A_1843 = arith.constant 2.000000e-01 : f32
      %mul3A_1844 = vector.broadcast %mul3A_1843 : f32 to vector<16xf32>
      %mul3A_1845 = arith.mulf %mul3A_1844, %add3A_1838 : vector<16xf32>
      %select_n3A_1846 = arith.select %gt3A_1842, %add3A_1838, %mul3A_1845 : vector<16xi1>, vector<16xf32>
      %gt3A_1847 = arith.constant 0.000000e+00 : f32
      %gt3A_1848 = vector.broadcast %gt3A_1847 : f32 to vector<16xf32>
      %gt3A_1849 = arith.cmpf ogt, %add3A_1839, %gt3A_1848 : vector<16xf32>
      %mul3A_1850 = arith.constant 2.000000e-01 : f32
      %mul3A_1851 = vector.broadcast %mul3A_1850 : f32 to vector<16xf32>
      %mul3A_1852 = arith.mulf %mul3A_1851, %add3A_1839 : vector<16xf32>
      %select_n3A_1853 = arith.select %gt3A_1849, %add3A_1839, %mul3A_1852 : vector<16xi1>, vector<16xf32>
      %broadcast_in_dim3A_1854 = vector.broadcast %add3A_1824 : i32 to vector<16xi32>
      %add3A_1855 = arith.constant 8 : i32
      %add3A_1856 = vector.broadcast %add3A_1855 : i32 to vector<16xi32>
      %add3A_1857 = arith.addi %iota3A, %add3A_1856 : vector<16xi32>
      %ne3A_1858 = arith.cmpi ne, %get3A_1826, %broadcast_in_dim3A_1854 : vector<16xi32>
      %eq3A_1859 = arith.constant 20 : i32
      %eq3A_1860 = vector.broadcast %eq3A_1859 : i32 to vector<16xi32>
      %eq3A_1861 = arith.cmpi eq, %add3A_1857, %eq3A_1860 : vector<16xi32>
      %ge3A_1862 = arith.constant 16 : i32
      %ge3A_1863 = vector.broadcast %ge3A_1862 : i32 to vector<16xi32>
      %ge3A_1864 = arith.cmpi sge, %add3A_1857, %ge3A_1863 : vector<16xi32>
      %lt3A_1865 = arith.constant 20 : i32
      %lt3A_1866 = vector.broadcast %lt3A_1865 : i32 to vector<16xi32>
      %lt3A_1867 = arith.cmpi slt, %add3A_1857, %lt3A_1866 : vector<16xi32>
      %and3A_1868 = arith.andi %ge3A_1864, %lt3A_1867 : vector<16xi1>
      %ne3A_1869 = arith.cmpi ne, %get3A_1828, %broadcast_in_dim3A_1854 : vector<16xi32>
      %and3A_1870 = arith.andi %and3A_1868, %ne3A_1869 : vector<16xi1>
      %or3A_1871 = arith.ori %eq3A_1861, %and3A_1870 : vector<16xi1>
      %jit3A_1872 = arith.constant -1.000000e+30 : f32
      %broadcast_in_dim3A_1873 = vector.broadcast %jit3A_1872 : f32 to vector<16xf32>
      %select_n3A_1874 = arith.select %ne3A_1858, %select_n3A_1846, %broadcast_in_dim3A_1873 : vector<16xi1>, vector<16xf32>
      %jit3A_1875 = arith.constant -1.000000e+30 : f32
      %broadcast_in_dim3A_1876 = vector.broadcast %jit3A_1875 : f32 to vector<16xf32>
      %select_n3A_1877 = arith.select %or3A_1871, %select_n3A_1853, %broadcast_in_dim3A_1876 : vector<16xi1>, vector<16xf32>
      %reduce_max3A_1878 = arith.constant true
      %reduce_max3A_1879 = vector.broadcast %reduce_max3A_1878 : i1 to vector<16xi1>
      %reduce_max3A_1880 = tpu.scan <max>, %select_n3A_1874 masked %reduce_max3A_1879 : vector<16xf32>, vector<16xi1> -> vector<16xf32>
      %reduce_max3A_1881 = vector.extract %reduce_max3A_1880[15] : f32 from vector<16xf32>
      %reduce_max3A_1882 = arith.constant true
      %reduce_max3A_1883 = vector.broadcast %reduce_max3A_1882 : i1 to vector<16xi1>
      %reduce_max3A_1884 = tpu.scan <max>, %select_n3A_1877 masked %reduce_max3A_1883 : vector<16xf32>, vector<16xi1> -> vector<16xf32>
      %reduce_max3A_1885 = vector.extract %reduce_max3A_1884[15] : f32 from vector<16xf32>
      %max3A_1886 = arith.maximumf %reduce_max3A_1881, %reduce_max3A_1885 : f32
      %sub3A_1887 = vector.broadcast %max3A_1886 : f32 to vector<16xf32>
      %sub3A_1888 = arith.subf %select_n3A_1874, %sub3A_1887 : vector<16xf32>
      %exp3A_1889 = math.exp %sub3A_1888 : vector<16xf32>
      %sub3A_1890 = vector.broadcast %max3A_1886 : f32 to vector<16xf32>
      %sub3A_1891 = arith.subf %select_n3A_1877, %sub3A_1890 : vector<16xf32>
      %exp3A_1892 = math.exp %sub3A_1891 : vector<16xf32>
      %reduce_sum3A_1893 = arith.constant true
      %reduce_sum3A_1894 = vector.broadcast %reduce_sum3A_1893 : i1 to vector<16xi1>
      %reduce_sum3A_1895 = tpu.scan <sum>, %exp3A_1889 masked %reduce_sum3A_1894 : vector<16xf32>, vector<16xi1> -> vector<16xf32>
      %reduce_sum3A_1896 = vector.extract %reduce_sum3A_1895[15] : f32 from vector<16xf32>
      %reduce_sum3A_1897 = arith.constant true
      %reduce_sum3A_1898 = vector.broadcast %reduce_sum3A_1897 : i1 to vector<16xi1>
      %reduce_sum3A_1899 = tpu.scan <sum>, %exp3A_1892 masked %reduce_sum3A_1898 : vector<16xf32>, vector<16xi1> -> vector<16xf32>
      %reduce_sum3A_1900 = vector.extract %reduce_sum3A_1899[15] : f32 from vector<16xf32>
      %add3A_1901 = arith.addf %reduce_sum3A_1896, %reduce_sum3A_1900 : f32
      %add3A_1902 = arith.constant 1.000000e-16 : f32
      %add3A_1903 = arith.addf %add3A_1901, %add3A_1902 : f32
      %broadcast_in_dim3A_1904 = vector.broadcast %add3A_1903 : f32 to vector<16xf32>
      %eq3A_1905 = arith.constant 0 : i32
      %eq3A_1906 = vector.broadcast %eq3A_1905 : i32 to vector<16xi32>
      %eq3A_1907 = arith.cmpi eq, %iota3A, %eq3A_1906 : vector<16xi32>
      %jit3A_1908 = arith.constant 0.000000e+00 : f32
      %broadcast_in_dim3A_1909 = vector.broadcast %jit3A_1908 : f32 to vector<16xf32>
      %select_n3A_1910 = arith.select %eq3A_1907, %exp3A_1889, %broadcast_in_dim3A_1909 : vector<16xi1>, vector<16xf32>
      %reduce_max3A_1911 = arith.constant true
      %reduce_max3A_1912 = vector.broadcast %reduce_max3A_1911 : i1 to vector<16xi1>
      %reduce_max3A_1913 = tpu.scan <max>, %select_n3A_1910 masked %reduce_max3A_1912 : vector<16xf32>, vector<16xi1> -> vector<16xf32>
      %reduce_max3A_1914 = vector.extract %reduce_max3A_1913[15] : f32 from vector<16xf32>
      %eq3A_1915 = arith.constant 1 : i32
      %eq3A_1916 = vector.broadcast %eq3A_1915 : i32 to vector<16xi32>
      %eq3A_1917 = arith.cmpi eq, %iota3A, %eq3A_1916 : vector<16xi32>
      %jit3A_1918 = arith.constant 0.000000e+00 : f32
      %broadcast_in_dim3A_1919 = vector.broadcast %jit3A_1918 : f32 to vector<16xf32>
      %select_n3A_1920 = arith.select %eq3A_1917, %exp3A_1889, %broadcast_in_dim3A_1919 : vector<16xi1>, vector<16xf32>
      %reduce_max3A_1921 = arith.constant true
      %reduce_max3A_1922 = vector.broadcast %reduce_max3A_1921 : i1 to vector<16xi1>
      %reduce_max3A_1923 = tpu.scan <max>, %select_n3A_1920 masked %reduce_max3A_1922 : vector<16xf32>, vector<16xi1> -> vector<16xf32>
      %reduce_max3A_1924 = vector.extract %reduce_max3A_1923[15] : f32 from vector<16xf32>
      %eq3A_1925 = arith.constant 2 : i32
      %eq3A_1926 = vector.broadcast %eq3A_1925 : i32 to vector<16xi32>
      %eq3A_1927 = arith.cmpi eq, %iota3A, %eq3A_1926 : vector<16xi32>
      %jit3A_1928 = arith.constant 0.000000e+00 : f32
      %broadcast_in_dim3A_1929 = vector.broadcast %jit3A_1928 : f32 to vector<16xf32>
      %select_n3A_1930 = arith.select %eq3A_1927, %exp3A_1889, %broadcast_in_dim3A_1929 : vector<16xi1>, vector<16xf32>
      %reduce_max3A_1931 = arith.constant true
      %reduce_max3A_1932 = vector.broadcast %reduce_max3A_1931 : i1 to vector<16xi1>
      %reduce_max3A_1933 = tpu.scan <max>, %select_n3A_1930 masked %reduce_max3A_1932 : vector<16xf32>, vector<16xi1> -> vector<16xf32>
      %reduce_max3A_1934 = vector.extract %reduce_max3A_1933[15] : f32 from vector<16xf32>
      %eq3A_1935 = arith.constant 3 : i32
      %eq3A_1936 = vector.broadcast %eq3A_1935 : i32 to vector<16xi32>
      %eq3A_1937 = arith.cmpi eq, %iota3A, %eq3A_1936 : vector<16xi32>
      %jit3A_1938 = arith.constant 0.000000e+00 : f32
      %broadcast_in_dim3A_1939 = vector.broadcast %jit3A_1938 : f32 to vector<16xf32>
      %select_n3A_1940 = arith.select %eq3A_1937, %exp3A_1889, %broadcast_in_dim3A_1939 : vector<16xi1>, vector<16xf32>
      %reduce_max3A_1941 = arith.constant true
      %reduce_max3A_1942 = vector.broadcast %reduce_max3A_1941 : i1 to vector<16xi1>
      %reduce_max3A_1943 = tpu.scan <max>, %select_n3A_1940 masked %reduce_max3A_1942 : vector<16xf32>, vector<16xi1> -> vector<16xf32>
      %reduce_max3A_1944 = vector.extract %reduce_max3A_1943[15] : f32 from vector<16xf32>
      %eq3A_1945 = arith.constant 4 : i32
      %eq3A_1946 = vector.broadcast %eq3A_1945 : i32 to vector<16xi32>
      %eq3A_1947 = arith.cmpi eq, %iota3A, %eq3A_1946 : vector<16xi32>
      %jit3A_1948 = arith.constant 0.000000e+00 : f32
      %broadcast_in_dim3A_1949 = vector.broadcast %jit3A_1948 : f32 to vector<16xf32>
      %select_n3A_1950 = arith.select %eq3A_1947, %exp3A_1889, %broadcast_in_dim3A_1949 : vector<16xi1>, vector<16xf32>
      %reduce_max3A_1951 = arith.constant true
      %reduce_max3A_1952 = vector.broadcast %reduce_max3A_1951 : i1 to vector<16xi1>
      %reduce_max3A_1953 = tpu.scan <max>, %select_n3A_1950 masked %reduce_max3A_1952 : vector<16xf32>, vector<16xi1> -> vector<16xf32>
      %reduce_max3A_1954 = vector.extract %reduce_max3A_1953[15] : f32 from vector<16xf32>
      %eq3A_1955 = arith.constant 5 : i32
      %eq3A_1956 = vector.broadcast %eq3A_1955 : i32 to vector<16xi32>
      %eq3A_1957 = arith.cmpi eq, %iota3A, %eq3A_1956 : vector<16xi32>
      %jit3A_1958 = arith.constant 0.000000e+00 : f32
      %broadcast_in_dim3A_1959 = vector.broadcast %jit3A_1958 : f32 to vector<16xf32>
      %select_n3A_1960 = arith.select %eq3A_1957, %exp3A_1889, %broadcast_in_dim3A_1959 : vector<16xi1>, vector<16xf32>
      %reduce_max3A_1961 = arith.constant true
      %reduce_max3A_1962 = vector.broadcast %reduce_max3A_1961 : i1 to vector<16xi1>
      %reduce_max3A_1963 = tpu.scan <max>, %select_n3A_1960 masked %reduce_max3A_1962 : vector<16xf32>, vector<16xi1> -> vector<16xf32>
      %reduce_max3A_1964 = vector.extract %reduce_max3A_1963[15] : f32 from vector<16xf32>
      %eq3A_1965 = arith.constant 6 : i32
      %eq3A_1966 = vector.broadcast %eq3A_1965 : i32 to vector<16xi32>
      %eq3A_1967 = arith.cmpi eq, %iota3A, %eq3A_1966 : vector<16xi32>
      %jit3A_1968 = arith.constant 0.000000e+00 : f32
      %broadcast_in_dim3A_1969 = vector.broadcast %jit3A_1968 : f32 to vector<16xf32>
      %select_n3A_1970 = arith.select %eq3A_1967, %exp3A_1889, %broadcast_in_dim3A_1969 : vector<16xi1>, vector<16xf32>
      %reduce_max3A_1971 = arith.constant true
      %reduce_max3A_1972 = vector.broadcast %reduce_max3A_1971 : i1 to vector<16xi1>
      %reduce_max3A_1973 = tpu.scan <max>, %select_n3A_1970 masked %reduce_max3A_1972 : vector<16xf32>, vector<16xi1> -> vector<16xf32>
      %reduce_max3A_1974 = vector.extract %reduce_max3A_1973[15] : f32 from vector<16xf32>
      %eq3A_1975 = arith.constant 7 : i32
      %eq3A_1976 = vector.broadcast %eq3A_1975 : i32 to vector<16xi32>
      %eq3A_1977 = arith.cmpi eq, %iota3A, %eq3A_1976 : vector<16xi32>
      %jit3A_1978 = arith.constant 0.000000e+00 : f32
      %broadcast_in_dim3A_1979 = vector.broadcast %jit3A_1978 : f32 to vector<16xf32>
      %select_n3A_1980 = arith.select %eq3A_1977, %exp3A_1889, %broadcast_in_dim3A_1979 : vector<16xi1>, vector<16xf32>
      %reduce_max3A_1981 = arith.constant true
      %reduce_max3A_1982 = vector.broadcast %reduce_max3A_1981 : i1 to vector<16xi1>
      %reduce_max3A_1983 = tpu.scan <max>, %select_n3A_1980 masked %reduce_max3A_1982 : vector<16xf32>, vector<16xi1> -> vector<16xf32>
      %reduce_max3A_1984 = vector.extract %reduce_max3A_1983[15] : f32 from vector<16xf32>
      %eq3A_1985 = arith.constant 8 : i32
      %eq3A_1986 = vector.broadcast %eq3A_1985 : i32 to vector<16xi32>
      %eq3A_1987 = arith.cmpi eq, %iota3A, %eq3A_1986 : vector<16xi32>
      %jit3A_1988 = arith.constant 0.000000e+00 : f32
      %broadcast_in_dim3A_1989 = vector.broadcast %jit3A_1988 : f32 to vector<16xf32>
      %select_n3A_1990 = arith.select %eq3A_1987, %exp3A_1889, %broadcast_in_dim3A_1989 : vector<16xi1>, vector<16xf32>
      %reduce_max3A_1991 = arith.constant true
      %reduce_max3A_1992 = vector.broadcast %reduce_max3A_1991 : i1 to vector<16xi1>
      %reduce_max3A_1993 = tpu.scan <max>, %select_n3A_1990 masked %reduce_max3A_1992 : vector<16xf32>, vector<16xi1> -> vector<16xf32>
      %reduce_max3A_1994 = vector.extract %reduce_max3A_1993[15] : f32 from vector<16xf32>
      %eq3A_1995 = arith.constant 9 : i32
      %eq3A_1996 = vector.broadcast %eq3A_1995 : i32 to vector<16xi32>
      %eq3A_1997 = arith.cmpi eq, %iota3A, %eq3A_1996 : vector<16xi32>
      %jit3A_1998 = arith.constant 0.000000e+00 : f32
      %broadcast_in_dim3A_1999 = vector.broadcast %jit3A_1998 : f32 to vector<16xf32>
      %select_n3A_2000 = arith.select %eq3A_1997, %exp3A_1889, %broadcast_in_dim3A_1999 : vector<16xi1>, vector<16xf32>
      %reduce_max3A_2001 = arith.constant true
      %reduce_max3A_2002 = vector.broadcast %reduce_max3A_2001 : i1 to vector<16xi1>
      %reduce_max3A_2003 = tpu.scan <max>, %select_n3A_2000 masked %reduce_max3A_2002 : vector<16xf32>, vector<16xi1> -> vector<16xf32>
      %reduce_max3A_2004 = vector.extract %reduce_max3A_2003[15] : f32 from vector<16xf32>
      %eq3A_2005 = arith.constant 10 : i32
      %eq3A_2006 = vector.broadcast %eq3A_2005 : i32 to vector<16xi32>
      %eq3A_2007 = arith.cmpi eq, %iota3A, %eq3A_2006 : vector<16xi32>
      %jit3A_2008 = arith.constant 0.000000e+00 : f32
      %broadcast_in_dim3A_2009 = vector.broadcast %jit3A_2008 : f32 to vector<16xf32>
      %select_n3A_2010 = arith.select %eq3A_2007, %exp3A_1889, %broadcast_in_dim3A_2009 : vector<16xi1>, vector<16xf32>
      %reduce_max3A_2011 = arith.constant true
      %reduce_max3A_2012 = vector.broadcast %reduce_max3A_2011 : i1 to vector<16xi1>
      %reduce_max3A_2013 = tpu.scan <max>, %select_n3A_2010 masked %reduce_max3A_2012 : vector<16xf32>, vector<16xi1> -> vector<16xf32>
      %reduce_max3A_2014 = vector.extract %reduce_max3A_2013[15] : f32 from vector<16xf32>
      %eq3A_2015 = arith.constant 11 : i32
      %eq3A_2016 = vector.broadcast %eq3A_2015 : i32 to vector<16xi32>
      %eq3A_2017 = arith.cmpi eq, %iota3A, %eq3A_2016 : vector<16xi32>
      %jit3A_2018 = arith.constant 0.000000e+00 : f32
      %broadcast_in_dim3A_2019 = vector.broadcast %jit3A_2018 : f32 to vector<16xf32>
      %select_n3A_2020 = arith.select %eq3A_2017, %exp3A_1889, %broadcast_in_dim3A_2019 : vector<16xi1>, vector<16xf32>
      %reduce_max3A_2021 = arith.constant true
      %reduce_max3A_2022 = vector.broadcast %reduce_max3A_2021 : i1 to vector<16xi1>
      %reduce_max3A_2023 = tpu.scan <max>, %select_n3A_2020 masked %reduce_max3A_2022 : vector<16xf32>, vector<16xi1> -> vector<16xf32>
      %reduce_max3A_2024 = vector.extract %reduce_max3A_2023[15] : f32 from vector<16xf32>
      %eq3A_2025 = arith.constant 12 : i32
      %eq3A_2026 = vector.broadcast %eq3A_2025 : i32 to vector<16xi32>
      %eq3A_2027 = arith.cmpi eq, %iota3A, %eq3A_2026 : vector<16xi32>
      %jit3A_2028 = arith.constant 0.000000e+00 : f32
      %broadcast_in_dim3A_2029 = vector.broadcast %jit3A_2028 : f32 to vector<16xf32>
      %select_n3A_2030 = arith.select %eq3A_2027, %exp3A_1889, %broadcast_in_dim3A_2029 : vector<16xi1>, vector<16xf32>
      %reduce_max3A_2031 = arith.constant true
      %reduce_max3A_2032 = vector.broadcast %reduce_max3A_2031 : i1 to vector<16xi1>
      %reduce_max3A_2033 = tpu.scan <max>, %select_n3A_2030 masked %reduce_max3A_2032 : vector<16xf32>, vector<16xi1> -> vector<16xf32>
      %reduce_max3A_2034 = vector.extract %reduce_max3A_2033[15] : f32 from vector<16xf32>
      %eq3A_2035 = arith.constant 13 : i32
      %eq3A_2036 = vector.broadcast %eq3A_2035 : i32 to vector<16xi32>
      %eq3A_2037 = arith.cmpi eq, %iota3A, %eq3A_2036 : vector<16xi32>
      %jit3A_2038 = arith.constant 0.000000e+00 : f32
      %broadcast_in_dim3A_2039 = vector.broadcast %jit3A_2038 : f32 to vector<16xf32>
      %select_n3A_2040 = arith.select %eq3A_2037, %exp3A_1889, %broadcast_in_dim3A_2039 : vector<16xi1>, vector<16xf32>
      %reduce_max3A_2041 = arith.constant true
      %reduce_max3A_2042 = vector.broadcast %reduce_max3A_2041 : i1 to vector<16xi1>
      %reduce_max3A_2043 = tpu.scan <max>, %select_n3A_2040 masked %reduce_max3A_2042 : vector<16xf32>, vector<16xi1> -> vector<16xf32>
      %reduce_max3A_2044 = vector.extract %reduce_max3A_2043[15] : f32 from vector<16xf32>
      %eq3A_2045 = arith.constant 14 : i32
      %eq3A_2046 = vector.broadcast %eq3A_2045 : i32 to vector<16xi32>
      %eq3A_2047 = arith.cmpi eq, %iota3A, %eq3A_2046 : vector<16xi32>
      %jit3A_2048 = arith.constant 0.000000e+00 : f32
      %broadcast_in_dim3A_2049 = vector.broadcast %jit3A_2048 : f32 to vector<16xf32>
      %select_n3A_2050 = arith.select %eq3A_2047, %exp3A_1889, %broadcast_in_dim3A_2049 : vector<16xi1>, vector<16xf32>
      %reduce_max3A_2051 = arith.constant true
      %reduce_max3A_2052 = vector.broadcast %reduce_max3A_2051 : i1 to vector<16xi1>
      %reduce_max3A_2053 = tpu.scan <max>, %select_n3A_2050 masked %reduce_max3A_2052 : vector<16xf32>, vector<16xi1> -> vector<16xf32>
      %reduce_max3A_2054 = vector.extract %reduce_max3A_2053[15] : f32 from vector<16xf32>
      %eq3A_2055 = arith.constant 15 : i32
      %eq3A_2056 = vector.broadcast %eq3A_2055 : i32 to vector<16xi32>
      %eq3A_2057 = arith.cmpi eq, %iota3A, %eq3A_2056 : vector<16xi32>
      %jit3A_2058 = arith.constant 0.000000e+00 : f32
      %broadcast_in_dim3A_2059 = vector.broadcast %jit3A_2058 : f32 to vector<16xf32>
      %select_n3A_2060 = arith.select %eq3A_2057, %exp3A_1889, %broadcast_in_dim3A_2059 : vector<16xi1>, vector<16xf32>
      %reduce_max3A_2061 = arith.constant true
      %reduce_max3A_2062 = vector.broadcast %reduce_max3A_2061 : i1 to vector<16xi1>
      %reduce_max3A_2063 = tpu.scan <max>, %select_n3A_2060 masked %reduce_max3A_2062 : vector<16xf32>, vector<16xi1> -> vector<16xf32>
      %reduce_max3A_2064 = vector.extract %reduce_max3A_2063[15] : f32 from vector<16xf32>
      %eq3A_2065 = arith.constant 8 : i32
      %eq3A_2066 = vector.broadcast %eq3A_2065 : i32 to vector<16xi32>
      %eq3A_2067 = arith.cmpi eq, %iota3A, %eq3A_2066 : vector<16xi32>
      %jit3A_2068 = arith.constant 0.000000e+00 : f32
      %broadcast_in_dim3A_2069 = vector.broadcast %jit3A_2068 : f32 to vector<16xf32>
      %select_n3A_2070 = arith.select %eq3A_2067, %exp3A_1892, %broadcast_in_dim3A_2069 : vector<16xi1>, vector<16xf32>
      %reduce_max3A_2071 = arith.constant true
      %reduce_max3A_2072 = vector.broadcast %reduce_max3A_2071 : i1 to vector<16xi1>
      %reduce_max3A_2073 = tpu.scan <max>, %select_n3A_2070 masked %reduce_max3A_2072 : vector<16xf32>, vector<16xi1> -> vector<16xf32>
      %reduce_max3A_2074 = vector.extract %reduce_max3A_2073[15] : f32 from vector<16xf32>
      %eq3A_2075 = arith.constant 9 : i32
      %eq3A_2076 = vector.broadcast %eq3A_2075 : i32 to vector<16xi32>
      %eq3A_2077 = arith.cmpi eq, %iota3A, %eq3A_2076 : vector<16xi32>
      %jit3A_2078 = arith.constant 0.000000e+00 : f32
      %broadcast_in_dim3A_2079 = vector.broadcast %jit3A_2078 : f32 to vector<16xf32>
      %select_n3A_2080 = arith.select %eq3A_2077, %exp3A_1892, %broadcast_in_dim3A_2079 : vector<16xi1>, vector<16xf32>
      %reduce_max3A_2081 = arith.constant true
      %reduce_max3A_2082 = vector.broadcast %reduce_max3A_2081 : i1 to vector<16xi1>
      %reduce_max3A_2083 = tpu.scan <max>, %select_n3A_2080 masked %reduce_max3A_2082 : vector<16xf32>, vector<16xi1> -> vector<16xf32>
      %reduce_max3A_2084 = vector.extract %reduce_max3A_2083[15] : f32 from vector<16xf32>
      %eq3A_2085 = arith.constant 10 : i32
      %eq3A_2086 = vector.broadcast %eq3A_2085 : i32 to vector<16xi32>
      %eq3A_2087 = arith.cmpi eq, %iota3A, %eq3A_2086 : vector<16xi32>
      %jit3A_2088 = arith.constant 0.000000e+00 : f32
      %broadcast_in_dim3A_2089 = vector.broadcast %jit3A_2088 : f32 to vector<16xf32>
      %select_n3A_2090 = arith.select %eq3A_2087, %exp3A_1892, %broadcast_in_dim3A_2089 : vector<16xi1>, vector<16xf32>
      %reduce_max3A_2091 = arith.constant true
      %reduce_max3A_2092 = vector.broadcast %reduce_max3A_2091 : i1 to vector<16xi1>
      %reduce_max3A_2093 = tpu.scan <max>, %select_n3A_2090 masked %reduce_max3A_2092 : vector<16xf32>, vector<16xi1> -> vector<16xf32>
      %reduce_max3A_2094 = vector.extract %reduce_max3A_2093[15] : f32 from vector<16xf32>
      %eq3A_2095 = arith.constant 11 : i32
      %eq3A_2096 = vector.broadcast %eq3A_2095 : i32 to vector<16xi32>
      %eq3A_2097 = arith.cmpi eq, %iota3A, %eq3A_2096 : vector<16xi32>
      %jit3A_2098 = arith.constant 0.000000e+00 : f32
      %broadcast_in_dim3A_2099 = vector.broadcast %jit3A_2098 : f32 to vector<16xf32>
      %select_n3A_2100 = arith.select %eq3A_2097, %exp3A_1892, %broadcast_in_dim3A_2099 : vector<16xi1>, vector<16xf32>
      %reduce_max3A_2101 = arith.constant true
      %reduce_max3A_2102 = vector.broadcast %reduce_max3A_2101 : i1 to vector<16xi1>
      %reduce_max3A_2103 = tpu.scan <max>, %select_n3A_2100 masked %reduce_max3A_2102 : vector<16xf32>, vector<16xi1> -> vector<16xf32>
      %reduce_max3A_2104 = vector.extract %reduce_max3A_2103[15] : f32 from vector<16xf32>
      %eq3A_2105 = arith.constant 12 : i32
      %eq3A_2106 = vector.broadcast %eq3A_2105 : i32 to vector<16xi32>
      %eq3A_2107 = arith.cmpi eq, %iota3A, %eq3A_2106 : vector<16xi32>
      %jit3A_2108 = arith.constant 0.000000e+00 : f32
      %broadcast_in_dim3A_2109 = vector.broadcast %jit3A_2108 : f32 to vector<16xf32>
      %select_n3A_2110 = arith.select %eq3A_2107, %exp3A_1892, %broadcast_in_dim3A_2109 : vector<16xi1>, vector<16xf32>
      %reduce_max3A_2111 = arith.constant true
      %reduce_max3A_2112 = vector.broadcast %reduce_max3A_2111 : i1 to vector<16xi1>
      %reduce_max3A_2113 = tpu.scan <max>, %select_n3A_2110 masked %reduce_max3A_2112 : vector<16xf32>, vector<16xi1> -> vector<16xf32>
      %reduce_max3A_2114 = vector.extract %reduce_max3A_2113[15] : f32 from vector<16xf32>
      %broadcast_in_dim3A_2115 = arith.constant 0.000000e+00 : f32
      %broadcast_in_dim3A_2116 = vector.broadcast %broadcast_in_dim3A_2115 : f32 to vector<16xf32>
      %get3A_2117 = arith.constant 48 : i32
      %get3A_2118 = arith.index_cast %get3A_2117 : i32 to index
      %get3A_2119 = arith.constant 0 : index
      %get3A_2120 = tpu.vector_load %arg10[%get3A_2118, %get3A_2119] {strides = array<i32>} : memref<120x64xf32, #tpu.memory_space<vmem>>, vector<16xf32>,
      %mul3A_2121 = vector.broadcast %reduce_max3A_1914 : f32 to vector<16xf32>
      %mul3A_2122 = arith.mulf %mul3A_2121, %get3A_2120 : vector<16xf32>
      %add3A_2123 = arith.addf %broadcast_in_dim3A_2116, %mul3A_2122 : vector<16xf32>
      %get3A_2124 = arith.constant 49 : i32
      %get3A_2125 = arith.index_cast %get3A_2124 : i32 to index
      %get3A_2126 = arith.constant 0 : index
      %get3A_2127 = tpu.vector_load %arg10[%get3A_2125, %get3A_2126] {strides = array<i32>} : memref<120x64xf32, #tpu.memory_space<vmem>>, vector<16xf32>,
      %mul3A_2128 = vector.broadcast %reduce_max3A_1924 : f32 to vector<16xf32>
      %mul3A_2129 = arith.mulf %mul3A_2128, %get3A_2127 : vector<16xf32>
      %add3A_2130 = arith.addf %add3A_2123, %mul3A_2129 : vector<16xf32>
      %get3A_2131 = arith.constant 50 : i32
      %get3A_2132 = arith.index_cast %get3A_2131 : i32 to index
      %get3A_2133 = arith.constant 0 : index
      %get3A_2134 = tpu.vector_load %arg10[%get3A_2132, %get3A_2133] {strides = array<i32>} : memref<120x64xf32, #tpu.memory_space<vmem>>, vector<16xf32>,
      %mul3A_2135 = vector.broadcast %reduce_max3A_1934 : f32 to vector<16xf32>
      %mul3A_2136 = arith.mulf %mul3A_2135, %get3A_2134 : vector<16xf32>
      %add3A_2137 = arith.addf %add3A_2130, %mul3A_2136 : vector<16xf32>
      %get3A_2138 = arith.constant 51 : i32
      %get3A_2139 = arith.index_cast %get3A_2138 : i32 to index
      %get3A_2140 = arith.constant 0 : index
      %get3A_2141 = tpu.vector_load %arg10[%get3A_2139, %get3A_2140] {strides = array<i32>} : memref<120x64xf32, #tpu.memory_space<vmem>>, vector<16xf32>,
      %mul3A_2142 = vector.broadcast %reduce_max3A_1944 : f32 to vector<16xf32>
      %mul3A_2143 = arith.mulf %mul3A_2142, %get3A_2141 : vector<16xf32>
      %add3A_2144 = arith.addf %add3A_2137, %mul3A_2143 : vector<16xf32>
      %get3A_2145 = arith.constant 52 : i32
      %get3A_2146 = arith.index_cast %get3A_2145 : i32 to index
      %get3A_2147 = arith.constant 0 : index
      %get3A_2148 = tpu.vector_load %arg10[%get3A_2146, %get3A_2147] {strides = array<i32>} : memref<120x64xf32, #tpu.memory_space<vmem>>, vector<16xf32>,
      %mul3A_2149 = vector.broadcast %reduce_max3A_1954 : f32 to vector<16xf32>
      %mul3A_2150 = arith.mulf %mul3A_2149, %get3A_2148 : vector<16xf32>
      %add3A_2151 = arith.addf %add3A_2144, %mul3A_2150 : vector<16xf32>
      %get3A_2152 = arith.constant 53 : i32
      %get3A_2153 = arith.index_cast %get3A_2152 : i32 to index
      %get3A_2154 = arith.constant 0 : index
      %get3A_2155 = tpu.vector_load %arg10[%get3A_2153, %get3A_2154] {strides = array<i32>} : memref<120x64xf32, #tpu.memory_space<vmem>>, vector<16xf32>,
      %mul3A_2156 = vector.broadcast %reduce_max3A_1964 : f32 to vector<16xf32>
      %mul3A_2157 = arith.mulf %mul3A_2156, %get3A_2155 : vector<16xf32>
      %add3A_2158 = arith.addf %add3A_2151, %mul3A_2157 : vector<16xf32>
      %get3A_2159 = arith.constant 54 : i32
      %get3A_2160 = arith.index_cast %get3A_2159 : i32 to index
      %get3A_2161 = arith.constant 0 : index
      %get3A_2162 = tpu.vector_load %arg10[%get3A_2160, %get3A_2161] {strides = array<i32>} : memref<120x64xf32, #tpu.memory_space<vmem>>, vector<16xf32>,
      %mul3A_2163 = vector.broadcast %reduce_max3A_1974 : f32 to vector<16xf32>
      %mul3A_2164 = arith.mulf %mul3A_2163, %get3A_2162 : vector<16xf32>
      %add3A_2165 = arith.addf %add3A_2158, %mul3A_2164 : vector<16xf32>
      %get3A_2166 = arith.constant 55 : i32
      %get3A_2167 = arith.index_cast %get3A_2166 : i32 to index
      %get3A_2168 = arith.constant 0 : index
      %get3A_2169 = tpu.vector_load %arg10[%get3A_2167, %get3A_2168] {strides = array<i32>} : memref<120x64xf32, #tpu.memory_space<vmem>>, vector<16xf32>,
      %mul3A_2170 = vector.broadcast %reduce_max3A_1984 : f32 to vector<16xf32>
      %mul3A_2171 = arith.mulf %mul3A_2170, %get3A_2169 : vector<16xf32>
      %add3A_2172 = arith.addf %add3A_2165, %mul3A_2171 : vector<16xf32>
      %get3A_2173 = arith.constant 56 : i32
      %get3A_2174 = arith.index_cast %get3A_2173 : i32 to index
      %get3A_2175 = arith.constant 0 : index
      %get3A_2176 = tpu.vector_load %arg10[%get3A_2174, %get3A_2175] {strides = array<i32>} : memref<120x64xf32, #tpu.memory_space<vmem>>, vector<16xf32>,
      %mul3A_2177 = vector.broadcast %reduce_max3A_1994 : f32 to vector<16xf32>
      %mul3A_2178 = arith.mulf %mul3A_2177, %get3A_2176 : vector<16xf32>
      %add3A_2179 = arith.addf %add3A_2172, %mul3A_2178 : vector<16xf32>
      %get3A_2180 = arith.constant 57 : i32
      %get3A_2181 = arith.index_cast %get3A_2180 : i32 to index
      %get3A_2182 = arith.constant 0 : index
      %get3A_2183 = tpu.vector_load %arg10[%get3A_2181, %get3A_2182] {strides = array<i32>} : memref<120x64xf32, #tpu.memory_space<vmem>>, vector<16xf32>,
      %mul3A_2184 = vector.broadcast %reduce_max3A_2004 : f32 to vector<16xf32>
      %mul3A_2185 = arith.mulf %mul3A_2184, %get3A_2183 : vector<16xf32>
      %add3A_2186 = arith.addf %add3A_2179, %mul3A_2185 : vector<16xf32>
      %get3A_2187 = arith.constant 58 : i32
      %get3A_2188 = arith.index_cast %get3A_2187 : i32 to index
      %get3A_2189 = arith.constant 0 : index
      %get3A_2190 = tpu.vector_load %arg10[%get3A_2188, %get3A_2189] {strides = array<i32>} : memref<120x64xf32, #tpu.memory_space<vmem>>, vector<16xf32>,
      %mul3A_2191 = vector.broadcast %reduce_max3A_2014 : f32 to vector<16xf32>
      %mul3A_2192 = arith.mulf %mul3A_2191, %get3A_2190 : vector<16xf32>
      %add3A_2193 = arith.addf %add3A_2186, %mul3A_2192 : vector<16xf32>
      %get3A_2194 = arith.constant 59 : i32
      %get3A_2195 = arith.index_cast %get3A_2194 : i32 to index
      %get3A_2196 = arith.constant 0 : index
      %get3A_2197 = tpu.vector_load %arg10[%get3A_2195, %get3A_2196] {strides = array<i32>} : memref<120x64xf32, #tpu.memory_space<vmem>>, vector<16xf32>,
      %mul3A_2198 = vector.broadcast %reduce_max3A_2024 : f32 to vector<16xf32>
      %mul3A_2199 = arith.mulf %mul3A_2198, %get3A_2197 : vector<16xf32>
      %add3A_2200 = arith.addf %add3A_2193, %mul3A_2199 : vector<16xf32>
      %get3A_2201 = arith.constant 60 : i32
      %get3A_2202 = arith.index_cast %get3A_2201 : i32 to index
      %get3A_2203 = arith.constant 0 : index
      %get3A_2204 = tpu.vector_load %arg10[%get3A_2202, %get3A_2203] {strides = array<i32>} : memref<120x64xf32, #tpu.memory_space<vmem>>, vector<16xf32>,
      %mul3A_2205 = vector.broadcast %reduce_max3A_2034 : f32 to vector<16xf32>
      %mul3A_2206 = arith.mulf %mul3A_2205, %get3A_2204 : vector<16xf32>
      %add3A_2207 = arith.addf %add3A_2200, %mul3A_2206 : vector<16xf32>
      %get3A_2208 = arith.constant 61 : i32
      %get3A_2209 = arith.index_cast %get3A_2208 : i32 to index
      %get3A_2210 = arith.constant 0 : index
      %get3A_2211 = tpu.vector_load %arg10[%get3A_2209, %get3A_2210] {strides = array<i32>} : memref<120x64xf32, #tpu.memory_space<vmem>>, vector<16xf32>,
      %mul3A_2212 = vector.broadcast %reduce_max3A_2044 : f32 to vector<16xf32>
      %mul3A_2213 = arith.mulf %mul3A_2212, %get3A_2211 : vector<16xf32>
      %add3A_2214 = arith.addf %add3A_2207, %mul3A_2213 : vector<16xf32>
      %get3A_2215 = arith.constant 62 : i32
      %get3A_2216 = arith.index_cast %get3A_2215 : i32 to index
      %get3A_2217 = arith.constant 0 : index
      %get3A_2218 = tpu.vector_load %arg10[%get3A_2216, %get3A_2217] {strides = array<i32>} : memref<120x64xf32, #tpu.memory_space<vmem>>, vector<16xf32>,
      %mul3A_2219 = vector.broadcast %reduce_max3A_2054 : f32 to vector<16xf32>
      %mul3A_2220 = arith.mulf %mul3A_2219, %get3A_2218 : vector<16xf32>
      %add3A_2221 = arith.addf %add3A_2214, %mul3A_2220 : vector<16xf32>
      %get3A_2222 = arith.constant 63 : i32
      %get3A_2223 = arith.index_cast %get3A_2222 : i32 to index
      %get3A_2224 = arith.constant 0 : index
      %get3A_2225 = tpu.vector_load %arg10[%get3A_2223, %get3A_2224] {strides = array<i32>} : memref<120x64xf32, #tpu.memory_space<vmem>>, vector<16xf32>,
      %mul3A_2226 = vector.broadcast %reduce_max3A_2064 : f32 to vector<16xf32>
      %mul3A_2227 = arith.mulf %mul3A_2226, %get3A_2225 : vector<16xf32>
      %add3A_2228 = arith.addf %add3A_2221, %mul3A_2227 : vector<16xf32>
      %get3A_2229 = arith.constant 64 : i32
      %get3A_2230 = arith.index_cast %get3A_2229 : i32 to index
      %get3A_2231 = arith.constant 0 : index
      %get3A_2232 = tpu.vector_load %arg10[%get3A_2230, %get3A_2231] {strides = array<i32>} : memref<120x64xf32, #tpu.memory_space<vmem>>, vector<16xf32>,
      %mul3A_2233 = vector.broadcast %reduce_max3A_2074 : f32 to vector<16xf32>
      %mul3A_2234 = arith.mulf %mul3A_2233, %get3A_2232 : vector<16xf32>
      %add3A_2235 = arith.addf %add3A_2228, %mul3A_2234 : vector<16xf32>
      %get3A_2236 = arith.constant 65 : i32
      %get3A_2237 = arith.index_cast %get3A_2236 : i32 to index
      %get3A_2238 = arith.constant 0 : index
      %get3A_2239 = tpu.vector_load %arg10[%get3A_2237, %get3A_2238] {strides = array<i32>} : memref<120x64xf32, #tpu.memory_space<vmem>>, vector<16xf32>,
      %mul3A_2240 = vector.broadcast %reduce_max3A_2084 : f32 to vector<16xf32>
      %mul3A_2241 = arith.mulf %mul3A_2240, %get3A_2239 : vector<16xf32>
      %add3A_2242 = arith.addf %add3A_2235, %mul3A_2241 : vector<16xf32>
      %get3A_2243 = arith.constant 66 : i32
      %get3A_2244 = arith.index_cast %get3A_2243 : i32 to index
      %get3A_2245 = arith.constant 0 : index
      %get3A_2246 = tpu.vector_load %arg10[%get3A_2244, %get3A_2245] {strides = array<i32>} : memref<120x64xf32, #tpu.memory_space<vmem>>, vector<16xf32>,
      %mul3A_2247 = vector.broadcast %reduce_max3A_2094 : f32 to vector<16xf32>
      %mul3A_2248 = arith.mulf %mul3A_2247, %get3A_2246 : vector<16xf32>
      %add3A_2249 = arith.addf %add3A_2242, %mul3A_2248 : vector<16xf32>
      %get3A_2250 = arith.constant 67 : i32
      %get3A_2251 = arith.index_cast %get3A_2250 : i32 to index
      %get3A_2252 = arith.constant 0 : index
      %get3A_2253 = tpu.vector_load %arg10[%get3A_2251, %get3A_2252] {strides = array<i32>} : memref<120x64xf32, #tpu.memory_space<vmem>>, vector<16xf32>,
      %mul3A_2254 = vector.broadcast %reduce_max3A_2104 : f32 to vector<16xf32>
      %mul3A_2255 = arith.mulf %mul3A_2254, %get3A_2253 : vector<16xf32>
      %add3A_2256 = arith.addf %add3A_2249, %mul3A_2255 : vector<16xf32>
      %get3A_2257 = arith.constant 68 : i32
      %get3A_2258 = arith.index_cast %get3A_2257 : i32 to index
      %get3A_2259 = arith.constant 0 : index
      %get3A_2260 = tpu.vector_load %arg10[%get3A_2258, %get3A_2259] {strides = array<i32>} : memref<120x64xf32, #tpu.memory_space<vmem>>, vector<16xf32>,
      %mul3A_2261 = vector.broadcast %reduce_max3A_2114 : f32 to vector<16xf32>
      %mul3A_2262 = arith.mulf %mul3A_2261, %get3A_2260 : vector<16xf32>
      %add3A_2263 = arith.addf %add3A_2256, %mul3A_2262 : vector<16xf32>
      %div3A_2264 = arith.divf %add3A_2263, %broadcast_in_dim3A_1904 : vector<16xf32>
      %swap3A_2265 = arith.constant 128 : index
      %swap3A_2266 = tpu.vector_load %arg11[%swap3A_2265] {strides = array<i32>} : memref<320xf32, #tpu.memory_space<vmem>>, vector<16xf32>,
      tpu.vector_store %arg11[%swap3A_2265], %div3A_2264 {strides = array<i32>} : memref<320xf32, #tpu.memory_space<vmem>>, vector<16xf32>,
      %broadcast_in_dim3A_2267 = arith.constant 0.000000e+00 : f32
      %broadcast_in_dim3A_2268 = vector.broadcast %broadcast_in_dim3A_2267 : f32 to vector<16xf32>
      %get3A_2269 = arith.constant 48 : i32
      %get3A_2270 = arith.index_cast %get3A_2269 : i32 to index
      %get3A_2271 = arith.constant 16 : index
      %get3A_2272 = tpu.vector_load %arg10[%get3A_2270, %get3A_2271] {strides = array<i32>} : memref<120x64xf32, #tpu.memory_space<vmem>>, vector<16xf32>,
      %mul3A_2273 = vector.broadcast %reduce_max3A_1914 : f32 to vector<16xf32>
      %mul3A_2274 = arith.mulf %mul3A_2273, %get3A_2272 : vector<16xf32>
      %add3A_2275 = arith.addf %broadcast_in_dim3A_2268, %mul3A_2274 : vector<16xf32>
      %get3A_2276 = arith.constant 49 : i32
      %get3A_2277 = arith.index_cast %get3A_2276 : i32 to index
      %get3A_2278 = arith.constant 16 : index
      %get3A_2279 = tpu.vector_load %arg10[%get3A_2277, %get3A_2278] {strides = array<i32>} : memref<120x64xf32, #tpu.memory_space<vmem>>, vector<16xf32>,
      %mul3A_2280 = vector.broadcast %reduce_max3A_1924 : f32 to vector<16xf32>
      %mul3A_2281 = arith.mulf %mul3A_2280, %get3A_2279 : vector<16xf32>
      %add3A_2282 = arith.addf %add3A_2275, %mul3A_2281 : vector<16xf32>
      %get3A_2283 = arith.constant 50 : i32
      %get3A_2284 = arith.index_cast %get3A_2283 : i32 to index
      %get3A_2285 = arith.constant 16 : index
      %get3A_2286 = tpu.vector_load %arg10[%get3A_2284, %get3A_2285] {strides = array<i32>} : memref<120x64xf32, #tpu.memory_space<vmem>>, vector<16xf32>,
      %mul3A_2287 = vector.broadcast %reduce_max3A_1934 : f32 to vector<16xf32>
      %mul3A_2288 = arith.mulf %mul3A_2287, %get3A_2286 : vector<16xf32>
      %add3A_2289 = arith.addf %add3A_2282, %mul3A_2288 : vector<16xf32>
      %get3A_2290 = arith.constant 51 : i32
      %get3A_2291 = arith.index_cast %get3A_2290 : i32 to index
      %get3A_2292 = arith.constant 16 : index
      %get3A_2293 = tpu.vector_load %arg10[%get3A_2291, %get3A_2292] {strides = array<i32>} : memref<120x64xf32, #tpu.memory_space<vmem>>, vector<16xf32>,
      %mul3A_2294 = vector.broadcast %reduce_max3A_1944 : f32 to vector<16xf32>
      %mul3A_2295 = arith.mulf %mul3A_2294, %get3A_2293 : vector<16xf32>
      %add3A_2296 = arith.addf %add3A_2289, %mul3A_2295 : vector<16xf32>
      %get3A_2297 = arith.constant 52 : i32
      %get3A_2298 = arith.index_cast %get3A_2297 : i32 to index
      %get3A_2299 = arith.constant 16 : index
      %get3A_2300 = tpu.vector_load %arg10[%get3A_2298, %get3A_2299] {strides = array<i32>} : memref<120x64xf32, #tpu.memory_space<vmem>>, vector<16xf32>,
      %mul3A_2301 = vector.broadcast %reduce_max3A_1954 : f32 to vector<16xf32>
      %mul3A_2302 = arith.mulf %mul3A_2301, %get3A_2300 : vector<16xf32>
      %add3A_2303 = arith.addf %add3A_2296, %mul3A_2302 : vector<16xf32>
      %get3A_2304 = arith.constant 53 : i32
      %get3A_2305 = arith.index_cast %get3A_2304 : i32 to index
      %get3A_2306 = arith.constant 16 : index
      %get3A_2307 = tpu.vector_load %arg10[%get3A_2305, %get3A_2306] {strides = array<i32>} : memref<120x64xf32, #tpu.memory_space<vmem>>, vector<16xf32>,
      %mul3A_2308 = vector.broadcast %reduce_max3A_1964 : f32 to vector<16xf32>
      %mul3A_2309 = arith.mulf %mul3A_2308, %get3A_2307 : vector<16xf32>
      %add3A_2310 = arith.addf %add3A_2303, %mul3A_2309 : vector<16xf32>
      %get3A_2311 = arith.constant 54 : i32
      %get3A_2312 = arith.index_cast %get3A_2311 : i32 to index
      %get3A_2313 = arith.constant 16 : index
      %get3A_2314 = tpu.vector_load %arg10[%get3A_2312, %get3A_2313] {strides = array<i32>} : memref<120x64xf32, #tpu.memory_space<vmem>>, vector<16xf32>,
      %mul3A_2315 = vector.broadcast %reduce_max3A_1974 : f32 to vector<16xf32>
      %mul3A_2316 = arith.mulf %mul3A_2315, %get3A_2314 : vector<16xf32>
      %add3A_2317 = arith.addf %add3A_2310, %mul3A_2316 : vector<16xf32>
      %get3A_2318 = arith.constant 55 : i32
      %get3A_2319 = arith.index_cast %get3A_2318 : i32 to index
      %get3A_2320 = arith.constant 16 : index
      %get3A_2321 = tpu.vector_load %arg10[%get3A_2319, %get3A_2320] {strides = array<i32>} : memref<120x64xf32, #tpu.memory_space<vmem>>, vector<16xf32>,
      %mul3A_2322 = vector.broadcast %reduce_max3A_1984 : f32 to vector<16xf32>
      %mul3A_2323 = arith.mulf %mul3A_2322, %get3A_2321 : vector<16xf32>
      %add3A_2324 = arith.addf %add3A_2317, %mul3A_2323 : vector<16xf32>
      %get3A_2325 = arith.constant 56 : i32
      %get3A_2326 = arith.index_cast %get3A_2325 : i32 to index
      %get3A_2327 = arith.constant 16 : index
      %get3A_2328 = tpu.vector_load %arg10[%get3A_2326, %get3A_2327] {strides = array<i32>} : memref<120x64xf32, #tpu.memory_space<vmem>>, vector<16xf32>,
      %mul3A_2329 = vector.broadcast %reduce_max3A_1994 : f32 to vector<16xf32>
      %mul3A_2330 = arith.mulf %mul3A_2329, %get3A_2328 : vector<16xf32>
      %add3A_2331 = arith.addf %add3A_2324, %mul3A_2330 : vector<16xf32>
      %get3A_2332 = arith.constant 57 : i32
      %get3A_2333 = arith.index_cast %get3A_2332 : i32 to index
      %get3A_2334 = arith.constant 16 : index
      %get3A_2335 = tpu.vector_load %arg10[%get3A_2333, %get3A_2334] {strides = array<i32>} : memref<120x64xf32, #tpu.memory_space<vmem>>, vector<16xf32>,
      %mul3A_2336 = vector.broadcast %reduce_max3A_2004 : f32 to vector<16xf32>
      %mul3A_2337 = arith.mulf %mul3A_2336, %get3A_2335 : vector<16xf32>
      %add3A_2338 = arith.addf %add3A_2331, %mul3A_2337 : vector<16xf32>
      %get3A_2339 = arith.constant 58 : i32
      %get3A_2340 = arith.index_cast %get3A_2339 : i32 to index
      %get3A_2341 = arith.constant 16 : index
      %get3A_2342 = tpu.vector_load %arg10[%get3A_2340, %get3A_2341] {strides = array<i32>} : memref<120x64xf32, #tpu.memory_space<vmem>>, vector<16xf32>,
      %mul3A_2343 = vector.broadcast %reduce_max3A_2014 : f32 to vector<16xf32>
      %mul3A_2344 = arith.mulf %mul3A_2343, %get3A_2342 : vector<16xf32>
      %add3A_2345 = arith.addf %add3A_2338, %mul3A_2344 : vector<16xf32>
      %get3A_2346 = arith.constant 59 : i32
      %get3A_2347 = arith.index_cast %get3A_2346 : i32 to index
      %get3A_2348 = arith.constant 16 : index
      %get3A_2349 = tpu.vector_load %arg10[%get3A_2347, %get3A_2348] {strides = array<i32>} : memref<120x64xf32, #tpu.memory_space<vmem>>, vector<16xf32>,
      %mul3A_2350 = vector.broadcast %reduce_max3A_2024 : f32 to vector<16xf32>
      %mul3A_2351 = arith.mulf %mul3A_2350, %get3A_2349 : vector<16xf32>
      %add3A_2352 = arith.addf %add3A_2345, %mul3A_2351 : vector<16xf32>
      %get3A_2353 = arith.constant 60 : i32
      %get3A_2354 = arith.index_cast %get3A_2353 : i32 to index
      %get3A_2355 = arith.constant 16 : index
      %get3A_2356 = tpu.vector_load %arg10[%get3A_2354, %get3A_2355] {strides = array<i32>} : memref<120x64xf32, #tpu.memory_space<vmem>>, vector<16xf32>,
      %mul3A_2357 = vector.broadcast %reduce_max3A_2034 : f32 to vector<16xf32>
      %mul3A_2358 = arith.mulf %mul3A_2357, %get3A_2356 : vector<16xf32>
      %add3A_2359 = arith.addf %add3A_2352, %mul3A_2358 : vector<16xf32>
      %get3A_2360 = arith.constant 61 : i32
      %get3A_2361 = arith.index_cast %get3A_2360 : i32 to index
      %get3A_2362 = arith.constant 16 : index
      %get3A_2363 = tpu.vector_load %arg10[%get3A_2361, %get3A_2362] {strides = array<i32>} : memref<120x64xf32, #tpu.memory_space<vmem>>, vector<16xf32>,
      %mul3A_2364 = vector.broadcast %reduce_max3A_2044 : f32 to vector<16xf32>
      %mul3A_2365 = arith.mulf %mul3A_2364, %get3A_2363 : vector<16xf32>
      %add3A_2366 = arith.addf %add3A_2359, %mul3A_2365 : vector<16xf32>
      %get3A_2367 = arith.constant 62 : i32
      %get3A_2368 = arith.index_cast %get3A_2367 : i32 to index
      %get3A_2369 = arith.constant 16 : index
      %get3A_2370 = tpu.vector_load %arg10[%get3A_2368, %get3A_2369] {strides = array<i32>} : memref<120x64xf32, #tpu.memory_space<vmem>>, vector<16xf32>,
      %mul3A_2371 = vector.broadcast %reduce_max3A_2054 : f32 to vector<16xf32>
      %mul3A_2372 = arith.mulf %mul3A_2371, %get3A_2370 : vector<16xf32>
      %add3A_2373 = arith.addf %add3A_2366, %mul3A_2372 : vector<16xf32>
      %get3A_2374 = arith.constant 63 : i32
      %get3A_2375 = arith.index_cast %get3A_2374 : i32 to index
      %get3A_2376 = arith.constant 16 : index
      %get3A_2377 = tpu.vector_load %arg10[%get3A_2375, %get3A_2376] {strides = array<i32>} : memref<120x64xf32, #tpu.memory_space<vmem>>, vector<16xf32>,
      %mul3A_2378 = vector.broadcast %reduce_max3A_2064 : f32 to vector<16xf32>
      %mul3A_2379 = arith.mulf %mul3A_2378, %get3A_2377 : vector<16xf32>
      %add3A_2380 = arith.addf %add3A_2373, %mul3A_2379 : vector<16xf32>
      %get3A_2381 = arith.constant 64 : i32
      %get3A_2382 = arith.index_cast %get3A_2381 : i32 to index
      %get3A_2383 = arith.constant 16 : index
      %get3A_2384 = tpu.vector_load %arg10[%get3A_2382, %get3A_2383] {strides = array<i32>} : memref<120x64xf32, #tpu.memory_space<vmem>>, vector<16xf32>,
      %mul3A_2385 = vector.broadcast %reduce_max3A_2074 : f32 to vector<16xf32>
      %mul3A_2386 = arith.mulf %mul3A_2385, %get3A_2384 : vector<16xf32>
      %add3A_2387 = arith.addf %add3A_2380, %mul3A_2386 : vector<16xf32>
      %get3A_2388 = arith.constant 65 : i32
      %get3A_2389 = arith.index_cast %get3A_2388 : i32 to index
      %get3A_2390 = arith.constant 16 : index
      %get3A_2391 = tpu.vector_load %arg10[%get3A_2389, %get3A_2390] {strides = array<i32>} : memref<120x64xf32, #tpu.memory_space<vmem>>, vector<16xf32>,
      %mul3A_2392 = vector.broadcast %reduce_max3A_2084 : f32 to vector<16xf32>
      %mul3A_2393 = arith.mulf %mul3A_2392, %get3A_2391 : vector<16xf32>
      %add3A_2394 = arith.addf %add3A_2387, %mul3A_2393 : vector<16xf32>
      %get3A_2395 = arith.constant 66 : i32
      %get3A_2396 = arith.index_cast %get3A_2395 : i32 to index
      %get3A_2397 = arith.constant 16 : index
      %get3A_2398 = tpu.vector_load %arg10[%get3A_2396, %get3A_2397] {strides = array<i32>} : memref<120x64xf32, #tpu.memory_space<vmem>>, vector<16xf32>,
      %mul3A_2399 = vector.broadcast %reduce_max3A_2094 : f32 to vector<16xf32>
      %mul3A_2400 = arith.mulf %mul3A_2399, %get3A_2398 : vector<16xf32>
      %add3A_2401 = arith.addf %add3A_2394, %mul3A_2400 : vector<16xf32>
      %get3A_2402 = arith.constant 67 : i32
      %get3A_2403 = arith.index_cast %get3A_2402 : i32 to index
      %get3A_2404 = arith.constant 16 : index
      %get3A_2405 = tpu.vector_load %arg10[%get3A_2403, %get3A_2404] {strides = array<i32>} : memref<120x64xf32, #tpu.memory_space<vmem>>, vector<16xf32>,
      %mul3A_2406 = vector.broadcast %reduce_max3A_2104 : f32 to vector<16xf32>
      %mul3A_2407 = arith.mulf %mul3A_2406, %get3A_2405 : vector<16xf32>
      %add3A_2408 = arith.addf %add3A_2401, %mul3A_2407 : vector<16xf32>
      %get3A_2409 = arith.constant 68 : i32
      %get3A_2410 = arith.index_cast %get3A_2409 : i32 to index
      %get3A_2411 = arith.constant 16 : index
      %get3A_2412 = tpu.vector_load %arg10[%get3A_2410, %get3A_2411] {strides = array<i32>} : memref<120x64xf32, #tpu.memory_space<vmem>>, vector<16xf32>,
      %mul3A_2413 = vector.broadcast %reduce_max3A_2114 : f32 to vector<16xf32>
      %mul3A_2414 = arith.mulf %mul3A_2413, %get3A_2412 : vector<16xf32>
      %add3A_2415 = arith.addf %add3A_2408, %mul3A_2414 : vector<16xf32>
      %div3A_2416 = arith.divf %add3A_2415, %broadcast_in_dim3A_1904 : vector<16xf32>
      %swap3A_2417 = arith.constant 144 : index
      %swap3A_2418 = tpu.vector_load %arg11[%swap3A_2417] {strides = array<i32>} : memref<320xf32, #tpu.memory_space<vmem>>, vector<16xf32>,
      tpu.vector_store %arg11[%swap3A_2417], %div3A_2416 {strides = array<i32>} : memref<320xf32, #tpu.memory_space<vmem>>, vector<16xf32>,
      %broadcast_in_dim3A_2419 = arith.constant 0.000000e+00 : f32
      %broadcast_in_dim3A_2420 = vector.broadcast %broadcast_in_dim3A_2419 : f32 to vector<16xf32>
      %get3A_2421 = arith.constant 48 : i32
      %get3A_2422 = arith.index_cast %get3A_2421 : i32 to index
      %get3A_2423 = arith.constant 32 : index
      %get3A_2424 = tpu.vector_load %arg10[%get3A_2422, %get3A_2423] {strides = array<i32>} : memref<120x64xf32, #tpu.memory_space<vmem>>, vector<16xf32>,
      %mul3A_2425 = vector.broadcast %reduce_max3A_1914 : f32 to vector<16xf32>
      %mul3A_2426 = arith.mulf %mul3A_2425, %get3A_2424 : vector<16xf32>
      %add3A_2427 = arith.addf %broadcast_in_dim3A_2420, %mul3A_2426 : vector<16xf32>
      %get3A_2428 = arith.constant 49 : i32
      %get3A_2429 = arith.index_cast %get3A_2428 : i32 to index
      %get3A_2430 = arith.constant 32 : index
      %get3A_2431 = tpu.vector_load %arg10[%get3A_2429, %get3A_2430] {strides = array<i32>} : memref<120x64xf32, #tpu.memory_space<vmem>>, vector<16xf32>,
      %mul3A_2432 = vector.broadcast %reduce_max3A_1924 : f32 to vector<16xf32>
      %mul3A_2433 = arith.mulf %mul3A_2432, %get3A_2431 : vector<16xf32>
      %add3A_2434 = arith.addf %add3A_2427, %mul3A_2433 : vector<16xf32>
      %get3A_2435 = arith.constant 50 : i32
      %get3A_2436 = arith.index_cast %get3A_2435 : i32 to index
      %get3A_2437 = arith.constant 32 : index
      %get3A_2438 = tpu.vector_load %arg10[%get3A_2436, %get3A_2437] {strides = array<i32>} : memref<120x64xf32, #tpu.memory_space<vmem>>, vector<16xf32>,
      %mul3A_2439 = vector.broadcast %reduce_max3A_1934 : f32 to vector<16xf32>
      %mul3A_2440 = arith.mulf %mul3A_2439, %get3A_2438 : vector<16xf32>
      %add3A_2441 = arith.addf %add3A_2434, %mul3A_2440 : vector<16xf32>
      %get3A_2442 = arith.constant 51 : i32
      %get3A_2443 = arith.index_cast %get3A_2442 : i32 to index
      %get3A_2444 = arith.constant 32 : index
      %get3A_2445 = tpu.vector_load %arg10[%get3A_2443, %get3A_2444] {strides = array<i32>} : memref<120x64xf32, #tpu.memory_space<vmem>>, vector<16xf32>,
      %mul3A_2446 = vector.broadcast %reduce_max3A_1944 : f32 to vector<16xf32>
      %mul3A_2447 = arith.mulf %mul3A_2446, %get3A_2445 : vector<16xf32>
      %add3A_2448 = arith.addf %add3A_2441, %mul3A_2447 : vector<16xf32>
      %get3A_2449 = arith.constant 52 : i32
      %get3A_2450 = arith.index_cast %get3A_2449 : i32 to index
      %get3A_2451 = arith.constant 32 : index
      %get3A_2452 = tpu.vector_load %arg10[%get3A_2450, %get3A_2451] {strides = array<i32>} : memref<120x64xf32, #tpu.memory_space<vmem>>, vector<16xf32>,
      %mul3A_2453 = vector.broadcast %reduce_max3A_1954 : f32 to vector<16xf32>
      %mul3A_2454 = arith.mulf %mul3A_2453, %get3A_2452 : vector<16xf32>
      %add3A_2455 = arith.addf %add3A_2448, %mul3A_2454 : vector<16xf32>
      %get3A_2456 = arith.constant 53 : i32
      %get3A_2457 = arith.index_cast %get3A_2456 : i32 to index
      %get3A_2458 = arith.constant 32 : index
      %get3A_2459 = tpu.vector_load %arg10[%get3A_2457, %get3A_2458] {strides = array<i32>} : memref<120x64xf32, #tpu.memory_space<vmem>>, vector<16xf32>,
      %mul3A_2460 = vector.broadcast %reduce_max3A_1964 : f32 to vector<16xf32>
      %mul3A_2461 = arith.mulf %mul3A_2460, %get3A_2459 : vector<16xf32>
      %add3A_2462 = arith.addf %add3A_2455, %mul3A_2461 : vector<16xf32>
      %get3A_2463 = arith.constant 54 : i32
      %get3A_2464 = arith.index_cast %get3A_2463 : i32 to index
      %get3A_2465 = arith.constant 32 : index
      %get3A_2466 = tpu.vector_load %arg10[%get3A_2464, %get3A_2465] {strides = array<i32>} : memref<120x64xf32, #tpu.memory_space<vmem>>, vector<16xf32>,
      %mul3A_2467 = vector.broadcast %reduce_max3A_1974 : f32 to vector<16xf32>
      %mul3A_2468 = arith.mulf %mul3A_2467, %get3A_2466 : vector<16xf32>
      %add3A_2469 = arith.addf %add3A_2462, %mul3A_2468 : vector<16xf32>
      %get3A_2470 = arith.constant 55 : i32
      %get3A_2471 = arith.index_cast %get3A_2470 : i32 to index
      %get3A_2472 = arith.constant 32 : index
      %get3A_2473 = tpu.vector_load %arg10[%get3A_2471, %get3A_2472] {strides = array<i32>} : memref<120x64xf32, #tpu.memory_space<vmem>>, vector<16xf32>,
      %mul3A_2474 = vector.broadcast %reduce_max3A_1984 : f32 to vector<16xf32>
      %mul3A_2475 = arith.mulf %mul3A_2474, %get3A_2473 : vector<16xf32>
      %add3A_2476 = arith.addf %add3A_2469, %mul3A_2475 : vector<16xf32>
      %get3A_2477 = arith.constant 56 : i32
      %get3A_2478 = arith.index_cast %get3A_2477 : i32 to index
      %get3A_2479 = arith.constant 32 : index
      %get3A_2480 = tpu.vector_load %arg10[%get3A_2478, %get3A_2479] {strides = array<i32>} : memref<120x64xf32, #tpu.memory_space<vmem>>, vector<16xf32>,
      %mul3A_2481 = vector.broadcast %reduce_max3A_1994 : f32 to vector<16xf32>
      %mul3A_2482 = arith.mulf %mul3A_2481, %get3A_2480 : vector<16xf32>
      %add3A_2483 = arith.addf %add3A_2476, %mul3A_2482 : vector<16xf32>
      %get3A_2484 = arith.constant 57 : i32
      %get3A_2485 = arith.index_cast %get3A_2484 : i32 to index
      %get3A_2486 = arith.constant 32 : index
      %get3A_2487 = tpu.vector_load %arg10[%get3A_2485, %get3A_2486] {strides = array<i32>} : memref<120x64xf32, #tpu.memory_space<vmem>>, vector<16xf32>,
      %mul3A_2488 = vector.broadcast %reduce_max3A_2004 : f32 to vector<16xf32>
      %mul3A_2489 = arith.mulf %mul3A_2488, %get3A_2487 : vector<16xf32>
      %add3A_2490 = arith.addf %add3A_2483, %mul3A_2489 : vector<16xf32>
      %get3A_2491 = arith.constant 58 : i32
      %get3A_2492 = arith.index_cast %get3A_2491 : i32 to index
      %get3A_2493 = arith.constant 32 : index
      %get3A_2494 = tpu.vector_load %arg10[%get3A_2492, %get3A_2493] {strides = array<i32>} : memref<120x64xf32, #tpu.memory_space<vmem>>, vector<16xf32>,
      %mul3A_2495 = vector.broadcast %reduce_max3A_2014 : f32 to vector<16xf32>
      %mul3A_2496 = arith.mulf %mul3A_2495, %get3A_2494 : vector<16xf32>
      %add3A_2497 = arith.addf %add3A_2490, %mul3A_2496 : vector<16xf32>
      %get3A_2498 = arith.constant 59 : i32
      %get3A_2499 = arith.index_cast %get3A_2498 : i32 to index
      %get3A_2500 = arith.constant 32 : index
      %get3A_2501 = tpu.vector_load %arg10[%get3A_2499, %get3A_2500] {strides = array<i32>} : memref<120x64xf32, #tpu.memory_space<vmem>>, vector<16xf32>,
      %mul3A_2502 = vector.broadcast %reduce_max3A_2024 : f32 to vector<16xf32>
      %mul3A_2503 = arith.mulf %mul3A_2502, %get3A_2501 : vector<16xf32>
      %add3A_2504 = arith.addf %add3A_2497, %mul3A_2503 : vector<16xf32>
      %get3A_2505 = arith.constant 60 : i32
      %get3A_2506 = arith.index_cast %get3A_2505 : i32 to index
      %get3A_2507 = arith.constant 32 : index
      %get3A_2508 = tpu.vector_load %arg10[%get3A_2506, %get3A_2507] {strides = array<i32>} : memref<120x64xf32, #tpu.memory_space<vmem>>, vector<16xf32>,
      %mul3A_2509 = vector.broadcast %reduce_max3A_2034 : f32 to vector<16xf32>
      %mul3A_2510 = arith.mulf %mul3A_2509, %get3A_2508 : vector<16xf32>
      %add3A_2511 = arith.addf %add3A_2504, %mul3A_2510 : vector<16xf32>
      %get3A_2512 = arith.constant 61 : i32
      %get3A_2513 = arith.index_cast %get3A_2512 : i32 to index
      %get3A_2514 = arith.constant 32 : index
      %get3A_2515 = tpu.vector_load %arg10[%get3A_2513, %get3A_2514] {strides = array<i32>} : memref<120x64xf32, #tpu.memory_space<vmem>>, vector<16xf32>,
      %mul3A_2516 = vector.broadcast %reduce_max3A_2044 : f32 to vector<16xf32>
      %mul3A_2517 = arith.mulf %mul3A_2516, %get3A_2515 : vector<16xf32>
      %add3A_2518 = arith.addf %add3A_2511, %mul3A_2517 : vector<16xf32>
      %get3A_2519 = arith.constant 62 : i32
      %get3A_2520 = arith.index_cast %get3A_2519 : i32 to index
      %get3A_2521 = arith.constant 32 : index
      %get3A_2522 = tpu.vector_load %arg10[%get3A_2520, %get3A_2521] {strides = array<i32>} : memref<120x64xf32, #tpu.memory_space<vmem>>, vector<16xf32>,
      %mul3A_2523 = vector.broadcast %reduce_max3A_2054 : f32 to vector<16xf32>
      %mul3A_2524 = arith.mulf %mul3A_2523, %get3A_2522 : vector<16xf32>
      %add3A_2525 = arith.addf %add3A_2518, %mul3A_2524 : vector<16xf32>
      %get3A_2526 = arith.constant 63 : i32
      %get3A_2527 = arith.index_cast %get3A_2526 : i32 to index
      %get3A_2528 = arith.constant 32 : index
      %get3A_2529 = tpu.vector_load %arg10[%get3A_2527, %get3A_2528] {strides = array<i32>} : memref<120x64xf32, #tpu.memory_space<vmem>>, vector<16xf32>,
      %mul3A_2530 = vector.broadcast %reduce_max3A_2064 : f32 to vector<16xf32>
      %mul3A_2531 = arith.mulf %mul3A_2530, %get3A_2529 : vector<16xf32>
      %add3A_2532 = arith.addf %add3A_2525, %mul3A_2531 : vector<16xf32>
      %get3A_2533 = arith.constant 64 : i32
      %get3A_2534 = arith.index_cast %get3A_2533 : i32 to index
      %get3A_2535 = arith.constant 32 : index
      %get3A_2536 = tpu.vector_load %arg10[%get3A_2534, %get3A_2535] {strides = array<i32>} : memref<120x64xf32, #tpu.memory_space<vmem>>, vector<16xf32>,
      %mul3A_2537 = vector.broadcast %reduce_max3A_2074 : f32 to vector<16xf32>
      %mul3A_2538 = arith.mulf %mul3A_2537, %get3A_2536 : vector<16xf32>
      %add3A_2539 = arith.addf %add3A_2532, %mul3A_2538 : vector<16xf32>
      %get3A_2540 = arith.constant 65 : i32
      %get3A_2541 = arith.index_cast %get3A_2540 : i32 to index
      %get3A_2542 = arith.constant 32 : index
      %get3A_2543 = tpu.vector_load %arg10[%get3A_2541, %get3A_2542] {strides = array<i32>} : memref<120x64xf32, #tpu.memory_space<vmem>>, vector<16xf32>,
      %mul3A_2544 = vector.broadcast %reduce_max3A_2084 : f32 to vector<16xf32>
      %mul3A_2545 = arith.mulf %mul3A_2544, %get3A_2543 : vector<16xf32>
      %add3A_2546 = arith.addf %add3A_2539, %mul3A_2545 : vector<16xf32>
      %get3A_2547 = arith.constant 66 : i32
      %get3A_2548 = arith.index_cast %get3A_2547 : i32 to index
      %get3A_2549 = arith.constant 32 : index
      %get3A_2550 = tpu.vector_load %arg10[%get3A_2548, %get3A_2549] {strides = array<i32>} : memref<120x64xf32, #tpu.memory_space<vmem>>, vector<16xf32>,
      %mul3A_2551 = vector.broadcast %reduce_max3A_2094 : f32 to vector<16xf32>
      %mul3A_2552 = arith.mulf %mul3A_2551, %get3A_2550 : vector<16xf32>
      %add3A_2553 = arith.addf %add3A_2546, %mul3A_2552 : vector<16xf32>
      %get3A_2554 = arith.constant 67 : i32
      %get3A_2555 = arith.index_cast %get3A_2554 : i32 to index
      %get3A_2556 = arith.constant 32 : index
      %get3A_2557 = tpu.vector_load %arg10[%get3A_2555, %get3A_2556] {strides = array<i32>} : memref<120x64xf32, #tpu.memory_space<vmem>>, vector<16xf32>,
      %mul3A_2558 = vector.broadcast %reduce_max3A_2104 : f32 to vector<16xf32>
      %mul3A_2559 = arith.mulf %mul3A_2558, %get3A_2557 : vector<16xf32>
      %add3A_2560 = arith.addf %add3A_2553, %mul3A_2559 : vector<16xf32>
      %get3A_2561 = arith.constant 68 : i32
      %get3A_2562 = arith.index_cast %get3A_2561 : i32 to index
      %get3A_2563 = arith.constant 32 : index
      %get3A_2564 = tpu.vector_load %arg10[%get3A_2562, %get3A_2563] {strides = array<i32>} : memref<120x64xf32, #tpu.memory_space<vmem>>, vector<16xf32>,
      %mul3A_2565 = vector.broadcast %reduce_max3A_2114 : f32 to vector<16xf32>
      %mul3A_2566 = arith.mulf %mul3A_2565, %get3A_2564 : vector<16xf32>
      %add3A_2567 = arith.addf %add3A_2560, %mul3A_2566 : vector<16xf32>
      %div3A_2568 = arith.divf %add3A_2567, %broadcast_in_dim3A_1904 : vector<16xf32>
      %swap3A_2569 = arith.constant 160 : index
      %swap3A_2570 = tpu.vector_load %arg11[%swap3A_2569] {strides = array<i32>} : memref<320xf32, #tpu.memory_space<vmem>>, vector<16xf32>,
      tpu.vector_store %arg11[%swap3A_2569], %div3A_2568 {strides = array<i32>} : memref<320xf32, #tpu.memory_space<vmem>>, vector<16xf32>,
      %broadcast_in_dim3A_2571 = arith.constant 0.000000e+00 : f32
      %broadcast_in_dim3A_2572 = vector.broadcast %broadcast_in_dim3A_2571 : f32 to vector<16xf32>
      %get3A_2573 = arith.constant 48 : i32
      %get3A_2574 = arith.index_cast %get3A_2573 : i32 to index
      %get3A_2575 = arith.constant 48 : index
      %get3A_2576 = tpu.vector_load %arg10[%get3A_2574, %get3A_2575] {strides = array<i32>} : memref<120x64xf32, #tpu.memory_space<vmem>>, vector<16xf32>,
      %mul3A_2577 = vector.broadcast %reduce_max3A_1914 : f32 to vector<16xf32>
      %mul3A_2578 = arith.mulf %mul3A_2577, %get3A_2576 : vector<16xf32>
      %add3A_2579 = arith.addf %broadcast_in_dim3A_2572, %mul3A_2578 : vector<16xf32>
      %get3A_2580 = arith.constant 49 : i32
      %get3A_2581 = arith.index_cast %get3A_2580 : i32 to index
      %get3A_2582 = arith.constant 48 : index
      %get3A_2583 = tpu.vector_load %arg10[%get3A_2581, %get3A_2582] {strides = array<i32>} : memref<120x64xf32, #tpu.memory_space<vmem>>, vector<16xf32>,
      %mul3A_2584 = vector.broadcast %reduce_max3A_1924 : f32 to vector<16xf32>
      %mul3A_2585 = arith.mulf %mul3A_2584, %get3A_2583 : vector<16xf32>
      %add3A_2586 = arith.addf %add3A_2579, %mul3A_2585 : vector<16xf32>
      %get3A_2587 = arith.constant 50 : i32
      %get3A_2588 = arith.index_cast %get3A_2587 : i32 to index
      %get3A_2589 = arith.constant 48 : index
      %get3A_2590 = tpu.vector_load %arg10[%get3A_2588, %get3A_2589] {strides = array<i32>} : memref<120x64xf32, #tpu.memory_space<vmem>>, vector<16xf32>,
      %mul3A_2591 = vector.broadcast %reduce_max3A_1934 : f32 to vector<16xf32>
      %mul3A_2592 = arith.mulf %mul3A_2591, %get3A_2590 : vector<16xf32>
      %add3A_2593 = arith.addf %add3A_2586, %mul3A_2592 : vector<16xf32>
      %get3A_2594 = arith.constant 51 : i32
      %get3A_2595 = arith.index_cast %get3A_2594 : i32 to index
      %get3A_2596 = arith.constant 48 : index
      %get3A_2597 = tpu.vector_load %arg10[%get3A_2595, %get3A_2596] {strides = array<i32>} : memref<120x64xf32, #tpu.memory_space<vmem>>, vector<16xf32>,
      %mul3A_2598 = vector.broadcast %reduce_max3A_1944 : f32 to vector<16xf32>
      %mul3A_2599 = arith.mulf %mul3A_2598, %get3A_2597 : vector<16xf32>
      %add3A_2600 = arith.addf %add3A_2593, %mul3A_2599 : vector<16xf32>
      %get3A_2601 = arith.constant 52 : i32
      %get3A_2602 = arith.index_cast %get3A_2601 : i32 to index
      %get3A_2603 = arith.constant 48 : index
      %get3A_2604 = tpu.vector_load %arg10[%get3A_2602, %get3A_2603] {strides = array<i32>} : memref<120x64xf32, #tpu.memory_space<vmem>>, vector<16xf32>,
      %mul3A_2605 = vector.broadcast %reduce_max3A_1954 : f32 to vector<16xf32>
      %mul3A_2606 = arith.mulf %mul3A_2605, %get3A_2604 : vector<16xf32>
      %add3A_2607 = arith.addf %add3A_2600, %mul3A_2606 : vector<16xf32>
      %get3A_2608 = arith.constant 53 : i32
      %get3A_2609 = arith.index_cast %get3A_2608 : i32 to index
      %get3A_2610 = arith.constant 48 : index
      %get3A_2611 = tpu.vector_load %arg10[%get3A_2609, %get3A_2610] {strides = array<i32>} : memref<120x64xf32, #tpu.memory_space<vmem>>, vector<16xf32>,
      %mul3A_2612 = vector.broadcast %reduce_max3A_1964 : f32 to vector<16xf32>
      %mul3A_2613 = arith.mulf %mul3A_2612, %get3A_2611 : vector<16xf32>
      %add3A_2614 = arith.addf %add3A_2607, %mul3A_2613 : vector<16xf32>
      %get3A_2615 = arith.constant 54 : i32
      %get3A_2616 = arith.index_cast %get3A_2615 : i32 to index
      %get3A_2617 = arith.constant 48 : index
      %get3A_2618 = tpu.vector_load %arg10[%get3A_2616, %get3A_2617] {strides = array<i32>} : memref<120x64xf32, #tpu.memory_space<vmem>>, vector<16xf32>,
      %mul3A_2619 = vector.broadcast %reduce_max3A_1974 : f32 to vector<16xf32>
      %mul3A_2620 = arith.mulf %mul3A_2619, %get3A_2618 : vector<16xf32>
      %add3A_2621 = arith.addf %add3A_2614, %mul3A_2620 : vector<16xf32>
      %get3A_2622 = arith.constant 55 : i32
      %get3A_2623 = arith.index_cast %get3A_2622 : i32 to index
      %get3A_2624 = arith.constant 48 : index
      %get3A_2625 = tpu.vector_load %arg10[%get3A_2623, %get3A_2624] {strides = array<i32>} : memref<120x64xf32, #tpu.memory_space<vmem>>, vector<16xf32>,
      %mul3A_2626 = vector.broadcast %reduce_max3A_1984 : f32 to vector<16xf32>
      %mul3A_2627 = arith.mulf %mul3A_2626, %get3A_2625 : vector<16xf32>
      %add3A_2628 = arith.addf %add3A_2621, %mul3A_2627 : vector<16xf32>
      %get3A_2629 = arith.constant 56 : i32
      %get3A_2630 = arith.index_cast %get3A_2629 : i32 to index
      %get3A_2631 = arith.constant 48 : index
      %get3A_2632 = tpu.vector_load %arg10[%get3A_2630, %get3A_2631] {strides = array<i32>} : memref<120x64xf32, #tpu.memory_space<vmem>>, vector<16xf32>,
      %mul3A_2633 = vector.broadcast %reduce_max3A_1994 : f32 to vector<16xf32>
      %mul3A_2634 = arith.mulf %mul3A_2633, %get3A_2632 : vector<16xf32>
      %add3A_2635 = arith.addf %add3A_2628, %mul3A_2634 : vector<16xf32>
      %get3A_2636 = arith.constant 57 : i32
      %get3A_2637 = arith.index_cast %get3A_2636 : i32 to index
      %get3A_2638 = arith.constant 48 : index
      %get3A_2639 = tpu.vector_load %arg10[%get3A_2637, %get3A_2638] {strides = array<i32>} : memref<120x64xf32, #tpu.memory_space<vmem>>, vector<16xf32>,
      %mul3A_2640 = vector.broadcast %reduce_max3A_2004 : f32 to vector<16xf32>
      %mul3A_2641 = arith.mulf %mul3A_2640, %get3A_2639 : vector<16xf32>
      %add3A_2642 = arith.addf %add3A_2635, %mul3A_2641 : vector<16xf32>
      %get3A_2643 = arith.constant 58 : i32
      %get3A_2644 = arith.index_cast %get3A_2643 : i32 to index
      %get3A_2645 = arith.constant 48 : index
      %get3A_2646 = tpu.vector_load %arg10[%get3A_2644, %get3A_2645] {strides = array<i32>} : memref<120x64xf32, #tpu.memory_space<vmem>>, vector<16xf32>,
      %mul3A_2647 = vector.broadcast %reduce_max3A_2014 : f32 to vector<16xf32>
      %mul3A_2648 = arith.mulf %mul3A_2647, %get3A_2646 : vector<16xf32>
      %add3A_2649 = arith.addf %add3A_2642, %mul3A_2648 : vector<16xf32>
      %get3A_2650 = arith.constant 59 : i32
      %get3A_2651 = arith.index_cast %get3A_2650 : i32 to index
      %get3A_2652 = arith.constant 48 : index
      %get3A_2653 = tpu.vector_load %arg10[%get3A_2651, %get3A_2652] {strides = array<i32>} : memref<120x64xf32, #tpu.memory_space<vmem>>, vector<16xf32>,
      %mul3A_2654 = vector.broadcast %reduce_max3A_2024 : f32 to vector<16xf32>
      %mul3A_2655 = arith.mulf %mul3A_2654, %get3A_2653 : vector<16xf32>
      %add3A_2656 = arith.addf %add3A_2649, %mul3A_2655 : vector<16xf32>
      %get3A_2657 = arith.constant 60 : i32
      %get3A_2658 = arith.index_cast %get3A_2657 : i32 to index
      %get3A_2659 = arith.constant 48 : index
      %get3A_2660 = tpu.vector_load %arg10[%get3A_2658, %get3A_2659] {strides = array<i32>} : memref<120x64xf32, #tpu.memory_space<vmem>>, vector<16xf32>,
      %mul3A_2661 = vector.broadcast %reduce_max3A_2034 : f32 to vector<16xf32>
      %mul3A_2662 = arith.mulf %mul3A_2661, %get3A_2660 : vector<16xf32>
      %add3A_2663 = arith.addf %add3A_2656, %mul3A_2662 : vector<16xf32>
      %get3A_2664 = arith.constant 61 : i32
      %get3A_2665 = arith.index_cast %get3A_2664 : i32 to index
      %get3A_2666 = arith.constant 48 : index
      %get3A_2667 = tpu.vector_load %arg10[%get3A_2665, %get3A_2666] {strides = array<i32>} : memref<120x64xf32, #tpu.memory_space<vmem>>, vector<16xf32>,
      %mul3A_2668 = vector.broadcast %reduce_max3A_2044 : f32 to vector<16xf32>
      %mul3A_2669 = arith.mulf %mul3A_2668, %get3A_2667 : vector<16xf32>
      %add3A_2670 = arith.addf %add3A_2663, %mul3A_2669 : vector<16xf32>
      %get3A_2671 = arith.constant 62 : i32
      %get3A_2672 = arith.index_cast %get3A_2671 : i32 to index
      %get3A_2673 = arith.constant 48 : index
      %get3A_2674 = tpu.vector_load %arg10[%get3A_2672, %get3A_2673] {strides = array<i32>} : memref<120x64xf32, #tpu.memory_space<vmem>>, vector<16xf32>,
      %mul3A_2675 = vector.broadcast %reduce_max3A_2054 : f32 to vector<16xf32>
      %mul3A_2676 = arith.mulf %mul3A_2675, %get3A_2674 : vector<16xf32>
      %add3A_2677 = arith.addf %add3A_2670, %mul3A_2676 : vector<16xf32>
      %get3A_2678 = arith.constant 63 : i32
      %get3A_2679 = arith.index_cast %get3A_2678 : i32 to index
      %get3A_2680 = arith.constant 48 : index
      %get3A_2681 = tpu.vector_load %arg10[%get3A_2679, %get3A_2680] {strides = array<i32>} : memref<120x64xf32, #tpu.memory_space<vmem>>, vector<16xf32>,
      %mul3A_2682 = vector.broadcast %reduce_max3A_2064 : f32 to vector<16xf32>
      %mul3A_2683 = arith.mulf %mul3A_2682, %get3A_2681 : vector<16xf32>
      %add3A_2684 = arith.addf %add3A_2677, %mul3A_2683 : vector<16xf32>
      %get3A_2685 = arith.constant 64 : i32
      %get3A_2686 = arith.index_cast %get3A_2685 : i32 to index
      %get3A_2687 = arith.constant 48 : index
      %get3A_2688 = tpu.vector_load %arg10[%get3A_2686, %get3A_2687] {strides = array<i32>} : memref<120x64xf32, #tpu.memory_space<vmem>>, vector<16xf32>,
      %mul3A_2689 = vector.broadcast %reduce_max3A_2074 : f32 to vector<16xf32>
      %mul3A_2690 = arith.mulf %mul3A_2689, %get3A_2688 : vector<16xf32>
      %add3A_2691 = arith.addf %add3A_2684, %mul3A_2690 : vector<16xf32>
      %get3A_2692 = arith.constant 65 : i32
      %get3A_2693 = arith.index_cast %get3A_2692 : i32 to index
      %get3A_2694 = arith.constant 48 : index
      %get3A_2695 = tpu.vector_load %arg10[%get3A_2693, %get3A_2694] {strides = array<i32>} : memref<120x64xf32, #tpu.memory_space<vmem>>, vector<16xf32>,
      %mul3A_2696 = vector.broadcast %reduce_max3A_2084 : f32 to vector<16xf32>
      %mul3A_2697 = arith.mulf %mul3A_2696, %get3A_2695 : vector<16xf32>
      %add3A_2698 = arith.addf %add3A_2691, %mul3A_2697 : vector<16xf32>
      %get3A_2699 = arith.constant 66 : i32
      %get3A_2700 = arith.index_cast %get3A_2699 : i32 to index
      %get3A_2701 = arith.constant 48 : index
      %get3A_2702 = tpu.vector_load %arg10[%get3A_2700, %get3A_2701] {strides = array<i32>} : memref<120x64xf32, #tpu.memory_space<vmem>>, vector<16xf32>,
      %mul3A_2703 = vector.broadcast %reduce_max3A_2094 : f32 to vector<16xf32>
      %mul3A_2704 = arith.mulf %mul3A_2703, %get3A_2702 : vector<16xf32>
      %add3A_2705 = arith.addf %add3A_2698, %mul3A_2704 : vector<16xf32>
      %get3A_2706 = arith.constant 67 : i32
      %get3A_2707 = arith.index_cast %get3A_2706 : i32 to index
      %get3A_2708 = arith.constant 48 : index
      %get3A_2709 = tpu.vector_load %arg10[%get3A_2707, %get3A_2708] {strides = array<i32>} : memref<120x64xf32, #tpu.memory_space<vmem>>, vector<16xf32>,
      %mul3A_2710 = vector.broadcast %reduce_max3A_2104 : f32 to vector<16xf32>
      %mul3A_2711 = arith.mulf %mul3A_2710, %get3A_2709 : vector<16xf32>
      %add3A_2712 = arith.addf %add3A_2705, %mul3A_2711 : vector<16xf32>
      %get3A_2713 = arith.constant 68 : i32
      %get3A_2714 = arith.index_cast %get3A_2713 : i32 to index
      %get3A_2715 = arith.constant 48 : index
      %get3A_2716 = tpu.vector_load %arg10[%get3A_2714, %get3A_2715] {strides = array<i32>} : memref<120x64xf32, #tpu.memory_space<vmem>>, vector<16xf32>,
      %mul3A_2717 = vector.broadcast %reduce_max3A_2114 : f32 to vector<16xf32>
      %mul3A_2718 = arith.mulf %mul3A_2717, %get3A_2716 : vector<16xf32>
      %add3A_2719 = arith.addf %add3A_2712, %mul3A_2718 : vector<16xf32>
      %div3A_2720 = arith.divf %add3A_2719, %broadcast_in_dim3A_1904 : vector<16xf32>
      %swap3A_2721 = arith.constant 176 : index
      %swap3A_2722 = tpu.vector_load %arg11[%swap3A_2721] {strides = array<i32>} : memref<320xf32, #tpu.memory_space<vmem>>, vector<16xf32>,
      tpu.vector_store %arg11[%swap3A_2721], %div3A_2720 {strides = array<i32>} : memref<320xf32, #tpu.memory_space<vmem>>, vector<16xf32>,
      %add3A_2723 = arith.constant 3 : i32
      %add3A_2724 = arith.addi %add3A_29, %add3A_2723 : i32
      %get3A_2725 = arith.constant 72 : index
      %get3A_2726 = tpu.vector_load %arg9[%get3A_2725] {strides = array<i32>} : memref<120xi32, #tpu.memory_space<vmem>>, vector<16xi32>,
      %get3A_2727 = arith.constant 80 : index
      %get3A_2728 = tpu.vector_load %arg9[%get3A_2727] {strides = array<i32>} : memref<120xi32, #tpu.memory_space<vmem>>, vector<16xi32>,
      %sub3A_2729 = vector.broadcast %mul3A_20 : i32 to vector<16xi32>
      %sub3A_2730 = arith.subi %get3A_2726, %sub3A_2729 : vector<16xi32>
      %gather3A_2731 = tpu.vector_load_idx %arg8[%sub3A_2730] : memref<10000xf32, #tpu.memory_space<vmem>>[vector<16xi32>], vector<16xf32>,
      %sub3A_2732 = vector.broadcast %mul3A_20 : i32 to vector<16xi32>
      %sub3A_2733 = arith.subi %get3A_2728, %sub3A_2732 : vector<16xi32>
      %gather3A_2734 = tpu.vector_load_idx %arg8[%sub3A_2733] : memref<10000xf32, #tpu.memory_space<vmem>>[vector<16xi32>], vector<16xf32>,
      %sub3A_2735 = arith.subi %add3A_2724, %mul3A_20 : i32
      %broadcast_in_dim3A_2736 = vector.broadcast %sub3A_2735 : i32 to vector<16xi32>
      %gather3A_2737 = tpu.vector_load_idx %arg7[%broadcast_in_dim3A_2736] : memref<10000xf32, #tpu.memory_space<vmem>>[vector<16xi32>], vector<16xf32>,
      %add3A_2738 = arith.addf %gather3A_2737, %gather3A_2731 : vector<16xf32>
      %add3A_2739 = arith.addf %gather3A_2737, %gather3A_2734 : vector<16xf32>
      %gt3A_2740 = arith.constant 0.000000e+00 : f32
      %gt3A_2741 = vector.broadcast %gt3A_2740 : f32 to vector<16xf32>
      %gt3A_2742 = arith.cmpf ogt, %add3A_2738, %gt3A_2741 : vector<16xf32>
      %mul3A_2743 = arith.constant 2.000000e-01 : f32
      %mul3A_2744 = vector.broadcast %mul3A_2743 : f32 to vector<16xf32>
      %mul3A_2745 = arith.mulf %mul3A_2744, %add3A_2738 : vector<16xf32>
      %select_n3A_2746 = arith.select %gt3A_2742, %add3A_2738, %mul3A_2745 : vector<16xi1>, vector<16xf32>
      %gt3A_2747 = arith.constant 0.000000e+00 : f32
      %gt3A_2748 = vector.broadcast %gt3A_2747 : f32 to vector<16xf32>
      %gt3A_2749 = arith.cmpf ogt, %add3A_2739, %gt3A_2748 : vector<16xf32>
      %mul3A_2750 = arith.constant 2.000000e-01 : f32
      %mul3A_2751 = vector.broadcast %mul3A_2750 : f32 to vector<16xf32>
      %mul3A_2752 = arith.mulf %mul3A_2751, %add3A_2739 : vector<16xf32>
      %select_n3A_2753 = arith.select %gt3A_2749, %add3A_2739, %mul3A_2752 : vector<16xi1>, vector<16xf32>
      %broadcast_in_dim3A_2754 = vector.broadcast %add3A_2724 : i32 to vector<16xi32>
      %add3A_2755 = arith.constant 8 : i32
      %add3A_2756 = vector.broadcast %add3A_2755 : i32 to vector<16xi32>
      %add3A_2757 = arith.addi %iota3A, %add3A_2756 : vector<16xi32>
      %ne3A_2758 = arith.cmpi ne, %get3A_2726, %broadcast_in_dim3A_2754 : vector<16xi32>
      %eq3A_2759 = arith.constant 20 : i32
      %eq3A_2760 = vector.broadcast %eq3A_2759 : i32 to vector<16xi32>
      %eq3A_2761 = arith.cmpi eq, %add3A_2757, %eq3A_2760 : vector<16xi32>
      %ge3A_2762 = arith.constant 16 : i32
      %ge3A_2763 = vector.broadcast %ge3A_2762 : i32 to vector<16xi32>
      %ge3A_2764 = arith.cmpi sge, %add3A_2757, %ge3A_2763 : vector<16xi32>
      %lt3A_2765 = arith.constant 20 : i32
      %lt3A_2766 = vector.broadcast %lt3A_2765 : i32 to vector<16xi32>
      %lt3A_2767 = arith.cmpi slt, %add3A_2757, %lt3A_2766 : vector<16xi32>
      %and3A_2768 = arith.andi %ge3A_2764, %lt3A_2767 : vector<16xi1>
      %ne3A_2769 = arith.cmpi ne, %get3A_2728, %broadcast_in_dim3A_2754 : vector<16xi32>
      %and3A_2770 = arith.andi %and3A_2768, %ne3A_2769 : vector<16xi1>
      %or3A_2771 = arith.ori %eq3A_2761, %and3A_2770 : vector<16xi1>
      %jit3A_2772 = arith.constant -1.000000e+30 : f32
      %broadcast_in_dim3A_2773 = vector.broadcast %jit3A_2772 : f32 to vector<16xf32>
      %select_n3A_2774 = arith.select %ne3A_2758, %select_n3A_2746, %broadcast_in_dim3A_2773 : vector<16xi1>, vector<16xf32>
      %jit3A_2775 = arith.constant -1.000000e+30 : f32
      %broadcast_in_dim3A_2776 = vector.broadcast %jit3A_2775 : f32 to vector<16xf32>
      %select_n3A_2777 = arith.select %or3A_2771, %select_n3A_2753, %broadcast_in_dim3A_2776 : vector<16xi1>, vector<16xf32>
      %reduce_max3A_2778 = arith.constant true
      %reduce_max3A_2779 = vector.broadcast %reduce_max3A_2778 : i1 to vector<16xi1>
      %reduce_max3A_2780 = tpu.scan <max>, %select_n3A_2774 masked %reduce_max3A_2779 : vector<16xf32>, vector<16xi1> -> vector<16xf32>
      %reduce_max3A_2781 = vector.extract %reduce_max3A_2780[15] : f32 from vector<16xf32>
      %reduce_max3A_2782 = arith.constant true
      %reduce_max3A_2783 = vector.broadcast %reduce_max3A_2782 : i1 to vector<16xi1>
      %reduce_max3A_2784 = tpu.scan <max>, %select_n3A_2777 masked %reduce_max3A_2783 : vector<16xf32>, vector<16xi1> -> vector<16xf32>
      %reduce_max3A_2785 = vector.extract %reduce_max3A_2784[15] : f32 from vector<16xf32>
      %max3A_2786 = arith.maximumf %reduce_max3A_2781, %reduce_max3A_2785 : f32
      %sub3A_2787 = vector.broadcast %max3A_2786 : f32 to vector<16xf32>
      %sub3A_2788 = arith.subf %select_n3A_2774, %sub3A_2787 : vector<16xf32>
      %exp3A_2789 = math.exp %sub3A_2788 : vector<16xf32>
      %sub3A_2790 = vector.broadcast %max3A_2786 : f32 to vector<16xf32>
      %sub3A_2791 = arith.subf %select_n3A_2777, %sub3A_2790 : vector<16xf32>
      %exp3A_2792 = math.exp %sub3A_2791 : vector<16xf32>
      %reduce_sum3A_2793 = arith.constant true
      %reduce_sum3A_2794 = vector.broadcast %reduce_sum3A_2793 : i1 to vector<16xi1>
      %reduce_sum3A_2795 = tpu.scan <sum>, %exp3A_2789 masked %reduce_sum3A_2794 : vector<16xf32>, vector<16xi1> -> vector<16xf32>
      %reduce_sum3A_2796 = vector.extract %reduce_sum3A_2795[15] : f32 from vector<16xf32>
      %reduce_sum3A_2797 = arith.constant true
      %reduce_sum3A_2798 = vector.broadcast %reduce_sum3A_2797 : i1 to vector<16xi1>
      %reduce_sum3A_2799 = tpu.scan <sum>, %exp3A_2792 masked %reduce_sum3A_2798 : vector<16xf32>, vector<16xi1> -> vector<16xf32>
      %reduce_sum3A_2800 = vector.extract %reduce_sum3A_2799[15] : f32 from vector<16xf32>
      %add3A_2801 = arith.addf %reduce_sum3A_2796, %reduce_sum3A_2800 : f32
      %add3A_2802 = arith.constant 1.000000e-16 : f32
      %add3A_2803 = arith.addf %add3A_2801, %add3A_2802 : f32
      %broadcast_in_dim3A_2804 = vector.broadcast %add3A_2803 : f32 to vector<16xf32>
      %eq3A_2805 = arith.constant 0 : i32
      %eq3A_2806 = vector.broadcast %eq3A_2805 : i32 to vector<16xi32>
      %eq3A_2807 = arith.cmpi eq, %iota3A, %eq3A_2806 : vector<16xi32>
      %jit3A_2808 = arith.constant 0.000000e+00 : f32
      %broadcast_in_dim3A_2809 = vector.broadcast %jit3A_2808 : f32 to vector<16xf32>
      %select_n3A_2810 = arith.select %eq3A_2807, %exp3A_2789, %broadcast_in_dim3A_2809 : vector<16xi1>, vector<16xf32>
      %reduce_max3A_2811 = arith.constant true
      %reduce_max3A_2812 = vector.broadcast %reduce_max3A_2811 : i1 to vector<16xi1>
      %reduce_max3A_2813 = tpu.scan <max>, %select_n3A_2810 masked %reduce_max3A_2812 : vector<16xf32>, vector<16xi1> -> vector<16xf32>
      %reduce_max3A_2814 = vector.extract %reduce_max3A_2813[15] : f32 from vector<16xf32>
      %eq3A_2815 = arith.constant 1 : i32
      %eq3A_2816 = vector.broadcast %eq3A_2815 : i32 to vector<16xi32>
      %eq3A_2817 = arith.cmpi eq, %iota3A, %eq3A_2816 : vector<16xi32>
      %jit3A_2818 = arith.constant 0.000000e+00 : f32
      %broadcast_in_dim3A_2819 = vector.broadcast %jit3A_2818 : f32 to vector<16xf32>
      %select_n3A_2820 = arith.select %eq3A_2817, %exp3A_2789, %broadcast_in_dim3A_2819 : vector<16xi1>, vector<16xf32>
      %reduce_max3A_2821 = arith.constant true
      %reduce_max3A_2822 = vector.broadcast %reduce_max3A_2821 : i1 to vector<16xi1>
      %reduce_max3A_2823 = tpu.scan <max>, %select_n3A_2820 masked %reduce_max3A_2822 : vector<16xf32>, vector<16xi1> -> vector<16xf32>
      %reduce_max3A_2824 = vector.extract %reduce_max3A_2823[15] : f32 from vector<16xf32>
      %eq3A_2825 = arith.constant 2 : i32
      %eq3A_2826 = vector.broadcast %eq3A_2825 : i32 to vector<16xi32>
      %eq3A_2827 = arith.cmpi eq, %iota3A, %eq3A_2826 : vector<16xi32>
      %jit3A_2828 = arith.constant 0.000000e+00 : f32
      %broadcast_in_dim3A_2829 = vector.broadcast %jit3A_2828 : f32 to vector<16xf32>
      %select_n3A_2830 = arith.select %eq3A_2827, %exp3A_2789, %broadcast_in_dim3A_2829 : vector<16xi1>, vector<16xf32>
      %reduce_max3A_2831 = arith.constant true
      %reduce_max3A_2832 = vector.broadcast %reduce_max3A_2831 : i1 to vector<16xi1>
      %reduce_max3A_2833 = tpu.scan <max>, %select_n3A_2830 masked %reduce_max3A_2832 : vector<16xf32>, vector<16xi1> -> vector<16xf32>
      %reduce_max3A_2834 = vector.extract %reduce_max3A_2833[15] : f32 from vector<16xf32>
      %eq3A_2835 = arith.constant 3 : i32
      %eq3A_2836 = vector.broadcast %eq3A_2835 : i32 to vector<16xi32>
      %eq3A_2837 = arith.cmpi eq, %iota3A, %eq3A_2836 : vector<16xi32>
      %jit3A_2838 = arith.constant 0.000000e+00 : f32
      %broadcast_in_dim3A_2839 = vector.broadcast %jit3A_2838 : f32 to vector<16xf32>
      %select_n3A_2840 = arith.select %eq3A_2837, %exp3A_2789, %broadcast_in_dim3A_2839 : vector<16xi1>, vector<16xf32>
      %reduce_max3A_2841 = arith.constant true
      %reduce_max3A_2842 = vector.broadcast %reduce_max3A_2841 : i1 to vector<16xi1>
      %reduce_max3A_2843 = tpu.scan <max>, %select_n3A_2840 masked %reduce_max3A_2842 : vector<16xf32>, vector<16xi1> -> vector<16xf32>
      %reduce_max3A_2844 = vector.extract %reduce_max3A_2843[15] : f32 from vector<16xf32>
      %eq3A_2845 = arith.constant 4 : i32
      %eq3A_2846 = vector.broadcast %eq3A_2845 : i32 to vector<16xi32>
      %eq3A_2847 = arith.cmpi eq, %iota3A, %eq3A_2846 : vector<16xi32>
      %jit3A_2848 = arith.constant 0.000000e+00 : f32
      %broadcast_in_dim3A_2849 = vector.broadcast %jit3A_2848 : f32 to vector<16xf32>
      %select_n3A_2850 = arith.select %eq3A_2847, %exp3A_2789, %broadcast_in_dim3A_2849 : vector<16xi1>, vector<16xf32>
      %reduce_max3A_2851 = arith.constant true
      %reduce_max3A_2852 = vector.broadcast %reduce_max3A_2851 : i1 to vector<16xi1>
      %reduce_max3A_2853 = tpu.scan <max>, %select_n3A_2850 masked %reduce_max3A_2852 : vector<16xf32>, vector<16xi1> -> vector<16xf32>
      %reduce_max3A_2854 = vector.extract %reduce_max3A_2853[15] : f32 from vector<16xf32>
      %eq3A_2855 = arith.constant 5 : i32
      %eq3A_2856 = vector.broadcast %eq3A_2855 : i32 to vector<16xi32>
      %eq3A_2857 = arith.cmpi eq, %iota3A, %eq3A_2856 : vector<16xi32>
      %jit3A_2858 = arith.constant 0.000000e+00 : f32
      %broadcast_in_dim3A_2859 = vector.broadcast %jit3A_2858 : f32 to vector<16xf32>
      %select_n3A_2860 = arith.select %eq3A_2857, %exp3A_2789, %broadcast_in_dim3A_2859 : vector<16xi1>, vector<16xf32>
      %reduce_max3A_2861 = arith.constant true
      %reduce_max3A_2862 = vector.broadcast %reduce_max3A_2861 : i1 to vector<16xi1>
      %reduce_max3A_2863 = tpu.scan <max>, %select_n3A_2860 masked %reduce_max3A_2862 : vector<16xf32>, vector<16xi1> -> vector<16xf32>
      %reduce_max3A_2864 = vector.extract %reduce_max3A_2863[15] : f32 from vector<16xf32>
      %eq3A_2865 = arith.constant 6 : i32
      %eq3A_2866 = vector.broadcast %eq3A_2865 : i32 to vector<16xi32>
      %eq3A_2867 = arith.cmpi eq, %iota3A, %eq3A_2866 : vector<16xi32>
      %jit3A_2868 = arith.constant 0.000000e+00 : f32
      %broadcast_in_dim3A_2869 = vector.broadcast %jit3A_2868 : f32 to vector<16xf32>
      %select_n3A_2870 = arith.select %eq3A_2867, %exp3A_2789, %broadcast_in_dim3A_2869 : vector<16xi1>, vector<16xf32>
      %reduce_max3A_2871 = arith.constant true
      %reduce_max3A_2872 = vector.broadcast %reduce_max3A_2871 : i1 to vector<16xi1>
      %reduce_max3A_2873 = tpu.scan <max>, %select_n3A_2870 masked %reduce_max3A_2872 : vector<16xf32>, vector<16xi1> -> vector<16xf32>
      %reduce_max3A_2874 = vector.extract %reduce_max3A_2873[15] : f32 from vector<16xf32>
      %eq3A_2875 = arith.constant 7 : i32
      %eq3A_2876 = vector.broadcast %eq3A_2875 : i32 to vector<16xi32>
      %eq3A_2877 = arith.cmpi eq, %iota3A, %eq3A_2876 : vector<16xi32>
      %jit3A_2878 = arith.constant 0.000000e+00 : f32
      %broadcast_in_dim3A_2879 = vector.broadcast %jit3A_2878 : f32 to vector<16xf32>
      %select_n3A_2880 = arith.select %eq3A_2877, %exp3A_2789, %broadcast_in_dim3A_2879 : vector<16xi1>, vector<16xf32>
      %reduce_max3A_2881 = arith.constant true
      %reduce_max3A_2882 = vector.broadcast %reduce_max3A_2881 : i1 to vector<16xi1>
      %reduce_max3A_2883 = tpu.scan <max>, %select_n3A_2880 masked %reduce_max3A_2882 : vector<16xf32>, vector<16xi1> -> vector<16xf32>
      %reduce_max3A_2884 = vector.extract %reduce_max3A_2883[15] : f32 from vector<16xf32>
      %eq3A_2885 = arith.constant 8 : i32
      %eq3A_2886 = vector.broadcast %eq3A_2885 : i32 to vector<16xi32>
      %eq3A_2887 = arith.cmpi eq, %iota3A, %eq3A_2886 : vector<16xi32>
      %jit3A_2888 = arith.constant 0.000000e+00 : f32
      %broadcast_in_dim3A_2889 = vector.broadcast %jit3A_2888 : f32 to vector<16xf32>
      %select_n3A_2890 = arith.select %eq3A_2887, %exp3A_2789, %broadcast_in_dim3A_2889 : vector<16xi1>, vector<16xf32>
      %reduce_max3A_2891 = arith.constant true
      %reduce_max3A_2892 = vector.broadcast %reduce_max3A_2891 : i1 to vector<16xi1>
      %reduce_max3A_2893 = tpu.scan <max>, %select_n3A_2890 masked %reduce_max3A_2892 : vector<16xf32>, vector<16xi1> -> vector<16xf32>
      %reduce_max3A_2894 = vector.extract %reduce_max3A_2893[15] : f32 from vector<16xf32>
      %eq3A_2895 = arith.constant 9 : i32
      %eq3A_2896 = vector.broadcast %eq3A_2895 : i32 to vector<16xi32>
      %eq3A_2897 = arith.cmpi eq, %iota3A, %eq3A_2896 : vector<16xi32>
      %jit3A_2898 = arith.constant 0.000000e+00 : f32
      %broadcast_in_dim3A_2899 = vector.broadcast %jit3A_2898 : f32 to vector<16xf32>
      %select_n3A_2900 = arith.select %eq3A_2897, %exp3A_2789, %broadcast_in_dim3A_2899 : vector<16xi1>, vector<16xf32>
      %reduce_max3A_2901 = arith.constant true
      %reduce_max3A_2902 = vector.broadcast %reduce_max3A_2901 : i1 to vector<16xi1>
      %reduce_max3A_2903 = tpu.scan <max>, %select_n3A_2900 masked %reduce_max3A_2902 : vector<16xf32>, vector<16xi1> -> vector<16xf32>
      %reduce_max3A_2904 = vector.extract %reduce_max3A_2903[15] : f32 from vector<16xf32>
      %eq3A_2905 = arith.constant 10 : i32
      %eq3A_2906 = vector.broadcast %eq3A_2905 : i32 to vector<16xi32>
      %eq3A_2907 = arith.cmpi eq, %iota3A, %eq3A_2906 : vector<16xi32>
      %jit3A_2908 = arith.constant 0.000000e+00 : f32
      %broadcast_in_dim3A_2909 = vector.broadcast %jit3A_2908 : f32 to vector<16xf32>
      %select_n3A_2910 = arith.select %eq3A_2907, %exp3A_2789, %broadcast_in_dim3A_2909 : vector<16xi1>, vector<16xf32>
      %reduce_max3A_2911 = arith.constant true
      %reduce_max3A_2912 = vector.broadcast %reduce_max3A_2911 : i1 to vector<16xi1>
      %reduce_max3A_2913 = tpu.scan <max>, %select_n3A_2910 masked %reduce_max3A_2912 : vector<16xf32>, vector<16xi1> -> vector<16xf32>
      %reduce_max3A_2914 = vector.extract %reduce_max3A_2913[15] : f32 from vector<16xf32>
      %eq3A_2915 = arith.constant 11 : i32
      %eq3A_2916 = vector.broadcast %eq3A_2915 : i32 to vector<16xi32>
      %eq3A_2917 = arith.cmpi eq, %iota3A, %eq3A_2916 : vector<16xi32>
      %jit3A_2918 = arith.constant 0.000000e+00 : f32
      %broadcast_in_dim3A_2919 = vector.broadcast %jit3A_2918 : f32 to vector<16xf32>
      %select_n3A_2920 = arith.select %eq3A_2917, %exp3A_2789, %broadcast_in_dim3A_2919 : vector<16xi1>, vector<16xf32>
      %reduce_max3A_2921 = arith.constant true
      %reduce_max3A_2922 = vector.broadcast %reduce_max3A_2921 : i1 to vector<16xi1>
      %reduce_max3A_2923 = tpu.scan <max>, %select_n3A_2920 masked %reduce_max3A_2922 : vector<16xf32>, vector<16xi1> -> vector<16xf32>
      %reduce_max3A_2924 = vector.extract %reduce_max3A_2923[15] : f32 from vector<16xf32>
      %eq3A_2925 = arith.constant 12 : i32
      %eq3A_2926 = vector.broadcast %eq3A_2925 : i32 to vector<16xi32>
      %eq3A_2927 = arith.cmpi eq, %iota3A, %eq3A_2926 : vector<16xi32>
      %jit3A_2928 = arith.constant 0.000000e+00 : f32
      %broadcast_in_dim3A_2929 = vector.broadcast %jit3A_2928 : f32 to vector<16xf32>
      %select_n3A_2930 = arith.select %eq3A_2927, %exp3A_2789, %broadcast_in_dim3A_2929 : vector<16xi1>, vector<16xf32>
      %reduce_max3A_2931 = arith.constant true
      %reduce_max3A_2932 = vector.broadcast %reduce_max3A_2931 : i1 to vector<16xi1>
      %reduce_max3A_2933 = tpu.scan <max>, %select_n3A_2930 masked %reduce_max3A_2932 : vector<16xf32>, vector<16xi1> -> vector<16xf32>
      %reduce_max3A_2934 = vector.extract %reduce_max3A_2933[15] : f32 from vector<16xf32>
      %eq3A_2935 = arith.constant 13 : i32
      %eq3A_2936 = vector.broadcast %eq3A_2935 : i32 to vector<16xi32>
      %eq3A_2937 = arith.cmpi eq, %iota3A, %eq3A_2936 : vector<16xi32>
      %jit3A_2938 = arith.constant 0.000000e+00 : f32
      %broadcast_in_dim3A_2939 = vector.broadcast %jit3A_2938 : f32 to vector<16xf32>
      %select_n3A_2940 = arith.select %eq3A_2937, %exp3A_2789, %broadcast_in_dim3A_2939 : vector<16xi1>, vector<16xf32>
      %reduce_max3A_2941 = arith.constant true
      %reduce_max3A_2942 = vector.broadcast %reduce_max3A_2941 : i1 to vector<16xi1>
      %reduce_max3A_2943 = tpu.scan <max>, %select_n3A_2940 masked %reduce_max3A_2942 : vector<16xf32>, vector<16xi1> -> vector<16xf32>
      %reduce_max3A_2944 = vector.extract %reduce_max3A_2943[15] : f32 from vector<16xf32>
      %eq3A_2945 = arith.constant 14 : i32
      %eq3A_2946 = vector.broadcast %eq3A_2945 : i32 to vector<16xi32>
      %eq3A_2947 = arith.cmpi eq, %iota3A, %eq3A_2946 : vector<16xi32>
      %jit3A_2948 = arith.constant 0.000000e+00 : f32
      %broadcast_in_dim3A_2949 = vector.broadcast %jit3A_2948 : f32 to vector<16xf32>
      %select_n3A_2950 = arith.select %eq3A_2947, %exp3A_2789, %broadcast_in_dim3A_2949 : vector<16xi1>, vector<16xf32>
      %reduce_max3A_2951 = arith.constant true
      %reduce_max3A_2952 = vector.broadcast %reduce_max3A_2951 : i1 to vector<16xi1>
      %reduce_max3A_2953 = tpu.scan <max>, %select_n3A_2950 masked %reduce_max3A_2952 : vector<16xf32>, vector<16xi1> -> vector<16xf32>
      %reduce_max3A_2954 = vector.extract %reduce_max3A_2953[15] : f32 from vector<16xf32>
      %eq3A_2955 = arith.constant 15 : i32
      %eq3A_2956 = vector.broadcast %eq3A_2955 : i32 to vector<16xi32>
      %eq3A_2957 = arith.cmpi eq, %iota3A, %eq3A_2956 : vector<16xi32>
      %jit3A_2958 = arith.constant 0.000000e+00 : f32
      %broadcast_in_dim3A_2959 = vector.broadcast %jit3A_2958 : f32 to vector<16xf32>
      %select_n3A_2960 = arith.select %eq3A_2957, %exp3A_2789, %broadcast_in_dim3A_2959 : vector<16xi1>, vector<16xf32>
      %reduce_max3A_2961 = arith.constant true
      %reduce_max3A_2962 = vector.broadcast %reduce_max3A_2961 : i1 to vector<16xi1>
      %reduce_max3A_2963 = tpu.scan <max>, %select_n3A_2960 masked %reduce_max3A_2962 : vector<16xf32>, vector<16xi1> -> vector<16xf32>
      %reduce_max3A_2964 = vector.extract %reduce_max3A_2963[15] : f32 from vector<16xf32>
      %eq3A_2965 = arith.constant 8 : i32
      %eq3A_2966 = vector.broadcast %eq3A_2965 : i32 to vector<16xi32>
      %eq3A_2967 = arith.cmpi eq, %iota3A, %eq3A_2966 : vector<16xi32>
      %jit3A_2968 = arith.constant 0.000000e+00 : f32
      %broadcast_in_dim3A_2969 = vector.broadcast %jit3A_2968 : f32 to vector<16xf32>
      %select_n3A_2970 = arith.select %eq3A_2967, %exp3A_2792, %broadcast_in_dim3A_2969 : vector<16xi1>, vector<16xf32>
      %reduce_max3A_2971 = arith.constant true
      %reduce_max3A_2972 = vector.broadcast %reduce_max3A_2971 : i1 to vector<16xi1>
      %reduce_max3A_2973 = tpu.scan <max>, %select_n3A_2970 masked %reduce_max3A_2972 : vector<16xf32>, vector<16xi1> -> vector<16xf32>
      %reduce_max3A_2974 = vector.extract %reduce_max3A_2973[15] : f32 from vector<16xf32>
      %eq3A_2975 = arith.constant 9 : i32
      %eq3A_2976 = vector.broadcast %eq3A_2975 : i32 to vector<16xi32>
      %eq3A_2977 = arith.cmpi eq, %iota3A, %eq3A_2976 : vector<16xi32>
      %jit3A_2978 = arith.constant 0.000000e+00 : f32
      %broadcast_in_dim3A_2979 = vector.broadcast %jit3A_2978 : f32 to vector<16xf32>
      %select_n3A_2980 = arith.select %eq3A_2977, %exp3A_2792, %broadcast_in_dim3A_2979 : vector<16xi1>, vector<16xf32>
      %reduce_max3A_2981 = arith.constant true
      %reduce_max3A_2982 = vector.broadcast %reduce_max3A_2981 : i1 to vector<16xi1>
      %reduce_max3A_2983 = tpu.scan <max>, %select_n3A_2980 masked %reduce_max3A_2982 : vector<16xf32>, vector<16xi1> -> vector<16xf32>
      %reduce_max3A_2984 = vector.extract %reduce_max3A_2983[15] : f32 from vector<16xf32>
      %eq3A_2985 = arith.constant 10 : i32
      %eq3A_2986 = vector.broadcast %eq3A_2985 : i32 to vector<16xi32>
      %eq3A_2987 = arith.cmpi eq, %iota3A, %eq3A_2986 : vector<16xi32>
      %jit3A_2988 = arith.constant 0.000000e+00 : f32
      %broadcast_in_dim3A_2989 = vector.broadcast %jit3A_2988 : f32 to vector<16xf32>
      %select_n3A_2990 = arith.select %eq3A_2987, %exp3A_2792, %broadcast_in_dim3A_2989 : vector<16xi1>, vector<16xf32>
      %reduce_max3A_2991 = arith.constant true
      %reduce_max3A_2992 = vector.broadcast %reduce_max3A_2991 : i1 to vector<16xi1>
      %reduce_max3A_2993 = tpu.scan <max>, %select_n3A_2990 masked %reduce_max3A_2992 : vector<16xf32>, vector<16xi1> -> vector<16xf32>
      %reduce_max3A_2994 = vector.extract %reduce_max3A_2993[15] : f32 from vector<16xf32>
      %eq3A_2995 = arith.constant 11 : i32
      %eq3A_2996 = vector.broadcast %eq3A_2995 : i32 to vector<16xi32>
      %eq3A_2997 = arith.cmpi eq, %iota3A, %eq3A_2996 : vector<16xi32>
      %jit3A_2998 = arith.constant 0.000000e+00 : f32
      %broadcast_in_dim3A_2999 = vector.broadcast %jit3A_2998 : f32 to vector<16xf32>
      %select_n3A_3000 = arith.select %eq3A_2997, %exp3A_2792, %broadcast_in_dim3A_2999 : vector<16xi1>, vector<16xf32>
      %reduce_max3A_3001 = arith.constant true
      %reduce_max3A_3002 = vector.broadcast %reduce_max3A_3001 : i1 to vector<16xi1>
      %reduce_max3A_3003 = tpu.scan <max>, %select_n3A_3000 masked %reduce_max3A_3002 : vector<16xf32>, vector<16xi1> -> vector<16xf32>
      %reduce_max3A_3004 = vector.extract %reduce_max3A_3003[15] : f32 from vector<16xf32>
      %eq3A_3005 = arith.constant 12 : i32
      %eq3A_3006 = vector.broadcast %eq3A_3005 : i32 to vector<16xi32>
      %eq3A_3007 = arith.cmpi eq, %iota3A, %eq3A_3006 : vector<16xi32>
      %jit3A_3008 = arith.constant 0.000000e+00 : f32
      %broadcast_in_dim3A_3009 = vector.broadcast %jit3A_3008 : f32 to vector<16xf32>
      %select_n3A_3010 = arith.select %eq3A_3007, %exp3A_2792, %broadcast_in_dim3A_3009 : vector<16xi1>, vector<16xf32>
      %reduce_max3A_3011 = arith.constant true
      %reduce_max3A_3012 = vector.broadcast %reduce_max3A_3011 : i1 to vector<16xi1>
      %reduce_max3A_3013 = tpu.scan <max>, %select_n3A_3010 masked %reduce_max3A_3012 : vector<16xf32>, vector<16xi1> -> vector<16xf32>
      %reduce_max3A_3014 = vector.extract %reduce_max3A_3013[15] : f32 from vector<16xf32>
      %broadcast_in_dim3A_3015 = arith.constant 0.000000e+00 : f32
      %broadcast_in_dim3A_3016 = vector.broadcast %broadcast_in_dim3A_3015 : f32 to vector<16xf32>
      %get3A_3017 = arith.constant 72 : i32
      %get3A_3018 = arith.index_cast %get3A_3017 : i32 to index
      %get3A_3019 = arith.constant 0 : index
      %get3A_3020 = tpu.vector_load %arg10[%get3A_3018, %get3A_3019] {strides = array<i32>} : memref<120x64xf32, #tpu.memory_space<vmem>>, vector<16xf32>,
      %mul3A_3021 = vector.broadcast %reduce_max3A_2814 : f32 to vector<16xf32>
      %mul3A_3022 = arith.mulf %mul3A_3021, %get3A_3020 : vector<16xf32>
      %add3A_3023 = arith.addf %broadcast_in_dim3A_3016, %mul3A_3022 : vector<16xf32>
      %get3A_3024 = arith.constant 73 : i32
      %get3A_3025 = arith.index_cast %get3A_3024 : i32 to index
      %get3A_3026 = arith.constant 0 : index
      %get3A_3027 = tpu.vector_load %arg10[%get3A_3025, %get3A_3026] {strides = array<i32>} : memref<120x64xf32, #tpu.memory_space<vmem>>, vector<16xf32>,
      %mul3A_3028 = vector.broadcast %reduce_max3A_2824 : f32 to vector<16xf32>
      %mul3A_3029 = arith.mulf %mul3A_3028, %get3A_3027 : vector<16xf32>
      %add3A_3030 = arith.addf %add3A_3023, %mul3A_3029 : vector<16xf32>
      %get3A_3031 = arith.constant 74 : i32
      %get3A_3032 = arith.index_cast %get3A_3031 : i32 to index
      %get3A_3033 = arith.constant 0 : index
      %get3A_3034 = tpu.vector_load %arg10[%get3A_3032, %get3A_3033] {strides = array<i32>} : memref<120x64xf32, #tpu.memory_space<vmem>>, vector<16xf32>,
      %mul3A_3035 = vector.broadcast %reduce_max3A_2834 : f32 to vector<16xf32>
      %mul3A_3036 = arith.mulf %mul3A_3035, %get3A_3034 : vector<16xf32>
      %add3A_3037 = arith.addf %add3A_3030, %mul3A_3036 : vector<16xf32>
      %get3A_3038 = arith.constant 75 : i32
      %get3A_3039 = arith.index_cast %get3A_3038 : i32 to index
      %get3A_3040 = arith.constant 0 : index
      %get3A_3041 = tpu.vector_load %arg10[%get3A_3039, %get3A_3040] {strides = array<i32>} : memref<120x64xf32, #tpu.memory_space<vmem>>, vector<16xf32>,
      %mul3A_3042 = vector.broadcast %reduce_max3A_2844 : f32 to vector<16xf32>
      %mul3A_3043 = arith.mulf %mul3A_3042, %get3A_3041 : vector<16xf32>
      %add3A_3044 = arith.addf %add3A_3037, %mul3A_3043 : vector<16xf32>
      %get3A_3045 = arith.constant 76 : i32
      %get3A_3046 = arith.index_cast %get3A_3045 : i32 to index
      %get3A_3047 = arith.constant 0 : index
      %get3A_3048 = tpu.vector_load %arg10[%get3A_3046, %get3A_3047] {strides = array<i32>} : memref<120x64xf32, #tpu.memory_space<vmem>>, vector<16xf32>,
      %mul3A_3049 = vector.broadcast %reduce_max3A_2854 : f32 to vector<16xf32>
      %mul3A_3050 = arith.mulf %mul3A_3049, %get3A_3048 : vector<16xf32>
      %add3A_3051 = arith.addf %add3A_3044, %mul3A_3050 : vector<16xf32>
      %get3A_3052 = arith.constant 77 : i32
      %get3A_3053 = arith.index_cast %get3A_3052 : i32 to index
      %get3A_3054 = arith.constant 0 : index
      %get3A_3055 = tpu.vector_load %arg10[%get3A_3053, %get3A_3054] {strides = array<i32>} : memref<120x64xf32, #tpu.memory_space<vmem>>, vector<16xf32>,
      %mul3A_3056 = vector.broadcast %reduce_max3A_2864 : f32 to vector<16xf32>
      %mul3A_3057 = arith.mulf %mul3A_3056, %get3A_3055 : vector<16xf32>
      %add3A_3058 = arith.addf %add3A_3051, %mul3A_3057 : vector<16xf32>
      %get3A_3059 = arith.constant 78 : i32
      %get3A_3060 = arith.index_cast %get3A_3059 : i32 to index
      %get3A_3061 = arith.constant 0 : index
      %get3A_3062 = tpu.vector_load %arg10[%get3A_3060, %get3A_3061] {strides = array<i32>} : memref<120x64xf32, #tpu.memory_space<vmem>>, vector<16xf32>,
      %mul3A_3063 = vector.broadcast %reduce_max3A_2874 : f32 to vector<16xf32>
      %mul3A_3064 = arith.mulf %mul3A_3063, %get3A_3062 : vector<16xf32>
      %add3A_3065 = arith.addf %add3A_3058, %mul3A_3064 : vector<16xf32>
      %get3A_3066 = arith.constant 79 : i32
      %get3A_3067 = arith.index_cast %get3A_3066 : i32 to index
      %get3A_3068 = arith.constant 0 : index
      %get3A_3069 = tpu.vector_load %arg10[%get3A_3067, %get3A_3068] {strides = array<i32>} : memref<120x64xf32, #tpu.memory_space<vmem>>, vector<16xf32>,
      %mul3A_3070 = vector.broadcast %reduce_max3A_2884 : f32 to vector<16xf32>
      %mul3A_3071 = arith.mulf %mul3A_3070, %get3A_3069 : vector<16xf32>
      %add3A_3072 = arith.addf %add3A_3065, %mul3A_3071 : vector<16xf32>
      %get3A_3073 = arith.constant 80 : i32
      %get3A_3074 = arith.index_cast %get3A_3073 : i32 to index
      %get3A_3075 = arith.constant 0 : index
      %get3A_3076 = tpu.vector_load %arg10[%get3A_3074, %get3A_3075] {strides = array<i32>} : memref<120x64xf32, #tpu.memory_space<vmem>>, vector<16xf32>,
      %mul3A_3077 = vector.broadcast %reduce_max3A_2894 : f32 to vector<16xf32>
      %mul3A_3078 = arith.mulf %mul3A_3077, %get3A_3076 : vector<16xf32>
      %add3A_3079 = arith.addf %add3A_3072, %mul3A_3078 : vector<16xf32>
      %get3A_3080 = arith.constant 81 : i32
      %get3A_3081 = arith.index_cast %get3A_3080 : i32 to index
      %get3A_3082 = arith.constant 0 : index
      %get3A_3083 = tpu.vector_load %arg10[%get3A_3081, %get3A_3082] {strides = array<i32>} : memref<120x64xf32, #tpu.memory_space<vmem>>, vector<16xf32>,
      %mul3A_3084 = vector.broadcast %reduce_max3A_2904 : f32 to vector<16xf32>
      %mul3A_3085 = arith.mulf %mul3A_3084, %get3A_3083 : vector<16xf32>
      %add3A_3086 = arith.addf %add3A_3079, %mul3A_3085 : vector<16xf32>
      %get3A_3087 = arith.constant 82 : i32
      %get3A_3088 = arith.index_cast %get3A_3087 : i32 to index
      %get3A_3089 = arith.constant 0 : index
      %get3A_3090 = tpu.vector_load %arg10[%get3A_3088, %get3A_3089] {strides = array<i32>} : memref<120x64xf32, #tpu.memory_space<vmem>>, vector<16xf32>,
      %mul3A_3091 = vector.broadcast %reduce_max3A_2914 : f32 to vector<16xf32>
      %mul3A_3092 = arith.mulf %mul3A_3091, %get3A_3090 : vector<16xf32>
      %add3A_3093 = arith.addf %add3A_3086, %mul3A_3092 : vector<16xf32>
      %get3A_3094 = arith.constant 83 : i32
      %get3A_3095 = arith.index_cast %get3A_3094 : i32 to index
      %get3A_3096 = arith.constant 0 : index
      %get3A_3097 = tpu.vector_load %arg10[%get3A_3095, %get3A_3096] {strides = array<i32>} : memref<120x64xf32, #tpu.memory_space<vmem>>, vector<16xf32>,
      %mul3A_3098 = vector.broadcast %reduce_max3A_2924 : f32 to vector<16xf32>
      %mul3A_3099 = arith.mulf %mul3A_3098, %get3A_3097 : vector<16xf32>
      %add3A_3100 = arith.addf %add3A_3093, %mul3A_3099 : vector<16xf32>
      %get3A_3101 = arith.constant 84 : i32
      %get3A_3102 = arith.index_cast %get3A_3101 : i32 to index
      %get3A_3103 = arith.constant 0 : index
      %get3A_3104 = tpu.vector_load %arg10[%get3A_3102, %get3A_3103] {strides = array<i32>} : memref<120x64xf32, #tpu.memory_space<vmem>>, vector<16xf32>,
      %mul3A_3105 = vector.broadcast %reduce_max3A_2934 : f32 to vector<16xf32>
      %mul3A_3106 = arith.mulf %mul3A_3105, %get3A_3104 : vector<16xf32>
      %add3A_3107 = arith.addf %add3A_3100, %mul3A_3106 : vector<16xf32>
      %get3A_3108 = arith.constant 85 : i32
      %get3A_3109 = arith.index_cast %get3A_3108 : i32 to index
      %get3A_3110 = arith.constant 0 : index
      %get3A_3111 = tpu.vector_load %arg10[%get3A_3109, %get3A_3110] {strides = array<i32>} : memref<120x64xf32, #tpu.memory_space<vmem>>, vector<16xf32>,
      %mul3A_3112 = vector.broadcast %reduce_max3A_2944 : f32 to vector<16xf32>
      %mul3A_3113 = arith.mulf %mul3A_3112, %get3A_3111 : vector<16xf32>
      %add3A_3114 = arith.addf %add3A_3107, %mul3A_3113 : vector<16xf32>
      %get3A_3115 = arith.constant 86 : i32
      %get3A_3116 = arith.index_cast %get3A_3115 : i32 to index
      %get3A_3117 = arith.constant 0 : index
      %get3A_3118 = tpu.vector_load %arg10[%get3A_3116, %get3A_3117] {strides = array<i32>} : memref<120x64xf32, #tpu.memory_space<vmem>>, vector<16xf32>,
      %mul3A_3119 = vector.broadcast %reduce_max3A_2954 : f32 to vector<16xf32>
      %mul3A_3120 = arith.mulf %mul3A_3119, %get3A_3118 : vector<16xf32>
      %add3A_3121 = arith.addf %add3A_3114, %mul3A_3120 : vector<16xf32>
      %get3A_3122 = arith.constant 87 : i32
      %get3A_3123 = arith.index_cast %get3A_3122 : i32 to index
      %get3A_3124 = arith.constant 0 : index
      %get3A_3125 = tpu.vector_load %arg10[%get3A_3123, %get3A_3124] {strides = array<i32>} : memref<120x64xf32, #tpu.memory_space<vmem>>, vector<16xf32>,
      %mul3A_3126 = vector.broadcast %reduce_max3A_2964 : f32 to vector<16xf32>
      %mul3A_3127 = arith.mulf %mul3A_3126, %get3A_3125 : vector<16xf32>
      %add3A_3128 = arith.addf %add3A_3121, %mul3A_3127 : vector<16xf32>
      %get3A_3129 = arith.constant 88 : i32
      %get3A_3130 = arith.index_cast %get3A_3129 : i32 to index
      %get3A_3131 = arith.constant 0 : index
      %get3A_3132 = tpu.vector_load %arg10[%get3A_3130, %get3A_3131] {strides = array<i32>} : memref<120x64xf32, #tpu.memory_space<vmem>>, vector<16xf32>,
      %mul3A_3133 = vector.broadcast %reduce_max3A_2974 : f32 to vector<16xf32>
      %mul3A_3134 = arith.mulf %mul3A_3133, %get3A_3132 : vector<16xf32>
      %add3A_3135 = arith.addf %add3A_3128, %mul3A_3134 : vector<16xf32>
      %get3A_3136 = arith.constant 89 : i32
      %get3A_3137 = arith.index_cast %get3A_3136 : i32 to index
      %get3A_3138 = arith.constant 0 : index
      %get3A_3139 = tpu.vector_load %arg10[%get3A_3137, %get3A_3138] {strides = array<i32>} : memref<120x64xf32, #tpu.memory_space<vmem>>, vector<16xf32>,
      %mul3A_3140 = vector.broadcast %reduce_max3A_2984 : f32 to vector<16xf32>
      %mul3A_3141 = arith.mulf %mul3A_3140, %get3A_3139 : vector<16xf32>
      %add3A_3142 = arith.addf %add3A_3135, %mul3A_3141 : vector<16xf32>
      %get3A_3143 = arith.constant 90 : i32
      %get3A_3144 = arith.index_cast %get3A_3143 : i32 to index
      %get3A_3145 = arith.constant 0 : index
      %get3A_3146 = tpu.vector_load %arg10[%get3A_3144, %get3A_3145] {strides = array<i32>} : memref<120x64xf32, #tpu.memory_space<vmem>>, vector<16xf32>,
      %mul3A_3147 = vector.broadcast %reduce_max3A_2994 : f32 to vector<16xf32>
      %mul3A_3148 = arith.mulf %mul3A_3147, %get3A_3146 : vector<16xf32>
      %add3A_3149 = arith.addf %add3A_3142, %mul3A_3148 : vector<16xf32>
      %get3A_3150 = arith.constant 91 : i32
      %get3A_3151 = arith.index_cast %get3A_3150 : i32 to index
      %get3A_3152 = arith.constant 0 : index
      %get3A_3153 = tpu.vector_load %arg10[%get3A_3151, %get3A_3152] {strides = array<i32>} : memref<120x64xf32, #tpu.memory_space<vmem>>, vector<16xf32>,
      %mul3A_3154 = vector.broadcast %reduce_max3A_3004 : f32 to vector<16xf32>
      %mul3A_3155 = arith.mulf %mul3A_3154, %get3A_3153 : vector<16xf32>
      %add3A_3156 = arith.addf %add3A_3149, %mul3A_3155 : vector<16xf32>
      %get3A_3157 = arith.constant 92 : i32
      %get3A_3158 = arith.index_cast %get3A_3157 : i32 to index
      %get3A_3159 = arith.constant 0 : index
      %get3A_3160 = tpu.vector_load %arg10[%get3A_3158, %get3A_3159] {strides = array<i32>} : memref<120x64xf32, #tpu.memory_space<vmem>>, vector<16xf32>,
      %mul3A_3161 = vector.broadcast %reduce_max3A_3014 : f32 to vector<16xf32>
      %mul3A_3162 = arith.mulf %mul3A_3161, %get3A_3160 : vector<16xf32>
      %add3A_3163 = arith.addf %add3A_3156, %mul3A_3162 : vector<16xf32>
      %div3A_3164 = arith.divf %add3A_3163, %broadcast_in_dim3A_2804 : vector<16xf32>
      %swap3A_3165 = arith.constant 192 : index
      %swap3A_3166 = tpu.vector_load %arg11[%swap3A_3165] {strides = array<i32>} : memref<320xf32, #tpu.memory_space<vmem>>, vector<16xf32>,
      tpu.vector_store %arg11[%swap3A_3165], %div3A_3164 {strides = array<i32>} : memref<320xf32, #tpu.memory_space<vmem>>, vector<16xf32>,
      %broadcast_in_dim3A_3167 = arith.constant 0.000000e+00 : f32
      %broadcast_in_dim3A_3168 = vector.broadcast %broadcast_in_dim3A_3167 : f32 to vector<16xf32>
      %get3A_3169 = arith.constant 72 : i32
      %get3A_3170 = arith.index_cast %get3A_3169 : i32 to index
      %get3A_3171 = arith.constant 16 : index
      %get3A_3172 = tpu.vector_load %arg10[%get3A_3170, %get3A_3171] {strides = array<i32>} : memref<120x64xf32, #tpu.memory_space<vmem>>, vector<16xf32>,
      %mul3A_3173 = vector.broadcast %reduce_max3A_2814 : f32 to vector<16xf32>
      %mul3A_3174 = arith.mulf %mul3A_3173, %get3A_3172 : vector<16xf32>
      %add3A_3175 = arith.addf %broadcast_in_dim3A_3168, %mul3A_3174 : vector<16xf32>
      %get3A_3176 = arith.constant 73 : i32
      %get3A_3177 = arith.index_cast %get3A_3176 : i32 to index
      %get3A_3178 = arith.constant 16 : index
      %get3A_3179 = tpu.vector_load %arg10[%get3A_3177, %get3A_3178] {strides = array<i32>} : memref<120x64xf32, #tpu.memory_space<vmem>>, vector<16xf32>,
      %mul3A_3180 = vector.broadcast %reduce_max3A_2824 : f32 to vector<16xf32>
      %mul3A_3181 = arith.mulf %mul3A_3180, %get3A_3179 : vector<16xf32>
      %add3A_3182 = arith.addf %add3A_3175, %mul3A_3181 : vector<16xf32>
      %get3A_3183 = arith.constant 74 : i32
      %get3A_3184 = arith.index_cast %get3A_3183 : i32 to index
      %get3A_3185 = arith.constant 16 : index
      %get3A_3186 = tpu.vector_load %arg10[%get3A_3184, %get3A_3185] {strides = array<i32>} : memref<120x64xf32, #tpu.memory_space<vmem>>, vector<16xf32>,
      %mul3A_3187 = vector.broadcast %reduce_max3A_2834 : f32 to vector<16xf32>
      %mul3A_3188 = arith.mulf %mul3A_3187, %get3A_3186 : vector<16xf32>
      %add3A_3189 = arith.addf %add3A_3182, %mul3A_3188 : vector<16xf32>
      %get3A_3190 = arith.constant 75 : i32
      %get3A_3191 = arith.index_cast %get3A_3190 : i32 to index
      %get3A_3192 = arith.constant 16 : index
      %get3A_3193 = tpu.vector_load %arg10[%get3A_3191, %get3A_3192] {strides = array<i32>} : memref<120x64xf32, #tpu.memory_space<vmem>>, vector<16xf32>,
      %mul3A_3194 = vector.broadcast %reduce_max3A_2844 : f32 to vector<16xf32>
      %mul3A_3195 = arith.mulf %mul3A_3194, %get3A_3193 : vector<16xf32>
      %add3A_3196 = arith.addf %add3A_3189, %mul3A_3195 : vector<16xf32>
      %get3A_3197 = arith.constant 76 : i32
      %get3A_3198 = arith.index_cast %get3A_3197 : i32 to index
      %get3A_3199 = arith.constant 16 : index
      %get3A_3200 = tpu.vector_load %arg10[%get3A_3198, %get3A_3199] {strides = array<i32>} : memref<120x64xf32, #tpu.memory_space<vmem>>, vector<16xf32>,
      %mul3A_3201 = vector.broadcast %reduce_max3A_2854 : f32 to vector<16xf32>
      %mul3A_3202 = arith.mulf %mul3A_3201, %get3A_3200 : vector<16xf32>
      %add3A_3203 = arith.addf %add3A_3196, %mul3A_3202 : vector<16xf32>
      %get3A_3204 = arith.constant 77 : i32
      %get3A_3205 = arith.index_cast %get3A_3204 : i32 to index
      %get3A_3206 = arith.constant 16 : index
      %get3A_3207 = tpu.vector_load %arg10[%get3A_3205, %get3A_3206] {strides = array<i32>} : memref<120x64xf32, #tpu.memory_space<vmem>>, vector<16xf32>,
      %mul3A_3208 = vector.broadcast %reduce_max3A_2864 : f32 to vector<16xf32>
      %mul3A_3209 = arith.mulf %mul3A_3208, %get3A_3207 : vector<16xf32>
      %add3A_3210 = arith.addf %add3A_3203, %mul3A_3209 : vector<16xf32>
      %get3A_3211 = arith.constant 78 : i32
      %get3A_3212 = arith.index_cast %get3A_3211 : i32 to index
      %get3A_3213 = arith.constant 16 : index
      %get3A_3214 = tpu.vector_load %arg10[%get3A_3212, %get3A_3213] {strides = array<i32>} : memref<120x64xf32, #tpu.memory_space<vmem>>, vector<16xf32>,
      %mul3A_3215 = vector.broadcast %reduce_max3A_2874 : f32 to vector<16xf32>
      %mul3A_3216 = arith.mulf %mul3A_3215, %get3A_3214 : vector<16xf32>
      %add3A_3217 = arith.addf %add3A_3210, %mul3A_3216 : vector<16xf32>
      %get3A_3218 = arith.constant 79 : i32
      %get3A_3219 = arith.index_cast %get3A_3218 : i32 to index
      %get3A_3220 = arith.constant 16 : index
      %get3A_3221 = tpu.vector_load %arg10[%get3A_3219, %get3A_3220] {strides = array<i32>} : memref<120x64xf32, #tpu.memory_space<vmem>>, vector<16xf32>,
      %mul3A_3222 = vector.broadcast %reduce_max3A_2884 : f32 to vector<16xf32>
      %mul3A_3223 = arith.mulf %mul3A_3222, %get3A_3221 : vector<16xf32>
      %add3A_3224 = arith.addf %add3A_3217, %mul3A_3223 : vector<16xf32>
      %get3A_3225 = arith.constant 80 : i32
      %get3A_3226 = arith.index_cast %get3A_3225 : i32 to index
      %get3A_3227 = arith.constant 16 : index
      %get3A_3228 = tpu.vector_load %arg10[%get3A_3226, %get3A_3227] {strides = array<i32>} : memref<120x64xf32, #tpu.memory_space<vmem>>, vector<16xf32>,
      %mul3A_3229 = vector.broadcast %reduce_max3A_2894 : f32 to vector<16xf32>
      %mul3A_3230 = arith.mulf %mul3A_3229, %get3A_3228 : vector<16xf32>
      %add3A_3231 = arith.addf %add3A_3224, %mul3A_3230 : vector<16xf32>
      %get3A_3232 = arith.constant 81 : i32
      %get3A_3233 = arith.index_cast %get3A_3232 : i32 to index
      %get3A_3234 = arith.constant 16 : index
      %get3A_3235 = tpu.vector_load %arg10[%get3A_3233, %get3A_3234] {strides = array<i32>} : memref<120x64xf32, #tpu.memory_space<vmem>>, vector<16xf32>,
      %mul3A_3236 = vector.broadcast %reduce_max3A_2904 : f32 to vector<16xf32>
      %mul3A_3237 = arith.mulf %mul3A_3236, %get3A_3235 : vector<16xf32>
      %add3A_3238 = arith.addf %add3A_3231, %mul3A_3237 : vector<16xf32>
      %get3A_3239 = arith.constant 82 : i32
      %get3A_3240 = arith.index_cast %get3A_3239 : i32 to index
      %get3A_3241 = arith.constant 16 : index
      %get3A_3242 = tpu.vector_load %arg10[%get3A_3240, %get3A_3241] {strides = array<i32>} : memref<120x64xf32, #tpu.memory_space<vmem>>, vector<16xf32>,
      %mul3A_3243 = vector.broadcast %reduce_max3A_2914 : f32 to vector<16xf32>
      %mul3A_3244 = arith.mulf %mul3A_3243, %get3A_3242 : vector<16xf32>
      %add3A_3245 = arith.addf %add3A_3238, %mul3A_3244 : vector<16xf32>
      %get3A_3246 = arith.constant 83 : i32
      %get3A_3247 = arith.index_cast %get3A_3246 : i32 to index
      %get3A_3248 = arith.constant 16 : index
      %get3A_3249 = tpu.vector_load %arg10[%get3A_3247, %get3A_3248] {strides = array<i32>} : memref<120x64xf32, #tpu.memory_space<vmem>>, vector<16xf32>,
      %mul3A_3250 = vector.broadcast %reduce_max3A_2924 : f32 to vector<16xf32>
      %mul3A_3251 = arith.mulf %mul3A_3250, %get3A_3249 : vector<16xf32>
      %add3A_3252 = arith.addf %add3A_3245, %mul3A_3251 : vector<16xf32>
      %get3A_3253 = arith.constant 84 : i32
      %get3A_3254 = arith.index_cast %get3A_3253 : i32 to index
      %get3A_3255 = arith.constant 16 : index
      %get3A_3256 = tpu.vector_load %arg10[%get3A_3254, %get3A_3255] {strides = array<i32>} : memref<120x64xf32, #tpu.memory_space<vmem>>, vector<16xf32>,
      %mul3A_3257 = vector.broadcast %reduce_max3A_2934 : f32 to vector<16xf32>
      %mul3A_3258 = arith.mulf %mul3A_3257, %get3A_3256 : vector<16xf32>
      %add3A_3259 = arith.addf %add3A_3252, %mul3A_3258 : vector<16xf32>
      %get3A_3260 = arith.constant 85 : i32
      %get3A_3261 = arith.index_cast %get3A_3260 : i32 to index
      %get3A_3262 = arith.constant 16 : index
      %get3A_3263 = tpu.vector_load %arg10[%get3A_3261, %get3A_3262] {strides = array<i32>} : memref<120x64xf32, #tpu.memory_space<vmem>>, vector<16xf32>,
      %mul3A_3264 = vector.broadcast %reduce_max3A_2944 : f32 to vector<16xf32>
      %mul3A_3265 = arith.mulf %mul3A_3264, %get3A_3263 : vector<16xf32>
      %add3A_3266 = arith.addf %add3A_3259, %mul3A_3265 : vector<16xf32>
      %get3A_3267 = arith.constant 86 : i32
      %get3A_3268 = arith.index_cast %get3A_3267 : i32 to index
      %get3A_3269 = arith.constant 16 : index
      %get3A_3270 = tpu.vector_load %arg10[%get3A_3268, %get3A_3269] {strides = array<i32>} : memref<120x64xf32, #tpu.memory_space<vmem>>, vector<16xf32>,
      %mul3A_3271 = vector.broadcast %reduce_max3A_2954 : f32 to vector<16xf32>
      %mul3A_3272 = arith.mulf %mul3A_3271, %get3A_3270 : vector<16xf32>
      %add3A_3273 = arith.addf %add3A_3266, %mul3A_3272 : vector<16xf32>
      %get3A_3274 = arith.constant 87 : i32
      %get3A_3275 = arith.index_cast %get3A_3274 : i32 to index
      %get3A_3276 = arith.constant 16 : index
      %get3A_3277 = tpu.vector_load %arg10[%get3A_3275, %get3A_3276] {strides = array<i32>} : memref<120x64xf32, #tpu.memory_space<vmem>>, vector<16xf32>,
      %mul3A_3278 = vector.broadcast %reduce_max3A_2964 : f32 to vector<16xf32>
      %mul3A_3279 = arith.mulf %mul3A_3278, %get3A_3277 : vector<16xf32>
      %add3A_3280 = arith.addf %add3A_3273, %mul3A_3279 : vector<16xf32>
      %get3A_3281 = arith.constant 88 : i32
      %get3A_3282 = arith.index_cast %get3A_3281 : i32 to index
      %get3A_3283 = arith.constant 16 : index
      %get3A_3284 = tpu.vector_load %arg10[%get3A_3282, %get3A_3283] {strides = array<i32>} : memref<120x64xf32, #tpu.memory_space<vmem>>, vector<16xf32>,
      %mul3A_3285 = vector.broadcast %reduce_max3A_2974 : f32 to vector<16xf32>
      %mul3A_3286 = arith.mulf %mul3A_3285, %get3A_3284 : vector<16xf32>
      %add3A_3287 = arith.addf %add3A_3280, %mul3A_3286 : vector<16xf32>
      %get3A_3288 = arith.constant 89 : i32
      %get3A_3289 = arith.index_cast %get3A_3288 : i32 to index
      %get3A_3290 = arith.constant 16 : index
      %get3A_3291 = tpu.vector_load %arg10[%get3A_3289, %get3A_3290] {strides = array<i32>} : memref<120x64xf32, #tpu.memory_space<vmem>>, vector<16xf32>,
      %mul3A_3292 = vector.broadcast %reduce_max3A_2984 : f32 to vector<16xf32>
      %mul3A_3293 = arith.mulf %mul3A_3292, %get3A_3291 : vector<16xf32>
      %add3A_3294 = arith.addf %add3A_3287, %mul3A_3293 : vector<16xf32>
      %get3A_3295 = arith.constant 90 : i32
      %get3A_3296 = arith.index_cast %get3A_3295 : i32 to index
      %get3A_3297 = arith.constant 16 : index
      %get3A_3298 = tpu.vector_load %arg10[%get3A_3296, %get3A_3297] {strides = array<i32>} : memref<120x64xf32, #tpu.memory_space<vmem>>, vector<16xf32>,
      %mul3A_3299 = vector.broadcast %reduce_max3A_2994 : f32 to vector<16xf32>
      %mul3A_3300 = arith.mulf %mul3A_3299, %get3A_3298 : vector<16xf32>
      %add3A_3301 = arith.addf %add3A_3294, %mul3A_3300 : vector<16xf32>
      %get3A_3302 = arith.constant 91 : i32
      %get3A_3303 = arith.index_cast %get3A_3302 : i32 to index
      %get3A_3304 = arith.constant 16 : index
      %get3A_3305 = tpu.vector_load %arg10[%get3A_3303, %get3A_3304] {strides = array<i32>} : memref<120x64xf32, #tpu.memory_space<vmem>>, vector<16xf32>,
      %mul3A_3306 = vector.broadcast %reduce_max3A_3004 : f32 to vector<16xf32>
      %mul3A_3307 = arith.mulf %mul3A_3306, %get3A_3305 : vector<16xf32>
      %add3A_3308 = arith.addf %add3A_3301, %mul3A_3307 : vector<16xf32>
      %get3A_3309 = arith.constant 92 : i32
      %get3A_3310 = arith.index_cast %get3A_3309 : i32 to index
      %get3A_3311 = arith.constant 16 : index
      %get3A_3312 = tpu.vector_load %arg10[%get3A_3310, %get3A_3311] {strides = array<i32>} : memref<120x64xf32, #tpu.memory_space<vmem>>, vector<16xf32>,
      %mul3A_3313 = vector.broadcast %reduce_max3A_3014 : f32 to vector<16xf32>
      %mul3A_3314 = arith.mulf %mul3A_3313, %get3A_3312 : vector<16xf32>
      %add3A_3315 = arith.addf %add3A_3308, %mul3A_3314 : vector<16xf32>
      %div3A_3316 = arith.divf %add3A_3315, %broadcast_in_dim3A_2804 : vector<16xf32>
      %swap3A_3317 = arith.constant 208 : index
      %swap3A_3318 = tpu.vector_load %arg11[%swap3A_3317] {strides = array<i32>} : memref<320xf32, #tpu.memory_space<vmem>>, vector<16xf32>,
      tpu.vector_store %arg11[%swap3A_3317], %div3A_3316 {strides = array<i32>} : memref<320xf32, #tpu.memory_space<vmem>>, vector<16xf32>,
      %broadcast_in_dim3A_3319 = arith.constant 0.000000e+00 : f32
      %broadcast_in_dim3A_3320 = vector.broadcast %broadcast_in_dim3A_3319 : f32 to vector<16xf32>
      %get3A_3321 = arith.constant 72 : i32
      %get3A_3322 = arith.index_cast %get3A_3321 : i32 to index
      %get3A_3323 = arith.constant 32 : index
      %get3A_3324 = tpu.vector_load %arg10[%get3A_3322, %get3A_3323] {strides = array<i32>} : memref<120x64xf32, #tpu.memory_space<vmem>>, vector<16xf32>,
      %mul3A_3325 = vector.broadcast %reduce_max3A_2814 : f32 to vector<16xf32>
      %mul3A_3326 = arith.mulf %mul3A_3325, %get3A_3324 : vector<16xf32>
      %add3A_3327 = arith.addf %broadcast_in_dim3A_3320, %mul3A_3326 : vector<16xf32>
      %get3A_3328 = arith.constant 73 : i32
      %get3A_3329 = arith.index_cast %get3A_3328 : i32 to index
      %get3A_3330 = arith.constant 32 : index
      %get3A_3331 = tpu.vector_load %arg10[%get3A_3329, %get3A_3330] {strides = array<i32>} : memref<120x64xf32, #tpu.memory_space<vmem>>, vector<16xf32>,
      %mul3A_3332 = vector.broadcast %reduce_max3A_2824 : f32 to vector<16xf32>
      %mul3A_3333 = arith.mulf %mul3A_3332, %get3A_3331 : vector<16xf32>
      %add3A_3334 = arith.addf %add3A_3327, %mul3A_3333 : vector<16xf32>
      %get3A_3335 = arith.constant 74 : i32
      %get3A_3336 = arith.index_cast %get3A_3335 : i32 to index
      %get3A_3337 = arith.constant 32 : index
      %get3A_3338 = tpu.vector_load %arg10[%get3A_3336, %get3A_3337] {strides = array<i32>} : memref<120x64xf32, #tpu.memory_space<vmem>>, vector<16xf32>,
      %mul3A_3339 = vector.broadcast %reduce_max3A_2834 : f32 to vector<16xf32>
      %mul3A_3340 = arith.mulf %mul3A_3339, %get3A_3338 : vector<16xf32>
      %add3A_3341 = arith.addf %add3A_3334, %mul3A_3340 : vector<16xf32>
      %get3A_3342 = arith.constant 75 : i32
      %get3A_3343 = arith.index_cast %get3A_3342 : i32 to index
      %get3A_3344 = arith.constant 32 : index
      %get3A_3345 = tpu.vector_load %arg10[%get3A_3343, %get3A_3344] {strides = array<i32>} : memref<120x64xf32, #tpu.memory_space<vmem>>, vector<16xf32>,
      %mul3A_3346 = vector.broadcast %reduce_max3A_2844 : f32 to vector<16xf32>
      %mul3A_3347 = arith.mulf %mul3A_3346, %get3A_3345 : vector<16xf32>
      %add3A_3348 = arith.addf %add3A_3341, %mul3A_3347 : vector<16xf32>
      %get3A_3349 = arith.constant 76 : i32
      %get3A_3350 = arith.index_cast %get3A_3349 : i32 to index
      %get3A_3351 = arith.constant 32 : index
      %get3A_3352 = tpu.vector_load %arg10[%get3A_3350, %get3A_3351] {strides = array<i32>} : memref<120x64xf32, #tpu.memory_space<vmem>>, vector<16xf32>,
      %mul3A_3353 = vector.broadcast %reduce_max3A_2854 : f32 to vector<16xf32>
      %mul3A_3354 = arith.mulf %mul3A_3353, %get3A_3352 : vector<16xf32>
      %add3A_3355 = arith.addf %add3A_3348, %mul3A_3354 : vector<16xf32>
      %get3A_3356 = arith.constant 77 : i32
      %get3A_3357 = arith.index_cast %get3A_3356 : i32 to index
      %get3A_3358 = arith.constant 32 : index
      %get3A_3359 = tpu.vector_load %arg10[%get3A_3357, %get3A_3358] {strides = array<i32>} : memref<120x64xf32, #tpu.memory_space<vmem>>, vector<16xf32>,
      %mul3A_3360 = vector.broadcast %reduce_max3A_2864 : f32 to vector<16xf32>
      %mul3A_3361 = arith.mulf %mul3A_3360, %get3A_3359 : vector<16xf32>
      %add3A_3362 = arith.addf %add3A_3355, %mul3A_3361 : vector<16xf32>
      %get3A_3363 = arith.constant 78 : i32
      %get3A_3364 = arith.index_cast %get3A_3363 : i32 to index
      %get3A_3365 = arith.constant 32 : index
      %get3A_3366 = tpu.vector_load %arg10[%get3A_3364, %get3A_3365] {strides = array<i32>} : memref<120x64xf32, #tpu.memory_space<vmem>>, vector<16xf32>,
      %mul3A_3367 = vector.broadcast %reduce_max3A_2874 : f32 to vector<16xf32>
      %mul3A_3368 = arith.mulf %mul3A_3367, %get3A_3366 : vector<16xf32>
      %add3A_3369 = arith.addf %add3A_3362, %mul3A_3368 : vector<16xf32>
      %get3A_3370 = arith.constant 79 : i32
      %get3A_3371 = arith.index_cast %get3A_3370 : i32 to index
      %get3A_3372 = arith.constant 32 : index
      %get3A_3373 = tpu.vector_load %arg10[%get3A_3371, %get3A_3372] {strides = array<i32>} : memref<120x64xf32, #tpu.memory_space<vmem>>, vector<16xf32>,
      %mul3A_3374 = vector.broadcast %reduce_max3A_2884 : f32 to vector<16xf32>
      %mul3A_3375 = arith.mulf %mul3A_3374, %get3A_3373 : vector<16xf32>
      %add3A_3376 = arith.addf %add3A_3369, %mul3A_3375 : vector<16xf32>
      %get3A_3377 = arith.constant 80 : i32
      %get3A_3378 = arith.index_cast %get3A_3377 : i32 to index
      %get3A_3379 = arith.constant 32 : index
      %get3A_3380 = tpu.vector_load %arg10[%get3A_3378, %get3A_3379] {strides = array<i32>} : memref<120x64xf32, #tpu.memory_space<vmem>>, vector<16xf32>,
      %mul3A_3381 = vector.broadcast %reduce_max3A_2894 : f32 to vector<16xf32>
      %mul3A_3382 = arith.mulf %mul3A_3381, %get3A_3380 : vector<16xf32>
      %add3A_3383 = arith.addf %add3A_3376, %mul3A_3382 : vector<16xf32>
      %get3A_3384 = arith.constant 81 : i32
      %get3A_3385 = arith.index_cast %get3A_3384 : i32 to index
      %get3A_3386 = arith.constant 32 : index
      %get3A_3387 = tpu.vector_load %arg10[%get3A_3385, %get3A_3386] {strides = array<i32>} : memref<120x64xf32, #tpu.memory_space<vmem>>, vector<16xf32>,
      %mul3A_3388 = vector.broadcast %reduce_max3A_2904 : f32 to vector<16xf32>
      %mul3A_3389 = arith.mulf %mul3A_3388, %get3A_3387 : vector<16xf32>
      %add3A_3390 = arith.addf %add3A_3383, %mul3A_3389 : vector<16xf32>
      %get3A_3391 = arith.constant 82 : i32
      %get3A_3392 = arith.index_cast %get3A_3391 : i32 to index
      %get3A_3393 = arith.constant 32 : index
      %get3A_3394 = tpu.vector_load %arg10[%get3A_3392, %get3A_3393] {strides = array<i32>} : memref<120x64xf32, #tpu.memory_space<vmem>>, vector<16xf32>,
      %mul3A_3395 = vector.broadcast %reduce_max3A_2914 : f32 to vector<16xf32>
      %mul3A_3396 = arith.mulf %mul3A_3395, %get3A_3394 : vector<16xf32>
      %add3A_3397 = arith.addf %add3A_3390, %mul3A_3396 : vector<16xf32>
      %get3A_3398 = arith.constant 83 : i32
      %get3A_3399 = arith.index_cast %get3A_3398 : i32 to index
      %get3A_3400 = arith.constant 32 : index
      %get3A_3401 = tpu.vector_load %arg10[%get3A_3399, %get3A_3400] {strides = array<i32>} : memref<120x64xf32, #tpu.memory_space<vmem>>, vector<16xf32>,
      %mul3A_3402 = vector.broadcast %reduce_max3A_2924 : f32 to vector<16xf32>
      %mul3A_3403 = arith.mulf %mul3A_3402, %get3A_3401 : vector<16xf32>
      %add3A_3404 = arith.addf %add3A_3397, %mul3A_3403 : vector<16xf32>
      %get3A_3405 = arith.constant 84 : i32
      %get3A_3406 = arith.index_cast %get3A_3405 : i32 to index
      %get3A_3407 = arith.constant 32 : index
      %get3A_3408 = tpu.vector_load %arg10[%get3A_3406, %get3A_3407] {strides = array<i32>} : memref<120x64xf32, #tpu.memory_space<vmem>>, vector<16xf32>,
      %mul3A_3409 = vector.broadcast %reduce_max3A_2934 : f32 to vector<16xf32>
      %mul3A_3410 = arith.mulf %mul3A_3409, %get3A_3408 : vector<16xf32>
      %add3A_3411 = arith.addf %add3A_3404, %mul3A_3410 : vector<16xf32>
      %get3A_3412 = arith.constant 85 : i32
      %get3A_3413 = arith.index_cast %get3A_3412 : i32 to index
      %get3A_3414 = arith.constant 32 : index
      %get3A_3415 = tpu.vector_load %arg10[%get3A_3413, %get3A_3414] {strides = array<i32>} : memref<120x64xf32, #tpu.memory_space<vmem>>, vector<16xf32>,
      %mul3A_3416 = vector.broadcast %reduce_max3A_2944 : f32 to vector<16xf32>
      %mul3A_3417 = arith.mulf %mul3A_3416, %get3A_3415 : vector<16xf32>
      %add3A_3418 = arith.addf %add3A_3411, %mul3A_3417 : vector<16xf32>
      %get3A_3419 = arith.constant 86 : i32
      %get3A_3420 = arith.index_cast %get3A_3419 : i32 to index
      %get3A_3421 = arith.constant 32 : index
      %get3A_3422 = tpu.vector_load %arg10[%get3A_3420, %get3A_3421] {strides = array<i32>} : memref<120x64xf32, #tpu.memory_space<vmem>>, vector<16xf32>,
      %mul3A_3423 = vector.broadcast %reduce_max3A_2954 : f32 to vector<16xf32>
      %mul3A_3424 = arith.mulf %mul3A_3423, %get3A_3422 : vector<16xf32>
      %add3A_3425 = arith.addf %add3A_3418, %mul3A_3424 : vector<16xf32>
      %get3A_3426 = arith.constant 87 : i32
      %get3A_3427 = arith.index_cast %get3A_3426 : i32 to index
      %get3A_3428 = arith.constant 32 : index
      %get3A_3429 = tpu.vector_load %arg10[%get3A_3427, %get3A_3428] {strides = array<i32>} : memref<120x64xf32, #tpu.memory_space<vmem>>, vector<16xf32>,
      %mul3A_3430 = vector.broadcast %reduce_max3A_2964 : f32 to vector<16xf32>
      %mul3A_3431 = arith.mulf %mul3A_3430, %get3A_3429 : vector<16xf32>
      %add3A_3432 = arith.addf %add3A_3425, %mul3A_3431 : vector<16xf32>
      %get3A_3433 = arith.constant 88 : i32
      %get3A_3434 = arith.index_cast %get3A_3433 : i32 to index
      %get3A_3435 = arith.constant 32 : index
      %get3A_3436 = tpu.vector_load %arg10[%get3A_3434, %get3A_3435] {strides = array<i32>} : memref<120x64xf32, #tpu.memory_space<vmem>>, vector<16xf32>,
      %mul3A_3437 = vector.broadcast %reduce_max3A_2974 : f32 to vector<16xf32>
      %mul3A_3438 = arith.mulf %mul3A_3437, %get3A_3436 : vector<16xf32>
      %add3A_3439 = arith.addf %add3A_3432, %mul3A_3438 : vector<16xf32>
      %get3A_3440 = arith.constant 89 : i32
      %get3A_3441 = arith.index_cast %get3A_3440 : i32 to index
      %get3A_3442 = arith.constant 32 : index
      %get3A_3443 = tpu.vector_load %arg10[%get3A_3441, %get3A_3442] {strides = array<i32>} : memref<120x64xf32, #tpu.memory_space<vmem>>, vector<16xf32>,
      %mul3A_3444 = vector.broadcast %reduce_max3A_2984 : f32 to vector<16xf32>
      %mul3A_3445 = arith.mulf %mul3A_3444, %get3A_3443 : vector<16xf32>
      %add3A_3446 = arith.addf %add3A_3439, %mul3A_3445 : vector<16xf32>
      %get3A_3447 = arith.constant 90 : i32
      %get3A_3448 = arith.index_cast %get3A_3447 : i32 to index
      %get3A_3449 = arith.constant 32 : index
      %get3A_3450 = tpu.vector_load %arg10[%get3A_3448, %get3A_3449] {strides = array<i32>} : memref<120x64xf32, #tpu.memory_space<vmem>>, vector<16xf32>,
      %mul3A_3451 = vector.broadcast %reduce_max3A_2994 : f32 to vector<16xf32>
      %mul3A_3452 = arith.mulf %mul3A_3451, %get3A_3450 : vector<16xf32>
      %add3A_3453 = arith.addf %add3A_3446, %mul3A_3452 : vector<16xf32>
      %get3A_3454 = arith.constant 91 : i32
      %get3A_3455 = arith.index_cast %get3A_3454 : i32 to index
      %get3A_3456 = arith.constant 32 : index
      %get3A_3457 = tpu.vector_load %arg10[%get3A_3455, %get3A_3456] {strides = array<i32>} : memref<120x64xf32, #tpu.memory_space<vmem>>, vector<16xf32>,
      %mul3A_3458 = vector.broadcast %reduce_max3A_3004 : f32 to vector<16xf32>
      %mul3A_3459 = arith.mulf %mul3A_3458, %get3A_3457 : vector<16xf32>
      %add3A_3460 = arith.addf %add3A_3453, %mul3A_3459 : vector<16xf32>
      %get3A_3461 = arith.constant 92 : i32
      %get3A_3462 = arith.index_cast %get3A_3461 : i32 to index
      %get3A_3463 = arith.constant 32 : index
      %get3A_3464 = tpu.vector_load %arg10[%get3A_3462, %get3A_3463] {strides = array<i32>} : memref<120x64xf32, #tpu.memory_space<vmem>>, vector<16xf32>,
      %mul3A_3465 = vector.broadcast %reduce_max3A_3014 : f32 to vector<16xf32>
      %mul3A_3466 = arith.mulf %mul3A_3465, %get3A_3464 : vector<16xf32>
      %add3A_3467 = arith.addf %add3A_3460, %mul3A_3466 : vector<16xf32>
      %div3A_3468 = arith.divf %add3A_3467, %broadcast_in_dim3A_2804 : vector<16xf32>
      %swap3A_3469 = arith.constant 224 : index
      %swap3A_3470 = tpu.vector_load %arg11[%swap3A_3469] {strides = array<i32>} : memref<320xf32, #tpu.memory_space<vmem>>, vector<16xf32>,
      tpu.vector_store %arg11[%swap3A_3469], %div3A_3468 {strides = array<i32>} : memref<320xf32, #tpu.memory_space<vmem>>, vector<16xf32>,
      %broadcast_in_dim3A_3471 = arith.constant 0.000000e+00 : f32
      %broadcast_in_dim3A_3472 = vector.broadcast %broadcast_in_dim3A_3471 : f32 to vector<16xf32>
      %get3A_3473 = arith.constant 72 : i32
      %get3A_3474 = arith.index_cast %get3A_3473 : i32 to index
      %get3A_3475 = arith.constant 48 : index
      %get3A_3476 = tpu.vector_load %arg10[%get3A_3474, %get3A_3475] {strides = array<i32>} : memref<120x64xf32, #tpu.memory_space<vmem>>, vector<16xf32>,
      %mul3A_3477 = vector.broadcast %reduce_max3A_2814 : f32 to vector<16xf32>
      %mul3A_3478 = arith.mulf %mul3A_3477, %get3A_3476 : vector<16xf32>
      %add3A_3479 = arith.addf %broadcast_in_dim3A_3472, %mul3A_3478 : vector<16xf32>
      %get3A_3480 = arith.constant 73 : i32
      %get3A_3481 = arith.index_cast %get3A_3480 : i32 to index
      %get3A_3482 = arith.constant 48 : index
      %get3A_3483 = tpu.vector_load %arg10[%get3A_3481, %get3A_3482] {strides = array<i32>} : memref<120x64xf32, #tpu.memory_space<vmem>>, vector<16xf32>,
      %mul3A_3484 = vector.broadcast %reduce_max3A_2824 : f32 to vector<16xf32>
      %mul3A_3485 = arith.mulf %mul3A_3484, %get3A_3483 : vector<16xf32>
      %add3A_3486 = arith.addf %add3A_3479, %mul3A_3485 : vector<16xf32>
      %get3A_3487 = arith.constant 74 : i32
      %get3A_3488 = arith.index_cast %get3A_3487 : i32 to index
      %get3A_3489 = arith.constant 48 : index
      %get3A_3490 = tpu.vector_load %arg10[%get3A_3488, %get3A_3489] {strides = array<i32>} : memref<120x64xf32, #tpu.memory_space<vmem>>, vector<16xf32>,
      %mul3A_3491 = vector.broadcast %reduce_max3A_2834 : f32 to vector<16xf32>
      %mul3A_3492 = arith.mulf %mul3A_3491, %get3A_3490 : vector<16xf32>
      %add3A_3493 = arith.addf %add3A_3486, %mul3A_3492 : vector<16xf32>
      %get3A_3494 = arith.constant 75 : i32
      %get3A_3495 = arith.index_cast %get3A_3494 : i32 to index
      %get3A_3496 = arith.constant 48 : index
      %get3A_3497 = tpu.vector_load %arg10[%get3A_3495, %get3A_3496] {strides = array<i32>} : memref<120x64xf32, #tpu.memory_space<vmem>>, vector<16xf32>,
      %mul3A_3498 = vector.broadcast %reduce_max3A_2844 : f32 to vector<16xf32>
      %mul3A_3499 = arith.mulf %mul3A_3498, %get3A_3497 : vector<16xf32>
      %add3A_3500 = arith.addf %add3A_3493, %mul3A_3499 : vector<16xf32>
      %get3A_3501 = arith.constant 76 : i32
      %get3A_3502 = arith.index_cast %get3A_3501 : i32 to index
      %get3A_3503 = arith.constant 48 : index
      %get3A_3504 = tpu.vector_load %arg10[%get3A_3502, %get3A_3503] {strides = array<i32>} : memref<120x64xf32, #tpu.memory_space<vmem>>, vector<16xf32>,
      %mul3A_3505 = vector.broadcast %reduce_max3A_2854 : f32 to vector<16xf32>
      %mul3A_3506 = arith.mulf %mul3A_3505, %get3A_3504 : vector<16xf32>
      %add3A_3507 = arith.addf %add3A_3500, %mul3A_3506 : vector<16xf32>
      %get3A_3508 = arith.constant 77 : i32
      %get3A_3509 = arith.index_cast %get3A_3508 : i32 to index
      %get3A_3510 = arith.constant 48 : index
      %get3A_3511 = tpu.vector_load %arg10[%get3A_3509, %get3A_3510] {strides = array<i32>} : memref<120x64xf32, #tpu.memory_space<vmem>>, vector<16xf32>,
      %mul3A_3512 = vector.broadcast %reduce_max3A_2864 : f32 to vector<16xf32>
      %mul3A_3513 = arith.mulf %mul3A_3512, %get3A_3511 : vector<16xf32>
      %add3A_3514 = arith.addf %add3A_3507, %mul3A_3513 : vector<16xf32>
      %get3A_3515 = arith.constant 78 : i32
      %get3A_3516 = arith.index_cast %get3A_3515 : i32 to index
      %get3A_3517 = arith.constant 48 : index
      %get3A_3518 = tpu.vector_load %arg10[%get3A_3516, %get3A_3517] {strides = array<i32>} : memref<120x64xf32, #tpu.memory_space<vmem>>, vector<16xf32>,
      %mul3A_3519 = vector.broadcast %reduce_max3A_2874 : f32 to vector<16xf32>
      %mul3A_3520 = arith.mulf %mul3A_3519, %get3A_3518 : vector<16xf32>
      %add3A_3521 = arith.addf %add3A_3514, %mul3A_3520 : vector<16xf32>
      %get3A_3522 = arith.constant 79 : i32
      %get3A_3523 = arith.index_cast %get3A_3522 : i32 to index
      %get3A_3524 = arith.constant 48 : index
      %get3A_3525 = tpu.vector_load %arg10[%get3A_3523, %get3A_3524] {strides = array<i32>} : memref<120x64xf32, #tpu.memory_space<vmem>>, vector<16xf32>,
      %mul3A_3526 = vector.broadcast %reduce_max3A_2884 : f32 to vector<16xf32>
      %mul3A_3527 = arith.mulf %mul3A_3526, %get3A_3525 : vector<16xf32>
      %add3A_3528 = arith.addf %add3A_3521, %mul3A_3527 : vector<16xf32>
      %get3A_3529 = arith.constant 80 : i32
      %get3A_3530 = arith.index_cast %get3A_3529 : i32 to index
      %get3A_3531 = arith.constant 48 : index
      %get3A_3532 = tpu.vector_load %arg10[%get3A_3530, %get3A_3531] {strides = array<i32>} : memref<120x64xf32, #tpu.memory_space<vmem>>, vector<16xf32>,
      %mul3A_3533 = vector.broadcast %reduce_max3A_2894 : f32 to vector<16xf32>
      %mul3A_3534 = arith.mulf %mul3A_3533, %get3A_3532 : vector<16xf32>
      %add3A_3535 = arith.addf %add3A_3528, %mul3A_3534 : vector<16xf32>
      %get3A_3536 = arith.constant 81 : i32
      %get3A_3537 = arith.index_cast %get3A_3536 : i32 to index
      %get3A_3538 = arith.constant 48 : index
      %get3A_3539 = tpu.vector_load %arg10[%get3A_3537, %get3A_3538] {strides = array<i32>} : memref<120x64xf32, #tpu.memory_space<vmem>>, vector<16xf32>,
      %mul3A_3540 = vector.broadcast %reduce_max3A_2904 : f32 to vector<16xf32>
      %mul3A_3541 = arith.mulf %mul3A_3540, %get3A_3539 : vector<16xf32>
      %add3A_3542 = arith.addf %add3A_3535, %mul3A_3541 : vector<16xf32>
      %get3A_3543 = arith.constant 82 : i32
      %get3A_3544 = arith.index_cast %get3A_3543 : i32 to index
      %get3A_3545 = arith.constant 48 : index
      %get3A_3546 = tpu.vector_load %arg10[%get3A_3544, %get3A_3545] {strides = array<i32>} : memref<120x64xf32, #tpu.memory_space<vmem>>, vector<16xf32>,
      %mul3A_3547 = vector.broadcast %reduce_max3A_2914 : f32 to vector<16xf32>
      %mul3A_3548 = arith.mulf %mul3A_3547, %get3A_3546 : vector<16xf32>
      %add3A_3549 = arith.addf %add3A_3542, %mul3A_3548 : vector<16xf32>
      %get3A_3550 = arith.constant 83 : i32
      %get3A_3551 = arith.index_cast %get3A_3550 : i32 to index
      %get3A_3552 = arith.constant 48 : index
      %get3A_3553 = tpu.vector_load %arg10[%get3A_3551, %get3A_3552] {strides = array<i32>} : memref<120x64xf32, #tpu.memory_space<vmem>>, vector<16xf32>,
      %mul3A_3554 = vector.broadcast %reduce_max3A_2924 : f32 to vector<16xf32>
      %mul3A_3555 = arith.mulf %mul3A_3554, %get3A_3553 : vector<16xf32>
      %add3A_3556 = arith.addf %add3A_3549, %mul3A_3555 : vector<16xf32>
      %get3A_3557 = arith.constant 84 : i32
      %get3A_3558 = arith.index_cast %get3A_3557 : i32 to index
      %get3A_3559 = arith.constant 48 : index
      %get3A_3560 = tpu.vector_load %arg10[%get3A_3558, %get3A_3559] {strides = array<i32>} : memref<120x64xf32, #tpu.memory_space<vmem>>, vector<16xf32>,
      %mul3A_3561 = vector.broadcast %reduce_max3A_2934 : f32 to vector<16xf32>
      %mul3A_3562 = arith.mulf %mul3A_3561, %get3A_3560 : vector<16xf32>
      %add3A_3563 = arith.addf %add3A_3556, %mul3A_3562 : vector<16xf32>
      %get3A_3564 = arith.constant 85 : i32
      %get3A_3565 = arith.index_cast %get3A_3564 : i32 to index
      %get3A_3566 = arith.constant 48 : index
      %get3A_3567 = tpu.vector_load %arg10[%get3A_3565, %get3A_3566] {strides = array<i32>} : memref<120x64xf32, #tpu.memory_space<vmem>>, vector<16xf32>,
      %mul3A_3568 = vector.broadcast %reduce_max3A_2944 : f32 to vector<16xf32>
      %mul3A_3569 = arith.mulf %mul3A_3568, %get3A_3567 : vector<16xf32>
      %add3A_3570 = arith.addf %add3A_3563, %mul3A_3569 : vector<16xf32>
      %get3A_3571 = arith.constant 86 : i32
      %get3A_3572 = arith.index_cast %get3A_3571 : i32 to index
      %get3A_3573 = arith.constant 48 : index
      %get3A_3574 = tpu.vector_load %arg10[%get3A_3572, %get3A_3573] {strides = array<i32>} : memref<120x64xf32, #tpu.memory_space<vmem>>, vector<16xf32>,
      %mul3A_3575 = vector.broadcast %reduce_max3A_2954 : f32 to vector<16xf32>
      %mul3A_3576 = arith.mulf %mul3A_3575, %get3A_3574 : vector<16xf32>
      %add3A_3577 = arith.addf %add3A_3570, %mul3A_3576 : vector<16xf32>
      %get3A_3578 = arith.constant 87 : i32
      %get3A_3579 = arith.index_cast %get3A_3578 : i32 to index
      %get3A_3580 = arith.constant 48 : index
      %get3A_3581 = tpu.vector_load %arg10[%get3A_3579, %get3A_3580] {strides = array<i32>} : memref<120x64xf32, #tpu.memory_space<vmem>>, vector<16xf32>,
      %mul3A_3582 = vector.broadcast %reduce_max3A_2964 : f32 to vector<16xf32>
      %mul3A_3583 = arith.mulf %mul3A_3582, %get3A_3581 : vector<16xf32>
      %add3A_3584 = arith.addf %add3A_3577, %mul3A_3583 : vector<16xf32>
      %get3A_3585 = arith.constant 88 : i32
      %get3A_3586 = arith.index_cast %get3A_3585 : i32 to index
      %get3A_3587 = arith.constant 48 : index
      %get3A_3588 = tpu.vector_load %arg10[%get3A_3586, %get3A_3587] {strides = array<i32>} : memref<120x64xf32, #tpu.memory_space<vmem>>, vector<16xf32>,
      %mul3A_3589 = vector.broadcast %reduce_max3A_2974 : f32 to vector<16xf32>
      %mul3A_3590 = arith.mulf %mul3A_3589, %get3A_3588 : vector<16xf32>
      %add3A_3591 = arith.addf %add3A_3584, %mul3A_3590 : vector<16xf32>
      %get3A_3592 = arith.constant 89 : i32
      %get3A_3593 = arith.index_cast %get3A_3592 : i32 to index
      %get3A_3594 = arith.constant 48 : index
      %get3A_3595 = tpu.vector_load %arg10[%get3A_3593, %get3A_3594] {strides = array<i32>} : memref<120x64xf32, #tpu.memory_space<vmem>>, vector<16xf32>,
      %mul3A_3596 = vector.broadcast %reduce_max3A_2984 : f32 to vector<16xf32>
      %mul3A_3597 = arith.mulf %mul3A_3596, %get3A_3595 : vector<16xf32>
      %add3A_3598 = arith.addf %add3A_3591, %mul3A_3597 : vector<16xf32>
      %get3A_3599 = arith.constant 90 : i32
      %get3A_3600 = arith.index_cast %get3A_3599 : i32 to index
      %get3A_3601 = arith.constant 48 : index
      %get3A_3602 = tpu.vector_load %arg10[%get3A_3600, %get3A_3601] {strides = array<i32>} : memref<120x64xf32, #tpu.memory_space<vmem>>, vector<16xf32>,
      %mul3A_3603 = vector.broadcast %reduce_max3A_2994 : f32 to vector<16xf32>
      %mul3A_3604 = arith.mulf %mul3A_3603, %get3A_3602 : vector<16xf32>
      %add3A_3605 = arith.addf %add3A_3598, %mul3A_3604 : vector<16xf32>
      %get3A_3606 = arith.constant 91 : i32
      %get3A_3607 = arith.index_cast %get3A_3606 : i32 to index
      %get3A_3608 = arith.constant 48 : index
      %get3A_3609 = tpu.vector_load %arg10[%get3A_3607, %get3A_3608] {strides = array<i32>} : memref<120x64xf32, #tpu.memory_space<vmem>>, vector<16xf32>,
      %mul3A_3610 = vector.broadcast %reduce_max3A_3004 : f32 to vector<16xf32>
      %mul3A_3611 = arith.mulf %mul3A_3610, %get3A_3609 : vector<16xf32>
      %add3A_3612 = arith.addf %add3A_3605, %mul3A_3611 : vector<16xf32>
      %get3A_3613 = arith.constant 92 : i32
      %get3A_3614 = arith.index_cast %get3A_3613 : i32 to index
      %get3A_3615 = arith.constant 48 : index
      %get3A_3616 = tpu.vector_load %arg10[%get3A_3614, %get3A_3615] {strides = array<i32>} : memref<120x64xf32, #tpu.memory_space<vmem>>, vector<16xf32>,
      %mul3A_3617 = vector.broadcast %reduce_max3A_3014 : f32 to vector<16xf32>
      %mul3A_3618 = arith.mulf %mul3A_3617, %get3A_3616 : vector<16xf32>
      %add3A_3619 = arith.addf %add3A_3612, %mul3A_3618 : vector<16xf32>
      %div3A_3620 = arith.divf %add3A_3619, %broadcast_in_dim3A_2804 : vector<16xf32>
      %swap3A_3621 = arith.constant 240 : index
      %swap3A_3622 = tpu.vector_load %arg11[%swap3A_3621] {strides = array<i32>} : memref<320xf32, #tpu.memory_space<vmem>>, vector<16xf32>,
      tpu.vector_store %arg11[%swap3A_3621], %div3A_3620 {strides = array<i32>} : memref<320xf32, #tpu.memory_space<vmem>>, vector<16xf32>,
      %add3A_3623 = arith.constant 4 : i32
      %add3A_3624 = arith.addi %add3A_29, %add3A_3623 : i32
      %get3A_3625 = arith.constant 96 : index
      %get3A_3626 = tpu.vector_load %arg9[%get3A_3625] {strides = array<i32>} : memref<120xi32, #tpu.memory_space<vmem>>, vector<16xi32>,
      %get3A_3627 = arith.constant 104 : index
      %get3A_3628 = tpu.vector_load %arg9[%get3A_3627] {strides = array<i32>} : memref<120xi32, #tpu.memory_space<vmem>>, vector<16xi32>,
      %sub3A_3629 = vector.broadcast %mul3A_20 : i32 to vector<16xi32>
      %sub3A_3630 = arith.subi %get3A_3626, %sub3A_3629 : vector<16xi32>
      %gather3A_3631 = tpu.vector_load_idx %arg8[%sub3A_3630] : memref<10000xf32, #tpu.memory_space<vmem>>[vector<16xi32>], vector<16xf32>,
      %sub3A_3632 = vector.broadcast %mul3A_20 : i32 to vector<16xi32>
      %sub3A_3633 = arith.subi %get3A_3628, %sub3A_3632 : vector<16xi32>
      %gather3A_3634 = tpu.vector_load_idx %arg8[%sub3A_3633] : memref<10000xf32, #tpu.memory_space<vmem>>[vector<16xi32>], vector<16xf32>,
      %sub3A_3635 = arith.subi %add3A_3624, %mul3A_20 : i32
      %broadcast_in_dim3A_3636 = vector.broadcast %sub3A_3635 : i32 to vector<16xi32>
      %gather3A_3637 = tpu.vector_load_idx %arg7[%broadcast_in_dim3A_3636] : memref<10000xf32, #tpu.memory_space<vmem>>[vector<16xi32>], vector<16xf32>,
      %add3A_3638 = arith.addf %gather3A_3637, %gather3A_3631 : vector<16xf32>
      %add3A_3639 = arith.addf %gather3A_3637, %gather3A_3634 : vector<16xf32>
      %gt3A_3640 = arith.constant 0.000000e+00 : f32
      %gt3A_3641 = vector.broadcast %gt3A_3640 : f32 to vector<16xf32>
      %gt3A_3642 = arith.cmpf ogt, %add3A_3638, %gt3A_3641 : vector<16xf32>
      %mul3A_3643 = arith.constant 2.000000e-01 : f32
      %mul3A_3644 = vector.broadcast %mul3A_3643 : f32 to vector<16xf32>
      %mul3A_3645 = arith.mulf %mul3A_3644, %add3A_3638 : vector<16xf32>
      %select_n3A_3646 = arith.select %gt3A_3642, %add3A_3638, %mul3A_3645 : vector<16xi1>, vector<16xf32>
      %gt3A_3647 = arith.constant 0.000000e+00 : f32
      %gt3A_3648 = vector.broadcast %gt3A_3647 : f32 to vector<16xf32>
      %gt3A_3649 = arith.cmpf ogt, %add3A_3639, %gt3A_3648 : vector<16xf32>
      %mul3A_3650 = arith.constant 2.000000e-01 : f32
      %mul3A_3651 = vector.broadcast %mul3A_3650 : f32 to vector<16xf32>
      %mul3A_3652 = arith.mulf %mul3A_3651, %add3A_3639 : vector<16xf32>
      %select_n3A_3653 = arith.select %gt3A_3649, %add3A_3639, %mul3A_3652 : vector<16xi1>, vector<16xf32>
      %broadcast_in_dim3A_3654 = vector.broadcast %add3A_3624 : i32 to vector<16xi32>
      %add3A_3655 = arith.constant 8 : i32
      %add3A_3656 = vector.broadcast %add3A_3655 : i32 to vector<16xi32>
      %add3A_3657 = arith.addi %iota3A, %add3A_3656 : vector<16xi32>
      %ne3A_3658 = arith.cmpi ne, %get3A_3626, %broadcast_in_dim3A_3654 : vector<16xi32>
      %eq3A_3659 = arith.constant 20 : i32
      %eq3A_3660 = vector.broadcast %eq3A_3659 : i32 to vector<16xi32>
      %eq3A_3661 = arith.cmpi eq, %add3A_3657, %eq3A_3660 : vector<16xi32>
      %ge3A_3662 = arith.constant 16 : i32
      %ge3A_3663 = vector.broadcast %ge3A_3662 : i32 to vector<16xi32>
      %ge3A_3664 = arith.cmpi sge, %add3A_3657, %ge3A_3663 : vector<16xi32>
      %lt3A_3665 = arith.constant 20 : i32
      %lt3A_3666 = vector.broadcast %lt3A_3665 : i32 to vector<16xi32>
      %lt3A_3667 = arith.cmpi slt, %add3A_3657, %lt3A_3666 : vector<16xi32>
      %and3A_3668 = arith.andi %ge3A_3664, %lt3A_3667 : vector<16xi1>
      %ne3A_3669 = arith.cmpi ne, %get3A_3628, %broadcast_in_dim3A_3654 : vector<16xi32>
      %and3A_3670 = arith.andi %and3A_3668, %ne3A_3669 : vector<16xi1>
      %or3A_3671 = arith.ori %eq3A_3661, %and3A_3670 : vector<16xi1>
      %jit3A_3672 = arith.constant -1.000000e+30 : f32
      %broadcast_in_dim3A_3673 = vector.broadcast %jit3A_3672 : f32 to vector<16xf32>
      %select_n3A_3674 = arith.select %ne3A_3658, %select_n3A_3646, %broadcast_in_dim3A_3673 : vector<16xi1>, vector<16xf32>
      %jit3A_3675 = arith.constant -1.000000e+30 : f32
      %broadcast_in_dim3A_3676 = vector.broadcast %jit3A_3675 : f32 to vector<16xf32>
      %select_n3A_3677 = arith.select %or3A_3671, %select_n3A_3653, %broadcast_in_dim3A_3676 : vector<16xi1>, vector<16xf32>
      %reduce_max3A_3678 = arith.constant true
      %reduce_max3A_3679 = vector.broadcast %reduce_max3A_3678 : i1 to vector<16xi1>
      %reduce_max3A_3680 = tpu.scan <max>, %select_n3A_3674 masked %reduce_max3A_3679 : vector<16xf32>, vector<16xi1> -> vector<16xf32>
      %reduce_max3A_3681 = vector.extract %reduce_max3A_3680[15] : f32 from vector<16xf32>
      %reduce_max3A_3682 = arith.constant true
      %reduce_max3A_3683 = vector.broadcast %reduce_max3A_3682 : i1 to vector<16xi1>
      %reduce_max3A_3684 = tpu.scan <max>, %select_n3A_3677 masked %reduce_max3A_3683 : vector<16xf32>, vector<16xi1> -> vector<16xf32>
      %reduce_max3A_3685 = vector.extract %reduce_max3A_3684[15] : f32 from vector<16xf32>
      %max3A_3686 = arith.maximumf %reduce_max3A_3681, %reduce_max3A_3685 : f32
      %sub3A_3687 = vector.broadcast %max3A_3686 : f32 to vector<16xf32>
      %sub3A_3688 = arith.subf %select_n3A_3674, %sub3A_3687 : vector<16xf32>
      %exp3A_3689 = math.exp %sub3A_3688 : vector<16xf32>
      %sub3A_3690 = vector.broadcast %max3A_3686 : f32 to vector<16xf32>
      %sub3A_3691 = arith.subf %select_n3A_3677, %sub3A_3690 : vector<16xf32>
      %exp3A_3692 = math.exp %sub3A_3691 : vector<16xf32>
      %reduce_sum3A_3693 = arith.constant true
      %reduce_sum3A_3694 = vector.broadcast %reduce_sum3A_3693 : i1 to vector<16xi1>
      %reduce_sum3A_3695 = tpu.scan <sum>, %exp3A_3689 masked %reduce_sum3A_3694 : vector<16xf32>, vector<16xi1> -> vector<16xf32>
      %reduce_sum3A_3696 = vector.extract %reduce_sum3A_3695[15] : f32 from vector<16xf32>
      %reduce_sum3A_3697 = arith.constant true
      %reduce_sum3A_3698 = vector.broadcast %reduce_sum3A_3697 : i1 to vector<16xi1>
      %reduce_sum3A_3699 = tpu.scan <sum>, %exp3A_3692 masked %reduce_sum3A_3698 : vector<16xf32>, vector<16xi1> -> vector<16xf32>
      %reduce_sum3A_3700 = vector.extract %reduce_sum3A_3699[15] : f32 from vector<16xf32>
      %add3A_3701 = arith.addf %reduce_sum3A_3696, %reduce_sum3A_3700 : f32
      %add3A_3702 = arith.constant 1.000000e-16 : f32
      %add3A_3703 = arith.addf %add3A_3701, %add3A_3702 : f32
      %broadcast_in_dim3A_3704 = vector.broadcast %add3A_3703 : f32 to vector<16xf32>
      %eq3A_3705 = arith.constant 0 : i32
      %eq3A_3706 = vector.broadcast %eq3A_3705 : i32 to vector<16xi32>
      %eq3A_3707 = arith.cmpi eq, %iota3A, %eq3A_3706 : vector<16xi32>
      %jit3A_3708 = arith.constant 0.000000e+00 : f32
      %broadcast_in_dim3A_3709 = vector.broadcast %jit3A_3708 : f32 to vector<16xf32>
      %select_n3A_3710 = arith.select %eq3A_3707, %exp3A_3689, %broadcast_in_dim3A_3709 : vector<16xi1>, vector<16xf32>
      %reduce_max3A_3711 = arith.constant true
      %reduce_max3A_3712 = vector.broadcast %reduce_max3A_3711 : i1 to vector<16xi1>
      %reduce_max3A_3713 = tpu.scan <max>, %select_n3A_3710 masked %reduce_max3A_3712 : vector<16xf32>, vector<16xi1> -> vector<16xf32>
      %reduce_max3A_3714 = vector.extract %reduce_max3A_3713[15] : f32 from vector<16xf32>
      %eq3A_3715 = arith.constant 1 : i32
      %eq3A_3716 = vector.broadcast %eq3A_3715 : i32 to vector<16xi32>
      %eq3A_3717 = arith.cmpi eq, %iota3A, %eq3A_3716 : vector<16xi32>
      %jit3A_3718 = arith.constant 0.000000e+00 : f32
      %broadcast_in_dim3A_3719 = vector.broadcast %jit3A_3718 : f32 to vector<16xf32>
      %select_n3A_3720 = arith.select %eq3A_3717, %exp3A_3689, %broadcast_in_dim3A_3719 : vector<16xi1>, vector<16xf32>
      %reduce_max3A_3721 = arith.constant true
      %reduce_max3A_3722 = vector.broadcast %reduce_max3A_3721 : i1 to vector<16xi1>
      %reduce_max3A_3723 = tpu.scan <max>, %select_n3A_3720 masked %reduce_max3A_3722 : vector<16xf32>, vector<16xi1> -> vector<16xf32>
      %reduce_max3A_3724 = vector.extract %reduce_max3A_3723[15] : f32 from vector<16xf32>
      %eq3A_3725 = arith.constant 2 : i32
      %eq3A_3726 = vector.broadcast %eq3A_3725 : i32 to vector<16xi32>
      %eq3A_3727 = arith.cmpi eq, %iota3A, %eq3A_3726 : vector<16xi32>
      %jit3A_3728 = arith.constant 0.000000e+00 : f32
      %broadcast_in_dim3A_3729 = vector.broadcast %jit3A_3728 : f32 to vector<16xf32>
      %select_n3A_3730 = arith.select %eq3A_3727, %exp3A_3689, %broadcast_in_dim3A_3729 : vector<16xi1>, vector<16xf32>
      %reduce_max3A_3731 = arith.constant true
      %reduce_max3A_3732 = vector.broadcast %reduce_max3A_3731 : i1 to vector<16xi1>
      %reduce_max3A_3733 = tpu.scan <max>, %select_n3A_3730 masked %reduce_max3A_3732 : vector<16xf32>, vector<16xi1> -> vector<16xf32>
      %reduce_max3A_3734 = vector.extract %reduce_max3A_3733[15] : f32 from vector<16xf32>
      %eq3A_3735 = arith.constant 3 : i32
      %eq3A_3736 = vector.broadcast %eq3A_3735 : i32 to vector<16xi32>
      %eq3A_3737 = arith.cmpi eq, %iota3A, %eq3A_3736 : vector<16xi32>
      %jit3A_3738 = arith.constant 0.000000e+00 : f32
      %broadcast_in_dim3A_3739 = vector.broadcast %jit3A_3738 : f32 to vector<16xf32>
      %select_n3A_3740 = arith.select %eq3A_3737, %exp3A_3689, %broadcast_in_dim3A_3739 : vector<16xi1>, vector<16xf32>
      %reduce_max3A_3741 = arith.constant true
      %reduce_max3A_3742 = vector.broadcast %reduce_max3A_3741 : i1 to vector<16xi1>
      %reduce_max3A_3743 = tpu.scan <max>, %select_n3A_3740 masked %reduce_max3A_3742 : vector<16xf32>, vector<16xi1> -> vector<16xf32>
      %reduce_max3A_3744 = vector.extract %reduce_max3A_3743[15] : f32 from vector<16xf32>
      %eq3A_3745 = arith.constant 4 : i32
      %eq3A_3746 = vector.broadcast %eq3A_3745 : i32 to vector<16xi32>
      %eq3A_3747 = arith.cmpi eq, %iota3A, %eq3A_3746 : vector<16xi32>
      %jit3A_3748 = arith.constant 0.000000e+00 : f32
      %broadcast_in_dim3A_3749 = vector.broadcast %jit3A_3748 : f32 to vector<16xf32>
      %select_n3A_3750 = arith.select %eq3A_3747, %exp3A_3689, %broadcast_in_dim3A_3749 : vector<16xi1>, vector<16xf32>
      %reduce_max3A_3751 = arith.constant true
      %reduce_max3A_3752 = vector.broadcast %reduce_max3A_3751 : i1 to vector<16xi1>
      %reduce_max3A_3753 = tpu.scan <max>, %select_n3A_3750 masked %reduce_max3A_3752 : vector<16xf32>, vector<16xi1> -> vector<16xf32>
      %reduce_max3A_3754 = vector.extract %reduce_max3A_3753[15] : f32 from vector<16xf32>
      %eq3A_3755 = arith.constant 5 : i32
      %eq3A_3756 = vector.broadcast %eq3A_3755 : i32 to vector<16xi32>
      %eq3A_3757 = arith.cmpi eq, %iota3A, %eq3A_3756 : vector<16xi32>
      %jit3A_3758 = arith.constant 0.000000e+00 : f32
      %broadcast_in_dim3A_3759 = vector.broadcast %jit3A_3758 : f32 to vector<16xf32>
      %select_n3A_3760 = arith.select %eq3A_3757, %exp3A_3689, %broadcast_in_dim3A_3759 : vector<16xi1>, vector<16xf32>
      %reduce_max3A_3761 = arith.constant true
      %reduce_max3A_3762 = vector.broadcast %reduce_max3A_3761 : i1 to vector<16xi1>
      %reduce_max3A_3763 = tpu.scan <max>, %select_n3A_3760 masked %reduce_max3A_3762 : vector<16xf32>, vector<16xi1> -> vector<16xf32>
      %reduce_max3A_3764 = vector.extract %reduce_max3A_3763[15] : f32 from vector<16xf32>
      %eq3A_3765 = arith.constant 6 : i32
      %eq3A_3766 = vector.broadcast %eq3A_3765 : i32 to vector<16xi32>
      %eq3A_3767 = arith.cmpi eq, %iota3A, %eq3A_3766 : vector<16xi32>
      %jit3A_3768 = arith.constant 0.000000e+00 : f32
      %broadcast_in_dim3A_3769 = vector.broadcast %jit3A_3768 : f32 to vector<16xf32>
      %select_n3A_3770 = arith.select %eq3A_3767, %exp3A_3689, %broadcast_in_dim3A_3769 : vector<16xi1>, vector<16xf32>
      %reduce_max3A_3771 = arith.constant true
      %reduce_max3A_3772 = vector.broadcast %reduce_max3A_3771 : i1 to vector<16xi1>
      %reduce_max3A_3773 = tpu.scan <max>, %select_n3A_3770 masked %reduce_max3A_3772 : vector<16xf32>, vector<16xi1> -> vector<16xf32>
      %reduce_max3A_3774 = vector.extract %reduce_max3A_3773[15] : f32 from vector<16xf32>
      %eq3A_3775 = arith.constant 7 : i32
      %eq3A_3776 = vector.broadcast %eq3A_3775 : i32 to vector<16xi32>
      %eq3A_3777 = arith.cmpi eq, %iota3A, %eq3A_3776 : vector<16xi32>
      %jit3A_3778 = arith.constant 0.000000e+00 : f32
      %broadcast_in_dim3A_3779 = vector.broadcast %jit3A_3778 : f32 to vector<16xf32>
      %select_n3A_3780 = arith.select %eq3A_3777, %exp3A_3689, %broadcast_in_dim3A_3779 : vector<16xi1>, vector<16xf32>
      %reduce_max3A_3781 = arith.constant true
      %reduce_max3A_3782 = vector.broadcast %reduce_max3A_3781 : i1 to vector<16xi1>
      %reduce_max3A_3783 = tpu.scan <max>, %select_n3A_3780 masked %reduce_max3A_3782 : vector<16xf32>, vector<16xi1> -> vector<16xf32>
      %reduce_max3A_3784 = vector.extract %reduce_max3A_3783[15] : f32 from vector<16xf32>
      %eq3A_3785 = arith.constant 8 : i32
      %eq3A_3786 = vector.broadcast %eq3A_3785 : i32 to vector<16xi32>
      %eq3A_3787 = arith.cmpi eq, %iota3A, %eq3A_3786 : vector<16xi32>
      %jit3A_3788 = arith.constant 0.000000e+00 : f32
      %broadcast_in_dim3A_3789 = vector.broadcast %jit3A_3788 : f32 to vector<16xf32>
      %select_n3A_3790 = arith.select %eq3A_3787, %exp3A_3689, %broadcast_in_dim3A_3789 : vector<16xi1>, vector<16xf32>
      %reduce_max3A_3791 = arith.constant true
      %reduce_max3A_3792 = vector.broadcast %reduce_max3A_3791 : i1 to vector<16xi1>
      %reduce_max3A_3793 = tpu.scan <max>, %select_n3A_3790 masked %reduce_max3A_3792 : vector<16xf32>, vector<16xi1> -> vector<16xf32>
      %reduce_max3A_3794 = vector.extract %reduce_max3A_3793[15] : f32 from vector<16xf32>
      %eq3A_3795 = arith.constant 9 : i32
      %eq3A_3796 = vector.broadcast %eq3A_3795 : i32 to vector<16xi32>
      %eq3A_3797 = arith.cmpi eq, %iota3A, %eq3A_3796 : vector<16xi32>
      %jit3A_3798 = arith.constant 0.000000e+00 : f32
      %broadcast_in_dim3A_3799 = vector.broadcast %jit3A_3798 : f32 to vector<16xf32>
      %select_n3A_3800 = arith.select %eq3A_3797, %exp3A_3689, %broadcast_in_dim3A_3799 : vector<16xi1>, vector<16xf32>
      %reduce_max3A_3801 = arith.constant true
      %reduce_max3A_3802 = vector.broadcast %reduce_max3A_3801 : i1 to vector<16xi1>
      %reduce_max3A_3803 = tpu.scan <max>, %select_n3A_3800 masked %reduce_max3A_3802 : vector<16xf32>, vector<16xi1> -> vector<16xf32>
      %reduce_max3A_3804 = vector.extract %reduce_max3A_3803[15] : f32 from vector<16xf32>
      %eq3A_3805 = arith.constant 10 : i32
      %eq3A_3806 = vector.broadcast %eq3A_3805 : i32 to vector<16xi32>
      %eq3A_3807 = arith.cmpi eq, %iota3A, %eq3A_3806 : vector<16xi32>
      %jit3A_3808 = arith.constant 0.000000e+00 : f32
      %broadcast_in_dim3A_3809 = vector.broadcast %jit3A_3808 : f32 to vector<16xf32>
      %select_n3A_3810 = arith.select %eq3A_3807, %exp3A_3689, %broadcast_in_dim3A_3809 : vector<16xi1>, vector<16xf32>
      %reduce_max3A_3811 = arith.constant true
      %reduce_max3A_3812 = vector.broadcast %reduce_max3A_3811 : i1 to vector<16xi1>
      %reduce_max3A_3813 = tpu.scan <max>, %select_n3A_3810 masked %reduce_max3A_3812 : vector<16xf32>, vector<16xi1> -> vector<16xf32>
      %reduce_max3A_3814 = vector.extract %reduce_max3A_3813[15] : f32 from vector<16xf32>
      %eq3A_3815 = arith.constant 11 : i32
      %eq3A_3816 = vector.broadcast %eq3A_3815 : i32 to vector<16xi32>
      %eq3A_3817 = arith.cmpi eq, %iota3A, %eq3A_3816 : vector<16xi32>
      %jit3A_3818 = arith.constant 0.000000e+00 : f32
      %broadcast_in_dim3A_3819 = vector.broadcast %jit3A_3818 : f32 to vector<16xf32>
      %select_n3A_3820 = arith.select %eq3A_3817, %exp3A_3689, %broadcast_in_dim3A_3819 : vector<16xi1>, vector<16xf32>
      %reduce_max3A_3821 = arith.constant true
      %reduce_max3A_3822 = vector.broadcast %reduce_max3A_3821 : i1 to vector<16xi1>
      %reduce_max3A_3823 = tpu.scan <max>, %select_n3A_3820 masked %reduce_max3A_3822 : vector<16xf32>, vector<16xi1> -> vector<16xf32>
      %reduce_max3A_3824 = vector.extract %reduce_max3A_3823[15] : f32 from vector<16xf32>
      %eq3A_3825 = arith.constant 12 : i32
      %eq3A_3826 = vector.broadcast %eq3A_3825 : i32 to vector<16xi32>
      %eq3A_3827 = arith.cmpi eq, %iota3A, %eq3A_3826 : vector<16xi32>
      %jit3A_3828 = arith.constant 0.000000e+00 : f32
      %broadcast_in_dim3A_3829 = vector.broadcast %jit3A_3828 : f32 to vector<16xf32>
      %select_n3A_3830 = arith.select %eq3A_3827, %exp3A_3689, %broadcast_in_dim3A_3829 : vector<16xi1>, vector<16xf32>
      %reduce_max3A_3831 = arith.constant true
      %reduce_max3A_3832 = vector.broadcast %reduce_max3A_3831 : i1 to vector<16xi1>
      %reduce_max3A_3833 = tpu.scan <max>, %select_n3A_3830 masked %reduce_max3A_3832 : vector<16xf32>, vector<16xi1> -> vector<16xf32>
      %reduce_max3A_3834 = vector.extract %reduce_max3A_3833[15] : f32 from vector<16xf32>
      %eq3A_3835 = arith.constant 13 : i32
      %eq3A_3836 = vector.broadcast %eq3A_3835 : i32 to vector<16xi32>
      %eq3A_3837 = arith.cmpi eq, %iota3A, %eq3A_3836 : vector<16xi32>
      %jit3A_3838 = arith.constant 0.000000e+00 : f32
      %broadcast_in_dim3A_3839 = vector.broadcast %jit3A_3838 : f32 to vector<16xf32>
      %select_n3A_3840 = arith.select %eq3A_3837, %exp3A_3689, %broadcast_in_dim3A_3839 : vector<16xi1>, vector<16xf32>
      %reduce_max3A_3841 = arith.constant true
      %reduce_max3A_3842 = vector.broadcast %reduce_max3A_3841 : i1 to vector<16xi1>
      %reduce_max3A_3843 = tpu.scan <max>, %select_n3A_3840 masked %reduce_max3A_3842 : vector<16xf32>, vector<16xi1> -> vector<16xf32>
      %reduce_max3A_3844 = vector.extract %reduce_max3A_3843[15] : f32 from vector<16xf32>
      %eq3A_3845 = arith.constant 14 : i32
      %eq3A_3846 = vector.broadcast %eq3A_3845 : i32 to vector<16xi32>
      %eq3A_3847 = arith.cmpi eq, %iota3A, %eq3A_3846 : vector<16xi32>
      %jit3A_3848 = arith.constant 0.000000e+00 : f32
      %broadcast_in_dim3A_3849 = vector.broadcast %jit3A_3848 : f32 to vector<16xf32>
      %select_n3A_3850 = arith.select %eq3A_3847, %exp3A_3689, %broadcast_in_dim3A_3849 : vector<16xi1>, vector<16xf32>
      %reduce_max3A_3851 = arith.constant true
      %reduce_max3A_3852 = vector.broadcast %reduce_max3A_3851 : i1 to vector<16xi1>
      %reduce_max3A_3853 = tpu.scan <max>, %select_n3A_3850 masked %reduce_max3A_3852 : vector<16xf32>, vector<16xi1> -> vector<16xf32>
      %reduce_max3A_3854 = vector.extract %reduce_max3A_3853[15] : f32 from vector<16xf32>
      %eq3A_3855 = arith.constant 15 : i32
      %eq3A_3856 = vector.broadcast %eq3A_3855 : i32 to vector<16xi32>
      %eq3A_3857 = arith.cmpi eq, %iota3A, %eq3A_3856 : vector<16xi32>
      %jit3A_3858 = arith.constant 0.000000e+00 : f32
      %broadcast_in_dim3A_3859 = vector.broadcast %jit3A_3858 : f32 to vector<16xf32>
      %select_n3A_3860 = arith.select %eq3A_3857, %exp3A_3689, %broadcast_in_dim3A_3859 : vector<16xi1>, vector<16xf32>
      %reduce_max3A_3861 = arith.constant true
      %reduce_max3A_3862 = vector.broadcast %reduce_max3A_3861 : i1 to vector<16xi1>
      %reduce_max3A_3863 = tpu.scan <max>, %select_n3A_3860 masked %reduce_max3A_3862 : vector<16xf32>, vector<16xi1> -> vector<16xf32>
      %reduce_max3A_3864 = vector.extract %reduce_max3A_3863[15] : f32 from vector<16xf32>
      %eq3A_3865 = arith.constant 8 : i32
      %eq3A_3866 = vector.broadcast %eq3A_3865 : i32 to vector<16xi32>
      %eq3A_3867 = arith.cmpi eq, %iota3A, %eq3A_3866 : vector<16xi32>
      %jit3A_3868 = arith.constant 0.000000e+00 : f32
      %broadcast_in_dim3A_3869 = vector.broadcast %jit3A_3868 : f32 to vector<16xf32>
      %select_n3A_3870 = arith.select %eq3A_3867, %exp3A_3692, %broadcast_in_dim3A_3869 : vector<16xi1>, vector<16xf32>
      %reduce_max3A_3871 = arith.constant true
      %reduce_max3A_3872 = vector.broadcast %reduce_max3A_3871 : i1 to vector<16xi1>
      %reduce_max3A_3873 = tpu.scan <max>, %select_n3A_3870 masked %reduce_max3A_3872 : vector<16xf32>, vector<16xi1> -> vector<16xf32>
      %reduce_max3A_3874 = vector.extract %reduce_max3A_3873[15] : f32 from vector<16xf32>
      %eq3A_3875 = arith.constant 9 : i32
      %eq3A_3876 = vector.broadcast %eq3A_3875 : i32 to vector<16xi32>
      %eq3A_3877 = arith.cmpi eq, %iota3A, %eq3A_3876 : vector<16xi32>
      %jit3A_3878 = arith.constant 0.000000e+00 : f32
      %broadcast_in_dim3A_3879 = vector.broadcast %jit3A_3878 : f32 to vector<16xf32>
      %select_n3A_3880 = arith.select %eq3A_3877, %exp3A_3692, %broadcast_in_dim3A_3879 : vector<16xi1>, vector<16xf32>
      %reduce_max3A_3881 = arith.constant true
      %reduce_max3A_3882 = vector.broadcast %reduce_max3A_3881 : i1 to vector<16xi1>
      %reduce_max3A_3883 = tpu.scan <max>, %select_n3A_3880 masked %reduce_max3A_3882 : vector<16xf32>, vector<16xi1> -> vector<16xf32>
      %reduce_max3A_3884 = vector.extract %reduce_max3A_3883[15] : f32 from vector<16xf32>
      %eq3A_3885 = arith.constant 10 : i32
      %eq3A_3886 = vector.broadcast %eq3A_3885 : i32 to vector<16xi32>
      %eq3A_3887 = arith.cmpi eq, %iota3A, %eq3A_3886 : vector<16xi32>
      %jit3A_3888 = arith.constant 0.000000e+00 : f32
      %broadcast_in_dim3A_3889 = vector.broadcast %jit3A_3888 : f32 to vector<16xf32>
      %select_n3A_3890 = arith.select %eq3A_3887, %exp3A_3692, %broadcast_in_dim3A_3889 : vector<16xi1>, vector<16xf32>
      %reduce_max3A_3891 = arith.constant true
      %reduce_max3A_3892 = vector.broadcast %reduce_max3A_3891 : i1 to vector<16xi1>
      %reduce_max3A_3893 = tpu.scan <max>, %select_n3A_3890 masked %reduce_max3A_3892 : vector<16xf32>, vector<16xi1> -> vector<16xf32>
      %reduce_max3A_3894 = vector.extract %reduce_max3A_3893[15] : f32 from vector<16xf32>
      %eq3A_3895 = arith.constant 11 : i32
      %eq3A_3896 = vector.broadcast %eq3A_3895 : i32 to vector<16xi32>
      %eq3A_3897 = arith.cmpi eq, %iota3A, %eq3A_3896 : vector<16xi32>
      %jit3A_3898 = arith.constant 0.000000e+00 : f32
      %broadcast_in_dim3A_3899 = vector.broadcast %jit3A_3898 : f32 to vector<16xf32>
      %select_n3A_3900 = arith.select %eq3A_3897, %exp3A_3692, %broadcast_in_dim3A_3899 : vector<16xi1>, vector<16xf32>
      %reduce_max3A_3901 = arith.constant true
      %reduce_max3A_3902 = vector.broadcast %reduce_max3A_3901 : i1 to vector<16xi1>
      %reduce_max3A_3903 = tpu.scan <max>, %select_n3A_3900 masked %reduce_max3A_3902 : vector<16xf32>, vector<16xi1> -> vector<16xf32>
      %reduce_max3A_3904 = vector.extract %reduce_max3A_3903[15] : f32 from vector<16xf32>
      %eq3A_3905 = arith.constant 12 : i32
      %eq3A_3906 = vector.broadcast %eq3A_3905 : i32 to vector<16xi32>
      %eq3A_3907 = arith.cmpi eq, %iota3A, %eq3A_3906 : vector<16xi32>
      %jit3A_3908 = arith.constant 0.000000e+00 : f32
      %broadcast_in_dim3A_3909 = vector.broadcast %jit3A_3908 : f32 to vector<16xf32>
      %select_n3A_3910 = arith.select %eq3A_3907, %exp3A_3692, %broadcast_in_dim3A_3909 : vector<16xi1>, vector<16xf32>
      %reduce_max3A_3911 = arith.constant true
      %reduce_max3A_3912 = vector.broadcast %reduce_max3A_3911 : i1 to vector<16xi1>
      %reduce_max3A_3913 = tpu.scan <max>, %select_n3A_3910 masked %reduce_max3A_3912 : vector<16xf32>, vector<16xi1> -> vector<16xf32>
      %reduce_max3A_3914 = vector.extract %reduce_max3A_3913[15] : f32 from vector<16xf32>
      %broadcast_in_dim3A_3915 = arith.constant 0.000000e+00 : f32
      %broadcast_in_dim3A_3916 = vector.broadcast %broadcast_in_dim3A_3915 : f32 to vector<16xf32>
      %get3A_3917 = arith.constant 96 : i32
      %get3A_3918 = arith.index_cast %get3A_3917 : i32 to index
      %get3A_3919 = arith.constant 0 : index
      %get3A_3920 = tpu.vector_load %arg10[%get3A_3918, %get3A_3919] {strides = array<i32>} : memref<120x64xf32, #tpu.memory_space<vmem>>, vector<16xf32>,
      %mul3A_3921 = vector.broadcast %reduce_max3A_3714 : f32 to vector<16xf32>
      %mul3A_3922 = arith.mulf %mul3A_3921, %get3A_3920 : vector<16xf32>
      %add3A_3923 = arith.addf %broadcast_in_dim3A_3916, %mul3A_3922 : vector<16xf32>
      %get3A_3924 = arith.constant 97 : i32
      %get3A_3925 = arith.index_cast %get3A_3924 : i32 to index
      %get3A_3926 = arith.constant 0 : index
      %get3A_3927 = tpu.vector_load %arg10[%get3A_3925, %get3A_3926] {strides = array<i32>} : memref<120x64xf32, #tpu.memory_space<vmem>>, vector<16xf32>,
      %mul3A_3928 = vector.broadcast %reduce_max3A_3724 : f32 to vector<16xf32>
      %mul3A_3929 = arith.mulf %mul3A_3928, %get3A_3927 : vector<16xf32>
      %add3A_3930 = arith.addf %add3A_3923, %mul3A_3929 : vector<16xf32>
      %get3A_3931 = arith.constant 98 : i32
      %get3A_3932 = arith.index_cast %get3A_3931 : i32 to index
      %get3A_3933 = arith.constant 0 : index
      %get3A_3934 = tpu.vector_load %arg10[%get3A_3932, %get3A_3933] {strides = array<i32>} : memref<120x64xf32, #tpu.memory_space<vmem>>, vector<16xf32>,
      %mul3A_3935 = vector.broadcast %reduce_max3A_3734 : f32 to vector<16xf32>
      %mul3A_3936 = arith.mulf %mul3A_3935, %get3A_3934 : vector<16xf32>
      %add3A_3937 = arith.addf %add3A_3930, %mul3A_3936 : vector<16xf32>
      %get3A_3938 = arith.constant 99 : i32
      %get3A_3939 = arith.index_cast %get3A_3938 : i32 to index
      %get3A_3940 = arith.constant 0 : index
      %get3A_3941 = tpu.vector_load %arg10[%get3A_3939, %get3A_3940] {strides = array<i32>} : memref<120x64xf32, #tpu.memory_space<vmem>>, vector<16xf32>,
      %mul3A_3942 = vector.broadcast %reduce_max3A_3744 : f32 to vector<16xf32>
      %mul3A_3943 = arith.mulf %mul3A_3942, %get3A_3941 : vector<16xf32>
      %add3A_3944 = arith.addf %add3A_3937, %mul3A_3943 : vector<16xf32>
      %get3A_3945 = arith.constant 100 : i32
      %get3A_3946 = arith.index_cast %get3A_3945 : i32 to index
      %get3A_3947 = arith.constant 0 : index
      %get3A_3948 = tpu.vector_load %arg10[%get3A_3946, %get3A_3947] {strides = array<i32>} : memref<120x64xf32, #tpu.memory_space<vmem>>, vector<16xf32>,
      %mul3A_3949 = vector.broadcast %reduce_max3A_3754 : f32 to vector<16xf32>
      %mul3A_3950 = arith.mulf %mul3A_3949, %get3A_3948 : vector<16xf32>
      %add3A_3951 = arith.addf %add3A_3944, %mul3A_3950 : vector<16xf32>
      %get3A_3952 = arith.constant 101 : i32
      %get3A_3953 = arith.index_cast %get3A_3952 : i32 to index
      %get3A_3954 = arith.constant 0 : index
      %get3A_3955 = tpu.vector_load %arg10[%get3A_3953, %get3A_3954] {strides = array<i32>} : memref<120x64xf32, #tpu.memory_space<vmem>>, vector<16xf32>,
      %mul3A_3956 = vector.broadcast %reduce_max3A_3764 : f32 to vector<16xf32>
      %mul3A_3957 = arith.mulf %mul3A_3956, %get3A_3955 : vector<16xf32>
      %add3A_3958 = arith.addf %add3A_3951, %mul3A_3957 : vector<16xf32>
      %get3A_3959 = arith.constant 102 : i32
      %get3A_3960 = arith.index_cast %get3A_3959 : i32 to index
      %get3A_3961 = arith.constant 0 : index
      %get3A_3962 = tpu.vector_load %arg10[%get3A_3960, %get3A_3961] {strides = array<i32>} : memref<120x64xf32, #tpu.memory_space<vmem>>, vector<16xf32>,
      %mul3A_3963 = vector.broadcast %reduce_max3A_3774 : f32 to vector<16xf32>
      %mul3A_3964 = arith.mulf %mul3A_3963, %get3A_3962 : vector<16xf32>
      %add3A_3965 = arith.addf %add3A_3958, %mul3A_3964 : vector<16xf32>
      %get3A_3966 = arith.constant 103 : i32
      %get3A_3967 = arith.index_cast %get3A_3966 : i32 to index
      %get3A_3968 = arith.constant 0 : index
      %get3A_3969 = tpu.vector_load %arg10[%get3A_3967, %get3A_3968] {strides = array<i32>} : memref<120x64xf32, #tpu.memory_space<vmem>>, vector<16xf32>,
      %mul3A_3970 = vector.broadcast %reduce_max3A_3784 : f32 to vector<16xf32>
      %mul3A_3971 = arith.mulf %mul3A_3970, %get3A_3969 : vector<16xf32>
      %add3A_3972 = arith.addf %add3A_3965, %mul3A_3971 : vector<16xf32>
      %get3A_3973 = arith.constant 104 : i32
      %get3A_3974 = arith.index_cast %get3A_3973 : i32 to index
      %get3A_3975 = arith.constant 0 : index
      %get3A_3976 = tpu.vector_load %arg10[%get3A_3974, %get3A_3975] {strides = array<i32>} : memref<120x64xf32, #tpu.memory_space<vmem>>, vector<16xf32>,
      %mul3A_3977 = vector.broadcast %reduce_max3A_3794 : f32 to vector<16xf32>
      %mul3A_3978 = arith.mulf %mul3A_3977, %get3A_3976 : vector<16xf32>
      %add3A_3979 = arith.addf %add3A_3972, %mul3A_3978 : vector<16xf32>
      %get3A_3980 = arith.constant 105 : i32
      %get3A_3981 = arith.index_cast %get3A_3980 : i32 to index
      %get3A_3982 = arith.constant 0 : index
      %get3A_3983 = tpu.vector_load %arg10[%get3A_3981, %get3A_3982] {strides = array<i32>} : memref<120x64xf32, #tpu.memory_space<vmem>>, vector<16xf32>,
      %mul3A_3984 = vector.broadcast %reduce_max3A_3804 : f32 to vector<16xf32>
      %mul3A_3985 = arith.mulf %mul3A_3984, %get3A_3983 : vector<16xf32>
      %add3A_3986 = arith.addf %add3A_3979, %mul3A_3985 : vector<16xf32>
      %get3A_3987 = arith.constant 106 : i32
      %get3A_3988 = arith.index_cast %get3A_3987 : i32 to index
      %get3A_3989 = arith.constant 0 : index
      %get3A_3990 = tpu.vector_load %arg10[%get3A_3988, %get3A_3989] {strides = array<i32>} : memref<120x64xf32, #tpu.memory_space<vmem>>, vector<16xf32>,
      %mul3A_3991 = vector.broadcast %reduce_max3A_3814 : f32 to vector<16xf32>
      %mul3A_3992 = arith.mulf %mul3A_3991, %get3A_3990 : vector<16xf32>
      %add3A_3993 = arith.addf %add3A_3986, %mul3A_3992 : vector<16xf32>
      %get3A_3994 = arith.constant 107 : i32
      %get3A_3995 = arith.index_cast %get3A_3994 : i32 to index
      %get3A_3996 = arith.constant 0 : index
      %get3A_3997 = tpu.vector_load %arg10[%get3A_3995, %get3A_3996] {strides = array<i32>} : memref<120x64xf32, #tpu.memory_space<vmem>>, vector<16xf32>,
      %mul3A_3998 = vector.broadcast %reduce_max3A_3824 : f32 to vector<16xf32>
      %mul3A_3999 = arith.mulf %mul3A_3998, %get3A_3997 : vector<16xf32>
      %add3A_4000 = arith.addf %add3A_3993, %mul3A_3999 : vector<16xf32>
      %get3A_4001 = arith.constant 108 : i32
      %get3A_4002 = arith.index_cast %get3A_4001 : i32 to index
      %get3A_4003 = arith.constant 0 : index
      %get3A_4004 = tpu.vector_load %arg10[%get3A_4002, %get3A_4003] {strides = array<i32>} : memref<120x64xf32, #tpu.memory_space<vmem>>, vector<16xf32>,
      %mul3A_4005 = vector.broadcast %reduce_max3A_3834 : f32 to vector<16xf32>
      %mul3A_4006 = arith.mulf %mul3A_4005, %get3A_4004 : vector<16xf32>
      %add3A_4007 = arith.addf %add3A_4000, %mul3A_4006 : vector<16xf32>
      %get3A_4008 = arith.constant 109 : i32
      %get3A_4009 = arith.index_cast %get3A_4008 : i32 to index
      %get3A_4010 = arith.constant 0 : index
      %get3A_4011 = tpu.vector_load %arg10[%get3A_4009, %get3A_4010] {strides = array<i32>} : memref<120x64xf32, #tpu.memory_space<vmem>>, vector<16xf32>,
      %mul3A_4012 = vector.broadcast %reduce_max3A_3844 : f32 to vector<16xf32>
      %mul3A_4013 = arith.mulf %mul3A_4012, %get3A_4011 : vector<16xf32>
      %add3A_4014 = arith.addf %add3A_4007, %mul3A_4013 : vector<16xf32>
      %get3A_4015 = arith.constant 110 : i32
      %get3A_4016 = arith.index_cast %get3A_4015 : i32 to index
      %get3A_4017 = arith.constant 0 : index
      %get3A_4018 = tpu.vector_load %arg10[%get3A_4016, %get3A_4017] {strides = array<i32>} : memref<120x64xf32, #tpu.memory_space<vmem>>, vector<16xf32>,
      %mul3A_4019 = vector.broadcast %reduce_max3A_3854 : f32 to vector<16xf32>
      %mul3A_4020 = arith.mulf %mul3A_4019, %get3A_4018 : vector<16xf32>
      %add3A_4021 = arith.addf %add3A_4014, %mul3A_4020 : vector<16xf32>
      %get3A_4022 = arith.constant 111 : i32
      %get3A_4023 = arith.index_cast %get3A_4022 : i32 to index
      %get3A_4024 = arith.constant 0 : index
      %get3A_4025 = tpu.vector_load %arg10[%get3A_4023, %get3A_4024] {strides = array<i32>} : memref<120x64xf32, #tpu.memory_space<vmem>>, vector<16xf32>,
      %mul3A_4026 = vector.broadcast %reduce_max3A_3864 : f32 to vector<16xf32>
      %mul3A_4027 = arith.mulf %mul3A_4026, %get3A_4025 : vector<16xf32>
      %add3A_4028 = arith.addf %add3A_4021, %mul3A_4027 : vector<16xf32>
      %get3A_4029 = arith.constant 112 : i32
      %get3A_4030 = arith.index_cast %get3A_4029 : i32 to index
      %get3A_4031 = arith.constant 0 : index
      %get3A_4032 = tpu.vector_load %arg10[%get3A_4030, %get3A_4031] {strides = array<i32>} : memref<120x64xf32, #tpu.memory_space<vmem>>, vector<16xf32>,
      %mul3A_4033 = vector.broadcast %reduce_max3A_3874 : f32 to vector<16xf32>
      %mul3A_4034 = arith.mulf %mul3A_4033, %get3A_4032 : vector<16xf32>
      %add3A_4035 = arith.addf %add3A_4028, %mul3A_4034 : vector<16xf32>
      %get3A_4036 = arith.constant 113 : i32
      %get3A_4037 = arith.index_cast %get3A_4036 : i32 to index
      %get3A_4038 = arith.constant 0 : index
      %get3A_4039 = tpu.vector_load %arg10[%get3A_4037, %get3A_4038] {strides = array<i32>} : memref<120x64xf32, #tpu.memory_space<vmem>>, vector<16xf32>,
      %mul3A_4040 = vector.broadcast %reduce_max3A_3884 : f32 to vector<16xf32>
      %mul3A_4041 = arith.mulf %mul3A_4040, %get3A_4039 : vector<16xf32>
      %add3A_4042 = arith.addf %add3A_4035, %mul3A_4041 : vector<16xf32>
      %get3A_4043 = arith.constant 114 : i32
      %get3A_4044 = arith.index_cast %get3A_4043 : i32 to index
      %get3A_4045 = arith.constant 0 : index
      %get3A_4046 = tpu.vector_load %arg10[%get3A_4044, %get3A_4045] {strides = array<i32>} : memref<120x64xf32, #tpu.memory_space<vmem>>, vector<16xf32>,
      %mul3A_4047 = vector.broadcast %reduce_max3A_3894 : f32 to vector<16xf32>
      %mul3A_4048 = arith.mulf %mul3A_4047, %get3A_4046 : vector<16xf32>
      %add3A_4049 = arith.addf %add3A_4042, %mul3A_4048 : vector<16xf32>
      %get3A_4050 = arith.constant 115 : i32
      %get3A_4051 = arith.index_cast %get3A_4050 : i32 to index
      %get3A_4052 = arith.constant 0 : index
      %get3A_4053 = tpu.vector_load %arg10[%get3A_4051, %get3A_4052] {strides = array<i32>} : memref<120x64xf32, #tpu.memory_space<vmem>>, vector<16xf32>,
      %mul3A_4054 = vector.broadcast %reduce_max3A_3904 : f32 to vector<16xf32>
      %mul3A_4055 = arith.mulf %mul3A_4054, %get3A_4053 : vector<16xf32>
      %add3A_4056 = arith.addf %add3A_4049, %mul3A_4055 : vector<16xf32>
      %get3A_4057 = arith.constant 116 : i32
      %get3A_4058 = arith.index_cast %get3A_4057 : i32 to index
      %get3A_4059 = arith.constant 0 : index
      %get3A_4060 = tpu.vector_load %arg10[%get3A_4058, %get3A_4059] {strides = array<i32>} : memref<120x64xf32, #tpu.memory_space<vmem>>, vector<16xf32>,
      %mul3A_4061 = vector.broadcast %reduce_max3A_3914 : f32 to vector<16xf32>
      %mul3A_4062 = arith.mulf %mul3A_4061, %get3A_4060 : vector<16xf32>
      %add3A_4063 = arith.addf %add3A_4056, %mul3A_4062 : vector<16xf32>
      %div3A_4064 = arith.divf %add3A_4063, %broadcast_in_dim3A_3704 : vector<16xf32>
      %swap3A_4065 = arith.constant 256 : index
      %swap3A_4066 = tpu.vector_load %arg11[%swap3A_4065] {strides = array<i32>} : memref<320xf32, #tpu.memory_space<vmem>>, vector<16xf32>,
      tpu.vector_store %arg11[%swap3A_4065], %div3A_4064 {strides = array<i32>} : memref<320xf32, #tpu.memory_space<vmem>>, vector<16xf32>,
      %broadcast_in_dim3A_4067 = arith.constant 0.000000e+00 : f32
      %broadcast_in_dim3A_4068 = vector.broadcast %broadcast_in_dim3A_4067 : f32 to vector<16xf32>
      %get3A_4069 = arith.constant 96 : i32
      %get3A_4070 = arith.index_cast %get3A_4069 : i32 to index
      %get3A_4071 = arith.constant 16 : index
      %get3A_4072 = tpu.vector_load %arg10[%get3A_4070, %get3A_4071] {strides = array<i32>} : memref<120x64xf32, #tpu.memory_space<vmem>>, vector<16xf32>,
      %mul3A_4073 = vector.broadcast %reduce_max3A_3714 : f32 to vector<16xf32>
      %mul3A_4074 = arith.mulf %mul3A_4073, %get3A_4072 : vector<16xf32>
      %add3A_4075 = arith.addf %broadcast_in_dim3A_4068, %mul3A_4074 : vector<16xf32>
      %get3A_4076 = arith.constant 97 : i32
      %get3A_4077 = arith.index_cast %get3A_4076 : i32 to index
      %get3A_4078 = arith.constant 16 : index
      %get3A_4079 = tpu.vector_load %arg10[%get3A_4077, %get3A_4078] {strides = array<i32>} : memref<120x64xf32, #tpu.memory_space<vmem>>, vector<16xf32>,
      %mul3A_4080 = vector.broadcast %reduce_max3A_3724 : f32 to vector<16xf32>
      %mul3A_4081 = arith.mulf %mul3A_4080, %get3A_4079 : vector<16xf32>
      %add3A_4082 = arith.addf %add3A_4075, %mul3A_4081 : vector<16xf32>
      %get3A_4083 = arith.constant 98 : i32
      %get3A_4084 = arith.index_cast %get3A_4083 : i32 to index
      %get3A_4085 = arith.constant 16 : index
      %get3A_4086 = tpu.vector_load %arg10[%get3A_4084, %get3A_4085] {strides = array<i32>} : memref<120x64xf32, #tpu.memory_space<vmem>>, vector<16xf32>,
      %mul3A_4087 = vector.broadcast %reduce_max3A_3734 : f32 to vector<16xf32>
      %mul3A_4088 = arith.mulf %mul3A_4087, %get3A_4086 : vector<16xf32>
      %add3A_4089 = arith.addf %add3A_4082, %mul3A_4088 : vector<16xf32>
      %get3A_4090 = arith.constant 99 : i32
      %get3A_4091 = arith.index_cast %get3A_4090 : i32 to index
      %get3A_4092 = arith.constant 16 : index
      %get3A_4093 = tpu.vector_load %arg10[%get3A_4091, %get3A_4092] {strides = array<i32>} : memref<120x64xf32, #tpu.memory_space<vmem>>, vector<16xf32>,
      %mul3A_4094 = vector.broadcast %reduce_max3A_3744 : f32 to vector<16xf32>
      %mul3A_4095 = arith.mulf %mul3A_4094, %get3A_4093 : vector<16xf32>
      %add3A_4096 = arith.addf %add3A_4089, %mul3A_4095 : vector<16xf32>
      %get3A_4097 = arith.constant 100 : i32
      %get3A_4098 = arith.index_cast %get3A_4097 : i32 to index
      %get3A_4099 = arith.constant 16 : index
      %get3A_4100 = tpu.vector_load %arg10[%get3A_4098, %get3A_4099] {strides = array<i32>} : memref<120x64xf32, #tpu.memory_space<vmem>>, vector<16xf32>,
      %mul3A_4101 = vector.broadcast %reduce_max3A_3754 : f32 to vector<16xf32>
      %mul3A_4102 = arith.mulf %mul3A_4101, %get3A_4100 : vector<16xf32>
      %add3A_4103 = arith.addf %add3A_4096, %mul3A_4102 : vector<16xf32>
      %get3A_4104 = arith.constant 101 : i32
      %get3A_4105 = arith.index_cast %get3A_4104 : i32 to index
      %get3A_4106 = arith.constant 16 : index
      %get3A_4107 = tpu.vector_load %arg10[%get3A_4105, %get3A_4106] {strides = array<i32>} : memref<120x64xf32, #tpu.memory_space<vmem>>, vector<16xf32>,
      %mul3A_4108 = vector.broadcast %reduce_max3A_3764 : f32 to vector<16xf32>
      %mul3A_4109 = arith.mulf %mul3A_4108, %get3A_4107 : vector<16xf32>
      %add3A_4110 = arith.addf %add3A_4103, %mul3A_4109 : vector<16xf32>
      %get3A_4111 = arith.constant 102 : i32
      %get3A_4112 = arith.index_cast %get3A_4111 : i32 to index
      %get3A_4113 = arith.constant 16 : index
      %get3A_4114 = tpu.vector_load %arg10[%get3A_4112, %get3A_4113] {strides = array<i32>} : memref<120x64xf32, #tpu.memory_space<vmem>>, vector<16xf32>,
      %mul3A_4115 = vector.broadcast %reduce_max3A_3774 : f32 to vector<16xf32>
      %mul3A_4116 = arith.mulf %mul3A_4115, %get3A_4114 : vector<16xf32>
      %add3A_4117 = arith.addf %add3A_4110, %mul3A_4116 : vector<16xf32>
      %get3A_4118 = arith.constant 103 : i32
      %get3A_4119 = arith.index_cast %get3A_4118 : i32 to index
      %get3A_4120 = arith.constant 16 : index
      %get3A_4121 = tpu.vector_load %arg10[%get3A_4119, %get3A_4120] {strides = array<i32>} : memref<120x64xf32, #tpu.memory_space<vmem>>, vector<16xf32>,
      %mul3A_4122 = vector.broadcast %reduce_max3A_3784 : f32 to vector<16xf32>
      %mul3A_4123 = arith.mulf %mul3A_4122, %get3A_4121 : vector<16xf32>
      %add3A_4124 = arith.addf %add3A_4117, %mul3A_4123 : vector<16xf32>
      %get3A_4125 = arith.constant 104 : i32
      %get3A_4126 = arith.index_cast %get3A_4125 : i32 to index
      %get3A_4127 = arith.constant 16 : index
      %get3A_4128 = tpu.vector_load %arg10[%get3A_4126, %get3A_4127] {strides = array<i32>} : memref<120x64xf32, #tpu.memory_space<vmem>>, vector<16xf32>,
      %mul3A_4129 = vector.broadcast %reduce_max3A_3794 : f32 to vector<16xf32>
      %mul3A_4130 = arith.mulf %mul3A_4129, %get3A_4128 : vector<16xf32>
      %add3A_4131 = arith.addf %add3A_4124, %mul3A_4130 : vector<16xf32>
      %get3A_4132 = arith.constant 105 : i32
      %get3A_4133 = arith.index_cast %get3A_4132 : i32 to index
      %get3A_4134 = arith.constant 16 : index
      %get3A_4135 = tpu.vector_load %arg10[%get3A_4133, %get3A_4134] {strides = array<i32>} : memref<120x64xf32, #tpu.memory_space<vmem>>, vector<16xf32>,
      %mul3A_4136 = vector.broadcast %reduce_max3A_3804 : f32 to vector<16xf32>
      %mul3A_4137 = arith.mulf %mul3A_4136, %get3A_4135 : vector<16xf32>
      %add3A_4138 = arith.addf %add3A_4131, %mul3A_4137 : vector<16xf32>
      %get3A_4139 = arith.constant 106 : i32
      %get3A_4140 = arith.index_cast %get3A_4139 : i32 to index
      %get3A_4141 = arith.constant 16 : index
      %get3A_4142 = tpu.vector_load %arg10[%get3A_4140, %get3A_4141] {strides = array<i32>} : memref<120x64xf32, #tpu.memory_space<vmem>>, vector<16xf32>,
      %mul3A_4143 = vector.broadcast %reduce_max3A_3814 : f32 to vector<16xf32>
      %mul3A_4144 = arith.mulf %mul3A_4143, %get3A_4142 : vector<16xf32>
      %add3A_4145 = arith.addf %add3A_4138, %mul3A_4144 : vector<16xf32>
      %get3A_4146 = arith.constant 107 : i32
      %get3A_4147 = arith.index_cast %get3A_4146 : i32 to index
      %get3A_4148 = arith.constant 16 : index
      %get3A_4149 = tpu.vector_load %arg10[%get3A_4147, %get3A_4148] {strides = array<i32>} : memref<120x64xf32, #tpu.memory_space<vmem>>, vector<16xf32>,
      %mul3A_4150 = vector.broadcast %reduce_max3A_3824 : f32 to vector<16xf32>
      %mul3A_4151 = arith.mulf %mul3A_4150, %get3A_4149 : vector<16xf32>
      %add3A_4152 = arith.addf %add3A_4145, %mul3A_4151 : vector<16xf32>
      %get3A_4153 = arith.constant 108 : i32
      %get3A_4154 = arith.index_cast %get3A_4153 : i32 to index
      %get3A_4155 = arith.constant 16 : index
      %get3A_4156 = tpu.vector_load %arg10[%get3A_4154, %get3A_4155] {strides = array<i32>} : memref<120x64xf32, #tpu.memory_space<vmem>>, vector<16xf32>,
      %mul3A_4157 = vector.broadcast %reduce_max3A_3834 : f32 to vector<16xf32>
      %mul3A_4158 = arith.mulf %mul3A_4157, %get3A_4156 : vector<16xf32>
      %add3A_4159 = arith.addf %add3A_4152, %mul3A_4158 : vector<16xf32>
      %get3A_4160 = arith.constant 109 : i32
      %get3A_4161 = arith.index_cast %get3A_4160 : i32 to index
      %get3A_4162 = arith.constant 16 : index
      %get3A_4163 = tpu.vector_load %arg10[%get3A_4161, %get3A_4162] {strides = array<i32>} : memref<120x64xf32, #tpu.memory_space<vmem>>, vector<16xf32>,
      %mul3A_4164 = vector.broadcast %reduce_max3A_3844 : f32 to vector<16xf32>
      %mul3A_4165 = arith.mulf %mul3A_4164, %get3A_4163 : vector<16xf32>
      %add3A_4166 = arith.addf %add3A_4159, %mul3A_4165 : vector<16xf32>
      %get3A_4167 = arith.constant 110 : i32
      %get3A_4168 = arith.index_cast %get3A_4167 : i32 to index
      %get3A_4169 = arith.constant 16 : index
      %get3A_4170 = tpu.vector_load %arg10[%get3A_4168, %get3A_4169] {strides = array<i32>} : memref<120x64xf32, #tpu.memory_space<vmem>>, vector<16xf32>,
      %mul3A_4171 = vector.broadcast %reduce_max3A_3854 : f32 to vector<16xf32>
      %mul3A_4172 = arith.mulf %mul3A_4171, %get3A_4170 : vector<16xf32>
      %add3A_4173 = arith.addf %add3A_4166, %mul3A_4172 : vector<16xf32>
      %get3A_4174 = arith.constant 111 : i32
      %get3A_4175 = arith.index_cast %get3A_4174 : i32 to index
      %get3A_4176 = arith.constant 16 : index
      %get3A_4177 = tpu.vector_load %arg10[%get3A_4175, %get3A_4176] {strides = array<i32>} : memref<120x64xf32, #tpu.memory_space<vmem>>, vector<16xf32>,
      %mul3A_4178 = vector.broadcast %reduce_max3A_3864 : f32 to vector<16xf32>
      %mul3A_4179 = arith.mulf %mul3A_4178, %get3A_4177 : vector<16xf32>
      %add3A_4180 = arith.addf %add3A_4173, %mul3A_4179 : vector<16xf32>
      %get3A_4181 = arith.constant 112 : i32
      %get3A_4182 = arith.index_cast %get3A_4181 : i32 to index
      %get3A_4183 = arith.constant 16 : index
      %get3A_4184 = tpu.vector_load %arg10[%get3A_4182, %get3A_4183] {strides = array<i32>} : memref<120x64xf32, #tpu.memory_space<vmem>>, vector<16xf32>,
      %mul3A_4185 = vector.broadcast %reduce_max3A_3874 : f32 to vector<16xf32>
      %mul3A_4186 = arith.mulf %mul3A_4185, %get3A_4184 : vector<16xf32>
      %add3A_4187 = arith.addf %add3A_4180, %mul3A_4186 : vector<16xf32>
      %get3A_4188 = arith.constant 113 : i32
      %get3A_4189 = arith.index_cast %get3A_4188 : i32 to index
      %get3A_4190 = arith.constant 16 : index
      %get3A_4191 = tpu.vector_load %arg10[%get3A_4189, %get3A_4190] {strides = array<i32>} : memref<120x64xf32, #tpu.memory_space<vmem>>, vector<16xf32>,
      %mul3A_4192 = vector.broadcast %reduce_max3A_3884 : f32 to vector<16xf32>
      %mul3A_4193 = arith.mulf %mul3A_4192, %get3A_4191 : vector<16xf32>
      %add3A_4194 = arith.addf %add3A_4187, %mul3A_4193 : vector<16xf32>
      %get3A_4195 = arith.constant 114 : i32
      %get3A_4196 = arith.index_cast %get3A_4195 : i32 to index
      %get3A_4197 = arith.constant 16 : index
      %get3A_4198 = tpu.vector_load %arg10[%get3A_4196, %get3A_4197] {strides = array<i32>} : memref<120x64xf32, #tpu.memory_space<vmem>>, vector<16xf32>,
      %mul3A_4199 = vector.broadcast %reduce_max3A_3894 : f32 to vector<16xf32>
      %mul3A_4200 = arith.mulf %mul3A_4199, %get3A_4198 : vector<16xf32>
      %add3A_4201 = arith.addf %add3A_4194, %mul3A_4200 : vector<16xf32>
      %get3A_4202 = arith.constant 115 : i32
      %get3A_4203 = arith.index_cast %get3A_4202 : i32 to index
      %get3A_4204 = arith.constant 16 : index
      %get3A_4205 = tpu.vector_load %arg10[%get3A_4203, %get3A_4204] {strides = array<i32>} : memref<120x64xf32, #tpu.memory_space<vmem>>, vector<16xf32>,
      %mul3A_4206 = vector.broadcast %reduce_max3A_3904 : f32 to vector<16xf32>
      %mul3A_4207 = arith.mulf %mul3A_4206, %get3A_4205 : vector<16xf32>
      %add3A_4208 = arith.addf %add3A_4201, %mul3A_4207 : vector<16xf32>
      %get3A_4209 = arith.constant 116 : i32
      %get3A_4210 = arith.index_cast %get3A_4209 : i32 to index
      %get3A_4211 = arith.constant 16 : index
      %get3A_4212 = tpu.vector_load %arg10[%get3A_4210, %get3A_4211] {strides = array<i32>} : memref<120x64xf32, #tpu.memory_space<vmem>>, vector<16xf32>,
      %mul3A_4213 = vector.broadcast %reduce_max3A_3914 : f32 to vector<16xf32>
      %mul3A_4214 = arith.mulf %mul3A_4213, %get3A_4212 : vector<16xf32>
      %add3A_4215 = arith.addf %add3A_4208, %mul3A_4214 : vector<16xf32>
      %div3A_4216 = arith.divf %add3A_4215, %broadcast_in_dim3A_3704 : vector<16xf32>
      %swap3A_4217 = arith.constant 272 : index
      %swap3A_4218 = tpu.vector_load %arg11[%swap3A_4217] {strides = array<i32>} : memref<320xf32, #tpu.memory_space<vmem>>, vector<16xf32>,
      tpu.vector_store %arg11[%swap3A_4217], %div3A_4216 {strides = array<i32>} : memref<320xf32, #tpu.memory_space<vmem>>, vector<16xf32>,
      %broadcast_in_dim3A_4219 = arith.constant 0.000000e+00 : f32
      %broadcast_in_dim3A_4220 = vector.broadcast %broadcast_in_dim3A_4219 : f32 to vector<16xf32>
      %get3A_4221 = arith.constant 96 : i32
      %get3A_4222 = arith.index_cast %get3A_4221 : i32 to index
      %get3A_4223 = arith.constant 32 : index
      %get3A_4224 = tpu.vector_load %arg10[%get3A_4222, %get3A_4223] {strides = array<i32>} : memref<120x64xf32, #tpu.memory_space<vmem>>, vector<16xf32>,
      %mul3A_4225 = vector.broadcast %reduce_max3A_3714 : f32 to vector<16xf32>
      %mul3A_4226 = arith.mulf %mul3A_4225, %get3A_4224 : vector<16xf32>
      %add3A_4227 = arith.addf %broadcast_in_dim3A_4220, %mul3A_4226 : vector<16xf32>
      %get3A_4228 = arith.constant 97 : i32
      %get3A_4229 = arith.index_cast %get3A_4228 : i32 to index
      %get3A_4230 = arith.constant 32 : index
      %get3A_4231 = tpu.vector_load %arg10[%get3A_4229, %get3A_4230] {strides = array<i32>} : memref<120x64xf32, #tpu.memory_space<vmem>>, vector<16xf32>,
      %mul3A_4232 = vector.broadcast %reduce_max3A_3724 : f32 to vector<16xf32>
      %mul3A_4233 = arith.mulf %mul3A_4232, %get3A_4231 : vector<16xf32>
      %add3A_4234 = arith.addf %add3A_4227, %mul3A_4233 : vector<16xf32>
      %get3A_4235 = arith.constant 98 : i32
      %get3A_4236 = arith.index_cast %get3A_4235 : i32 to index
      %get3A_4237 = arith.constant 32 : index
      %get3A_4238 = tpu.vector_load %arg10[%get3A_4236, %get3A_4237] {strides = array<i32>} : memref<120x64xf32, #tpu.memory_space<vmem>>, vector<16xf32>,
      %mul3A_4239 = vector.broadcast %reduce_max3A_3734 : f32 to vector<16xf32>
      %mul3A_4240 = arith.mulf %mul3A_4239, %get3A_4238 : vector<16xf32>
      %add3A_4241 = arith.addf %add3A_4234, %mul3A_4240 : vector<16xf32>
      %get3A_4242 = arith.constant 99 : i32
      %get3A_4243 = arith.index_cast %get3A_4242 : i32 to index
      %get3A_4244 = arith.constant 32 : index
      %get3A_4245 = tpu.vector_load %arg10[%get3A_4243, %get3A_4244] {strides = array<i32>} : memref<120x64xf32, #tpu.memory_space<vmem>>, vector<16xf32>,
      %mul3A_4246 = vector.broadcast %reduce_max3A_3744 : f32 to vector<16xf32>
      %mul3A_4247 = arith.mulf %mul3A_4246, %get3A_4245 : vector<16xf32>
      %add3A_4248 = arith.addf %add3A_4241, %mul3A_4247 : vector<16xf32>
      %get3A_4249 = arith.constant 100 : i32
      %get3A_4250 = arith.index_cast %get3A_4249 : i32 to index
      %get3A_4251 = arith.constant 32 : index
      %get3A_4252 = tpu.vector_load %arg10[%get3A_4250, %get3A_4251] {strides = array<i32>} : memref<120x64xf32, #tpu.memory_space<vmem>>, vector<16xf32>,
      %mul3A_4253 = vector.broadcast %reduce_max3A_3754 : f32 to vector<16xf32>
      %mul3A_4254 = arith.mulf %mul3A_4253, %get3A_4252 : vector<16xf32>
      %add3A_4255 = arith.addf %add3A_4248, %mul3A_4254 : vector<16xf32>
      %get3A_4256 = arith.constant 101 : i32
      %get3A_4257 = arith.index_cast %get3A_4256 : i32 to index
      %get3A_4258 = arith.constant 32 : index
      %get3A_4259 = tpu.vector_load %arg10[%get3A_4257, %get3A_4258] {strides = array<i32>} : memref<120x64xf32, #tpu.memory_space<vmem>>, vector<16xf32>,
      %mul3A_4260 = vector.broadcast %reduce_max3A_3764 : f32 to vector<16xf32>
      %mul3A_4261 = arith.mulf %mul3A_4260, %get3A_4259 : vector<16xf32>
      %add3A_4262 = arith.addf %add3A_4255, %mul3A_4261 : vector<16xf32>
      %get3A_4263 = arith.constant 102 : i32
      %get3A_4264 = arith.index_cast %get3A_4263 : i32 to index
      %get3A_4265 = arith.constant 32 : index
      %get3A_4266 = tpu.vector_load %arg10[%get3A_4264, %get3A_4265] {strides = array<i32>} : memref<120x64xf32, #tpu.memory_space<vmem>>, vector<16xf32>,
      %mul3A_4267 = vector.broadcast %reduce_max3A_3774 : f32 to vector<16xf32>
      %mul3A_4268 = arith.mulf %mul3A_4267, %get3A_4266 : vector<16xf32>
      %add3A_4269 = arith.addf %add3A_4262, %mul3A_4268 : vector<16xf32>
      %get3A_4270 = arith.constant 103 : i32
      %get3A_4271 = arith.index_cast %get3A_4270 : i32 to index
      %get3A_4272 = arith.constant 32 : index
      %get3A_4273 = tpu.vector_load %arg10[%get3A_4271, %get3A_4272] {strides = array<i32>} : memref<120x64xf32, #tpu.memory_space<vmem>>, vector<16xf32>,
      %mul3A_4274 = vector.broadcast %reduce_max3A_3784 : f32 to vector<16xf32>
      %mul3A_4275 = arith.mulf %mul3A_4274, %get3A_4273 : vector<16xf32>
      %add3A_4276 = arith.addf %add3A_4269, %mul3A_4275 : vector<16xf32>
      %get3A_4277 = arith.constant 104 : i32
      %get3A_4278 = arith.index_cast %get3A_4277 : i32 to index
      %get3A_4279 = arith.constant 32 : index
      %get3A_4280 = tpu.vector_load %arg10[%get3A_4278, %get3A_4279] {strides = array<i32>} : memref<120x64xf32, #tpu.memory_space<vmem>>, vector<16xf32>,
      %mul3A_4281 = vector.broadcast %reduce_max3A_3794 : f32 to vector<16xf32>
      %mul3A_4282 = arith.mulf %mul3A_4281, %get3A_4280 : vector<16xf32>
      %add3A_4283 = arith.addf %add3A_4276, %mul3A_4282 : vector<16xf32>
      %get3A_4284 = arith.constant 105 : i32
      %get3A_4285 = arith.index_cast %get3A_4284 : i32 to index
      %get3A_4286 = arith.constant 32 : index
      %get3A_4287 = tpu.vector_load %arg10[%get3A_4285, %get3A_4286] {strides = array<i32>} : memref<120x64xf32, #tpu.memory_space<vmem>>, vector<16xf32>,
      %mul3A_4288 = vector.broadcast %reduce_max3A_3804 : f32 to vector<16xf32>
      %mul3A_4289 = arith.mulf %mul3A_4288, %get3A_4287 : vector<16xf32>
      %add3A_4290 = arith.addf %add3A_4283, %mul3A_4289 : vector<16xf32>
      %get3A_4291 = arith.constant 106 : i32
      %get3A_4292 = arith.index_cast %get3A_4291 : i32 to index
      %get3A_4293 = arith.constant 32 : index
      %get3A_4294 = tpu.vector_load %arg10[%get3A_4292, %get3A_4293] {strides = array<i32>} : memref<120x64xf32, #tpu.memory_space<vmem>>, vector<16xf32>,
      %mul3A_4295 = vector.broadcast %reduce_max3A_3814 : f32 to vector<16xf32>
      %mul3A_4296 = arith.mulf %mul3A_4295, %get3A_4294 : vector<16xf32>
      %add3A_4297 = arith.addf %add3A_4290, %mul3A_4296 : vector<16xf32>
      %get3A_4298 = arith.constant 107 : i32
      %get3A_4299 = arith.index_cast %get3A_4298 : i32 to index
      %get3A_4300 = arith.constant 32 : index
      %get3A_4301 = tpu.vector_load %arg10[%get3A_4299, %get3A_4300] {strides = array<i32>} : memref<120x64xf32, #tpu.memory_space<vmem>>, vector<16xf32>,
      %mul3A_4302 = vector.broadcast %reduce_max3A_3824 : f32 to vector<16xf32>
      %mul3A_4303 = arith.mulf %mul3A_4302, %get3A_4301 : vector<16xf32>
      %add3A_4304 = arith.addf %add3A_4297, %mul3A_4303 : vector<16xf32>
      %get3A_4305 = arith.constant 108 : i32
      %get3A_4306 = arith.index_cast %get3A_4305 : i32 to index
      %get3A_4307 = arith.constant 32 : index
      %get3A_4308 = tpu.vector_load %arg10[%get3A_4306, %get3A_4307] {strides = array<i32>} : memref<120x64xf32, #tpu.memory_space<vmem>>, vector<16xf32>,
      %mul3A_4309 = vector.broadcast %reduce_max3A_3834 : f32 to vector<16xf32>
      %mul3A_4310 = arith.mulf %mul3A_4309, %get3A_4308 : vector<16xf32>
      %add3A_4311 = arith.addf %add3A_4304, %mul3A_4310 : vector<16xf32>
      %get3A_4312 = arith.constant 109 : i32
      %get3A_4313 = arith.index_cast %get3A_4312 : i32 to index
      %get3A_4314 = arith.constant 32 : index
      %get3A_4315 = tpu.vector_load %arg10[%get3A_4313, %get3A_4314] {strides = array<i32>} : memref<120x64xf32, #tpu.memory_space<vmem>>, vector<16xf32>,
      %mul3A_4316 = vector.broadcast %reduce_max3A_3844 : f32 to vector<16xf32>
      %mul3A_4317 = arith.mulf %mul3A_4316, %get3A_4315 : vector<16xf32>
      %add3A_4318 = arith.addf %add3A_4311, %mul3A_4317 : vector<16xf32>
      %get3A_4319 = arith.constant 110 : i32
      %get3A_4320 = arith.index_cast %get3A_4319 : i32 to index
      %get3A_4321 = arith.constant 32 : index
      %get3A_4322 = tpu.vector_load %arg10[%get3A_4320, %get3A_4321] {strides = array<i32>} : memref<120x64xf32, #tpu.memory_space<vmem>>, vector<16xf32>,
      %mul3A_4323 = vector.broadcast %reduce_max3A_3854 : f32 to vector<16xf32>
      %mul3A_4324 = arith.mulf %mul3A_4323, %get3A_4322 : vector<16xf32>
      %add3A_4325 = arith.addf %add3A_4318, %mul3A_4324 : vector<16xf32>
      %get3A_4326 = arith.constant 111 : i32
      %get3A_4327 = arith.index_cast %get3A_4326 : i32 to index
      %get3A_4328 = arith.constant 32 : index
      %get3A_4329 = tpu.vector_load %arg10[%get3A_4327, %get3A_4328] {strides = array<i32>} : memref<120x64xf32, #tpu.memory_space<vmem>>, vector<16xf32>,
      %mul3A_4330 = vector.broadcast %reduce_max3A_3864 : f32 to vector<16xf32>
      %mul3A_4331 = arith.mulf %mul3A_4330, %get3A_4329 : vector<16xf32>
      %add3A_4332 = arith.addf %add3A_4325, %mul3A_4331 : vector<16xf32>
      %get3A_4333 = arith.constant 112 : i32
      %get3A_4334 = arith.index_cast %get3A_4333 : i32 to index
      %get3A_4335 = arith.constant 32 : index
      %get3A_4336 = tpu.vector_load %arg10[%get3A_4334, %get3A_4335] {strides = array<i32>} : memref<120x64xf32, #tpu.memory_space<vmem>>, vector<16xf32>,
      %mul3A_4337 = vector.broadcast %reduce_max3A_3874 : f32 to vector<16xf32>
      %mul3A_4338 = arith.mulf %mul3A_4337, %get3A_4336 : vector<16xf32>
      %add3A_4339 = arith.addf %add3A_4332, %mul3A_4338 : vector<16xf32>
      %get3A_4340 = arith.constant 113 : i32
      %get3A_4341 = arith.index_cast %get3A_4340 : i32 to index
      %get3A_4342 = arith.constant 32 : index
      %get3A_4343 = tpu.vector_load %arg10[%get3A_4341, %get3A_4342] {strides = array<i32>} : memref<120x64xf32, #tpu.memory_space<vmem>>, vector<16xf32>,
      %mul3A_4344 = vector.broadcast %reduce_max3A_3884 : f32 to vector<16xf32>
      %mul3A_4345 = arith.mulf %mul3A_4344, %get3A_4343 : vector<16xf32>
      %add3A_4346 = arith.addf %add3A_4339, %mul3A_4345 : vector<16xf32>
      %get3A_4347 = arith.constant 114 : i32
      %get3A_4348 = arith.index_cast %get3A_4347 : i32 to index
      %get3A_4349 = arith.constant 32 : index
      %get3A_4350 = tpu.vector_load %arg10[%get3A_4348, %get3A_4349] {strides = array<i32>} : memref<120x64xf32, #tpu.memory_space<vmem>>, vector<16xf32>,
      %mul3A_4351 = vector.broadcast %reduce_max3A_3894 : f32 to vector<16xf32>
      %mul3A_4352 = arith.mulf %mul3A_4351, %get3A_4350 : vector<16xf32>
      %add3A_4353 = arith.addf %add3A_4346, %mul3A_4352 : vector<16xf32>
      %get3A_4354 = arith.constant 115 : i32
      %get3A_4355 = arith.index_cast %get3A_4354 : i32 to index
      %get3A_4356 = arith.constant 32 : index
      %get3A_4357 = tpu.vector_load %arg10[%get3A_4355, %get3A_4356] {strides = array<i32>} : memref<120x64xf32, #tpu.memory_space<vmem>>, vector<16xf32>,
      %mul3A_4358 = vector.broadcast %reduce_max3A_3904 : f32 to vector<16xf32>
      %mul3A_4359 = arith.mulf %mul3A_4358, %get3A_4357 : vector<16xf32>
      %add3A_4360 = arith.addf %add3A_4353, %mul3A_4359 : vector<16xf32>
      %get3A_4361 = arith.constant 116 : i32
      %get3A_4362 = arith.index_cast %get3A_4361 : i32 to index
      %get3A_4363 = arith.constant 32 : index
      %get3A_4364 = tpu.vector_load %arg10[%get3A_4362, %get3A_4363] {strides = array<i32>} : memref<120x64xf32, #tpu.memory_space<vmem>>, vector<16xf32>,
      %mul3A_4365 = vector.broadcast %reduce_max3A_3914 : f32 to vector<16xf32>
      %mul3A_4366 = arith.mulf %mul3A_4365, %get3A_4364 : vector<16xf32>
      %add3A_4367 = arith.addf %add3A_4360, %mul3A_4366 : vector<16xf32>
      %div3A_4368 = arith.divf %add3A_4367, %broadcast_in_dim3A_3704 : vector<16xf32>
      %swap3A_4369 = arith.constant 288 : index
      %swap3A_4370 = tpu.vector_load %arg11[%swap3A_4369] {strides = array<i32>} : memref<320xf32, #tpu.memory_space<vmem>>, vector<16xf32>,
      tpu.vector_store %arg11[%swap3A_4369], %div3A_4368 {strides = array<i32>} : memref<320xf32, #tpu.memory_space<vmem>>, vector<16xf32>,
      %broadcast_in_dim3A_4371 = arith.constant 0.000000e+00 : f32
      %broadcast_in_dim3A_4372 = vector.broadcast %broadcast_in_dim3A_4371 : f32 to vector<16xf32>
      %get3A_4373 = arith.constant 96 : i32
      %get3A_4374 = arith.index_cast %get3A_4373 : i32 to index
      %get3A_4375 = arith.constant 48 : index
      %get3A_4376 = tpu.vector_load %arg10[%get3A_4374, %get3A_4375] {strides = array<i32>} : memref<120x64xf32, #tpu.memory_space<vmem>>, vector<16xf32>,
      %mul3A_4377 = vector.broadcast %reduce_max3A_3714 : f32 to vector<16xf32>
      %mul3A_4378 = arith.mulf %mul3A_4377, %get3A_4376 : vector<16xf32>
      %add3A_4379 = arith.addf %broadcast_in_dim3A_4372, %mul3A_4378 : vector<16xf32>
      %get3A_4380 = arith.constant 97 : i32
      %get3A_4381 = arith.index_cast %get3A_4380 : i32 to index
      %get3A_4382 = arith.constant 48 : index
      %get3A_4383 = tpu.vector_load %arg10[%get3A_4381, %get3A_4382] {strides = array<i32>} : memref<120x64xf32, #tpu.memory_space<vmem>>, vector<16xf32>,
      %mul3A_4384 = vector.broadcast %reduce_max3A_3724 : f32 to vector<16xf32>
      %mul3A_4385 = arith.mulf %mul3A_4384, %get3A_4383 : vector<16xf32>
      %add3A_4386 = arith.addf %add3A_4379, %mul3A_4385 : vector<16xf32>
      %get3A_4387 = arith.constant 98 : i32
      %get3A_4388 = arith.index_cast %get3A_4387 : i32 to index
      %get3A_4389 = arith.constant 48 : index
      %get3A_4390 = tpu.vector_load %arg10[%get3A_4388, %get3A_4389] {strides = array<i32>} : memref<120x64xf32, #tpu.memory_space<vmem>>, vector<16xf32>,
      %mul3A_4391 = vector.broadcast %reduce_max3A_3734 : f32 to vector<16xf32>
      %mul3A_4392 = arith.mulf %mul3A_4391, %get3A_4390 : vector<16xf32>
      %add3A_4393 = arith.addf %add3A_4386, %mul3A_4392 : vector<16xf32>
      %get3A_4394 = arith.constant 99 : i32
      %get3A_4395 = arith.index_cast %get3A_4394 : i32 to index
      %get3A_4396 = arith.constant 48 : index
      %get3A_4397 = tpu.vector_load %arg10[%get3A_4395, %get3A_4396] {strides = array<i32>} : memref<120x64xf32, #tpu.memory_space<vmem>>, vector<16xf32>,
      %mul3A_4398 = vector.broadcast %reduce_max3A_3744 : f32 to vector<16xf32>
      %mul3A_4399 = arith.mulf %mul3A_4398, %get3A_4397 : vector<16xf32>
      %add3A_4400 = arith.addf %add3A_4393, %mul3A_4399 : vector<16xf32>
      %get3A_4401 = arith.constant 100 : i32
      %get3A_4402 = arith.index_cast %get3A_4401 : i32 to index
      %get3A_4403 = arith.constant 48 : index
      %get3A_4404 = tpu.vector_load %arg10[%get3A_4402, %get3A_4403] {strides = array<i32>} : memref<120x64xf32, #tpu.memory_space<vmem>>, vector<16xf32>,
      %mul3A_4405 = vector.broadcast %reduce_max3A_3754 : f32 to vector<16xf32>
      %mul3A_4406 = arith.mulf %mul3A_4405, %get3A_4404 : vector<16xf32>
      %add3A_4407 = arith.addf %add3A_4400, %mul3A_4406 : vector<16xf32>
      %get3A_4408 = arith.constant 101 : i32
      %get3A_4409 = arith.index_cast %get3A_4408 : i32 to index
      %get3A_4410 = arith.constant 48 : index
      %get3A_4411 = tpu.vector_load %arg10[%get3A_4409, %get3A_4410] {strides = array<i32>} : memref<120x64xf32, #tpu.memory_space<vmem>>, vector<16xf32>,
      %mul3A_4412 = vector.broadcast %reduce_max3A_3764 : f32 to vector<16xf32>
      %mul3A_4413 = arith.mulf %mul3A_4412, %get3A_4411 : vector<16xf32>
      %add3A_4414 = arith.addf %add3A_4407, %mul3A_4413 : vector<16xf32>
      %get3A_4415 = arith.constant 102 : i32
      %get3A_4416 = arith.index_cast %get3A_4415 : i32 to index
      %get3A_4417 = arith.constant 48 : index
      %get3A_4418 = tpu.vector_load %arg10[%get3A_4416, %get3A_4417] {strides = array<i32>} : memref<120x64xf32, #tpu.memory_space<vmem>>, vector<16xf32>,
      %mul3A_4419 = vector.broadcast %reduce_max3A_3774 : f32 to vector<16xf32>
      %mul3A_4420 = arith.mulf %mul3A_4419, %get3A_4418 : vector<16xf32>
      %add3A_4421 = arith.addf %add3A_4414, %mul3A_4420 : vector<16xf32>
      %get3A_4422 = arith.constant 103 : i32
      %get3A_4423 = arith.index_cast %get3A_4422 : i32 to index
      %get3A_4424 = arith.constant 48 : index
      %get3A_4425 = tpu.vector_load %arg10[%get3A_4423, %get3A_4424] {strides = array<i32>} : memref<120x64xf32, #tpu.memory_space<vmem>>, vector<16xf32>,
      %mul3A_4426 = vector.broadcast %reduce_max3A_3784 : f32 to vector<16xf32>
      %mul3A_4427 = arith.mulf %mul3A_4426, %get3A_4425 : vector<16xf32>
      %add3A_4428 = arith.addf %add3A_4421, %mul3A_4427 : vector<16xf32>
      %get3A_4429 = arith.constant 104 : i32
      %get3A_4430 = arith.index_cast %get3A_4429 : i32 to index
      %get3A_4431 = arith.constant 48 : index
      %get3A_4432 = tpu.vector_load %arg10[%get3A_4430, %get3A_4431] {strides = array<i32>} : memref<120x64xf32, #tpu.memory_space<vmem>>, vector<16xf32>,
      %mul3A_4433 = vector.broadcast %reduce_max3A_3794 : f32 to vector<16xf32>
      %mul3A_4434 = arith.mulf %mul3A_4433, %get3A_4432 : vector<16xf32>
      %add3A_4435 = arith.addf %add3A_4428, %mul3A_4434 : vector<16xf32>
      %get3A_4436 = arith.constant 105 : i32
      %get3A_4437 = arith.index_cast %get3A_4436 : i32 to index
      %get3A_4438 = arith.constant 48 : index
      %get3A_4439 = tpu.vector_load %arg10[%get3A_4437, %get3A_4438] {strides = array<i32>} : memref<120x64xf32, #tpu.memory_space<vmem>>, vector<16xf32>,
      %mul3A_4440 = vector.broadcast %reduce_max3A_3804 : f32 to vector<16xf32>
      %mul3A_4441 = arith.mulf %mul3A_4440, %get3A_4439 : vector<16xf32>
      %add3A_4442 = arith.addf %add3A_4435, %mul3A_4441 : vector<16xf32>
      %get3A_4443 = arith.constant 106 : i32
      %get3A_4444 = arith.index_cast %get3A_4443 : i32 to index
      %get3A_4445 = arith.constant 48 : index
      %get3A_4446 = tpu.vector_load %arg10[%get3A_4444, %get3A_4445] {strides = array<i32>} : memref<120x64xf32, #tpu.memory_space<vmem>>, vector<16xf32>,
      %mul3A_4447 = vector.broadcast %reduce_max3A_3814 : f32 to vector<16xf32>
      %mul3A_4448 = arith.mulf %mul3A_4447, %get3A_4446 : vector<16xf32>
      %add3A_4449 = arith.addf %add3A_4442, %mul3A_4448 : vector<16xf32>
      %get3A_4450 = arith.constant 107 : i32
      %get3A_4451 = arith.index_cast %get3A_4450 : i32 to index
      %get3A_4452 = arith.constant 48 : index
      %get3A_4453 = tpu.vector_load %arg10[%get3A_4451, %get3A_4452] {strides = array<i32>} : memref<120x64xf32, #tpu.memory_space<vmem>>, vector<16xf32>,
      %mul3A_4454 = vector.broadcast %reduce_max3A_3824 : f32 to vector<16xf32>
      %mul3A_4455 = arith.mulf %mul3A_4454, %get3A_4453 : vector<16xf32>
      %add3A_4456 = arith.addf %add3A_4449, %mul3A_4455 : vector<16xf32>
      %get3A_4457 = arith.constant 108 : i32
      %get3A_4458 = arith.index_cast %get3A_4457 : i32 to index
      %get3A_4459 = arith.constant 48 : index
      %get3A_4460 = tpu.vector_load %arg10[%get3A_4458, %get3A_4459] {strides = array<i32>} : memref<120x64xf32, #tpu.memory_space<vmem>>, vector<16xf32>,
      %mul3A_4461 = vector.broadcast %reduce_max3A_3834 : f32 to vector<16xf32>
      %mul3A_4462 = arith.mulf %mul3A_4461, %get3A_4460 : vector<16xf32>
      %add3A_4463 = arith.addf %add3A_4456, %mul3A_4462 : vector<16xf32>
      %get3A_4464 = arith.constant 109 : i32
      %get3A_4465 = arith.index_cast %get3A_4464 : i32 to index
      %get3A_4466 = arith.constant 48 : index
      %get3A_4467 = tpu.vector_load %arg10[%get3A_4465, %get3A_4466] {strides = array<i32>} : memref<120x64xf32, #tpu.memory_space<vmem>>, vector<16xf32>,
      %mul3A_4468 = vector.broadcast %reduce_max3A_3844 : f32 to vector<16xf32>
      %mul3A_4469 = arith.mulf %mul3A_4468, %get3A_4467 : vector<16xf32>
      %add3A_4470 = arith.addf %add3A_4463, %mul3A_4469 : vector<16xf32>
      %get3A_4471 = arith.constant 110 : i32
      %get3A_4472 = arith.index_cast %get3A_4471 : i32 to index
      %get3A_4473 = arith.constant 48 : index
      %get3A_4474 = tpu.vector_load %arg10[%get3A_4472, %get3A_4473] {strides = array<i32>} : memref<120x64xf32, #tpu.memory_space<vmem>>, vector<16xf32>,
      %mul3A_4475 = vector.broadcast %reduce_max3A_3854 : f32 to vector<16xf32>
      %mul3A_4476 = arith.mulf %mul3A_4475, %get3A_4474 : vector<16xf32>
      %add3A_4477 = arith.addf %add3A_4470, %mul3A_4476 : vector<16xf32>
      %get3A_4478 = arith.constant 111 : i32
      %get3A_4479 = arith.index_cast %get3A_4478 : i32 to index
      %get3A_4480 = arith.constant 48 : index
      %get3A_4481 = tpu.vector_load %arg10[%get3A_4479, %get3A_4480] {strides = array<i32>} : memref<120x64xf32, #tpu.memory_space<vmem>>, vector<16xf32>,
      %mul3A_4482 = vector.broadcast %reduce_max3A_3864 : f32 to vector<16xf32>
      %mul3A_4483 = arith.mulf %mul3A_4482, %get3A_4481 : vector<16xf32>
      %add3A_4484 = arith.addf %add3A_4477, %mul3A_4483 : vector<16xf32>
      %get3A_4485 = arith.constant 112 : i32
      %get3A_4486 = arith.index_cast %get3A_4485 : i32 to index
      %get3A_4487 = arith.constant 48 : index
      %get3A_4488 = tpu.vector_load %arg10[%get3A_4486, %get3A_4487] {strides = array<i32>} : memref<120x64xf32, #tpu.memory_space<vmem>>, vector<16xf32>,
      %mul3A_4489 = vector.broadcast %reduce_max3A_3874 : f32 to vector<16xf32>
      %mul3A_4490 = arith.mulf %mul3A_4489, %get3A_4488 : vector<16xf32>
      %add3A_4491 = arith.addf %add3A_4484, %mul3A_4490 : vector<16xf32>
      %get3A_4492 = arith.constant 113 : i32
      %get3A_4493 = arith.index_cast %get3A_4492 : i32 to index
      %get3A_4494 = arith.constant 48 : index
      %get3A_4495 = tpu.vector_load %arg10[%get3A_4493, %get3A_4494] {strides = array<i32>} : memref<120x64xf32, #tpu.memory_space<vmem>>, vector<16xf32>,
      %mul3A_4496 = vector.broadcast %reduce_max3A_3884 : f32 to vector<16xf32>
      %mul3A_4497 = arith.mulf %mul3A_4496, %get3A_4495 : vector<16xf32>
      %add3A_4498 = arith.addf %add3A_4491, %mul3A_4497 : vector<16xf32>
      %get3A_4499 = arith.constant 114 : i32
      %get3A_4500 = arith.index_cast %get3A_4499 : i32 to index
      %get3A_4501 = arith.constant 48 : index
      %get3A_4502 = tpu.vector_load %arg10[%get3A_4500, %get3A_4501] {strides = array<i32>} : memref<120x64xf32, #tpu.memory_space<vmem>>, vector<16xf32>,
      %mul3A_4503 = vector.broadcast %reduce_max3A_3894 : f32 to vector<16xf32>
      %mul3A_4504 = arith.mulf %mul3A_4503, %get3A_4502 : vector<16xf32>
      %add3A_4505 = arith.addf %add3A_4498, %mul3A_4504 : vector<16xf32>
      %get3A_4506 = arith.constant 115 : i32
      %get3A_4507 = arith.index_cast %get3A_4506 : i32 to index
      %get3A_4508 = arith.constant 48 : index
      %get3A_4509 = tpu.vector_load %arg10[%get3A_4507, %get3A_4508] {strides = array<i32>} : memref<120x64xf32, #tpu.memory_space<vmem>>, vector<16xf32>,
      %mul3A_4510 = vector.broadcast %reduce_max3A_3904 : f32 to vector<16xf32>
      %mul3A_4511 = arith.mulf %mul3A_4510, %get3A_4509 : vector<16xf32>
      %add3A_4512 = arith.addf %add3A_4505, %mul3A_4511 : vector<16xf32>
      %get3A_4513 = arith.constant 116 : i32
      %get3A_4514 = arith.index_cast %get3A_4513 : i32 to index
      %get3A_4515 = arith.constant 48 : index
      %get3A_4516 = tpu.vector_load %arg10[%get3A_4514, %get3A_4515] {strides = array<i32>} : memref<120x64xf32, #tpu.memory_space<vmem>>, vector<16xf32>,
      %mul3A_4517 = vector.broadcast %reduce_max3A_3914 : f32 to vector<16xf32>
      %mul3A_4518 = arith.mulf %mul3A_4517, %get3A_4516 : vector<16xf32>
      %add3A_4519 = arith.addf %add3A_4512, %mul3A_4518 : vector<16xf32>
      %div3A_4520 = arith.divf %add3A_4519, %broadcast_in_dim3A_3704 : vector<16xf32>
      %swap3A_4521 = arith.constant 304 : index
      %swap3A_4522 = tpu.vector_load %arg11[%swap3A_4521] {strides = array<i32>} : memref<320xf32, #tpu.memory_space<vmem>>, vector<16xf32>,
      tpu.vector_store %arg11[%swap3A_4521], %div3A_4520 {strides = array<i32>} : memref<320xf32, #tpu.memory_space<vmem>>, vector<16xf32>,
      %mul3A_4523 = arith.constant 64 : i32
      %mul3A_4524 = arith.muli %add3A_29, %mul3A_4523 : i32
      "tpu.region"() ({
        %run_scoped3A = tpu.sem_alloc : memref<!tpu.dma_semaphore, #tpu.memory_space<semaphore_mem>>
        %dma_start3A_4525 = tpu.memref_slice %arg6[%mul3A_4524] : memref<2560000xf32, #tpu.memory_space<hbm>> -> memref<320xf32, #tpu.memory_space<hbm>>
        %dma_start3A_4526 = tpu.memref_slice %arg6[%mul3A_4524] : memref<2560000xf32, #tpu.memory_space<hbm>> -> memref<320xf32, #tpu.memory_space<hbm>>
        tpu.enqueue_dma source(%arg11 : memref<320xf32, #tpu.memory_space<vmem>>) target(%dma_start3A_4526 : memref<320xf32, #tpu.memory_space<hbm>>) target_semaphore(%run_scoped3A : memref<!tpu.dma_semaphore, #tpu.memory_space<semaphore_mem>>)
        %dma_wait3A_4527 = tpu.memref_slice %arg6[%mul3A_4524] : memref<2560000xf32, #tpu.memory_space<hbm>> -> memref<320xf32, #tpu.memory_space<hbm>>
        %dma_wait3A_4528 = tpu.memref_slice %arg6[%mul3A_4524] : memref<2560000xf32, #tpu.memory_space<hbm>> -> memref<320xf32, #tpu.memory_space<hbm>>
        tpu.wait_dma2 semaphore(%run_scoped3A : memref<!tpu.dma_semaphore, #tpu.memory_space<semaphore_mem>>) src(%arg11 : memref<320xf32, #tpu.memory_space<vmem>>) dst(%dma_wait3A_4528 : memref<320xf32, #tpu.memory_space<hbm>>)
        tpu.yield
      }) : () -> ()
    }
    %scan3A_25 = arith.constant 250 : i32
    return
  }
}

module attributes {stable_mosaic.version = 14 : i64} {
  func.func @_topk_body(%arg0: i32, %arg1: memref<10000x64xf32, #tpu.memory_space<vmem>>, %arg2: memref<64x128xf32, #tpu.memory_space<vmem>>, %arg3: memref<20x128xi32, #tpu.memory_space<vmem>>, %arg4: memref<10000x128xf32, #tpu.memory_space<vmem>>) attributes {dimension_semantics = [#tpu.dimension_semantics<arbitrary>], iteration_bounds = array<i64: 79>, scalar_prefetch = 0 : i64, scratch_operands = 1 : i64, tpu.core_type = #tpu.core_type<tc>, window_params = [{pipeline_mode = #tpu.pipeline_mode<synchronous>, transform_indices = @transform_0, window_bounds = array<i64: 10000, 64>}, {transform_indices = @transform_1, window_bounds = array<i64: 64, 128>}, {transform_indices = @transform_2, window_bounds = array<i64: 20, 128>}]} {
    %get3A = arith.constant 0 : index
    %get3A_0 = arith.constant 0 : index
    %get3A_1 = vector.load %arg1[%get3A, %get3A_0] : memref<10000x64xf32, #tpu.memory_space<vmem>>, vector<10000x64xf32>
    %mul3A = arith.mulf %get3A_1, %get3A_1 : vector<10000x64xf32>
    %reduce_sum3A = arith.constant dense<0.000000e+00> : vector<10000xf32>
    %reduce_sum3A_2 = vector.multi_reduction <add>, %mul3A, %reduce_sum3A [1] : vector<10000x64xf32> to vector<10000xf32>
    %broadcast_in_dim3A = vector.shape_cast %reduce_sum3A_2 : vector<10000xf32> to vector<10000x1xf32>
    %get3A_3 = arith.constant 0 : index
    %get3A_4 = arith.constant 0 : index
    %get3A_5 = vector.load %arg2[%get3A_3, %get3A_4] : memref<64x128xf32, #tpu.memory_space<vmem>>, vector<64x128xf32>
    %mul3A_6 = arith.mulf %get3A_5, %get3A_5 : vector<64x128xf32>
    %reduce_sum3A_7 = arith.constant dense<0.000000e+00> : vector<128xf32>
    %reduce_sum3A_8 = vector.multi_reduction <add>, %mul3A_6, %reduce_sum3A_7 [0] : vector<64x128xf32> to vector<128xf32>
    %broadcast_in_dim3A_9 = vector.shape_cast %reduce_sum3A_8 : vector<128xf32> to vector<1x128xf32>
    %dot_general3A = arith.constant dense<0.000000e+00> : vector<10000x128xf32>
    %dot_general3A_10 = tpu.matmul %get3A_1, %get3A_5, %dot_general3A {dimension_numbers = #tpu.dot_dimension_numbers<[1], [0], [0], [1], [0, 0, 1, 1], [], []>, transpose_lhs_hint = false} : vector<10000x64xf32>, vector<64x128xf32>, vector<10000x128xf32> -> vector<10000x128xf32>
    %sqrt3A = math.sqrt %broadcast_in_dim3A : vector<10000x1xf32>
    %sqrt3A_11 = math.sqrt %broadcast_in_dim3A_9 : vector<1x128xf32>
    %mul3A_12 = vector.broadcast %sqrt3A : vector<10000x1xf32> to vector<10000x128xf32>
    %mul3A_13 = vector.broadcast %sqrt3A_11 : vector<1x128xf32> to vector<10000x128xf32>
    %mul3A_14 = arith.mulf %mul3A_12, %mul3A_13 : vector<10000x128xf32>
    %div3A = arith.divf %dot_general3A_10, %mul3A_14 : vector<10000x128xf32>
    %swap3A = arith.constant 0 : index
    %swap3A_15 = arith.constant 0 : index
    %swap3A_16 = vector.load %arg4[%swap3A, %swap3A_15] : memref<10000x128xf32, #tpu.memory_space<vmem>>, vector<10000x128xf32>
    tpu.vector_store %arg4[%swap3A, %swap3A_15], %div3A {strides = array<i32>} : memref<10000x128xf32, #tpu.memory_space<vmem>>, vector<10000x128xf32>,
    %iota3A = tpu.iota {dimensions = array<i32: 0>} : vector<10000x128xi32>
    %reduce_max3A = arith.constant dense<0xFF800000> : vector<128xf32>
    %reduce_max3A_17 = vector.multi_reduction <maximumf>, %div3A, %reduce_max3A [0] : vector<10000x128xf32> to vector<128xf32>
    %broadcast_in_dim3A_18 = vector.shape_cast %reduce_max3A_17 : vector<128xf32> to vector<1x128xf32>
    %scan3A = arith.constant 0 : i32
    %scan3A_19 = arith.constant 20 : i32
    %scan3A_20 = arith.addi %scan3A, %scan3A_19 : i32
    %scan3A_21 = arith.constant 1 : i32
    %scan3A_22 = scf.for %scan3A_24 = %scan3A to %scan3A_20 step %scan3A_21 iter_args(%scan3A_25 = %broadcast_in_dim3A_18) -> (vector<1x128xf32>)  : i32 {
      %get3A_26 = arith.constant 0 : index
      %get3A_27 = arith.constant 0 : index
      %get3A_28 = vector.load %arg4[%get3A_26, %get3A_27] : memref<10000x128xf32, #tpu.memory_space<vmem>>, vector<10000x128xf32>
      %eq3A = vector.broadcast %scan3A_25 : vector<1x128xf32> to vector<10000x128xf32>
      %eq3A_29 = arith.cmpf oeq, %get3A_28, %eq3A : vector<10000x128xf32>
      %jit3A = arith.constant 1073741824 : i32
      %broadcast_in_dim3A_30 = vector.broadcast %jit3A : i32 to vector<10000x128xi32>
      %select_n3A = arith.select %eq3A_29, %iota3A, %broadcast_in_dim3A_30 : vector<10000x128xi1>, vector<10000x128xi32>
      %reduce_min3A = arith.constant dense<2147483647> : vector<128xi32>
      %reduce_min3A_31 = vector.multi_reduction <minsi>, %select_n3A, %reduce_min3A [0] : vector<10000x128xi32> to vector<128xi32>
      %broadcast_in_dim3A_32 = vector.shape_cast %reduce_min3A_31 : vector<128xi32> to vector<1x128xi32>
      %jit3A_33 = arith.constant -1.000000e+30 : f32
      %broadcast_in_dim3A_34 = vector.broadcast %jit3A_33 : f32 to vector<10000x128xf32>
      %select_n3A_35 = arith.select %eq3A_29, %broadcast_in_dim3A_34, %get3A_28 : vector<10000x128xi1>, vector<10000x128xf32>
      %swap3A_36 = arith.constant 0 : index
      %swap3A_37 = arith.constant 0 : index
      %swap3A_38 = vector.load %arg4[%swap3A_36, %swap3A_37] : memref<10000x128xf32, #tpu.memory_space<vmem>>, vector<10000x128xf32>
      tpu.vector_store %arg4[%swap3A_36, %swap3A_37], %select_n3A_35 {strides = array<i32>} : memref<10000x128xf32, #tpu.memory_space<vmem>>, vector<10000x128xf32>,
      %swap3A_39 = arith.index_cast %scan3A_24 : i32 to index
      %swap3A_40 = arith.constant 0 : index
      %swap3A_41 = vector.load %arg3[%swap3A_39, %swap3A_40] : memref<20x128xi32, #tpu.memory_space<vmem>>, vector<1x128xi32>
      tpu.vector_store %arg3[%swap3A_39, %swap3A_40], %broadcast_in_dim3A_32 {strides = array<i32>} : memref<20x128xi32, #tpu.memory_space<vmem>>, vector<1x128xi32>,
      %reduce_max3A_42 = arith.constant dense<0xFF800000> : vector<128xf32>
      %reduce_max3A_43 = vector.multi_reduction <maximumf>, %select_n3A_35, %reduce_max3A_42 [0] : vector<10000x128xf32> to vector<128xf32>
      %broadcast_in_dim3A_44 = vector.shape_cast %reduce_max3A_43 : vector<128xf32> to vector<1x128xf32>
      scf.yield %broadcast_in_dim3A_44 : vector<1x128xf32>
    }
    %scan3A_23 = arith.constant 20 : i32
    return
  }
  func.func @transform_0(%arg0: i32) -> (i32, i32) {
    %c0_i32 = arith.constant 0 : i32
    %c0_i32_0 = arith.constant 0 : i32
    %c0_i32_1 = arith.constant 0 : i32
    return %c0_i32, %c0_i32_0 : i32, i32
  }
  func.func @transform_1(%arg0: i32) -> (i32, i32) {
    %c0_i32 = arith.constant 0 : i32
    %c0_i32_0 = arith.constant 0 : i32
    return %c0_i32, %arg0 : i32, i32
  }
  func.func @transform_2(%arg0: i32) -> (i32, i32) {
    %c0_i32 = arith.constant 0 : i32
    %c0_i32_0 = arith.constant 0 : i32
    return %c0_i32, %arg0 : i32, i32
  }
}

module attributes {stable_mosaic.version = 14 : i64} {
  func.func @_lin_body(%arg0: i32, %arg1: memref<800x10xf32, #tpu.memory_space<vmem>>, %arg2: memref<800x64xf32, #tpu.memory_space<vmem>>, %arg3: memref<10x64xf32, #tpu.memory_space<vmem>>, %arg4: memref<1x64xf32, #tpu.memory_space<vmem>>, %arg5: memref<1x64xf32, #tpu.memory_space<vmem>>, %arg6: memref<1x64xf32, #tpu.memory_space<vmem>>, %arg7: memref<1x64xf32, #tpu.memory_space<vmem>>, %arg8: memref<800x64xf32, #tpu.memory_space<vmem>>, %arg9: memref<800x1xf32, #tpu.memory_space<vmem>>, %arg10: memref<800x1xf32, #tpu.memory_space<vmem>>) attributes {dimension_semantics = [#tpu.dimension_semantics<arbitrary>], iteration_bounds = array<i64: 50>, scalar_prefetch = 0 : i64, scratch_operands = 0 : i64, tpu.core_type = #tpu.core_type<tc>, window_params = [{transform_indices = @transform_0, window_bounds = array<i64: 800, 10>}, {transform_indices = @transform_1, window_bounds = array<i64: 800, 64>}, {pipeline_mode = #tpu.pipeline_mode<synchronous>, transform_indices = @transform_2, window_bounds = array<i64: 10, 64>}, {pipeline_mode = #tpu.pipeline_mode<synchronous>, transform_indices = @transform_3, window_bounds = array<i64: 1, 64>}, {pipeline_mode = #tpu.pipeline_mode<synchronous>, transform_indices = @transform_4, window_bounds = array<i64: 1, 64>}, {pipeline_mode = #tpu.pipeline_mode<synchronous>, transform_indices = @transform_5, window_bounds = array<i64: 1, 64>}, {pipeline_mode = #tpu.pipeline_mode<synchronous>, transform_indices = @transform_6, window_bounds = array<i64: 1, 64>}, {transform_indices = @transform_7, window_bounds = array<i64: 800, 64>}, {transform_indices = @transform_8, window_bounds = array<i64: 800, 1>}, {transform_indices = @transform_9, window_bounds = array<i64: 800, 1>}]} {
    %get3A = arith.constant 0 : index
    %get3A_0 = arith.constant 0 : index
    %get3A_1 = vector.load %arg1[%get3A, %get3A_0] : memref<800x10xf32, #tpu.memory_space<vmem>>, vector<800x10xf32>
    %get3A_2 = arith.constant 0 : index
    %get3A_3 = arith.constant 0 : index
    %get3A_4 = vector.load %arg3[%get3A_2, %get3A_3] : memref<10x64xf32, #tpu.memory_space<vmem>>, vector<10x64xf32>
    %dot_general3A = arith.constant dense<0.000000e+00> : vector<800x64xf32>
    %dot_general3A_5 = tpu.matmul %get3A_1, %get3A_4, %dot_general3A {dimension_numbers = #tpu.dot_dimension_numbers<[1], [0], [0], [1], [0, 0, 1, 1], [], []>, transpose_lhs_hint = false} : vector<800x10xf32>, vector<10x64xf32>, vector<800x64xf32> -> vector<800x64xf32>
    %swap3A = arith.constant 0 : index
    %swap3A_6 = arith.constant 0 : index
    %swap3A_7 = vector.load %arg8[%swap3A, %swap3A_6] : memref<800x64xf32, #tpu.memory_space<vmem>>, vector<800x64xf32>
    tpu.vector_store %arg8[%swap3A, %swap3A_6], %dot_general3A_5 {strides = array<i32>} : memref<800x64xf32, #tpu.memory_space<vmem>>, vector<800x64xf32>,
    %get3A_8 = arith.constant 0 : index
    %get3A_9 = arith.constant 0 : index
    %get3A_10 = vector.load %arg2[%get3A_8, %get3A_9] : memref<800x64xf32, #tpu.memory_space<vmem>>, vector<800x64xf32>
    %get3A_11 = arith.constant 0 : index
    %get3A_12 = arith.constant 0 : index
    %get3A_13 = vector.load %arg4[%get3A_11, %get3A_12] : memref<1x64xf32, #tpu.memory_space<vmem>>, vector<1x64xf32>
    %mul3A = vector.broadcast %get3A_13 : vector<1x64xf32> to vector<800x64xf32>
    %mul3A_14 = arith.mulf %dot_general3A_5, %mul3A : vector<800x64xf32>
    %reduce_sum3A = arith.constant dense<0.000000e+00> : vector<800xf32>
    %reduce_sum3A_15 = vector.multi_reduction <add>, %mul3A_14, %reduce_sum3A [1] : vector<800x64xf32> to vector<800xf32>
    %broadcast_in_dim3A = vector.shape_cast %reduce_sum3A_15 : vector<800xf32> to vector<800x1xf32>
    %get3A_16 = arith.constant 0 : index
    %get3A_17 = arith.constant 0 : index
    %get3A_18 = vector.load %arg6[%get3A_16, %get3A_17] : memref<1x64xf32, #tpu.memory_space<vmem>>, vector<1x64xf32>
    %mul3A_19 = vector.broadcast %get3A_18 : vector<1x64xf32> to vector<800x64xf32>
    %mul3A_20 = arith.mulf %get3A_10, %mul3A_19 : vector<800x64xf32>
    %reduce_sum3A_21 = arith.constant dense<0.000000e+00> : vector<800xf32>
    %reduce_sum3A_22 = vector.multi_reduction <add>, %mul3A_20, %reduce_sum3A_21 [1] : vector<800x64xf32> to vector<800xf32>
    %broadcast_in_dim3A_23 = vector.shape_cast %reduce_sum3A_22 : vector<800xf32> to vector<800x1xf32>
    %add3A = arith.addf %broadcast_in_dim3A, %broadcast_in_dim3A_23 : vector<800x1xf32>
    %swap3A_24 = arith.constant 0 : index
    %swap3A_25 = arith.constant 0 : index
    %swap3A_26 = vector.load %arg9[%swap3A_24, %swap3A_25] : memref<800x1xf32, #tpu.memory_space<vmem>>, vector<800x1xf32>
    tpu.vector_store %arg9[%swap3A_24, %swap3A_25], %add3A {strides = array<i32>} : memref<800x1xf32, #tpu.memory_space<vmem>>, vector<800x1xf32>,
    %get3A_27 = arith.constant 0 : index
    %get3A_28 = arith.constant 0 : index
    %get3A_29 = vector.load %arg5[%get3A_27, %get3A_28] : memref<1x64xf32, #tpu.memory_space<vmem>>, vector<1x64xf32>
    %mul3A_30 = vector.broadcast %get3A_29 : vector<1x64xf32> to vector<800x64xf32>
    %mul3A_31 = arith.mulf %dot_general3A_5, %mul3A_30 : vector<800x64xf32>
    %reduce_sum3A_32 = arith.constant dense<0.000000e+00> : vector<800xf32>
    %reduce_sum3A_33 = vector.multi_reduction <add>, %mul3A_31, %reduce_sum3A_32 [1] : vector<800x64xf32> to vector<800xf32>
    %broadcast_in_dim3A_34 = vector.shape_cast %reduce_sum3A_33 : vector<800xf32> to vector<800x1xf32>
    %get3A_35 = arith.constant 0 : index
    %get3A_36 = arith.constant 0 : index
    %get3A_37 = vector.load %arg7[%get3A_35, %get3A_36] : memref<1x64xf32, #tpu.memory_space<vmem>>, vector<1x64xf32>
    %mul3A_38 = vector.broadcast %get3A_37 : vector<1x64xf32> to vector<800x64xf32>
    %mul3A_39 = arith.mulf %get3A_10, %mul3A_38 : vector<800x64xf32>
    %reduce_sum3A_40 = arith.constant dense<0.000000e+00> : vector<800xf32>
    %reduce_sum3A_41 = vector.multi_reduction <add>, %mul3A_39, %reduce_sum3A_40 [1] : vector<800x64xf32> to vector<800xf32>
    %broadcast_in_dim3A_42 = vector.shape_cast %reduce_sum3A_41 : vector<800xf32> to vector<800x1xf32>
    %add3A_43 = arith.addf %broadcast_in_dim3A_34, %broadcast_in_dim3A_42 : vector<800x1xf32>
    %swap3A_44 = arith.constant 0 : index
    %swap3A_45 = arith.constant 0 : index
    %swap3A_46 = vector.load %arg10[%swap3A_44, %swap3A_45] : memref<800x1xf32, #tpu.memory_space<vmem>>, vector<800x1xf32>
    tpu.vector_store %arg10[%swap3A_44, %swap3A_45], %add3A_43 {strides = array<i32>} : memref<800x1xf32, #tpu.memory_space<vmem>>, vector<800x1xf32>,
    return
  }
  func.func @transform_0(%arg0: i32) -> (i32, i32) {
    %c0_i32 = arith.constant 0 : i32
    %c0_i32_0 = arith.constant 0 : i32
    return %arg0, %c0_i32 : i32, i32
  }
  func.func @transform_1(%arg0: i32) -> (i32, i32) {
    %c0_i32 = arith.constant 0 : i32
    %c0_i32_0 = arith.constant 0 : i32
    return %arg0, %c0_i32 : i32, i32
  }
  func.func @transform_2(%arg0: i32) -> (i32, i32) {
    %c0_i32 = arith.constant 0 : i32
    %c0_i32_0 = arith.constant 0 : i32
    %c0_i32_1 = arith.constant 0 : i32
    return %c0_i32, %c0_i32_0 : i32, i32
  }
  func.func @transform_3(%arg0: i32) -> (i32, i32) {
    %c0_i32 = arith.constant 0 : i32
    %c0_i32_0 = arith.constant 0 : i32
    %c0_i32_1 = arith.constant 0 : i32
    return %c0_i32, %c0_i32_0 : i32, i32
  }
  func.func @transform_4(%arg0: i32) -> (i32, i32) {
    %c0_i32 = arith.constant 0 : i32
    %c0_i32_0 = arith.constant 0 : i32
    %c0_i32_1 = arith.constant 0 : i32
    return %c0_i32, %c0_i32_0 : i32, i32
  }
  func.func @transform_5(%arg0: i32) -> (i32, i32) {
    %c0_i32 = arith.constant 0 : i32
    %c0_i32_0 = arith.constant 0 : i32
    %c0_i32_1 = arith.constant 0 : i32
    return %c0_i32, %c0_i32_0 : i32, i32
  }
  func.func @transform_6(%arg0: i32) -> (i32, i32) {
    %c0_i32 = arith.constant 0 : i32
    %c0_i32_0 = arith.constant 0 : i32
    %c0_i32_1 = arith.constant 0 : i32
    return %c0_i32, %c0_i32_0 : i32, i32
  }
  func.func @transform_7(%arg0: i32) -> (i32, i32) {
    %c0_i32 = arith.constant 0 : i32
    %c0_i32_0 = arith.constant 0 : i32
    return %arg0, %c0_i32 : i32, i32
  }
  func.func @transform_8(%arg0: i32) -> (i32, i32) {
    %c0_i32 = arith.constant 0 : i32
    %c0_i32_0 = arith.constant 0 : i32
    return %arg0, %c0_i32 : i32, i32
  }
  func.func @transform_9(%arg0: i32) -> (i32, i32) {
    %c0_i32 = arith.constant 0 : i32
    %c0_i32_0 = arith.constant 0 : i32
    return %arg0, %c0_i32 : i32, i32
  }
}

module attributes {stable_mosaic.version = 14 : i64} {
  func.func @_sums_body(%arg0: i32, %arg1: memref<800x64xf32, #tpu.memory_space<vmem>>, %arg2: memref<1x64xf32, #tpu.memory_space<vmem>>, %arg3: memref<1x64xf32, #tpu.memory_space<vmem>>) attributes {dimension_semantics = [#tpu.dimension_semantics<arbitrary>], iteration_bounds = array<i64: 50>, scalar_prefetch = 0 : i64, scratch_operands = 0 : i64, tpu.core_type = #tpu.core_type<tc>, window_params = [{transform_indices = @transform_0, window_bounds = array<i64: 800, 64>}, {pipeline_mode = #tpu.pipeline_mode<synchronous>, transform_indices = @transform_1, window_bounds = array<i64: 1, 64>}, {pipeline_mode = #tpu.pipeline_mode<synchronous>, transform_indices = @transform_2, window_bounds = array<i64: 1, 64>}]} {
    %eq3A = arith.constant 0 : i32
    %eq3A_0 = arith.cmpi eq, %arg0, %eq3A : i32
    %convert_element_type3A = arith.extui %eq3A_0 : i1 to i32
    %cond3A = arith.constant 0 : i32
    %cond3A_1 = arith.cmpi ne, %convert_element_type3A, %cond3A : i32
    scf.if %cond3A_1 {
      %broadcast_in_dim3A_20 = arith.constant 0.000000e+00 : f32
      %broadcast_in_dim3A_21 = vector.broadcast %broadcast_in_dim3A_20 : f32 to vector<1x64xf32>
      %swap3A_22 = arith.constant 0 : index
      %swap3A_23 = arith.constant 0 : index
      %swap3A_24 = vector.load %arg2[%swap3A_22, %swap3A_23] : memref<1x64xf32, #tpu.memory_space<vmem>>, vector<1x64xf32>
      tpu.vector_store %arg2[%swap3A_22, %swap3A_23], %broadcast_in_dim3A_21 {strides = array<i32>} : memref<1x64xf32, #tpu.memory_space<vmem>>, vector<1x64xf32>,
      %broadcast_in_dim3A_25 = arith.constant 0.000000e+00 : f32
      %broadcast_in_dim3A_26 = vector.broadcast %broadcast_in_dim3A_25 : f32 to vector<1x64xf32>
      %swap3A_27 = arith.constant 0 : index
      %swap3A_28 = arith.constant 0 : index
      %swap3A_29 = vector.load %arg3[%swap3A_27, %swap3A_28] : memref<1x64xf32, #tpu.memory_space<vmem>>, vector<1x64xf32>
      tpu.vector_store %arg3[%swap3A_27, %swap3A_28], %broadcast_in_dim3A_26 {strides = array<i32>} : memref<1x64xf32, #tpu.memory_space<vmem>>, vector<1x64xf32>,
    } else {
    }
    %get3A = arith.constant 0 : index
    %get3A_2 = arith.constant 0 : index
    %get3A_3 = vector.load %arg1[%get3A, %get3A_2] : memref<800x64xf32, #tpu.memory_space<vmem>>, vector<800x64xf32>
    %get3A_4 = arith.constant 0 : index
    %get3A_5 = arith.constant 0 : index
    %get3A_6 = vector.load %arg2[%get3A_4, %get3A_5] : memref<1x64xf32, #tpu.memory_space<vmem>>, vector<1x64xf32>
    %reduce_sum3A = arith.constant dense<0.000000e+00> : vector<64xf32>
    %reduce_sum3A_7 = vector.multi_reduction <add>, %get3A_3, %reduce_sum3A [0] : vector<800x64xf32> to vector<64xf32>
    %broadcast_in_dim3A = vector.shape_cast %reduce_sum3A_7 : vector<64xf32> to vector<1x64xf32>
    %add3A = arith.addf %get3A_6, %broadcast_in_dim3A : vector<1x64xf32>
    %swap3A = arith.constant 0 : index
    %swap3A_8 = arith.constant 0 : index
    %swap3A_9 = vector.load %arg2[%swap3A, %swap3A_8] : memref<1x64xf32, #tpu.memory_space<vmem>>, vector<1x64xf32>
    tpu.vector_store %arg2[%swap3A, %swap3A_8], %add3A {strides = array<i32>} : memref<1x64xf32, #tpu.memory_space<vmem>>, vector<1x64xf32>,
    %get3A_10 = arith.constant 0 : index
    %get3A_11 = arith.constant 0 : index
    %get3A_12 = vector.load %arg3[%get3A_10, %get3A_11] : memref<1x64xf32, #tpu.memory_space<vmem>>, vector<1x64xf32>
    %mul3A = arith.mulf %get3A_3, %get3A_3 : vector<800x64xf32>
    %reduce_sum3A_13 = arith.constant dense<0.000000e+00> : vector<64xf32>
    %reduce_sum3A_14 = vector.multi_reduction <add>, %mul3A, %reduce_sum3A_13 [0] : vector<800x64xf32> to vector<64xf32>
    %broadcast_in_dim3A_15 = vector.shape_cast %reduce_sum3A_14 : vector<64xf32> to vector<1x64xf32>
    %add3A_16 = arith.addf %get3A_12, %broadcast_in_dim3A_15 : vector<1x64xf32>
    %swap3A_17 = arith.constant 0 : index
    %swap3A_18 = arith.constant 0 : index
    %swap3A_19 = vector.load %arg3[%swap3A_17, %swap3A_18] : memref<1x64xf32, #tpu.memory_space<vmem>>, vector<1x64xf32>
    tpu.vector_store %arg3[%swap3A_17, %swap3A_18], %add3A_16 {strides = array<i32>} : memref<1x64xf32, #tpu.memory_space<vmem>>, vector<1x64xf32>,
    return
  }
  func.func @transform_0(%arg0: i32) -> (i32, i32) {
    %c0_i32 = arith.constant 0 : i32
    %c0_i32_0 = arith.constant 0 : i32
    return %arg0, %c0_i32 : i32, i32
  }
  func.func @transform_1(%arg0: i32) -> (i32, i32) {
    %c0_i32 = arith.constant 0 : i32
    %c0_i32_0 = arith.constant 0 : i32
    %c0_i32_1 = arith.constant 0 : i32
    return %c0_i32, %c0_i32_0 : i32, i32
  }
  func.func @transform_2(%arg0: i32) -> (i32, i32) {
    %c0_i32 = arith.constant 0 : i32
    %c0_i32_0 = arith.constant 0 : i32
    %c0_i32_1 = arith.constant 0 : i32
    return %c0_i32, %c0_i32_0 : i32, i32
  }
}

module attributes {stable_mosaic.version = 14 : i64} {
  func.func @_bn1_body(%arg0: i32, %arg1: memref<800x64xf32, #tpu.memory_space<vmem>>, %arg2: memref<800x64xf32, #tpu.memory_space<vmem>>, %arg3: memref<1x64xf32, #tpu.memory_space<vmem>>, %arg4: memref<1x64xf32, #tpu.memory_space<vmem>>, %arg5: memref<1x64xf32, #tpu.memory_space<vmem>>, %arg6: memref<1x64xf32, #tpu.memory_space<vmem>>, %arg7: memref<800x64xf32, #tpu.memory_space<vmem>>, %arg8: memref<1x64xf32, #tpu.memory_space<vmem>>, %arg9: memref<1x64xf32, #tpu.memory_space<vmem>>) attributes {dimension_semantics = [#tpu.dimension_semantics<arbitrary>], iteration_bounds = array<i64: 50>, scalar_prefetch = 0 : i64, scratch_operands = 0 : i64, tpu.core_type = #tpu.core_type<tc>, window_params = [{transform_indices = @transform_0, window_bounds = array<i64: 800, 64>}, {transform_indices = @transform_1, window_bounds = array<i64: 800, 64>}, {pipeline_mode = #tpu.pipeline_mode<synchronous>, transform_indices = @transform_2, window_bounds = array<i64: 1, 64>}, {pipeline_mode = #tpu.pipeline_mode<synchronous>, transform_indices = @transform_3, window_bounds = array<i64: 1, 64>}, {pipeline_mode = #tpu.pipeline_mode<synchronous>, transform_indices = @transform_4, window_bounds = array<i64: 1, 64>}, {pipeline_mode = #tpu.pipeline_mode<synchronous>, transform_indices = @transform_5, window_bounds = array<i64: 1, 64>}, {transform_indices = @transform_6, window_bounds = array<i64: 800, 64>}, {pipeline_mode = #tpu.pipeline_mode<synchronous>, transform_indices = @transform_7, window_bounds = array<i64: 1, 64>}, {pipeline_mode = #tpu.pipeline_mode<synchronous>, transform_indices = @transform_8, window_bounds = array<i64: 1, 64>}]} {
    %eq3A = arith.constant 0 : i32
    %eq3A_0 = arith.cmpi eq, %arg0, %eq3A : i32
    %convert_element_type3A = arith.extui %eq3A_0 : i1 to i32
    %cond3A = arith.constant 0 : i32
    %cond3A_1 = arith.cmpi ne, %convert_element_type3A, %cond3A : i32
    scf.if %cond3A_1 {
      %broadcast_in_dim3A_48 = arith.constant 0.000000e+00 : f32
      %broadcast_in_dim3A_49 = vector.broadcast %broadcast_in_dim3A_48 : f32 to vector<1x64xf32>
      %swap3A_50 = arith.constant 0 : index
      %swap3A_51 = arith.constant 0 : index
      %swap3A_52 = vector.load %arg8[%swap3A_50, %swap3A_51] : memref<1x64xf32, #tpu.memory_space<vmem>>, vector<1x64xf32>
      tpu.vector_store %arg8[%swap3A_50, %swap3A_51], %broadcast_in_dim3A_49 {strides = array<i32>} : memref<1x64xf32, #tpu.memory_space<vmem>>, vector<1x64xf32>,
      %broadcast_in_dim3A_53 = arith.constant 0.000000e+00 : f32
      %broadcast_in_dim3A_54 = vector.broadcast %broadcast_in_dim3A_53 : f32 to vector<1x64xf32>
      %swap3A_55 = arith.constant 0 : index
      %swap3A_56 = arith.constant 0 : index
      %swap3A_57 = vector.load %arg9[%swap3A_55, %swap3A_56] : memref<1x64xf32, #tpu.memory_space<vmem>>, vector<1x64xf32>
      tpu.vector_store %arg9[%swap3A_55, %swap3A_56], %broadcast_in_dim3A_54 {strides = array<i32>} : memref<1x64xf32, #tpu.memory_space<vmem>>, vector<1x64xf32>,
    } else {
    }
    %get3A = arith.constant 0 : index
    %get3A_2 = arith.constant 0 : index
    %get3A_3 = vector.load %arg1[%get3A, %get3A_2] : memref<800x64xf32, #tpu.memory_space<vmem>>, vector<800x64xf32>
    %get3A_4 = arith.constant 0 : index
    %get3A_5 = arith.constant 0 : index
    %get3A_6 = vector.load %arg3[%get3A_4, %get3A_5] : memref<1x64xf32, #tpu.memory_space<vmem>>, vector<1x64xf32>
    %sub3A = vector.broadcast %get3A_6 : vector<1x64xf32> to vector<800x64xf32>
    %sub3A_7 = arith.subf %get3A_3, %sub3A : vector<800x64xf32>
    %get3A_8 = arith.constant 0 : index
    %get3A_9 = arith.constant 0 : index
    %get3A_10 = vector.load %arg4[%get3A_8, %get3A_9] : memref<1x64xf32, #tpu.memory_space<vmem>>, vector<1x64xf32>
    %mul3A = vector.broadcast %get3A_10 : vector<1x64xf32> to vector<800x64xf32>
    %mul3A_11 = arith.mulf %sub3A_7, %mul3A : vector<800x64xf32>
    %get3A_12 = arith.constant 0 : index
    %get3A_13 = arith.constant 0 : index
    %get3A_14 = vector.load %arg5[%get3A_12, %get3A_13] : memref<1x64xf32, #tpu.memory_space<vmem>>, vector<1x64xf32>
    %mul3A_15 = vector.broadcast %get3A_14 : vector<1x64xf32> to vector<800x64xf32>
    %mul3A_16 = arith.mulf %mul3A_11, %mul3A_15 : vector<800x64xf32>
    %get3A_17 = arith.constant 0 : index
    %get3A_18 = arith.constant 0 : index
    %get3A_19 = vector.load %arg6[%get3A_17, %get3A_18] : memref<1x64xf32, #tpu.memory_space<vmem>>, vector<1x64xf32>
    %add3A = vector.broadcast %get3A_19 : vector<1x64xf32> to vector<800x64xf32>
    %add3A_20 = arith.addf %mul3A_16, %add3A : vector<800x64xf32>
    %max3A = arith.constant 0.000000e+00 : f32
    %max3A_21 = vector.broadcast %max3A : f32 to vector<800x64xf32>
    %max3A_22 = arith.maximumf %add3A_20, %max3A_21 : vector<800x64xf32>
    %get3A_23 = arith.constant 0 : index
    %get3A_24 = arith.constant 0 : index
    %get3A_25 = vector.load %arg2[%get3A_23, %get3A_24] : memref<800x64xf32, #tpu.memory_space<vmem>>, vector<800x64xf32>
    %mul3A_26 = arith.mulf %max3A_22, %get3A_25 : vector<800x64xf32>
    %swap3A = arith.constant 0 : index
    %swap3A_27 = arith.constant 0 : index
    %swap3A_28 = vector.load %arg7[%swap3A, %swap3A_27] : memref<800x64xf32, #tpu.memory_space<vmem>>, vector<800x64xf32>
    tpu.vector_store %arg7[%swap3A, %swap3A_27], %mul3A_26 {strides = array<i32>} : memref<800x64xf32, #tpu.memory_space<vmem>>, vector<800x64xf32>,
    %get3A_29 = arith.constant 0 : index
    %get3A_30 = arith.constant 0 : index
    %get3A_31 = vector.load %arg8[%get3A_29, %get3A_30] : memref<1x64xf32, #tpu.memory_space<vmem>>, vector<1x64xf32>
    %reduce_sum3A = arith.constant dense<0.000000e+00> : vector<64xf32>
    %reduce_sum3A_32 = vector.multi_reduction <add>, %mul3A_26, %reduce_sum3A [0] : vector<800x64xf32> to vector<64xf32>
    %broadcast_in_dim3A = vector.shape_cast %reduce_sum3A_32 : vector<64xf32> to vector<1x64xf32>
    %add3A_33 = arith.addf %get3A_31, %broadcast_in_dim3A : vector<1x64xf32>
    %swap3A_34 = arith.constant 0 : index
    %swap3A_35 = arith.constant 0 : index
    %swap3A_36 = vector.load %arg8[%swap3A_34, %swap3A_35] : memref<1x64xf32, #tpu.memory_space<vmem>>, vector<1x64xf32>
    tpu.vector_store %arg8[%swap3A_34, %swap3A_35], %add3A_33 {strides = array<i32>} : memref<1x64xf32, #tpu.memory_space<vmem>>, vector<1x64xf32>,
    %get3A_37 = arith.constant 0 : index
    %get3A_38 = arith.constant 0 : index
    %get3A_39 = vector.load %arg9[%get3A_37, %get3A_38] : memref<1x64xf32, #tpu.memory_space<vmem>>, vector<1x64xf32>
    %mul3A_40 = arith.mulf %mul3A_26, %mul3A_26 : vector<800x64xf32>
    %reduce_sum3A_41 = arith.constant dense<0.000000e+00> : vector<64xf32>
    %reduce_sum3A_42 = vector.multi_reduction <add>, %mul3A_40, %reduce_sum3A_41 [0] : vector<800x64xf32> to vector<64xf32>
    %broadcast_in_dim3A_43 = vector.shape_cast %reduce_sum3A_42 : vector<64xf32> to vector<1x64xf32>
    %add3A_44 = arith.addf %get3A_39, %broadcast_in_dim3A_43 : vector<1x64xf32>
    %swap3A_45 = arith.constant 0 : index
    %swap3A_46 = arith.constant 0 : index
    %swap3A_47 = vector.load %arg9[%swap3A_45, %swap3A_46] : memref<1x64xf32, #tpu.memory_space<vmem>>, vector<1x64xf32>
    tpu.vector_store %arg9[%swap3A_45, %swap3A_46], %add3A_44 {strides = array<i32>} : memref<1x64xf32, #tpu.memory_space<vmem>>, vector<1x64xf32>,
    return
  }
  func.func @transform_0(%arg0: i32) -> (i32, i32) {
    %c0_i32 = arith.constant 0 : i32
    %c0_i32_0 = arith.constant 0 : i32
    return %arg0, %c0_i32 : i32, i32
  }
  func.func @transform_1(%arg0: i32) -> (i32, i32) {
    %c0_i32 = arith.constant 0 : i32
    %c0_i32_0 = arith.constant 0 : i32
    return %arg0, %c0_i32 : i32, i32
  }
  func.func @transform_2(%arg0: i32) -> (i32, i32) {
    %c0_i32 = arith.constant 0 : i32
    %c0_i32_0 = arith.constant 0 : i32
    %c0_i32_1 = arith.constant 0 : i32
    return %c0_i32, %c0_i32_0 : i32, i32
  }
  func.func @transform_3(%arg0: i32) -> (i32, i32) {
    %c0_i32 = arith.constant 0 : i32
    %c0_i32_0 = arith.constant 0 : i32
    %c0_i32_1 = arith.constant 0 : i32
    return %c0_i32, %c0_i32_0 : i32, i32
  }
  func.func @transform_4(%arg0: i32) -> (i32, i32) {
    %c0_i32 = arith.constant 0 : i32
    %c0_i32_0 = arith.constant 0 : i32
    %c0_i32_1 = arith.constant 0 : i32
    return %c0_i32, %c0_i32_0 : i32, i32
  }
  func.func @transform_5(%arg0: i32) -> (i32, i32) {
    %c0_i32 = arith.constant 0 : i32
    %c0_i32_0 = arith.constant 0 : i32
    %c0_i32_1 = arith.constant 0 : i32
    return %c0_i32, %c0_i32_0 : i32, i32
  }
  func.func @transform_6(%arg0: i32) -> (i32, i32) {
    %c0_i32 = arith.constant 0 : i32
    %c0_i32_0 = arith.constant 0 : i32
    return %arg0, %c0_i32 : i32, i32
  }
  func.func @transform_7(%arg0: i32) -> (i32, i32) {
    %c0_i32 = arith.constant 0 : i32
    %c0_i32_0 = arith.constant 0 : i32
    %c0_i32_1 = arith.constant 0 : i32
    return %c0_i32, %c0_i32_0 : i32, i32
  }
  func.func @transform_8(%arg0: i32) -> (i32, i32) {
    %c0_i32 = arith.constant 0 : i32
    %c0_i32_0 = arith.constant 0 : i32
    %c0_i32_1 = arith.constant 0 : i32
    return %c0_i32, %c0_i32_0 : i32, i32
  }
}

module attributes {stable_mosaic.version = 14 : i64} {
  func.func @_bn2_body(%arg0: i32, %arg1: memref<800x64xf32, #tpu.memory_space<vmem>>, %arg2: memref<1x64xf32, #tpu.memory_space<vmem>>, %arg3: memref<1x64xf32, #tpu.memory_space<vmem>>, %arg4: memref<1x64xf32, #tpu.memory_space<vmem>>, %arg5: memref<1x64xf32, #tpu.memory_space<vmem>>, %arg6: memref<1x64xf32, #tpu.memory_space<vmem>>, %arg7: memref<1x1xf32, #tpu.memory_space<vmem>>, %arg8: memref<800x1xf32, #tpu.memory_space<vmem>>) attributes {dimension_semantics = [#tpu.dimension_semantics<arbitrary>], iteration_bounds = array<i64: 50>, scalar_prefetch = 0 : i64, scratch_operands = 0 : i64, tpu.core_type = #tpu.core_type<tc>, window_params = [{transform_indices = @transform_0, window_bounds = array<i64: 800, 64>}, {pipeline_mode = #tpu.pipeline_mode<synchronous>, transform_indices = @transform_1, window_bounds = array<i64: 1, 64>}, {pipeline_mode = #tpu.pipeline_mode<synchronous>, transform_indices = @transform_2, window_bounds = array<i64: 1, 64>}, {pipeline_mode = #tpu.pipeline_mode<synchronous>, transform_indices = @transform_3, window_bounds = array<i64: 1, 64>}, {pipeline_mode = #tpu.pipeline_mode<synchronous>, transform_indices = @transform_4, window_bounds = array<i64: 1, 64>}, {pipeline_mode = #tpu.pipeline_mode<synchronous>, transform_indices = @transform_5, window_bounds = array<i64: 1, 64>}, {pipeline_mode = #tpu.pipeline_mode<synchronous>, transform_indices = @transform_6, window_bounds = array<i64: 1, 1>}, {transform_indices = @transform_7, window_bounds = array<i64: 800, 1>}]} {
    %get3A = arith.constant 0 : index
    %get3A_0 = arith.constant 0 : index
    %get3A_1 = vector.load %arg1[%get3A, %get3A_0] : memref<800x64xf32, #tpu.memory_space<vmem>>, vector<800x64xf32>
    %get3A_2 = arith.constant 0 : index
    %get3A_3 = arith.constant 0 : index
    %get3A_4 = vector.load %arg2[%get3A_2, %get3A_3] : memref<1x64xf32, #tpu.memory_space<vmem>>, vector<1x64xf32>
    %sub3A = vector.broadcast %get3A_4 : vector<1x64xf32> to vector<800x64xf32>
    %sub3A_5 = arith.subf %get3A_1, %sub3A : vector<800x64xf32>
    %get3A_6 = arith.constant 0 : index
    %get3A_7 = arith.constant 0 : index
    %get3A_8 = vector.load %arg3[%get3A_6, %get3A_7] : memref<1x64xf32, #tpu.memory_space<vmem>>, vector<1x64xf32>
    %mul3A = vector.broadcast %get3A_8 : vector<1x64xf32> to vector<800x64xf32>
    %mul3A_9 = arith.mulf %sub3A_5, %mul3A : vector<800x64xf32>
    %get3A_10 = arith.constant 0 : index
    %get3A_11 = arith.constant 0 : index
    %get3A_12 = vector.load %arg4[%get3A_10, %get3A_11] : memref<1x64xf32, #tpu.memory_space<vmem>>, vector<1x64xf32>
    %mul3A_13 = vector.broadcast %get3A_12 : vector<1x64xf32> to vector<800x64xf32>
    %mul3A_14 = arith.mulf %mul3A_9, %mul3A_13 : vector<800x64xf32>
    %get3A_15 = arith.constant 0 : index
    %get3A_16 = arith.constant 0 : index
    %get3A_17 = vector.load %arg5[%get3A_15, %get3A_16] : memref<1x64xf32, #tpu.memory_space<vmem>>, vector<1x64xf32>
    %add3A = vector.broadcast %get3A_17 : vector<1x64xf32> to vector<800x64xf32>
    %add3A_18 = arith.addf %mul3A_14, %add3A : vector<800x64xf32>
    %max3A = arith.constant 0.000000e+00 : f32
    %max3A_19 = vector.broadcast %max3A : f32 to vector<800x64xf32>
    %max3A_20 = arith.maximumf %add3A_18, %max3A_19 : vector<800x64xf32>
    %get3A_21 = arith.constant 0 : index
    %get3A_22 = arith.constant 0 : index
    %get3A_23 = vector.load %arg6[%get3A_21, %get3A_22] : memref<1x64xf32, #tpu.memory_space<vmem>>, vector<1x64xf32>
    %mul3A_24 = vector.broadcast %get3A_23 : vector<1x64xf32> to vector<800x64xf32>
    %mul3A_25 = arith.mulf %max3A_20, %mul3A_24 : vector<800x64xf32>
    %reduce_sum3A = arith.constant dense<0.000000e+00> : vector<800xf32>
    %reduce_sum3A_26 = vector.multi_reduction <add>, %mul3A_25, %reduce_sum3A [1] : vector<800x64xf32> to vector<800xf32>
    %broadcast_in_dim3A = vector.shape_cast %reduce_sum3A_26 : vector<800xf32> to vector<800x1xf32>
    %get3A_27 = arith.constant 0 : index
    %get3A_28 = arith.constant 0 : index
    %get3A_29 = vector.load %arg7[%get3A_27, %get3A_28] : memref<1x1xf32, #tpu.memory_space<vmem>>, vector<1x1xf32>
    %add3A_30 = vector.broadcast %get3A_29 : vector<1x1xf32> to vector<800x1xf32>
    %add3A_31 = arith.addf %broadcast_in_dim3A, %add3A_30 : vector<800x1xf32>
    %swap3A = arith.constant 0 : index
    %swap3A_32 = arith.constant 0 : index
    %swap3A_33 = vector.load %arg8[%swap3A, %swap3A_32] : memref<800x1xf32, #tpu.memory_space<vmem>>, vector<800x1xf32>
    tpu.vector_store %arg8[%swap3A, %swap3A_32], %add3A_31 {strides = array<i32>} : memref<800x1xf32, #tpu.memory_space<vmem>>, vector<800x1xf32>,
    return
  }
  func.func @transform_0(%arg0: i32) -> (i32, i32) {
    %c0_i32 = arith.constant 0 : i32
    %c0_i32_0 = arith.constant 0 : i32
    return %arg0, %c0_i32 : i32, i32
  }
  func.func @transform_1(%arg0: i32) -> (i32, i32) {
    %c0_i32 = arith.constant 0 : i32
    %c0_i32_0 = arith.constant 0 : i32
    %c0_i32_1 = arith.constant 0 : i32
    return %c0_i32, %c0_i32_0 : i32, i32
  }
  func.func @transform_2(%arg0: i32) -> (i32, i32) {
    %c0_i32 = arith.constant 0 : i32
    %c0_i32_0 = arith.constant 0 : i32
    %c0_i32_1 = arith.constant 0 : i32
    return %c0_i32, %c0_i32_0 : i32, i32
  }
  func.func @transform_3(%arg0: i32) -> (i32, i32) {
    %c0_i32 = arith.constant 0 : i32
    %c0_i32_0 = arith.constant 0 : i32
    %c0_i32_1 = arith.constant 0 : i32
    return %c0_i32, %c0_i32_0 : i32, i32
  }
  func.func @transform_4(%arg0: i32) -> (i32, i32) {
    %c0_i32 = arith.constant 0 : i32
    %c0_i32_0 = arith.constant 0 : i32
    %c0_i32_1 = arith.constant 0 : i32
    return %c0_i32, %c0_i32_0 : i32, i32
  }
  func.func @transform_5(%arg0: i32) -> (i32, i32) {
    %c0_i32 = arith.constant 0 : i32
    %c0_i32_0 = arith.constant 0 : i32
    %c0_i32_1 = arith.constant 0 : i32
    return %c0_i32, %c0_i32_0 : i32, i32
  }
  func.func @transform_6(%arg0: i32) -> (i32, i32) {
    %c0_i32 = arith.constant 0 : i32
    %c0_i32_0 = arith.constant 0 : i32
    %c0_i32_1 = arith.constant 0 : i32
    return %c0_i32, %c0_i32_0 : i32, i32
  }
  func.func @transform_7(%arg0: i32) -> (i32, i32) {
    %c0_i32 = arith.constant 0 : i32
    %c0_i32_0 = arith.constant 0 : i32
    return %arg0, %c0_i32 : i32, i32
  }
}

</mosaic_0001>

<sc_bundles>
// kernel: kernel.8.cloned.1.call-start
scs
__scs_entry_jumppad:
0x0: {  	(pc) =	sbr.rel $0x88, $3  }
0x1: {  	(tag) =	ssettag $0x0;
	lr =	simm.s32 $0x1  }
0x2: {  	[smem:$0x3F94] =	sst lr;
	_ =	strace $0xD0000000  }
0x3: {  	_ = 	snop  }
0x4: {  	_ = 	snop  }
0x5: {  	_ = 	snop  }
0x6: {  	_ = 	snop  }
0x7: {  	_ = 	snop  }
__scs_overlays_trampoline_lowered:
0x8: {  	[smem:$0x3FA3] =	sst s0  }
0x9: {  	[smem:$0x3FA4] =	sst s1  }
0xa: {  	[smem:$0x3FA5] =	sst s2  }
0xb: {  	[smem:$0x3FA6] =	sst s3  }
0xc: {  	[smem:$0x3FA7] =	sst s4  }
0xd: {  	[smem:$0x3FA8] =	sst s5  }
0xe: {  	[smem:$0x3FA9] =	sst s6  }
0xf: {  	[smem:$0x3FAA] =	sst s7  }
0x10: {  	[smem:$0x3FAB] =	sst s8  }
0x11: {  	[smem:$0x3FAC] =	sst s9;
	s0 =	simm.s32 @!p0 $0x0  }
0x12: {  	s1 =	sld [smem:$0x3F92];
	s0 =	simm.s32 @p0 $0x1  }
0x13: {  	[smem:$0x3FAD] =	sst s0;
	s0 =	simm.s32 @!p1 $0x0  }
0x14: {  	s2 =	sld [smem:$0x3F91];
	s0 =	simm.s32 @p1 $0x1  }
0x15: {  	[smem:$0x3FAE] =	sst s0;
	s0 =	simm.s32 @!p2 $0x0  }
0x16: {  	s3 =	sld [smem:$0x3FDB];
	s0 =	simm.s32 @p2 $0x1  }
0x17: {  	s4 =	simm.s32 $0x1BF5;
	[smem:$0x3FB0] =	sst s0  }
0x18: {  	s0 =	sld [smem:$0x3F93];
	_ =	swait.ge [sflag:s4], $0x0  }
0x19: {  	s7 =	sld [smem:$0x3F94]  }
0x1a: {  	s8 =	sadd.s32 $0xFFFFE003, lr  }
0x1b: {  	s9 =	sadd.s32 $0xFFFFFEF7, lr;
	s5 =	simm.s32 $0xFFFFFFFF;
	p2 =	slt.u32 s8, $0xFFFFF086  }
0x1c: {  	p1 =	slt.u32 s9, $0xF7A;
	s5 =	simm.s32 @!p2 $0x0  }
0x1d: {  	s5 =	simm.s32 @p1 $0x1;
	p0 =	seq.s32 s7, s2  }
0x1e: {  	s7 =	smul.u32 @!p0 $0xF7A, s2;
	p2 =	seq.s32 @!p0 s5, $0x0  }
0x1f: {  	s9 =	smul.u32 $0xF7A, s1;
	s8 =	simm.s32 @!p0 $0x1BF5;
	p2 =	por !p2, p0  }
0x20: {  	[sflag:s8] =	ssyncset.s32 @!p0 $0xFFFFF086;
	s6 =	sadd.s32 @!p0 s3, s7;
	s7 =	simm.s32 @!p0 $0x108  }
0x21: {  	s3 =	sadd.s32 s3, s9;
	s6 =	sadd.s32 @!p0 $0x88, s6;
	s7 =	simm.s32 @p2 $0x1082  }
0x22: {  	[simem:s7], [sflag:s8] =	dma.local @!p0 [hbm:s6], $0xF7A  }
0x23: {  	s9 =	sor.u32 $0xD0000000, s2;
	s6 =	simm.s32 $0x108;
	_ =	swait.ge @!p0 [sflag:s8], $0x0  }
0x24: {  	s3 =	sadd.s32 $0x88, s3;
	s6 =	simm.s32 @!p1 $0x1082;
	[sflag:s4] =	ssyncset.s32 $0xFFFFF086  }
0x25: {  	[simem:s6], [sflag:s4] =	dma.local [hbm:s3], $0xF7A  }
0x26: {  	[smem:$0x3F94] =	sst s1;
	(tag) =	ssettag s2;
	_ =	strace s9  }
0x27: {  	s1 =	sld [smem:$0x3FA4]  }
0x28: {  	s2 =	sld [smem:$0x3FA5]  }
0x29: {  	s4 =	sld [smem:$0x3FA7]  }
0x2a: {  	p0 =	seq.s32 s5, $0x0;
	s5 =	sld [smem:$0x3FA8]  }
0x2b: {  	s6 =	sld [smem:$0x3FA9]  }
0x2c: {  	s7 =	sld [smem:$0x3FAA]  }
0x2d: {  	s3 =	simm.s32 $0x108;
	s8 =	sld [smem:$0x3FAB]  }
0x2e: {  	s3 =	simm.s32 @!p0 $0x1082;
	s9 =	sld [smem:$0x3FAC]  }
0x2f: {  	lr =	sadd.s32 s0, s3;
	s0 =	sld [smem:$0x3FA3]  }
0x30: {  	s3 =	sld [smem:$0x3FA6]  }
0x31: {  	[smem:$0x3FAF] =	sst s10  }
0x32: {  	s10 =	sld [smem:$0x3FAD];
	_ =	sdelay $0x3  }
0x33: {  	p0 =	seq.s32 s10, $0x1;
	s10 =	sld [smem:$0x3FAF];
	_ =	sdelay $0x3  }
0x34: {  	[smem:$0x3FAF] =	sst s10  }
0x35: {  	s10 =	sld [smem:$0x3FAE];
	_ =	sdelay $0x3  }
0x36: {  	p1 =	seq.s32 s10, $0x1;
	s10 =	sld [smem:$0x3FAF];
	_ =	sdelay $0x3  }
0x37: {  	[smem:$0x3FAF] =	sst s10  }
0x38: {  	s10 =	sld [smem:$0x3FB0]  }
0x39: {  	_ = 	snop;
	(pc) =	sbr.ind lr, $3  }
0x3a: {  	_ = 	snop  }
0x3b: {  	_ = 	snop  }
0x3c: {  	p2 =	seq.s32 s10, $0x1;
	s10 =	sld [smem:$0x3FAF]  }
0x3d: {  	_ =	shalt  }
0x3e: {  	_ =	shalt  }
0x3f: {  	_ =	shalt  }
0x40: {  	_ =	shalt  }
0x41: {  	_ =	shalt  }
0x42: {  	_ =	shalt  }
0x43: {  	_ =	shalt  }
0x44: {  	_ =	shalt  }
0x45: {  	_ =	shalt  }
0x46: {  	_ =	shalt  }
0x47: {  	_ =	shalt  }
0x48: {  	_ =	shalt  }
0x49: {  	_ =	shalt  }
0x4a: {  	_ =	shalt  }
0x4b: {  	_ =	shalt  }
0x4c: {  	_ =	shalt  }
0x4d: {  	_ =	shalt  }
0x4e: {  	_ =	shalt  }
0x4f: {  	_ =	shalt  }
0x50: {  	_ =	shalt  }
0x51: {  	_ =	shalt  }
0x52: {  	_ =	shalt  }
0x53: {  	_ =	shalt  }
0x54: {  	_ =	shalt  }
0x55: {  	_ =	shalt  }
0x56: {  	_ =	shalt  }
0x57: {  	_ =	shalt  }
0x58: {  	_ =	shalt  }
0x59: {  	_ =	shalt  }
0x5a: {  	_ =	shalt  }
0x5b: {  	_ =	shalt  }
0x5c: {  	_ =	shalt  }
0x5d: {  	_ =	shalt  }
0x5e: {  	_ =	shalt  }
0x5f: {  	_ =	shalt  }
0x60: {  	_ =	shalt  }
0x61: {  	_ =	shalt  }
0x62: {  	_ =	shalt  }
0x63: {  	_ =	shalt  }
0x64: {  	_ =	shalt  }
0x65: {  	_ =	shalt  }
0x66: {  	_ =	shalt  }
0x67: {  	_ =	shalt  }
0x68: {  	_ =	shalt  }
0x69: {  	_ =	shalt  }
0x6a: {  	_ =	shalt  }
0x6b: {  	_ =	shalt  }
0x6c: {  	_ =	shalt  }
0x6d: {  	_ =	shalt  }
0x6e: {  	_ =	shalt  }
0x6f: {  	_ =	shalt  }
0x70: {  	_ =	shalt  }
0x71: {  	_ =	shalt  }
0x72: {  	_ =	shalt  }
0x73: {  	_ =	shalt  }
0x74: {  	_ =	shalt  }
0x75: {  	_ =	shalt  }
0x76: {  	_ =	shalt  }
0x77: {  	_ =	shalt  }
0x78: {  	_ =	shalt  }
0x79: {  	_ =	shalt  }
0x7a: {  	_ =	shalt  }
0x7b: {  	_ =	shalt  }
0x7c: {  	_ =	shalt  }
0x7d: {  	_ =	shalt  }
0x7e: {  	_ =	shalt  }
0x7f: {  	_ =	shalt  }
0x80: {  	_ =	shalt  }
0x81: {  	_ =	shalt  }
0x82: {  	_ =	shalt  }
0x83: {  	_ =	shalt  }
0x84: {  	_ =	shalt  }
0x85: {  	_ =	shalt  }
0x86: {  	_ =	shalt  }
0x87: {  	_ =	shalt  }
.Lfunc_end0:
.L_simem_size_0:
called_computation_lowered:
.L_overlay_start_0:
0x88: {  	s2 =	sld [smem:$0x3FD9]  }
0x89: {  	s3 =	sld [smem:$0x3FFE];
	_ =	sdelay $0x1  }
0x8a: {  	s1 =	srdreg.scid  }
0x8b: {  	s0 =	sand.u32 $0x1, s1  }
0x8c: {  	s16 =	sshll.u32 s0, $0xA;
	s2 =	sadd.s32 s3, s2  }
0x8d: {  	s2 =	sadd.s32 s2, s16  }
0x8e: {  	[smem:$0x3FBB] =	sst s2  }
0x8f: {  	_ = 	snop  }
0x90: {  	(tm) =	ssettm $0x1  }
0x91: {  	s17 =	sld [smem:$0x3FFB];
	_ =	sdelay $0x3  }
0x92: {  	_ =	strace s17  }
0x93: {  	s2 =	sld [smem:$0x3FFC];
	_ =	sdelay $0x3  }
0x94: {  	_ =	strace s2  }
0x95: {  	s2 =	sld [smem:$0x3FFD];
	_ =	sdelay $0x3  }
0x96: {  	_ =	strace s2  }
0x97: {  	_ =	strace $0x8FFFFFFF  }
0x98: {  	s18 =	sld [smem:$0x3FDB];
	_ =	sdelay $0x1  }
0x99: {  	s19 =	simm.s32 $_scs_section_size  }
0x9a: {  	s4 =	simm.s32 $_size__tile_overlayer_lowered;
	s5 =	simm.s32 $_tile_overlayer_lowered  }
0x9b: {  	s22 =	simm.s32 $0x1BFF;
	s21 =	sshll.u32 s5, $0x1;
	s2 =	sadd.s32 s19, s18  }
0x9c: {  	s6 =	simm.s32 $0x0;
	s20 =	sshll.u32 s4, $0x1;
	s4 =	sadd.s32 s21, s2  }
0x9d: {  	[timem:s6], [sflag:s22] =	dma.local [hbm:s4], s20  }
0x9e: {  	_ =	swait.ge [sflag:s22], s20  }
0x9f: {  	s3 =	ssub.s32 $0x0, s20;
	[sflag:s22] =	ssyncset.done $0x0  }
0xa0: {  	[sflag:s22] =	ssyncadd.s32 s3;
	_ =	sdelay $0x1  }
0xa1: {  	s23 =	simm.s32 $0x1B8B  }
0xa2: {  	_ =	swait.ge [sflag:s23], $0x1  }
0xa3: {  	[sflag:s23] =	ssyncset.done $0x0  }
0xa4: {  	s25 =	simm.s32 $0x1B8E;
	s24 =	sld [smem:$0x3FFE];
	[sflag:s23] =	ssyncadd.s32 $0xFFFFFFFF  }
0xa5: {  	s26 =	simm.s32 $execute0_lowered;
	[smem:$0x3FD2] =	sst s25  }
0xa6: {  	s4 =	sshll.u32 s26, $0x1;
	_ =	strace $0x80000046;
	[dreg:$0x1] =	wrdreg $0xFFFFFFFF  }
0xa7: {  	s28 =	simm.s32 $_size_execute0_lowered;
	s2 =	sadd.s32 s2, s4;
	[dreg:$0x0] =	wrdreg $0x0  }
0xa8: {  	s4 =	sshll.u32 s28, $0x1;
	[dreg:$0x2] =	wrdreg s2  }
0xa9: {  	[dreg:$0x3] =	wrdreg s4  }
0xaa: {  	[dreg:$0x4] =	wrdreg $0xC0  }
0xab: {  	_ =	task [dreg:s6], $0x5FFFF  }
0xac: {  	[dreg:$0x1] =	wrdreg $0xFFFFFFFF  }
0xad: {  	[dreg:$0x0] =	wrdreg $0x60  }
0xae: {  	[dreg:$0x2] =	wrdreg s24  }
0xaf: {  	[dreg:$0x3] =	wrdreg $0x9  }
0xb0: {  	_ =	task.clear_ibuf [dreg:s6], $0x4FFFF;
	_ =	strace $0x90000046  }
0xb1: {  	s29 =	simm.s32 $0x9;
	_ =	strace $0x80000048  }
0xb2: {  	_ =	swait.ge [sflag:s29], $0x1  }
0xb3: {  	[sflag:s29] =	ssyncadd.s32 $0xFFFFFFFF  }
0xb4: {  	_ =	strace $0x90000048  }
0xb5: {  	_ =	sfence  }
0xb6: {  	s30 =	sld [smem:$0x0];
	_ =	sdelay $0x2  }
0xb7: {  	s31 =	sshll.u32 s1, $0xD;
	s1 =	sshrl.u32 s1, $0x2  }
0xb8: {  	s3 =	sand.u32 $0x4000, s31;
	s1 =	sadd.s32 s1, s30  }
0xb9: {  	s0 =	sor.u32 s3, s0;
	s1 =	sshll.u32 s1, $0x11  }
0xba: {  	s0 =	sor.u32 s1, s0  }
0xbb: {  	s0 =	sadd.s32 $0x8F2B, s0  }
0xbc: {  	[sflag:s0] =	ssyncadd.remote.s32 $0x1  }
0xbd: {  	_ =	sfence.sel $0xFFFF  }
0xbe: {  	[dreg:$0x0] =	wrdreg $0xFFFFFFFF;
	(pc) =	sbr.abs _section_cstart, $3  }
0xbf: {  	[dreg:$0x1] =	wrdreg $0xFFFFFFFF  }
0xc0: {  	_ =	task.clear_ibuf [dreg:s6], $0x2FFFF;
	_ =	strace $0x9FFFFFFF  }
0xc1: {  	(tm) =	ssettm $0x7FFFFFFF  }
tec
execute0_lowered:
.L_overlay_start_1:
0x0: {  	(tag) =	ssettag $0x1  }
0x1: {  	s3 =	rddreg [dreg:$0x0]  }
0x2: {  	s1 =	stileid.u32;
	s0 =	rddreg [dreg:$0x1];
	s2 =	simm.s32 $0x0  }
0x3: {  	s5 =	srdreg.scid;
	s29 =	simm.s32 $0x78;
	s24 =	smul.u32 $0x1D4C, s1  }
0x4: {  	s4 =	sshrl.u32 s1, $0x2;
	[smem:$0x7FF] =	sst s2;
	s7 =	smul.u32 $0x4E20, s1  }
0x5: {  	s6 =	sadd.s32 $0x20400, s3;
	s5 =	sand.u32 $0x1, s5;
	s13 =	smul.u32 $0x9C4, s1  }
0x6: {  	s9 =	smul.u32 $0x2710, s4;
	_ =	strace $0x80000047;
	[dreg:$0x3] =	wrdreg s6  }
0x7: {  	s30 =	simm.s32 $0x4E98;
	s8 =	smul.u32 $0xEA6, s5;
	[dreg:$0x4] =	wrdreg s29  }
0x8: {  	s31 =	simm.s32 $0x6C98;
	s11 =	smul.u32 $0x2710, s5;
	[dreg:$0x2] =	wrdreg s30  }
0x9: {  	s10 =	ssub.s32 $0x2, s5;
	s14 =	smul.u32 $0x4E2, s5;
	[dreg:$0x6] =	wrdreg s31  }
0xa: {  	s12 =	sadd.s32 s24, s3;
	s26 =	sshrl.u32 s10, $0x1;
	s7 =	sadd.s32 s7, s3  }
0xb: {  	vm7 =	vcmask $0x3330;
	vm10 =	vmmov $0x1;
	s25 =	sshrl.u32 s9, $0x3;
	s10 =	ssub.s32 s10, s26;
	s8 =	sadd.s32 s8, s12  }
0xc: {  	vm15 =	vcmask $0xB10;
	vm9 =	vcmask $0xF14;
	vm3 =	vcmask $0x1318;
	s28 =	sadd.s32 s11, s7;
	s11 =	simm.s32 $0x4E20;
	s12 =	simm.s32 $0x1  }
0xd: {  	vm2 =	vcmask $0x171C;
	vm11 =	vcmask $0x1B20;
	vm12 =	vcmask $0x1F24;
	s6 =	sadd.s32 s25, s3;
	s5 =	smax.u32 s10, $0x1;
	s7 =	sadd.s32 $0x2E00, s8  }
0xe: {  	vm13 =	vcmask $0x2328;
	vm5 =	vmmov $0x7fff;
	v1 =	vimm.s32 $0x0;
	s3 =	sadd.s32 $0x6E600, s6;
	s4 =	sadd.s32 $0x6FA00, s6;
	s6 =	sadd.s32 s14, s13  }
0xf: {  	vm14 =	vcmask $0x272C;
	v1 =	vsel vm5, $0xFFFFFFFF, v1;
	v0 =	vmov s9;
	s8 =	sadd.s32 $0x158C00, s28;
	s10 =	simm.s32 $0x2710;
	s9 =	ssub.s32 s6, s9  }
0x10: {  	vm1 =	vcmask $0x2B30;
	vm0 =	vcmask $0x2F34;
	vm8 =	vcmask $0x2F20;
	[tilespmem:$0x1FFF0] =	vst v1;
	s13 =	simm.s32 $0x0;
	[dreg:$0x5] =	wrdreg s9;
	s9 =	simm.s32 $0x2  }
.LBB2_1:
0x11: {  	[tilespmem:s2], [sflag:$0x2] =	stream.linear.gather [hbm4b:s3+s2], $0x2710, $0x38;
	[tilespmem:$0x6DD8] =	vst v63  }
0x12: {  	_ =	swait.ge [sflag:s9], $0x2710  }
0x13: {  	[sflag:s9] =	ssyncset.done $0x0  }
0x14: {  	[sflag:s9] =	ssyncadd.s32 $0xFFFFD8F0  }
0x15: {  	[tilespmem:s10], [sflag:$0x2] =	stream.linear.gather [hbm4b:s4+s2], $0x2710, $0x38;
	[tilespmem:$0x6DD8] =	vst v63  }
0x16: {  	_ =	swait.ge [sflag:s9], $0x2710  }
0x17: {  	s14 =	smov.u32 s8;
	[sflag:s9] =	ssyncset.done $0x0  }
0x18: {  	s15 =	smov.u32 s7;
	s16 =	simm.s32 $0x0;
	[sflag:s9] =	ssyncadd.s32 $0xFFFFD8F0  }
.LBB2_2:
0x19: {  	[tilespmem:s11], [sflag:$0x2] =	stream.linear.gather [hbm4b:s15+s2], $0x78, $0x38;
	[tilespmem:$0x6DD8] =	vst v63  }
0x1a: {  	_ =	swait.ge [sflag:s9], $0x78  }
0x1b: {  	s17 =	rddreg [dreg:$0x2]  }
0x1c: {  	s18 =	rddreg [dreg:$0x3];
	[sflag:s9] =	ssyncset.done $0x0  }
0x1d: {  	s19 =	rddreg [dreg:$0x4];
	[sflag:s9] =	ssyncadd.s32 $0xFFFFFF88  }
0x1e: {  	[tilespmem:s17], [sflag:$0x1] =	stream.indirect.gather [hbm4b:s18+s19], $0x40, s11, s19, $0xb8;
	[tilespmem:$0x6DD8] =	vst v63  }
0x1f: {  	_ =	swait.ge [sflag:s12], $0x1E00  }
0x20: {  	[sflag:s12] =	ssyncset.done $0x0  }
0x21: {  	[sflag:s12] =	ssyncadd.s32 $0xFFFFE200  }
0x22: {  	v1 =	vld [tilespmem:$0x4E20];
	_ =	sdelay $0x1  }
0x23: {  	v2 =	vld [tilespmem:$0x4E28];
	_ =	sdelay $0x1  }
0x24: {  	s26 =	rddreg [dreg:$0x5]  }
0x25: {  	s18 =	sadd.s32 s16, s26;
	v3 =	vsub.s32 v1, v0  }
0x26: {  	v5 =	vmov s18;
	v4 =	vand.u32 $0x7, v1;
	v3 =	vand.u32 $0xFFFFFFF8, v3  }
0x27: {  	v54 =	vsub.s32 v2, v0;
	v3 =	vor.u32 v4, v3  }
0x28: {  	v6 =	vand.u32 $0x7, v2;
	v4 =	vand.u32 $0xFFFFFFF8, v54  }
0x29: {  	v4 =	vor.u32 v6, v4;
	_ =	sdelay $0x1  }
0x2a: {  	v5 =	vld.idx.msk [tilespmem:v5+s2+$0x0], $0xffff  }
0x2b: {  	v3 =	vld.idx.msk [tilespmem:v3+s10+$0x0], $0xffff;
	_ =	sdelay $0x1  }
0x2c: {  	v4 =	vld.idx.msk [tilespmem:v4+s10+$0x0], $0xffff;
	_ =	sdelay $0x2  }
0x2d: {  	v3 =	vadd.f32 v5, v3;
	_ =	sdelay $0x1  }
0x2e: {  	v4 =	vadd.f32 v5, v4;
	v55 =	vmul.f32 $2.000000030e-01, v3  }
0x2f: {  	vm6 =	vmmov vm3;
	s17 =	sadd.s32 s16, s6;
	vm3 =	vgt.f32 v3, $0.0e+00  }
0x30: {  	v56 =	vmul.f32 $2.000000030e-01, v4;
	v3 =	vsel vm3, v3, v55;
	vm3 =	vne.s32 v2, s17  }
0x31: {  	vm5 =	veq.s32 v1, s17;
	vm4 =	vgt.f32 v4, $0.0e+00;
	vm3 =	vmand vm3, vm8  }
0x32: {  	v1 =	vsel vm4, v4, v56;
	v2 =	vsel vm5, $0xF149F2CA, v3;
	vm3 =	vmor vm3, vm7  }
0x33: {  	(xrf0) =	vmax.scan.msk.f32 $0xffff, v2;
	v1 =	vnsel vm3, $0xF149F2CA, v1  }
0x34: {  	(xrf0) =	vmax.scan.msk.f32 $0xffff, v1;
	_ =	sdelay $0x4  }
0x35: {  	v3, _, _ =	vpop (xrf0)  }
0x36: {  	(v2sf) =	vpush v3, $0xF;
	v3, _, _ =	vpop (xrf0)  }
0x37: {  	(v2sf) =	vpush v3, $0xF;
	_ =	sdelay $0xd  }
0x38: {  	s28 =	spop (v2sf)  }
0x39: {  	s20 =	spop (v2sf)  }
0x3a: {  	s19 =	smax.f32 s28, s20  }
0x3b: {  	v3 =	vmov s19  }
0x3c: {  	v2 =	vsub.f32 v2, v3;
	_ =	sdelay $0x1  }
0x3d: {  	v2 =	vmul.f32 $1.442695020e+00, v2;
	_ =	sdelay $0x1  }
0x3e: {  	(erf) = vpow2.f32 v2  }
0x3f: {  	v57 =	vld [tilespmem:$0x4F18]  }
0x40: {  	v8 =	vld [tilespmem:$0x4F58]  }
0x41: {  	v59 =	vld [tilespmem:$0x4F98]  }
0x42: {  	v10 =	vld [tilespmem:$0x4FD8]  }
0x43: {  	v15 =	vld [tilespmem:$0x5018]  }
0x44: {  	v16 =	vld [tilespmem:$0x5058]  }
0x45: {  	v17 =	vld [tilespmem:$0x5098]  }
0x46: {  	v18 =	vld [tilespmem:$0x50D8];
	v1 =	vsub.f32 v1, v3  }
0x47: {  	v19 =	vld [tilespmem:$0x5118];
	v5 =	vpop (erf)  }
0x48: {  	v20 =	vld [tilespmem:$0x5158];
	v1 =	vmul.f32 $1.442695020e+00, v1;
	v58 =	vnsel vm10, $0x0, v5  }
0x49: {  	v21 =	vld [tilespmem:$0x5198];
	vm3 =	vcmask $0x308;
	(xrf0) =	vmax.scan.msk.f32 $0xffff, v58  }
0x4a: {  	v24 =	vld [tilespmem:$0x51D8];
	(erf) = vpow2.f32 v1;
	v1 =	vsel vm3, $0x0, v5  }
0x4b: {  	v25 =	vld [tilespmem:$0x5218];
	vm3 =	vcmask $0x70C;
	(xrf0) =	vmax.scan.msk.f32 $0xffff, v1  }
0x4c: {  	v29 =	vld [tilespmem:$0x5258];
	v1 =	vsel vm3, $0x0, v5  }
0x4d: {  	v2 =	vld [tilespmem:$0x4E98];
	(xrf0) =	vmax.scan.msk.f32 $0xffff, v1;
	v1 =	vsel vm15, $0x0, v5  }
0x4e: {  	v32 =	vld [tilespmem:$0x5298];
	(xrf0) =	vmax.scan.msk.f32 $0xffff, v1  }
0x4f: {  	v3 =	vld [tilespmem:$0x4ED8];
	v7, _, _ =	vpop (xrf0)  }
0x50: {  	v27 =	vld [tilespmem:$0x52D8];
	v1 =	vsel vm9, $0x0, v5;
	v11 =	vbroadcast v7, $0xF  }
0x51: {  	v63 =	vld [tilespmem:$0x4EA8];
	v9, _, _ =	vpop (xrf0);
	(xrf0) =	vmax.scan.msk.f32 $0xffff, v1  }
0x52: {  	v28 =	vld [tilespmem:$0x4EE8];
	(xrf2) =	vadd.scan.msk.f32 $0xffff, v5;
	v1 =	vsel vm6, $0x0, v5;
	v14 =	vbroadcast v9, $0xF;
	v2 =	vmul.f32 v11, v2  }
0x53: {  	v46 =	vld [tilespmem:$0x4F28];
	v60, _, _ =	vpop (xrf0);
	(xrf0) =	vmax.scan.msk.f32 $0xffff, v1;
	v1 =	vsel vm2, $0x0, v5  }
0x54: {  	v33 =	vld [tilespmem:$0x4F68];
	v12 =	vbroadcast v60, $0xF;
	v61, _, _ =	vpop (xrf0);
	v3 =	vmul.f32 v14, v3;
	v2 =	vadd.f32 $0.0e+00, v2  }
0x55: {  	v34 =	vld [tilespmem:$0x4FA8];
	(xrf0) =	vmax.scan.msk.f32 $0xffff, v1;
	v13 =	vbroadcast v61, $0xF  }
0x56: {  	v35 =	vld [tilespmem:$0x4FE8];
	v7 =	vpop (erf);
	v1 =	vsel vm11, $0x0, v5;
	v2 =	vadd.f32 v2, v3;
	v3 =	vmul.f32 v12, v57  }
0x57: {  	v36 =	vld [tilespmem:$0x5028];
	v23 =	vsel vm13, $0x0, v5;
	v8 =	vmul.f32 v13, v8;
	v62, _, _ =	vpop (xrf0);
	(xrf0) =	vmax.scan.msk.f32 $0xffff, v1  }
0x58: {  	v37 =	vld [tilespmem:$0x5068];
	(xrf2) =	vadd.scan.msk.f32 $0xffff, v7;
	v1 =	vsel vm12, $0x0, v5;
	v9 =	vbroadcast v62, $0xF;
	v3 =	vadd.f32 v2, v3  }
0x59: {  	v38 =	vld [tilespmem:$0x50A8];
	v44 =	vsel vm14, $0x0, v5;
	v48 =	vsel vm1, $0x0, v5;
	vm3 =	vcmask $0x3338;
	v22, _, _ =	vpop (xrf0);
	(xrf0) =	vmax.scan.msk.f32 $0xffff, v1  }
0x5a: {  	v60 =	vld [tilespmem:$0x1FFF0];
	v6 =	vmul.f32 v9, v59;
	v3 =	vadd.f32 v3, v8;
	v8 =	vbroadcast v22, $0xF  }
0x5b: {  	v39 =	vld [tilespmem:$0x50E8];
	v51 =	vsel vm0, $0x0, v5;
	v54 =	vsel vm3, $0x0, v5;
	vm3 =	vcmask $0x373C;
	v26, _, _ =	vpop (xrf0);
	(xrf0) =	vmax.scan.msk.f32 $0xffff, v23  }
0x5c: {  	v40 =	vld [tilespmem:$0x5128];
	v30, _, _ =	vpop (xrf2);
	v3 =	vadd.f32 v3, v6;
	v45 =	vmul.f32 v8, v10;
	v10 =	vbroadcast v26, $0xF  }
0x5d: {  	v41 =	vld [tilespmem:$0x5168];
	(v2sf) =	vpush v30, $0xF;
	v28 =	vmul.f32 v28, v14;
	v46 =	vmul.f32 v46, v12;
	v47, _, _ =	vpop (xrf0);
	(xrf0) =	vmax.scan.msk.f32 $0xffff, v44  }
0x5e: {  	v42 =	vld [tilespmem:$0x51A8];
	v3 =	vadd.f32 v3, v45;
	v49 =	vmul.f32 v10, v15;
	v15 =	vbroadcast v47, $0xF  }
0x5f: {  	v4 =	vld [tilespmem:$0x5318];
	v33 =	vmul.f32 v33, v13;
	v57 =	vsel vm3, $0x0, v5;
	vm3 =	vnez.u8 v60;
	v50, _, _ =	vpop (xrf0);
	(xrf0) =	vmax.scan.msk.f32 $0xffff, v48  }
0x60: {  	v30 =	vld [tilespmem:$0x5228];
	v3 =	vadd.f32 v3, v49;
	v52 =	vmul.f32 v15, v16;
	v16 =	vbroadcast v50, $0xF  }
0x61: {  	v1 =	vld [tilespmem:$0x5398];
	v5 =	vsel vm3, $0x0, v5;
	v34 =	vmul.f32 v34, v9;
	v22 =	vmul.f32 v63, v11;
	v53, _, _ =	vpop (xrf0);
	(xrf0) =	vmax.scan.msk.f32 $0xffff, v51  }
0x62: {  	v2 =	vld [tilespmem:$0x5358];
	v31, _, _ =	vpop (xrf2);
	v3 =	vadd.f32 v3, v52;
	v55 =	vmul.f32 v16, v17;
	v17 =	vbroadcast v53, $0xF  }
0x63: {  	v63 =	vsel vm12, $0x0, v7;
	(v2sf) =	vpush v31, $0xF;
	v22 =	vadd.f32 $0.0e+00, v22;
	v31 =	vld [tilespmem:$0x51E8];
	v56, _, _ =	vpop (xrf0);
	(xrf0) =	vmax.scan.msk.f32 $0xffff, v54  }
0x64: {  	v51 =	vld [tilespmem:$0x4EB8];
	v3 =	vadd.f32 v3, v55;
	v58 =	vmul.f32 v17, v18;
	v18 =	vbroadcast v56, $0xF  }
0x65: {  	v26 =	vld [tilespmem:$0x52A8];
	v45 =	vadd.f32 v28, v22;
	v50 =	vmul.f32 v35, v8;
	v54 =	vmul.f32 v36, v10;
	v59, _, _ =	vpop (xrf0);
	(xrf0) =	vmax.scan.msk.f32 $0xffff, v57  }
0x66: {  	v6 =	vld [tilespmem:$0x5328];
	v3 =	vadd.f32 v3, v58;
	v61 =	vmul.f32 v18, v19;
	v19 =	vbroadcast v59, $0xF  }
0x67: {  	v60 =	vmul.f32 v38, v16;
	v57 =	vmul.f32 v37, v15;
	v62, _, _ =	vpop (xrf0);
	(xrf0) =	vmax.scan.msk.f32 $0xffff, v5;
	v5 =	vadd.f32 v46, v45;
	v55 =	vld [tilespmem:$0x4EC8]  }
0x68: {  	v56 =	vld [tilespmem:$0x4F38];
	v3 =	vadd.f32 v3, v61;
	v43 =	vmul.f32 v19, v20;
	v20 =	vbroadcast v62, $0xF  }
0x69: {  	v28 =	vld [tilespmem:$0x5268];
	v35 =	vmul.f32 v51, v11;
	v46 =	vsel vm14, $0x0, v7;
	v33 =	vadd.f32 v33, v5;
	v44, _, _ =	vpop (xrf0);
	(xrf0) =	vmax.scan.msk.f32 $0xffff, v63  }
0x6a: {  	v22 =	vld [tilespmem:$0x52E8];
	v23 =	vbroadcast v44, $0xF;
	v3 =	vadd.f32 v3, v43;
	v47 =	vmul.f32 v20, v21  }
0x6b: {  	v53 =	vld [tilespmem:$0x4EF8];
	v39 =	vmul.f32 v39, v17;
	v33 =	vadd.f32 v34, v33;
	v48, _, _ =	vpop (xrf0);
	v44 =	vsel vm13, $0x0, v7  }
0x6c: {  	v58 =	vld [tilespmem:$0x4F08];
	v21 =	vbroadcast v48, $0xF;
	v24 =	vmul.f32 v23, v24;
	v3 =	vadd.f32 v3, v47  }
0x6d: {  	v36 =	vld [tilespmem:$0x51B8];
	v63 =	vadd.f32 $0.0e+00, v35;
	v11 =	vmul.f32 v55, v11;
	v51 =	vmul.f32 v56, v12;
	(xrf0) =	vmax.scan.msk.f32 $0xffff, v44;
	v43, _, _ =	vpop (xrf0)  }
0x6e: {  	v5 =	vld [tilespmem:$0x5368];
	v25 =	vmul.f32 v21, v25;
	v45 =	vadd.f32 v3, v24;
	v24 =	vbroadcast v43, $0xF  }
0x6f: {  	v61 =	vld [tilespmem:$0x4F48];
	v33 =	vadd.f32 v50, v33;
	v48 =	vsel vm1, $0x0, v7;
	v7 =	vsel vm0, $0x0, v7;
	v49, _, _ =	vpop (xrf0)  }
0x70: {  	v62 =	vld [tilespmem:$0x4FB8];
	v52 =	vadd.f32 v45, v25;
	v29 =	vmul.f32 v24, v29;
	v25 =	vbroadcast v49, $0xF  }
0x71: {  	s29 =	spop (v2sf);
	(xrf0) =	vmax.scan.msk.f32 $0xffff, v46;
	v46 =	vmul.f32 v53, v14;
	v14 =	vmul.f32 v58, v14;
	v11 =	vadd.f32 $0.0e+00, v11;
	v47 =	vld [tilespmem:$0x4F78]  }
0x72: {  	s30 =	spop (v2sf);
	v33 =	vadd.f32 v54, v33;
	v49 =	vld [tilespmem:$0x4F88];
	v29 =	vadd.f32 v52, v29;
	v32 =	vmul.f32 v32, v25  }
0x73: {  	v53 =	vld [tilespmem:$0x5038];
	v31 =	vmul.f32 v31, v23;
	s19 =	sadd.f32 s30, s29;
	v34 =	vadd.f32 v46, v63;
	v11 =	vadd.f32 v14, v11;
	v59, _, _ =	vpop (xrf0)  }
0x74: {  	v12 =	vmul.f32 v61, v12;
	v52 =	vld [tilespmem:$0x4FC8];
	v32 =	vadd.f32 v29, v32;
	v29 =	vbroadcast v59, $0xF  }
0x75: {  	v50 =	vld [tilespmem:$0x4FF8];
	v61 =	vmul.f32 v62, v9;
	s19 =	sadd.f32 $1.000000020e-16, s19;
	v33 =	vadd.f32 v57, v33;
	v54 =	vadd.f32 v51, v34  }
0x76: {  	v56 =	vld [tilespmem:$0x5008];
	v11 =	vadd.f32 v12, v11;
	v55 =	vmul.f32 v47, v13;
	v27 =	vmul.f32 v27, v29  }
0x77: {  	v62 =	vld [tilespmem:$0x5048];
	v45 =	vmov s19;
	v33 =	vadd.f32 v60, v33;
	v58 =	vmul.f32 v49, v13  }
0x78: {  	v57 =	vld [tilespmem:$0x5078];
	v60 =	vmul.f32 v40, v18;
	v27 =	vadd.f32 v32, v27;
	v32 =	vadd.f32 v55, v54  }
0x79: {  	v51 =	vld [tilespmem:$0x50F8];
	v14 =	vmul.f32 v53, v10;
	v11 =	vadd.f32 v58, v11;
	v9 =	vmul.f32 v52, v9  }
0x7a: {  	v47 =	vmul.f32 v50, v8;
	v50 =	vmul.f32 v41, v19;
	v49 =	vld [tilespmem:$0x5088];
	v32 =	vadd.f32 v61, v32  }
0x7b: {  	v63 =	vld [tilespmem:$0x50B8];
	v8 =	vmul.f32 v56, v8;
	v56 =	vmul.f32 v42, v20;
	v9 =	vadd.f32 v9, v11  }
0x7c: {  	v53 =	vld [tilespmem:$0x50C8];
	v42 =	vmul.f32 v30, v21;
	v33 =	vadd.f32 v39, v33;
	v52 =	vadd.f32 v47, v32  }
0x7d: {  	v35 =	vld [tilespmem:$0x5378];
	(erf) = vrcp.f32 v45;
	v55 =	vmul.f32 v62, v10;
	v8 =	vadd.f32 v8, v9  }
0x7e: {  	v57 =	vmul.f32 v57, v15;
	v46 =	vadd.f32 v60, v33;
	v58 =	vld [tilespmem:$0x5108];
	v11 =	vadd.f32 v14, v52  }
0x7f: {  	(xrf0) =	vmax.scan.msk.f32 $0xffff, v48;
	v59, _, _ =	vpop (xrf0);
	v38 =	vmul.f32 v51, v17;
	v54 =	vld [tilespmem:$0x5138];
	v60 =	vmul.f32 v49, v15;
	v8 =	vadd.f32 v55, v8  }
0x80: {  	v13 =	vbroadcast v59, $0xF;
	v62 =	vld [tilespmem:$0x5148];
	v61 =	vmul.f32 v63, v16;
	v11 =	vadd.f32 v57, v11  }
0x81: {  	v59 =	vld [tilespmem:$0x5178];
	v37 =	vmul.f32 v53, v16;
	v12 =	vadd.f32 v50, v46;
	v8 =	vadd.f32 v60, v8  }
0x82: {  	v39 =	vld [tilespmem:$0x5188];
	v50 =	vmul.f32 v28, v24;
	v28 =	vmul.f32 v22, v29;
	v11 =	vadd.f32 v61, v11  }
0x83: {  	v44 =	vld [tilespmem:$0x51C8];
	v4 =	vmul.f32 v4, v13;
	v41 =	vmul.f32 v58, v17;
	v8 =	vadd.f32 v37, v8  }
0x84: {  	v51 =	vld [tilespmem:$0x5278];
	v6 =	vmul.f32 v6, v13;
	v43 =	vmul.f32 v54, v18;
	v11 =	vadd.f32 v38, v11  }
0x85: {  	v40 =	vld [tilespmem:$0x51F8];
	v10 =	vadd.f32 v56, v12;
	v63, _, _ =	vpop (xrf0);
	v47 =	vmul.f32 v62, v18;
	v8 =	vadd.f32 v41, v8  }
0x86: {  	v48 =	vmul.f32 v59, v19;
	v49 =	vld [tilespmem:$0x5208];
	v15 =	vbroadcast v63, $0xF;
	v11 =	vadd.f32 v43, v11  }
0x87: {  	(xrf0) =	vmax.scan.msk.f32 $0xffff, v7;
	v46 =	vld [tilespmem:$0x5238];
	v4 =	vadd.f32 v27, v4;
	v52 =	vmul.f32 v39, v19;
	v8 =	vadd.f32 v47, v8  }
0x88: {  	v2 =	vmul.f32 v2, v15;
	v54 =	vmul.f32 v36, v20;
	v55 =	vld [tilespmem:$0x5248];
	v53 =	vadd.f32 v48, v11  }
0x89: {  	v34 =	vld [tilespmem:$0x5308];
	v33 =	vmul.f32 v51, v24;
	v57 =	vmul.f32 v44, v20;
	v8 =	vadd.f32 v52, v8  }
0x8a: {  	v59 =	vmul.f32 v40, v23;
	v2 =	vadd.f32 v4, v2;
	v60 =	vld [tilespmem:$0x5288];
	v4 =	vadd.f32 v54, v53  }
0x8b: {  	v56 =	vld [tilespmem:$0x52B8];
	v10 =	vadd.f32 v31, v10;
	v62 =	vmul.f32 v49, v23;
	v8 =	vadd.f32 v57, v8  }
0x8c: {  	v63 =	vmul.f32 v46, v21;
	v58 =	vmul.f32 v26, v25;
	v26 =	vld [tilespmem:$0x52C8];
	v4 =	vadd.f32 v59, v4  }
0x8d: {  	v10 =	vadd.f32 v42, v10;
	v27, _, _ =	vpop (xrf0);
	v61 =	vld [tilespmem:$0x52F8];
	v31 =	vmul.f32 v55, v21;
	v8 =	vadd.f32 v62, v8  }
0x8e: {  	v3 =	vld [tilespmem:$0x53A8];
	v42 =	vmul.f32 v34, v29;
	v32 =	vbroadcast v27, $0xF;
	v4 =	vadd.f32 v63, v4  }
0x8f: {  	v30 =	vld [tilespmem:$0x5338];
	v7 =	vadd.f32 v50, v10;
	v36 =	vmul.f32 v60, v24;
	v8 =	vadd.f32 v31, v8  }
0x90: {  	v5 =	vmul.f32 v5, v15;
	v10 =	vmul.f32 v56, v25;
	v37 =	vld [tilespmem:$0x5348];
	v4 =	vadd.f32 v33, v4  }
0x91: {  	v45 =	vld [tilespmem:$0x4E38];
	v7 =	vadd.f32 v58, v7;
	v39 =	vmul.f32 v26, v25;
	v8 =	vadd.f32 v36, v8  }
0x92: {  	v1 =	vmul.f32 v1, v32;
	v41 =	vld [tilespmem:$0x5388];
	v40 =	vmul.f32 v61, v29;
	v4 =	vadd.f32 v10, v4  }
0x93: {  	v3 =	vmul.f32 v3, v32;
	v7 =	vadd.f32 v28, v7;
	v38 =	vld [tilespmem:$0x53B8];
	v8 =	vadd.f32 v39, v8  }
0x94: {  	v44 =	vmul.f32 v30, v13;
	v1 =	vadd.f32 v2, v1;
	v43 =	vld [tilespmem:$0x53C8];
	v2 =	vadd.f32 v40, v4  }
0x95: {  	v6 =	vadd.f32 v6, v7;
	v47 =	vmul.f32 v37, v13;
	v46 =	vadd.f32 v42, v8  }
0x96: {  	v49 =	vmul.f32 v35, v15;
	v55 =	vsub.s32 v45, v0;
	v2 =	vadd.f32 v44, v2  }
0x97: {  	v51 =	vld [tilespmem:$0x4E40];
	v5 =	vadd.f32 v5, v6;
	v50 =	vmul.f32 v41, v15;
	v6 =	vadd.f32 v47, v46  }
0x98: {  	v56 =	vand.u32 $0xFFFFFFF8, v55;
	v52 =	vmul.f32 v38, v32;
	v2 =	vadd.f32 v49, v2  }
0x99: {  	v48 =	vpop (erf);
	v3 =	vadd.f32 v3, v5;
	v54 =	vmul.f32 v43, v32;
	v53 =	vadd.f32 v50, v6  }
0x9a: {  	v1 =	vmul.f32 v1, v48;
	v57 =	vand.u32 $0x7, v45;
	v2 =	vadd.f32 v52, v2  }
0x9b: {  	s31 =	sadd.s32 $0x1, s18;
	v3 =	vmul.f32 v3, v48;
	v4 =	vor.u32 v57, v56;
	v5 =	vadd.f32 v54, v53  }
0x9c: {  	v58 =	vmov s31;
	[tilespmem:$0x6C98] =	vst v1;
	v1 =	vmul.f32 v2, v48;
	v2 =	vsub.s32 v51, v0  }
0x9d: {  	[tilespmem:$0x6CA8] =	vst v3;
	v59 =	vand.u32 $0x7, v51;
	v3 =	vmul.f32 v5, v48;
	v2 =	vand.u32 $0xFFFFFFF8, v2  }
0x9e: {  	[tilespmem:$0x6CB8] =	vst v1;
	v1 =	vor.u32 v59, v2  }
0x9f: {  	[tilespmem:$0x6CC8] =	vst v3  }
0xa0: {  	v2 =	vld.idx.msk [tilespmem:v4+s10+$0x0], $0xffff  }
0xa1: {  	v3 =	vld.idx.msk [tilespmem:v58+s2+$0x0], $0xffff;
	_ =	sdelay $0x1  }
0xa2: {  	v1 =	vld.idx.msk [tilespmem:v1+s10+$0x0], $0xffff;
	_ =	sdelay $0x2  }
0xa3: {  	v2 =	vadd.f32 v3, v2;
	_ =	sdelay $0x1  }
0xa4: {  	v1 =	vadd.f32 v3, v1;
	v3 =	vmul.f32 $2.000000030e-01, v2  }
0xa5: {  	s20 =	sadd.s32 $0x1, s17;
	vm3 =	vgt.f32 v2, $0.0e+00  }
0xa6: {  	v2 =	vsel vm3, v2, v3;
	v3 =	vmul.f32 $2.000000030e-01, v1;
	vm3 =	vne.s32 v51, s20  }
0xa7: {  	vm5 =	veq.s32 v45, s20;
	vm4 =	vgt.f32 v1, $0.0e+00;
	vm3 =	vmand vm3, vm8  }
0xa8: {  	v2 =	vsel vm5, $0xF149F2CA, v2;
	v1 =	vsel vm4, v1, v3;
	vm3 =	vmor vm3, vm7  }
0xa9: {  	(xrf0) =	vmax.scan.msk.f32 $0xffff, v2;
	v1 =	vnsel vm3, $0xF149F2CA, v1  }
0xaa: {  	(xrf0) =	vmax.scan.msk.f32 $0xffff, v1;
	_ =	sdelay $0x4  }
0xab: {  	v3, _, _ =	vpop (xrf0)  }
0xac: {  	(v2sf) =	vpush v3, $0xF;
	v3, _, _ =	vpop (xrf0)  }
0xad: {  	(v2sf) =	vpush v3, $0xF;
	_ =	sdelay $0xd  }
0xae: {  	s21 =	spop (v2sf)  }
0xaf: {  	s22 =	spop (v2sf)  }
0xb0: {  	s19 =	smax.f32 s21, s22  }
0xb1: {  	v3 =	vmov s19  }
0xb2: {  	v2 =	vsub.f32 v2, v3;
	_ =	sdelay $0x1  }
0xb3: {  	v2 =	vmul.f32 $1.442695020e+00, v2;
	_ =	sdelay $0x1  }
0xb4: {  	v1 =	vsub.f32 v1, v3;
	(erf) = vpow2.f32 v2;
	_ =	sdelay $0x1  }
0xb5: {  	v1 =	vmul.f32 $1.442695020e+00, v1  }
0xb6: {  	v9 =	vld [tilespmem:$0x5658]  }
0xb7: {  	v34 =	vld [tilespmem:$0x54E8];
	(erf) = vpow2.f32 v1  }
0xb8: {  	v17 =	vld [tilespmem:$0x5718]  }
0xb9: {  	v27 =	vld [tilespmem:$0x5818]  }
0xba: {  	v30 =	vld [tilespmem:$0x54A8]  }
0xbb: {  	v26 =	vld [tilespmem:$0x57D8]  }
0xbc: {  	v21 =	vld [tilespmem:$0x5758];
	v13 =	vpop (erf)  }
0xbd: {  	v28 =	vld [tilespmem:$0x5858];
	v1 =	vnsel vm10, $0x0, v13  }
0xbe: {  	v60 =	vld [tilespmem:$0x5518];
	vm3 =	vcmask $0x308;
	(xrf0) =	vmax.scan.msk.f32 $0xffff, v1  }
0xbf: {  	v24 =	vld [tilespmem:$0x5798];
	(xrf2) =	vadd.scan.msk.f32 $0xffff, v13;
	v1 =	vsel vm3, $0x0, v13  }
0xc0: {  	v61 =	vld [tilespmem:$0x5558];
	v11 =	vpop (erf);
	vm3 =	vcmask $0x70C;
	(xrf0) =	vmax.scan.msk.f32 $0xffff, v1  }
0xc1: {  	v29 =	vld [tilespmem:$0x5898];
	(xrf2) =	vadd.scan.msk.f32 $0xffff, v11;
	v1 =	vsel vm3, $0x0, v13  }
0xc2: {  	v2 =	vld [tilespmem:$0x5498];
	(xrf0) =	vmax.scan.msk.f32 $0xffff, v1  }
0xc3: {  	v15 =	vld [tilespmem:$0x56D8];
	v1 =	vsel vm15, $0x0, v13  }
0xc4: {  	v3 =	vld [tilespmem:$0x54D8];
	(xrf0) =	vmax.scan.msk.f32 $0xffff, v1;
	v31, _, _ =	vpop (xrf0)  }
0xc5: {  	v62 =	vld [tilespmem:$0x5598];
	v33 =	vsel vm9, $0x0, v13;
	v37 =	vsel vm6, $0x0, v13;
	v1 =	vbroadcast v31, $0xF  }
0xc6: {  	v43 =	vld [tilespmem:$0x5568];
	v41 =	vsel vm2, $0x0, v13;
	v45 =	vsel vm11, $0x0, v13;
	v49 =	vsel vm12, $0x0, v13;
	v35, _, _ =	vpop (xrf0);
	(xrf0) =	vmax.scan.msk.f32 $0xffff, v33  }
0xc7: {  	v39 =	vld [tilespmem:$0x5528];
	v55 =	vsel vm13, $0x0, v13;
	v38 =	vmul.f32 v1, v2;
	v2 =	vbroadcast v35, $0xF  }
0xc8: {  	v63 =	vld [tilespmem:$0x55D8];
	vm3 =	vcmask $0x3338;
	v33 =	vsel vm1, $0x0, v13;
	v40, _, _ =	vpop (xrf0);
	(xrf0) =	vmax.scan.msk.f32 $0xffff, v37;
	v12 =	vmul.f32 v30, v1  }
0xc9: {  	v10 =	vld [tilespmem:$0x5698];
	v32, _, _ =	vpop (xrf2);
	v20 =	vadd.f32 $0.0e+00, v38;
	v42 =	vmul.f32 v2, v3;
	v3 =	vbroadcast v40, $0xF  }
0xca: {  	v8 =	vld [tilespmem:$0x5618];
	v44, _, _ =	vpop (xrf0);
	(xrf0) =	vmax.scan.msk.f32 $0xffff, v41;
	(v2sf) =	vpush v32, $0xF;
	v12 =	vadd.f32 $0.0e+00, v12;
	v14 =	vmul.f32 v34, v2  }
0xcb: {  	v47 =	vld [tilespmem:$0x55A8];
	v36, _, _ =	vpop (xrf2);
	v4 =	vbroadcast v44, $0xF;
	v20 =	vadd.f32 v20, v42;
	v46 =	vmul.f32 v3, v60  }
0xcc: {  	v53 =	vld [tilespmem:$0x55E8];
	(v2sf) =	vpush v36, $0xF;
	v48, _, _ =	vpop (xrf0);
	(xrf0) =	vmax.scan.msk.f32 $0xffff, v45;
	v12 =	vadd.f32 v14, v12;
	v50 =	vmul.f32 v39, v3  }
0xcd: {  	v58 =	vld [tilespmem:$0x5628];
	v52 =	vmul.f32 v4, v61;
	v5 =	vbroadcast v48, $0xF;
	v51 =	vadd.f32 v20, v46  }
0xce: {  	v31 =	vld [tilespmem:$0x5918];
	v38 =	vsel vm0, $0x0, v13;
	v56 =	vmul.f32 v43, v4;
	v54, _, _ =	vpop (xrf0);
	(xrf0) =	vmax.scan.msk.f32 $0xffff, v49;
	v12 =	vadd.f32 v50, v12  }
0xcf: {  	v30 =	vld [tilespmem:$0x58D8];
	v6 =	vbroadcast v54, $0xF;
	v57 =	vmul.f32 v5, v62;
	v16 =	vadd.f32 v51, v52  }
0xd0: {  	v41 =	vld [tilespmem:$0x56E8];
	v60 =	vsel vm14, $0x0, v13;
	v59, _, _ =	vpop (xrf0);
	(xrf0) =	vmax.scan.msk.f32 $0xffff, v55;
	v61 =	vmul.f32 v47, v5;
	v12 =	vadd.f32 v56, v12  }
0xd1: {  	v7 =	vbroadcast v59, $0xF;
	v62 =	vmul.f32 v6, v63;
	v63 =	vld [tilespmem:$0x5668];
	v16 =	vadd.f32 v16, v57  }
0xd2: {  	v36 =	vld [tilespmem:$0x56A8];
	v43 =	vsel vm3, $0x0, v13;
	v34 =	vmul.f32 v53, v6;
	v32, _, _ =	vpop (xrf0);
	(xrf0) =	vmax.scan.msk.f32 $0xffff, v60;
	v12 =	vadd.f32 v61, v12  }
0xd3: {  	v51 =	vld [tilespmem:$0x1FFF0];
	v35 =	vmul.f32 v7, v8;
	v8 =	vbroadcast v32, $0xF;
	v16 =	vadd.f32 v16, v62  }
0xd4: {  	vm3 =	vcmask $0x373C;
	v49 =	vld [tilespmem:$0x5768];
	v39 =	vmul.f32 v58, v7;
	v37, _, _ =	vpop (xrf0);
	(xrf0) =	vmax.scan.msk.f32 $0xffff, v33;
	v12 =	vadd.f32 v34, v12  }
0xd5: {  	v46 =	vld [tilespmem:$0x5728];
	v40 =	vmul.f32 v8, v9;
	v9 =	vbroadcast v37, $0xF;
	v16 =	vadd.f32 v16, v35  }
0xd6: {  	v48 =	vsel vm3, $0x0, v13;
	v53 =	vld [tilespmem:$0x57A8];
	v42, _, _ =	vpop (xrf0);
	(xrf0) =	vmax.scan.msk.f32 $0xffff, v38;
	v44 =	vmul.f32 v63, v8;
	v12 =	vadd.f32 v39, v12  }
0xd7: {  	v56 =	vld [tilespmem:$0x57E8];
	v45 =	vmul.f32 v9, v10;
	v10 =	vbroadcast v42, $0xF;
	v16 =	vadd.f32 v16, v40  }
0xd8: {  	v58 =	vld [tilespmem:$0x5828];
	vm3 =	vnez.u8 v51;
	v22 =	vmul.f32 v36, v9;
	v47, _, _ =	vpop (xrf0);
	(xrf0) =	vmax.scan.msk.f32 $0xffff, v43;
	v14 =	vadd.f32 v44, v12  }
0xd9: {  	v61 =	vld [tilespmem:$0x5868];
	v15 =	vmul.f32 v10, v15;
	v12 =	vbroadcast v47, $0xF;
	v16 =	vadd.f32 v16, v45  }
0xda: {  	v32 =	vld [tilespmem:$0x5958];
	v19 =	vsel vm3, $0x0, v13;
	v50, _, _ =	vpop (xrf0);
	(xrf0) =	vmax.scan.msk.f32 $0xffff, v48;
	v20 =	vmul.f32 v41, v10;
	v14 =	vadd.f32 v22, v14  }
0xdb: {  	v33 =	vld [tilespmem:$0x5998];
	v13 =	vbroadcast v50, $0xF;
	v52 =	vmul.f32 v12, v17;
	v15 =	vadd.f32 v16, v15  }
0xdc: {  	v55 =	vsel vm12, $0x0, v11;
	v34 =	vld [tilespmem:$0x54B8];
	v54, _, _ =	vpop (xrf0);
	(xrf0) =	vmax.scan.msk.f32 $0xffff, v19;
	v23 =	vmul.f32 v46, v12;
	v20 =	vadd.f32 v20, v14  }
0xdd: {  	v63 =	vld [tilespmem:$0x58A8];
	v57 =	vmul.f32 v13, v21;
	v14 =	vbroadcast v54, $0xF;
	v15 =	vadd.f32 v15, v52  }
0xde: {  	v60 =	vsel vm13, $0x0, v11;
	v36 =	vld [tilespmem:$0x5738];
	(xrf0) =	vmax.scan.msk.f32 $0xffff, v55;
	v18 =	vmul.f32 v49, v13;
	v59, _, _ =	vpop (xrf0);
	v20 =	vadd.f32 v23, v20  }
0xdf: {  	v40 =	vld [tilespmem:$0x58E8];
	v62 =	vmul.f32 v14, v24;
	v16 =	vadd.f32 v15, v57;
	v15 =	vbroadcast v59, $0xF  }
0xe0: {  	v39 =	vsel vm14, $0x0, v11;
	s23 =	spop (v2sf);
	v43 =	vld [tilespmem:$0x59A8];
	(xrf0) =	vmax.scan.msk.f32 $0xffff, v60;
	v17 =	vmul.f32 v53, v14;
	v38, _, _ =	vpop (xrf0);
	v18 =	vadd.f32 v18, v20  }
0xe1: {  	v41 =	vld [tilespmem:$0x5928];
	s24 =	spop (v2sf);
	v19 =	vadd.f32 v16, v62;
	v26 =	vmul.f32 v15, v26;
	v16 =	vbroadcast v38, $0xF  }
0xe2: {  	v45 =	vsel vm1, $0x0, v11;
	s19 =	sadd.f32 s24, s23;
	v50 =	vld [tilespmem:$0x54F8];
	v44, _, _ =	vpop (xrf0);
	(xrf0) =	vmax.scan.msk.f32 $0xffff, v39;
	v18 =	vadd.f32 v17, v18;
	v25 =	vmul.f32 v56, v15  }
0xe3: {  	v46 =	vld [tilespmem:$0x5968];
	v17 =	vbroadcast v44, $0xF;
	v19 =	vadd.f32 v19, v26;
	v42 =	vmul.f32 v16, v27  }
0xe4: {  	v11 =	vsel vm0, $0x0, v11;
	v55 =	vld [tilespmem:$0x55B8];
	s19 =	sadd.f32 $1.000000020e-16, s19;
	v47, _, _ =	vpop (xrf0);
	(xrf0) =	vmax.scan.msk.f32 $0xffff, v45;
	v25 =	vadd.f32 v25, v18;
	v21 =	vmul.f32 v58, v16  }
0xe5: {  	v53 =	vld [tilespmem:$0x5578];
	v49 =	vmul.f32 v17, v28;
	v18 =	vbroadcast v47, $0xF;
	v19 =	vadd.f32 v19, v42  }
0xe6: {  	v51 =	vmov s19;
	v59 =	vld [tilespmem:$0x5638];
	(xrf0) =	vmax.scan.msk.f32 $0xffff, v11;
	v48, _, _ =	vpop (xrf0);
	v23 =	vmul.f32 v61, v17;
	v21 =	vadd.f32 v21, v25  }
0xe7: {  	v56 =	vld [tilespmem:$0x55F8];
	v11 =	vbroadcast v48, $0xF;
	v52 =	vmul.f32 v29, v18;
	v19 =	vadd.f32 v19, v49  }
0xe8: {  	(erf) = vrcp.f32 v51;
	v61 =	vld [tilespmem:$0x5678];
	v54, _, _ =	vpop (xrf0);
	v22 =	vmul.f32 v63, v18;
	v21 =	vadd.f32 v23, v21  }
0xe9: {  	v27 =	vld [tilespmem:$0x57B8];
	v30 =	vmul.f32 v30, v11;
	v26 =	vadd.f32 v19, v52;
	v19 =	vbroadcast v54, $0xF  }
0xea: {  	v48 =	vld [tilespmem:$0x54C8];
	v57, _, _ =	vpop (xrf0);
	v58 =	vmul.f32 v40, v11;
	v21 =	vadd.f32 v22, v21  }
0xeb: {  	v25 =	vld [tilespmem:$0x5538];
	v20 =	vbroadcast v57, $0xF;
	v26 =	vadd.f32 v26, v30;
	v60 =	vmul.f32 v31, v19  }
0xec: {  	v63 =	vld [tilespmem:$0x56B8];
	v62, _, _ =	vpop (xrf0);
	v22 =	vadd.f32 v58, v21;
	v24 =	vmul.f32 v41, v19  }
0xed: {  	v42 =	vld [tilespmem:$0x5978];
	v44 =	vmul.f32 v32, v20;
	v21 =	vbroadcast v62, $0xF;
	v26 =	vadd.f32 v26, v60  }
0xee: {  	v40 =	vld [tilespmem:$0x5878];
	v45 =	vmul.f32 v46, v20;
	v22 =	vadd.f32 v24, v22  }
0xef: {  	v49 =	vld [tilespmem:$0x5508];
	v46 =	vmul.f32 v33, v21;
	v26 =	vadd.f32 v26, v44  }
0xf0: {  	v32 =	vld [tilespmem:$0x56F8];
	v47 =	vmul.f32 v43, v21;
	v22 =	vadd.f32 v45, v22  }
0xf1: {  	v30 =	vld [tilespmem:$0x57F8];
	v26 =	vadd.f32 v26, v46  }
0xf2: {  	v37 =	vpop (erf);
	v41 =	vld [tilespmem:$0x58B8];
	v22 =	vadd.f32 v47, v22  }
0xf3: {  	v33 =	vld [tilespmem:$0x5778];
	v26 =	vmul.f32 v26, v37  }
0xf4: {  	v24 =	vld [tilespmem:$0x5838];
	v22 =	vmul.f32 v22, v37  }
0xf5: {  	[tilespmem:$0x6CD8] =	vst v26;
	v26 =	vld [tilespmem:$0x58F8]  }
0xf6: {  	[tilespmem:$0x6CE8] =	vst v22;
	v22 =	vld [tilespmem:$0x5938]  }
0xf7: {  	v34 =	vmul.f32 v34, v1;
	v45 =	vld [tilespmem:$0x5548]  }
0xf8: {  	v1 =	vmul.f32 v48, v1  }
0xf9: {  	v34 =	vadd.f32 $0.0e+00, v34;
	v28 =	vmul.f32 v50, v2;
	v50 =	vld [tilespmem:$0x5588]  }
0xfa: {  	v1 =	vadd.f32 $0.0e+00, v1;
	v2 =	vmul.f32 v49, v2  }
0xfb: {  	v28 =	vadd.f32 v28, v34;
	v25 =	vmul.f32 v25, v3;
	v51 =	vld [tilespmem:$0x55C8]  }
0xfc: {  	v1 =	vadd.f32 v2, v1;
	v2 =	vmul.f32 v45, v3  }
0xfd: {  	v52 =	vmul.f32 v53, v4;
	v53 =	vld [tilespmem:$0x5608];
	v3 =	vadd.f32 v25, v28  }
0xfe: {  	v1 =	vadd.f32 v2, v1;
	v2 =	vmul.f32 v50, v4  }
0xff: {  	v54 =	vmul.f32 v55, v5;
	v55 =	vld [tilespmem:$0x5648];
	v3 =	vadd.f32 v52, v3  }
0x100: {  	v1 =	vadd.f32 v2, v1;
	v2 =	vmul.f32 v51, v5  }
0x101: {  	v56 =	vmul.f32 v56, v6;
	v57 =	vld [tilespmem:$0x5688];
	v3 =	vadd.f32 v54, v3  }
0x102: {  	v1 =	vadd.f32 v2, v1;
	v2 =	vmul.f32 v53, v6  }
0x103: {  	v58 =	vmul.f32 v59, v7;
	v59 =	vld [tilespmem:$0x56C8];
	v3 =	vadd.f32 v56, v3  }
0x104: {  	v1 =	vadd.f32 v2, v1;
	v2 =	vmul.f32 v55, v7  }
0x105: {  	v60 =	vmul.f32 v61, v8;
	v61 =	vld [tilespmem:$0x5708];
	v3 =	vadd.f32 v58, v3  }
0x106: {  	v1 =	vadd.f32 v2, v1;
	v2 =	vmul.f32 v57, v8  }
0x107: {  	v62 =	vmul.f32 v63, v9;
	v63 =	vld [tilespmem:$0x5748];
	v3 =	vadd.f32 v60, v3  }
0x108: {  	v1 =	vadd.f32 v2, v1;
	v2 =	vmul.f32 v59, v9  }
0x109: {  	v23 =	vmul.f32 v32, v10;
	v25 =	vld [tilespmem:$0x5788];
	v3 =	vadd.f32 v62, v3  }
0x10a: {  	v1 =	vadd.f32 v2, v1;
	v2 =	vmul.f32 v61, v10  }
0x10b: {  	v29 =	vld [tilespmem:$0x57C8];
	v28 =	vmul.f32 v36, v12;
	v3 =	vadd.f32 v23, v3  }
0x10c: {  	v1 =	vadd.f32 v2, v1;
	v2 =	vmul.f32 v63, v12  }
0x10d: {  	v31 =	vmul.f32 v33, v13;
	v32 =	vld [tilespmem:$0x5808];
	v3 =	vadd.f32 v28, v3  }
0x10e: {  	v1 =	vadd.f32 v2, v1;
	v2 =	vmul.f32 v25, v13  }
0x10f: {  	v33 =	vmul.f32 v27, v14;
	v34 =	vld [tilespmem:$0x5848];
	v3 =	vadd.f32 v31, v3  }
0x110: {  	v1 =	vadd.f32 v2, v1;
	v2 =	vmul.f32 v29, v14  }
0x111: {  	v35 =	vmul.f32 v30, v15;
	v36 =	vld [tilespmem:$0x5888];
	v3 =	vadd.f32 v33, v3  }
0x112: {  	v1 =	vadd.f32 v2, v1;
	v2 =	vmul.f32 v32, v15  }
0x113: {  	v38 =	vmul.f32 v24, v16;
	v39 =	vld [tilespmem:$0x58C8];
	v3 =	vadd.f32 v35, v3  }
0x114: {  	v1 =	vadd.f32 v2, v1;
	v2 =	vmul.f32 v34, v16  }
0x115: {  	v40 =	vmul.f32 v40, v17;
	v43 =	vld [tilespmem:$0x5908];
	v3 =	vadd.f32 v38, v3  }
0x116: {  	v1 =	vadd.f32 v2, v1;
	v2 =	vmul.f32 v36, v17  }
0x117: {  	v44 =	vmul.f32 v41, v18;
	v45 =	vld [tilespmem:$0x5948];
	v3 =	vadd.f32 v40, v3  }
0x118: {  	v46 =	vld [tilespmem:$0x59B8];
	v1 =	vadd.f32 v2, v1;
	v2 =	vmul.f32 v39, v18  }
0x119: {  	v48 =	vld [tilespmem:$0x5988];
	v47 =	vmul.f32 v26, v11;
	v3 =	vadd.f32 v44, v3  }
0x11a: {  	v49 =	vld [tilespmem:$0x59C8];
	v1 =	vadd.f32 v2, v1;
	v2 =	vmul.f32 v43, v11  }
0x11b: {  	v50 =	vmul.f32 v22, v19;
	v51 =	vld [tilespmem:$0x4E50];
	v3 =	vadd.f32 v47, v3  }
0x11c: {  	v1 =	vadd.f32 v2, v1;
	v2 =	vmul.f32 v45, v19  }
0x11d: {  	v52 =	vmul.f32 v42, v20;
	v3 =	vadd.f32 v50, v3  }
0x11e: {  	v53 =	vld [tilespmem:$0x4E58];
	v1 =	vadd.f32 v2, v1;
	v2 =	vmul.f32 v48, v20  }
0x11f: {  	v54 =	vmul.f32 v46, v21;
	v3 =	vadd.f32 v52, v3  }
0x120: {  	v55 =	vsub.s32 v51, v0;
	v1 =	vadd.f32 v2, v1;
	v2 =	vmul.f32 v49, v21  }
0x121: {  	v56 =	vand.u32 $0xFFFFFFF8, v55;
	v57 =	vand.u32 $0x7, v51;
	v3 =	vadd.f32 v54, v3  }
0x122: {  	s25 =	sadd.s32 $0x2, s18;
	v1 =	vadd.f32 v2, v1;
	v2 =	vor.u32 v57, v56  }
0x123: {  	v58 =	vsub.s32 v53, v0;
	v59 =	vmov s25;
	v3 =	vmul.f32 v3, v37  }
0x124: {  	v60 =	vand.u32 $0x7, v53;
	v4 =	vand.u32 $0xFFFFFFF8, v58;
	v1 =	vmul.f32 v1, v37  }
0x125: {  	[tilespmem:$0x6CF8] =	vst v3;
	v3 =	vor.u32 v60, v4  }
0x126: {  	[tilespmem:$0x6D08] =	vst v1  }
0x127: {  	v1 =	vld.idx.msk [tilespmem:v2+s10+$0x0], $0xffff  }
0x128: {  	v2 =	vld.idx.msk [tilespmem:v59+s2+$0x0], $0xffff;
	_ =	sdelay $0x1  }
0x129: {  	v3 =	vld.idx.msk [tilespmem:v3+s10+$0x0], $0xffff;
	_ =	sdelay $0x2  }
0x12a: {  	v1 =	vadd.f32 v2, v1;
	_ =	sdelay $0x1  }
0x12b: {  	v2 =	vadd.f32 v2, v3;
	v3 =	vmul.f32 $2.000000030e-01, v1  }
0x12c: {  	s26 =	sadd.s32 $0x2, s17;
	vm3 =	vgt.f32 v1, $0.0e+00  }
0x12d: {  	v1 =	vsel vm3, v1, v3;
	v3 =	vmul.f32 $2.000000030e-01, v2;
	vm3 =	vne.s32 v53, s26  }
0x12e: {  	vm5 =	veq.s32 v51, s26;
	vm4 =	vgt.f32 v2, $0.0e+00;
	vm3 =	vmand vm3, vm8  }
0x12f: {  	v1 =	vsel vm5, $0xF149F2CA, v1;
	v2 =	vsel vm4, v2, v3;
	vm3 =	vmor vm3, vm7  }
0x130: {  	(xrf0) =	vmax.scan.msk.f32 $0xffff, v1;
	v2 =	vnsel vm3, $0xF149F2CA, v2  }
0x131: {  	(xrf0) =	vmax.scan.msk.f32 $0xffff, v2;
	_ =	sdelay $0x4  }
0x132: {  	v3, _, _ =	vpop (xrf0)  }
0x133: {  	(v2sf) =	vpush v3, $0xF;
	v3, _, _ =	vpop (xrf0)  }
0x134: {  	(v2sf) =	vpush v3, $0xF;
	_ =	sdelay $0xd  }
0x135: {  	s28 =	spop (v2sf)  }
0x136: {  	s29 =	spop (v2sf)  }
0x137: {  	s19 =	smax.f32 s28, s29  }
0x138: {  	v3 =	vmov s19  }
0x139: {  	v1 =	vsub.f32 v1, v3;
	_ =	sdelay $0x1  }
0x13a: {  	v1 =	vmul.f32 $1.442695020e+00, v1;
	_ =	sdelay $0x1  }
0x13b: {  	(erf) = vpow2.f32 v1;
	_ =	sdelay $0x1  }
0x13c: {  	v27 =	vld [tilespmem:$0x5ED8]  }
0x13d: {  	v30 =	vld [tilespmem:$0x5DE8]  }
0x13e: {  	v26 =	vld [tilespmem:$0x5B28]  }
0x13f: {  	v51 =	vld [tilespmem:$0x5AA8]  }
0x140: {  	v61 =	vld [tilespmem:$0x5B18]  }
0x141: {  	v23 =	vld [tilespmem:$0x5DD8];
	v1 =	vsub.f32 v2, v3  }
0x142: {  	v63 =	vld [tilespmem:$0x5B58]  }
0x143: {  	v28 =	vld [tilespmem:$0x5E68];
	v1 =	vmul.f32 $1.442695020e+00, v1;
	v5 =	vpop (erf)  }
0x144: {  	v25 =	vld [tilespmem:$0x5E18];
	vm3 =	vcmask $0x308;
	v62 =	vnsel vm10, $0x0, v5  }
0x145: {  	v31 =	vld [tilespmem:$0x5E58];
	(erf) = vpow2.f32 v1;
	v1 =	vsel vm3, $0x0, v5;
	(xrf0) =	vmax.scan.msk.f32 $0xffff, v62  }
0x146: {  	v33 =	vld [tilespmem:$0x5B68];
	(xrf0) =	vmax.scan.msk.f32 $0xffff, v1  }
0x147: {  	v29 =	vld [tilespmem:$0x5E28];
	vm3 =	vcmask $0x70C  }
0x148: {  	v32 =	vld [tilespmem:$0x5E98];
	v1 =	vsel vm3, $0x0, v5  }
0x149: {  	v38 =	vld [tilespmem:$0x5C18];
	(xrf0) =	vmax.scan.msk.f32 $0xffff, v1  }
0x14a: {  	v2 =	vld [tilespmem:$0x5A98];
	v1 =	vsel vm15, $0x0, v5  }
0x14b: {  	v16 =	vld [tilespmem:$0x5CD8];
	v6, _, _ =	vpop (xrf0);
	(xrf0) =	vmax.scan.msk.f32 $0xffff, v1;
	v1 =	vsel vm9, $0x0, v5  }
0x14c: {  	v3 =	vld [tilespmem:$0x5AD8];
	v44, _, _ =	vpop (xrf0);
	(xrf0) =	vmax.scan.msk.f32 $0xffff, v1  }
0x14d: {  	v34 =	vld [tilespmem:$0x5BA8];
	v24 =	vbroadcast v6, $0xF  }
0x14e: {  	v36 =	vld [tilespmem:$0x5B98];
	(xrf2) =	vadd.scan.msk.f32 $0xffff, v5;
	v6 =	vpop (erf);
	v1 =	vsel vm6, $0x0, v5  }
0x14f: {  	v40 =	vld [tilespmem:$0x5C98];
	v21 =	vbroadcast v44, $0xF;
	v45, _, _ =	vpop (xrf0);
	(xrf0) =	vmax.scan.msk.f32 $0xffff, v1;
	v2 =	vmul.f32 v24, v2  }
0x150: {  	v17 =	vld [tilespmem:$0x5D18];
	v1 =	vsel vm2, $0x0, v5;
	(xrf2) =	vadd.scan.msk.f32 $0xffff, v6;
	v12 =	vbroadcast v45, $0xF  }
0x151: {  	v39 =	vld [tilespmem:$0x5C58];
	v3 =	vmul.f32 v21, v3;
	v2 =	vadd.f32 $0.0e+00, v2;
	v46, _, _ =	vpop (xrf0);
	(xrf0) =	vmax.scan.msk.f32 $0xffff, v1;
	v1 =	vsel vm11, $0x0, v5  }
0x152: {  	v18 =	vld [tilespmem:$0x5D58];
	v47, _, _ =	vpop (xrf0);
	(xrf0) =	vmax.scan.msk.f32 $0xffff, v1  }
0x153: {  	v19 =	vld [tilespmem:$0x5D98];
	v2 =	vadd.f32 v2, v3;
	v3 =	vmul.f32 v12, v61;
	v11 =	vbroadcast v46, $0xF  }
0x154: {  	v37 =	vld [tilespmem:$0x5BD8];
	v49 =	vsel vm13, $0x0, v5;
	v1 =	vsel vm12, $0x0, v5  }
0x155: {  	v54 =	vld [tilespmem:$0x5AE8];
	v9 =	vbroadcast v47, $0xF;
	v48, _, _ =	vpop (xrf0);
	(xrf0) =	vmax.scan.msk.f32 $0xffff, v1;
	v3 =	vadd.f32 v2, v3;
	v7 =	vmul.f32 v11, v63  }
0x156: {  	v4 =	vld [tilespmem:$0x5F18];
	v53 =	vsel vm14, $0x0, v5;
	v58 =	vsel vm1, $0x0, v5;
	vm3 =	vcmask $0x3338  }
0x157: {  	v1 =	vld [tilespmem:$0x5F98];
	v8 =	vbroadcast v48, $0xF;
	v50 =	vmul.f32 v9, v36;
	v3 =	vadd.f32 v3, v7;
	v52, _, _ =	vpop (xrf0);
	(xrf0) =	vmax.scan.msk.f32 $0xffff, v49  }
0x158: {  	v62 =	vsel vm0, $0x0, v5;
	v43 =	vsel vm3, $0x0, v5;
	vm3 =	vcmask $0x373C;
	v2 =	vld [tilespmem:$0x5F58];
	v57, _, _ =	vpop (xrf0);
	(xrf0) =	vmax.scan.msk.f32 $0xffff, v53  }
0x159: {  	v55, _, _ =	vpop (xrf2);
	v63 =	vld [tilespmem:$0x5BE8];
	v56 =	vmul.f32 v8, v37;
	v3 =	vadd.f32 v3, v50;
	v10 =	vbroadcast v52, $0xF  }
0x15a: {  	v20 =	vmul.f32 v51, v24;
	(v2sf) =	vpush v55, $0xF;
	v46 =	vsel vm3, $0x0, v5;
	v36 =	vld [tilespmem:$0x5C28];
	v59, _, _ =	vpop (xrf2)  }
0x15b: {  	v49 =	vld [tilespmem:$0x1FFF0];
	v13 =	vbroadcast v57, $0xF;
	v61, _, _ =	vpop (xrf0);
	(xrf0) =	vmax.scan.msk.f32 $0xffff, v58;
	v3 =	vadd.f32 v3, v56;
	v60 =	vmul.f32 v10, v38  }
0x15c: {  	v33 =	vmul.f32 v33, v11;
	v34 =	vmul.f32 v34, v9;
	v37 =	vld [tilespmem:$0x5C68];
	(v2sf) =	vpush v59, $0xF  }
0x15d: {  	v14 =	vbroadcast v61, $0xF;
	v38 =	vld [tilespmem:$0x5CA8];
	v41 =	vmul.f32 v13, v39;
	v3 =	vadd.f32 v3, v60;
	v42, _, _ =	vpop (xrf0);
	(xrf0) =	vmax.scan.msk.f32 $0xffff, v62  }
0x15e: {  	v52 =	vadd.f32 $0.0e+00, v20;
	v53 =	vmul.f32 v54, v21;
	v57 =	vmul.f32 v26, v12;
	v39 =	vld [tilespmem:$0x5CE8];
	v45, _, _ =	vpop (xrf0);
	(xrf0) =	vmax.scan.msk.f32 $0xffff, v43  }
0x15f: {  	v44 =	vmul.f32 v14, v40;
	v40 =	vld [tilespmem:$0x5D28];
	v3 =	vadd.f32 v3, v41;
	v15 =	vbroadcast v42, $0xF  }
0x160: {  	v7 =	vld [tilespmem:$0x5F28];
	v63 =	vmul.f32 v63, v8;
	v56 =	vsel vm12, $0x0, v6;
	vm3 =	vnez.u8 v49  }
0x161: {  	v20 =	vld [tilespmem:$0x5EE8];
	v48, _, _ =	vpop (xrf0);
	(xrf0) =	vmax.scan.msk.f32 $0xffff, v46;
	v3 =	vadd.f32 v3, v44;
	v47 =	vmul.f32 v15, v16;
	v16 =	vbroadcast v45, $0xF  }
0x162: {  	v26 =	vld [tilespmem:$0x5EA8];
	v5 =	vsel vm3, $0x0, v5;
	v62 =	vsel vm13, $0x0, v6;
	v38 =	vmul.f32 v38, v14  }
0x163: {  	v41 =	vld [tilespmem:$0x5D68];
	v3 =	vadd.f32 v3, v47;
	v50 =	vmul.f32 v16, v17;
	v17 =	vbroadcast v48, $0xF;
	v51, _, _ =	vpop (xrf0);
	(xrf0) =	vmax.scan.msk.f32 $0xffff, v5  }
0x164: {  	v39 =	vmul.f32 v39, v15;
	v48 =	vld [tilespmem:$0x5AB8];
	v40 =	vmul.f32 v40, v16;
	v5 =	vadd.f32 v53, v52;
	v55, _, _ =	vpop (xrf0);
	(xrf0) =	vmax.scan.msk.f32 $0xffff, v56  }
0x165: {  	v42 =	vld [tilespmem:$0x5DA8];
	v3 =	vadd.f32 v3, v50;
	v54 =	vmul.f32 v17, v18;
	v18 =	vbroadcast v51, $0xF  }
0x166: {  	v52 =	vmul.f32 v36, v10;
	v53 =	vld [tilespmem:$0x5AF8];
	v22 =	vbroadcast v55, $0xF;
	v5 =	vadd.f32 v57, v5  }
0x167: {  	v51 =	vld [tilespmem:$0x5AC8];
	v59, _, _ =	vpop (xrf0);
	v55 =	vmul.f32 v37, v13;
	v3 =	vadd.f32 v3, v54;
	v58 =	vmul.f32 v18, v19  }
0x168: {  	v56 =	vld [tilespmem:$0x5B38];
	v57 =	vsel vm14, $0x0, v6;
	v19 =	vbroadcast v59, $0xF;
	v33 =	vadd.f32 v33, v5  }
0x169: {  	v54 =	vld [tilespmem:$0x5B08];
	v23 =	vmul.f32 v22, v23;
	v35 =	vmul.f32 v48, v24;
	v3 =	vadd.f32 v3, v58;
	v60, _, _ =	vpop (xrf0)  }
0x16a: {  	v46 =	vld [tilespmem:$0x5B88];
	v48 =	vsel vm1, $0x0, v6;
	v6 =	vsel vm0, $0x0, v6;
	v33 =	vadd.f32 v34, v33;
	v49, _, _ =	vpop (xrf0);
	(xrf0) =	vmax.scan.msk.f32 $0xffff, v62  }
0x16b: {  	v44 =	vld [tilespmem:$0x5E78];
	v30 =	vmul.f32 v30, v22;
	v25 =	vmul.f32 v19, v25;
	v61 =	vadd.f32 v3, v23  }
0x16c: {  	v47 =	vld [tilespmem:$0x5CC8];
	v36 =	vmul.f32 v53, v21;
	v35 =	vadd.f32 $0.0e+00, v35;
	v33 =	vadd.f32 v63, v33  }
0x16d: {  	v37 =	vmul.f32 v56, v12;
	v23 =	vbroadcast v60, $0xF;
	v50 =	vadd.f32 v61, v25;
	v61 =	vld [tilespmem:$0x5B48]  }
0x16e: {  	s30 =	spop (v2sf);
	v58 =	vld [tilespmem:$0x5B78];
	v60 =	vmul.f32 v51, v24;
	v21 =	vmul.f32 v54, v21;
	v33 =	vadd.f32 v52, v33  }
0x16f: {  	v5 =	vld [tilespmem:$0x5F68];
	s31 =	spop (v2sf);
	v35 =	vadd.f32 v36, v35;
	v31 =	vmul.f32 v23, v31;
	v25 =	vbroadcast v49, $0xF  }
0x170: {  	s19 =	sadd.f32 s31, s30;
	v63 =	vld [tilespmem:$0x5BB8];
	v36 =	vmul.f32 v29, v19;
	v59 =	vadd.f32 v55, v33;
	v33 =	vadd.f32 $0.0e+00, v60;
	v62, _, _ =	vpop (xrf0)  }
0x171: {  	v31 =	vadd.f32 v50, v31;
	v32 =	vmul.f32 v32, v25;
	v50 =	vld [tilespmem:$0x5BC8];
	v24 =	vbroadcast v62, $0xF  }
0x172: {  	s19 =	sadd.f32 $1.000000020e-16, s19;
	v49 =	vld [tilespmem:$0x5BF8];
	v52 =	vadd.f32 v37, v35;
	v21 =	vadd.f32 v21, v33;
	v12 =	vmul.f32 v61, v12  }
0x173: {  	v54 =	vld [tilespmem:$0x5C08];
	v53 =	vmul.f32 v58, v11;
	v31 =	vadd.f32 v31, v32;
	v27 =	vmul.f32 v27, v24  }
0x174: {  	v51 =	vld [tilespmem:$0x5C38];
	v45 =	vmov s19;
	v11 =	vmul.f32 v46, v11;
	v12 =	vadd.f32 v12, v21  }
0x175: {  	(xrf0) =	vmax.scan.msk.f32 $0xffff, v57;
	v58 =	vld [tilespmem:$0x5C48];
	v57 =	vmul.f32 v63, v9;
	v27 =	vadd.f32 v31, v27;
	v31 =	vadd.f32 v53, v52  }
0x176: {  	v55 =	vld [tilespmem:$0x5C78];
	v32 =	vadd.f32 v38, v59;
	v9 =	vmul.f32 v50, v9;
	v11 =	vadd.f32 v11, v12  }
0x177: {  	v43 =	vmul.f32 v28, v23;
	v61 =	vmul.f32 v49, v8;
	v62 =	vld [tilespmem:$0x5C88];
	v31 =	vadd.f32 v57, v31  }
0x178: {  	v59 =	vld [tilespmem:$0x5CB8];
	v8 =	vmul.f32 v54, v8;
	v32 =	vadd.f32 v39, v32;
	v9 =	vadd.f32 v9, v11  }
0x179: {  	v46 =	vmul.f32 v51, v10;
	(xrf0) =	vmax.scan.msk.f32 $0xffff, v48;
	v63 =	vmul.f32 v41, v17;
	v48 =	vld [tilespmem:$0x5D38];
	v41 =	vadd.f32 v61, v31  }
0x17a: {  	v49 =	vmul.f32 v58, v10;
	v60 =	vadd.f32 v40, v32;
	v40 =	vld [tilespmem:$0x5CF8];
	v8 =	vadd.f32 v8, v9  }
0x17b: {  	(erf) = vrcp.f32 v45;
	v56, _, _ =	vpop (xrf0);
	v51 =	vmul.f32 v55, v13;
	v52 =	vld [tilespmem:$0x5D08];
	v11 =	vadd.f32 v46, v41  }
0x17c: {  	v58 =	vld [tilespmem:$0x5DB8];
	v21 =	vbroadcast v56, $0xF;
	v54 =	vmul.f32 v62, v13;
	v8 =	vadd.f32 v49, v8  }
0x17d: {  	v50 =	vmul.f32 v42, v18;
	v56 =	vld [tilespmem:$0x5D48];
	v55 =	vmul.f32 v59, v14;
	v11 =	vadd.f32 v51, v11  }
0x17e: {  	v20 =	vmul.f32 v20, v24;
	v53 =	vld [tilespmem:$0x5D78];
	v59 =	vmul.f32 v47, v14;
	v8 =	vadd.f32 v54, v8  }
0x17f: {  	v12 =	vadd.f32 v63, v60;
	v61 =	vld [tilespmem:$0x5D88];
	v60 =	vmul.f32 v40, v15;
	v11 =	vadd.f32 v55, v11  }
0x180: {  	v39 =	vld [tilespmem:$0x5E38];
	v4 =	vmul.f32 v4, v21;
	v63 =	vmul.f32 v52, v15;
	v8 =	vadd.f32 v59, v8  }
0x181: {  	v38 =	vld [tilespmem:$0x5DC8];
	v37 =	vmul.f32 v48, v16;
	v7 =	vmul.f32 v7, v21;
	v11 =	vadd.f32 v60, v11  }
0x182: {  	v62 =	vld [tilespmem:$0x5DF8];
	v4 =	vadd.f32 v27, v4;
	v57, _, _ =	vpop (xrf0);
	v40 =	vmul.f32 v56, v16;
	v8 =	vadd.f32 v63, v8  }
0x183: {  	v42 =	vld [tilespmem:$0x5E08];
	v14 =	vbroadcast v57, $0xF;
	v41 =	vmul.f32 v53, v17;
	v11 =	vadd.f32 v37, v11  }
0x184: {  	v29 =	vld [tilespmem:$0x5F48];
	v48 =	vmul.f32 v58, v18;
	v46 =	vmul.f32 v61, v17;
	v8 =	vadd.f32 v40, v8  }
0x185: {  	v57 =	vmul.f32 v39, v19;
	v2 =	vmul.f32 v2, v14;
	v49 =	vld [tilespmem:$0x5E48];
	v47 =	vadd.f32 v41, v11  }
0x186: {  	v3 =	vld [tilespmem:$0x5FA8];
	(xrf0) =	vmax.scan.msk.f32 $0xffff, v6;
	v10 =	vadd.f32 v50, v12;
	v51 =	vmul.f32 v38, v18;
	v8 =	vadd.f32 v46, v8  }
0x187: {  	v53 =	vmul.f32 v62, v22;
	v2 =	vadd.f32 v4, v2;
	v54 =	vld [tilespmem:$0x5E88];
	v4 =	vadd.f32 v48, v47  }
0x188: {  	v50 =	vld [tilespmem:$0x5EB8];
	v56 =	vmul.f32 v42, v22;
	v10 =	vadd.f32 v30, v10;
	v8 =	vadd.f32 v51, v8  }
0x189: {  	v58 =	vld [tilespmem:$0x5EC8];
	v39 =	vmul.f32 v29, v21;
	v52 =	vmul.f32 v26, v25;
	v4 =	vadd.f32 v53, v4  }
0x18a: {  	v10 =	vadd.f32 v36, v10;
	v55 =	vld [tilespmem:$0x5EF8];
	v61 =	vmul.f32 v49, v19;
	v8 =	vadd.f32 v56, v8  }
0x18b: {  	v26 =	vld [tilespmem:$0x5F08];
	v5 =	vmul.f32 v5, v14;
	v63 =	vmul.f32 v44, v23;
	v4 =	vadd.f32 v57, v4  }
0x18c: {  	v6 =	vadd.f32 v43, v10;
	v59, _, _ =	vpop (xrf0);
	v60 =	vld [tilespmem:$0x5F38];
	v28 =	vmul.f32 v54, v23;
	v8 =	vadd.f32 v61, v8  }
0x18d: {  	v33 =	vld [tilespmem:$0x5F88];
	v10 =	vmul.f32 v50, v25;
	v62 =	vbroadcast v59, $0xF;
	v4 =	vadd.f32 v63, v4  }
0x18e: {  	v27 =	vld [tilespmem:$0x5F78];
	v31 =	vmul.f32 v58, v25;
	v6 =	vadd.f32 v52, v6;
	v8 =	vadd.f32 v28, v8  }
0x18f: {  	v30 =	vld [tilespmem:$0x5FB8];
	v1 =	vmul.f32 v1, v62;
	v32 =	vmul.f32 v55, v24;
	v4 =	vadd.f32 v10, v4  }
0x190: {  	v35 =	vld [tilespmem:$0x5FC8];
	v34 =	vmul.f32 v26, v24;
	v6 =	vadd.f32 v20, v6;
	v8 =	vadd.f32 v31, v8  }
0x191: {  	v37 =	vld [tilespmem:$0x4E68];
	v1 =	vadd.f32 v2, v1;
	v36 =	vmul.f32 v60, v21;
	v2 =	vadd.f32 v32, v4  }
0x192: {  	v42 =	vmul.f32 v33, v14;
	v6 =	vadd.f32 v7, v6;
	v38 =	vadd.f32 v34, v8  }
0x193: {  	v3 =	vmul.f32 v3, v62;
	v41 =	vmul.f32 v27, v14;
	v2 =	vadd.f32 v36, v2  }
0x194: {  	v43 =	vld [tilespmem:$0x4E70];
	v44 =	vmul.f32 v30, v62;
	v40 =	vpop (erf);
	v5 =	vadd.f32 v5, v6;
	v6 =	vadd.f32 v39, v38  }
0x195: {  	v46 =	vmul.f32 v35, v62;
	v1 =	vmul.f32 v1, v40;
	v2 =	vadd.f32 v41, v2  }
0x196: {  	v47 =	vsub.s32 v37, v0;
	v3 =	vadd.f32 v3, v5;
	v45 =	vadd.f32 v42, v6  }
0x197: {  	v49 =	vand.u32 $0x7, v37;
	v48 =	vand.u32 $0xFFFFFFF8, v47;
	v2 =	vadd.f32 v44, v2  }
0x198: {  	s20 =	sadd.s32 $0x3, s18;
	v3 =	vmul.f32 v3, v40;
	v4 =	vor.u32 v49, v48;
	v5 =	vadd.f32 v46, v45  }
0x199: {  	v50 =	vmov s20;
	[tilespmem:$0x6D18] =	vst v1;
	v1 =	vmul.f32 v2, v40;
	v2 =	vsub.s32 v43, v0  }
0x19a: {  	v51 =	vand.u32 $0x7, v43;
	[tilespmem:$0x6D28] =	vst v3;
	v3 =	vmul.f32 v5, v40;
	v2 =	vand.u32 $0xFFFFFFF8, v2  }
0x19b: {  	[tilespmem:$0x6D38] =	vst v1;
	v1 =	vor.u32 v51, v2  }
0x19c: {  	[tilespmem:$0x6D48] =	vst v3  }
0x19d: {  	v2 =	vld.idx.msk [tilespmem:v4+s10+$0x0], $0xffff  }
0x19e: {  	v3 =	vld.idx.msk [tilespmem:v50+s2+$0x0], $0xffff;
	_ =	sdelay $0x1  }
0x19f: {  	v1 =	vld.idx.msk [tilespmem:v1+s10+$0x0], $0xffff;
	_ =	sdelay $0x2  }
0x1a0: {  	v2 =	vadd.f32 v3, v2;
	_ =	sdelay $0x1  }
0x1a1: {  	v1 =	vadd.f32 v3, v1;
	v3 =	vmul.f32 $2.000000030e-01, v2  }
0x1a2: {  	s21 =	sadd.s32 $0x3, s17;
	vm3 =	vgt.f32 v2, $0.0e+00  }
0x1a3: {  	v2 =	vsel vm3, v2, v3;
	v3 =	vmul.f32 $2.000000030e-01, v1;
	vm3 =	vne.s32 v43, s21  }
0x1a4: {  	vm5 =	veq.s32 v37, s21;
	vm4 =	vgt.f32 v1, $0.0e+00;
	vm3 =	vmand vm3, vm8  }
0x1a5: {  	v2 =	vsel vm5, $0xF149F2CA, v2;
	v1 =	vsel vm4, v1, v3;
	vm3 =	vmor vm3, vm7  }
0x1a6: {  	(xrf0) =	vmax.scan.msk.f32 $0xffff, v2;
	v1 =	vnsel vm3, $0xF149F2CA, v1  }
0x1a7: {  	(xrf0) =	vmax.scan.msk.f32 $0xffff, v1;
	_ =	sdelay $0x4  }
0x1a8: {  	v3, _, _ =	vpop (xrf0)  }
0x1a9: {  	(v2sf) =	vpush v3, $0xF;
	v3, _, _ =	vpop (xrf0)  }
0x1aa: {  	(v2sf) =	vpush v3, $0xF;
	_ =	sdelay $0xd  }
0x1ab: {  	s22 =	spop (v2sf)  }
0x1ac: {  	s23 =	spop (v2sf)  }
0x1ad: {  	s19 =	smax.f32 s22, s23  }
0x1ae: {  	v3 =	vmov s19  }
0x1af: {  	v2 =	vsub.f32 v2, v3;
	_ =	sdelay $0x1  }
0x1b0: {  	v2 =	vmul.f32 $1.442695020e+00, v2;
	_ =	sdelay $0x1  }
0x1b1: {  	(erf) = vpow2.f32 v2;
	_ =	sdelay $0x2  }
0x1b2: {  	v29 =	vld [tilespmem:$0x6428]  }
0x1b3: {  	v16 =	vld [tilespmem:$0x6318]  }
0x1b4: {  	v33 =	vld [tilespmem:$0x6168]  }
0x1b5: {  	v22 =	vld [tilespmem:$0x6458]  }
0x1b6: {  	v17 =	vld [tilespmem:$0x6358]  }
0x1b7: {  	v26 =	vld [tilespmem:$0x6498]  }
0x1b8: {  	v59 =	vld [tilespmem:$0x6218];
	v5 =	vpop (erf)  }
0x1b9: {  	v19 =	vld [tilespmem:$0x6398];
	v53 =	vnsel vm10, $0x0, v5  }
0x1ba: {  	v52 =	vld [tilespmem:$0x60D8];
	vm3 =	vcmask $0x308;
	v1 =	vsub.f32 v1, v3;
	(xrf0) =	vmax.scan.msk.f32 $0xffff, v53  }
0x1bb: {  	v54 =	vld [tilespmem:$0x6118];
	v56 =	vsel vm3, $0x0, v5;
	vm3 =	vcmask $0x70C  }
0x1bc: {  	v30 =	vld [tilespmem:$0x64D8];
	v1 =	vmul.f32 $1.442695020e+00, v1;
	v58 =	vsel vm3, $0x0, v5;
	(xrf0) =	vmax.scan.msk.f32 $0xffff, v56  }
0x1bd: {  	v20 =	vld [tilespmem:$0x63D8];
	(xrf0) =	vmax.scan.msk.f32 $0xffff, v58  }
0x1be: {  	v55 =	vld [tilespmem:$0x6158]  }
0x1bf: {  	v2 =	vld [tilespmem:$0x6098];
	v61 =	vsel vm15, $0x0, v5  }
0x1c0: {  	v62 =	vld [tilespmem:$0x6298];
	(erf) = vpow2.f32 v1;
	v1, _, _ =	vpop (xrf0);
	(xrf0) =	vmax.scan.msk.f32 $0xffff, v61  }
0x1c1: {  	v27 =	vld [tilespmem:$0x60E8];
	v39 =	vsel vm9, $0x0, v5  }
0x1c2: {  	v35 =	vld [tilespmem:$0x61E8];
	v40 =	vsel vm6, $0x0, v5;
	v23 =	vbroadcast v1, $0xF;
	v1, _, _ =	vpop (xrf0);
	(xrf0) =	vmax.scan.msk.f32 $0xffff, v39  }
0x1c3: {  	v60 =	vld [tilespmem:$0x6258];
	v18 =	vbroadcast v1, $0xF;
	v1, _, _ =	vpop (xrf0);
	(xrf0) =	vmax.scan.msk.f32 $0xffff, v40  }
0x1c4: {  	v21 =	vld [tilespmem:$0x6418];
	v2 =	vmul.f32 v23, v2  }
0x1c5: {  	v37 =	vld [tilespmem:$0x6268];
	v41 =	vsel vm2, $0x0, v5  }
0x1c6: {  	v57 =	vld [tilespmem:$0x6198];
	v8 =	vbroadcast v1, $0xF;
	v4 =	vmul.f32 v18, v52;
	v2 =	vadd.f32 $0.0e+00, v2;
	v1, _, _ =	vpop (xrf0);
	(xrf0) =	vmax.scan.msk.f32 $0xffff, v41  }
0x1c7: {  	v63 =	vld [tilespmem:$0x62D8];
	v42 =	vsel vm11, $0x0, v5;
	v44 =	vsel vm12, $0x0, v5;
	(xrf2) =	vadd.scan.msk.f32 $0xffff, v5  }
0x1c8: {  	v31 =	vld [tilespmem:$0x63E8];
	v43 =	vmul.f32 v8, v54;
	v2 =	vadd.f32 v2, v4;
	v6 =	vbroadcast v1, $0xF;
	v1, _, _ =	vpop (xrf0);
	(xrf0) =	vmax.scan.msk.f32 $0xffff, v42  }
0x1c9: {  	v3 =	vld [tilespmem:$0x61D8];
	v9 =	vbroadcast v1, $0xF;
	v1, _, _ =	vpop (xrf0);
	(xrf0) =	vmax.scan.msk.f32 $0xffff, v44  }
0x1ca: {  	v51 =	vld [tilespmem:$0x60A8];
	v45 =	vadd.f32 v2, v43;
	v46 =	vmul.f32 v6, v55  }
0x1cb: {  	v32 =	vld [tilespmem:$0x6128];
	v47 =	vsel vm13, $0x0, v5;
	v25 =	vpop (erf)  }
0x1cc: {  	v34 =	vld [tilespmem:$0x61A8];
	v10 =	vbroadcast v1, $0xF;
	v48 =	vmul.f32 v9, v57;
	v11 =	vadd.f32 v45, v46;
	v49, _, _ =	vpop (xrf0);
	(xrf0) =	vmax.scan.msk.f32 $0xffff, v47  }
0x1cd: {  	v36 =	vld [tilespmem:$0x6228];
	v50 =	vsel vm14, $0x0, v5;
	v53 =	vsel vm1, $0x0, v5;
	vm3 =	vcmask $0x3338;
	(xrf2) =	vadd.scan.msk.f32 $0xffff, v25  }
0x1ce: {  	v38 =	vld [tilespmem:$0x62A8];
	v3 =	vmul.f32 v10, v3;
	v24 =	vadd.f32 v11, v48;
	v11 =	vbroadcast v49, $0xF;
	v52, _, _ =	vpop (xrf0);
	(xrf0) =	vmax.scan.msk.f32 $0xffff, v50  }
0x1cf: {  	v56 =	vsel vm0, $0x0, v5;
	v58 =	vsel vm3, $0x0, v5;
	v39 =	vld [tilespmem:$0x62E8];
	v28 =	vmul.f32 v51, v23;
	v55, _, _ =	vpop (xrf0);
	(xrf0) =	vmax.scan.msk.f32 $0xffff, v53  }
0x1d0: {  	v40 =	vld [tilespmem:$0x6328];
	v12 =	vbroadcast v52, $0xF;
	v3 =	vadd.f32 v24, v3;
	v54 =	vmul.f32 v11, v59  }
0x1d1: {  	vm3 =	vcmask $0x373C;
	v27 =	vmul.f32 v27, v18;
	v51 =	vadd.f32 $0.0e+00, v28;
	v45 =	vld [tilespmem:$0x1FFF0]  }
0x1d2: {  	v28 =	vld [tilespmem:$0x6468];
	v7 =	vbroadcast v55, $0xF;
	v13 =	vmul.f32 v12, v60;
	v3 =	vadd.f32 v3, v54;
	v57, _, _ =	vpop (xrf0);
	(xrf0) =	vmax.scan.msk.f32 $0xffff, v56  }
0x1d3: {  	v61 =	vsel vm3, $0x0, v5;
	v32 =	vmul.f32 v32, v8;
	v41 =	vld [tilespmem:$0x6368];
	v33 =	vmul.f32 v33, v6;
	v59, _, _ =	vpop (xrf2)  }
0x1d4: {  	v4 =	vld [tilespmem:$0x6518];
	v14 =	vmul.f32 v7, v62;
	v3 =	vadd.f32 v3, v13;
	v13 =	vbroadcast v57, $0xF;
	v60, _, _ =	vpop (xrf0);
	(xrf0) =	vmax.scan.msk.f32 $0xffff, v58  }
0x1d5: {  	v42 =	vld [tilespmem:$0x63A8];
	v48 =	vsel vm12, $0x0, v25;
	(v2sf) =	vpush v59, $0xF;
	v15 =	vbroadcast v60, $0xF;
	v44, _, _ =	vpop (xrf0);
	(xrf0) =	vmax.scan.msk.f32 $0xffff, v61  }
0x1d6: {  	v2 =	vld [tilespmem:$0x6558];
	vm3 =	vnez.u8 v45;
	v3 =	vadd.f32 v3, v14;
	v63 =	vmul.f32 v13, v63  }
0x1d7: {  	v1 =	vld [tilespmem:$0x6598];
	v62, _, _ =	vpop (xrf2);
	v5 =	vsel vm3, $0x0, v5;
	v46 =	vmul.f32 v15, v16;
	v16 =	vbroadcast v44, $0xF  }
0x1d8: {  	v24 =	vld [tilespmem:$0x64E8];
	v54 =	vsel vm13, $0x0, v25;
	(v2sf) =	vpush v62, $0xF;
	v3 =	vadd.f32 v3, v63;
	v47, _, _ =	vpop (xrf0)  }
0x1d9: {  	v14 =	vld [tilespmem:$0x6528];
	(xrf0) =	vmax.scan.msk.f32 $0xffff, v5;
	v49 =	vmul.f32 v16, v17;
	v5 =	vadd.f32 v27, v51;
	v17 =	vbroadcast v47, $0xF  }
0x1da: {  	v60 =	vmul.f32 v34, v9;
	v39 =	vmul.f32 v39, v13;
	v63 =	vld [tilespmem:$0x60B8];
	v3 =	vadd.f32 v3, v46;
	v50, _, _ =	vpop (xrf0);
	(xrf0) =	vmax.scan.msk.f32 $0xffff, v48  }
0x1db: {  	v53, _, _ =	vpop (xrf0);
	(xrf0) =	vmax.scan.msk.f32 $0xffff, v54;
	v32 =	vadd.f32 v32, v5;
	v54 =	vld [tilespmem:$0x6138];
	v52 =	vmul.f32 v17, v19;
	v19 =	vbroadcast v50, $0xF  }
0x1dc: {  	v45 =	vmul.f32 v41, v16;
	v48 =	vmul.f32 v35, v10;
	v3 =	vadd.f32 v3, v49;
	v49 =	vld [tilespmem:$0x60C8]  }
0x1dd: {  	v50 =	vld [tilespmem:$0x60F8];
	v32 =	vadd.f32 v33, v32;
	v55 =	vmul.f32 v19, v20;
	v20 =	vbroadcast v53, $0xF  }
0x1de: {  	v27 =	vld [tilespmem:$0x64A8];
	v3 =	vadd.f32 v3, v52;
	v52 =	vmul.f32 v36, v11;
	v31 =	vmul.f32 v31, v19  }
0x1df: {  	v53 =	vld [tilespmem:$0x6108];
	v56, _, _ =	vpop (xrf0);
	v32 =	vadd.f32 v60, v32;
	v60 =	vmul.f32 v38, v7;
	v58 =	vmul.f32 v20, v21  }
0x1e0: {  	v57 =	vadd.f32 v3, v55;
	v21 =	vbroadcast v56, $0xF;
	v56 =	vmul.f32 v63, v23;
	v63 =	vld [tilespmem:$0x61F8]  }
0x1e1: {  	v55 =	vmul.f32 v37, v12;
	v32 =	vadd.f32 v48, v32;
	v23 =	vmul.f32 v49, v23;
	v49 =	vld [tilespmem:$0x61C8]  }
0x1e2: {  	v59, _, _ =	vpop (xrf0);
	v43 =	vmul.f32 v50, v18;
	v48 =	vmul.f32 v54, v8;
	v50 =	vsel vm1, $0x0, v25;
	v54 =	vld [tilespmem:$0x6278]  }
0x1e3: {  	v61 =	vadd.f32 v57, v58;
	v62 =	vmul.f32 v21, v22;
	v22 =	vbroadcast v59, $0xF;
	v59 =	vld [tilespmem:$0x6148]  }
0x1e4: {  	v57 =	vld [tilespmem:$0x6178];
	v58 =	vsel vm14, $0x0, v25;
	v37 =	vadd.f32 $0.0e+00, v56;
	v32 =	vadd.f32 v52, v32  }
0x1e5: {  	v23 =	vadd.f32 $0.0e+00, v23;
	v18 =	vmul.f32 v53, v18;
	v34 =	vadd.f32 v61, v62;
	v62 =	vld [tilespmem:$0x6188]  }
0x1e6: {  	v25 =	vsel vm0, $0x0, v25;
	v26 =	vmul.f32 v26, v22;
	v61 =	vld [tilespmem:$0x61B8];
	v37 =	vadd.f32 v43, v37  }
0x1e7: {  	v51, _, _ =	vpop (xrf0);
	v56 =	vmul.f32 v40, v15;
	v53 =	vld [tilespmem:$0x6208];
	v32 =	vadd.f32 v55, v32;
	v18 =	vadd.f32 v18, v23  }
0x1e8: {  	(xrf0) =	vmax.scan.msk.f32 $0xffff, v58;
	v58 =	vld [tilespmem:$0x62B8];
	v34 =	vadd.f32 v34, v26;
	v26 =	vbroadcast v51, $0xF;
	v8 =	vmul.f32 v59, v8  }
0x1e9: {  	(xrf0) =	vmax.scan.msk.f32 $0xffff, v50;
	v50 =	vld [tilespmem:$0x62C8];
	v37 =	vadd.f32 v48, v37;
	v54 =	vmul.f32 v54, v12;
	v52 =	vmul.f32 v57, v6  }
0x1ea: {  	v51 =	vld [tilespmem:$0x6238];
	v32 =	vadd.f32 v60, v32;
	v8 =	vadd.f32 v8, v18;
	v6 =	vmul.f32 v62, v6  }
0x1eb: {  	v57 =	vld [tilespmem:$0x6248];
	v59 =	vmul.f32 v49, v9;
	v37 =	vadd.f32 v52, v37;
	v38 =	vmul.f32 v61, v9  }
0x1ec: {  	v41 =	vld [tilespmem:$0x63C8];
	s24 =	spop (v2sf);
	v30 =	vmul.f32 v30, v26;
	v47 =	vmul.f32 v53, v10;
	v6 =	vadd.f32 v6, v8  }
0x1ed: {  	s25 =	spop (v2sf);
	v53 =	vmul.f32 v42, v17;
	v62 =	vmul.f32 v63, v10;
	v63 =	vld [tilespmem:$0x6288];
	v61 =	vadd.f32 v38, v37  }
0x1ee: {  	v46 =	vld [tilespmem:$0x62F8];
	s19 =	sadd.f32 s25, s24;
	v58 =	vmul.f32 v58, v7;
	v32 =	vadd.f32 v39, v32;
	v6 =	vadd.f32 v59, v6  }
0x1ef: {  	v5 =	vld [tilespmem:$0x6568];
	v7 =	vmul.f32 v50, v7;
	v49 =	vmul.f32 v51, v11;
	v48 =	vadd.f32 v62, v61  }
0x1f0: {  	v33 =	vld [tilespmem:$0x65B8];
	s19 =	sadd.f32 $1.000000020e-16, s19;
	v55, _, _ =	vpop (xrf0);
	v39 =	vmul.f32 v29, v20;
	v52 =	vmul.f32 v57, v11;
	v6 =	vadd.f32 v47, v6  }
0x1f1: {  	v30 =	vadd.f32 v34, v30;
	v18 =	vbroadcast v55, $0xF;
	v55 =	vld [tilespmem:$0x6308];
	v10 =	vadd.f32 v49, v48  }
0x1f2: {  	v34 =	vmov s19;
	v51 =	vld [tilespmem:$0x6338];
	v57 =	vmul.f32 v63, v12;
	v6 =	vadd.f32 v52, v6  }
0x1f3: {  	v60 =	vadd.f32 v56, v32;
	(erf) = vrcp.f32 v34;
	v59 =	vld [tilespmem:$0x6348];
	v10 =	vadd.f32 v54, v10  }
0x1f4: {  	v56 =	vld [tilespmem:$0x6378];
	v4 =	vmul.f32 v4, v18;
	v14 =	vmul.f32 v14, v18;
	v6 =	vadd.f32 v57, v6  }
0x1f5: {  	v9 =	vadd.f32 v45, v60;
	v62 =	vmul.f32 v46, v13;
	v63 =	vld [tilespmem:$0x6388];
	v10 =	vadd.f32 v58, v10  }
0x1f6: {  	v61 =	vld [tilespmem:$0x63B8];
	v46 =	vmul.f32 v28, v21;
	v38 =	vmul.f32 v55, v13;
	v6 =	vadd.f32 v7, v6  }
0x1f7: {  	v37 =	vld [tilespmem:$0x63F8];
	v4 =	vadd.f32 v30, v4;
	v40 =	vmul.f32 v51, v15;
	v10 =	vadd.f32 v62, v10  }
0x1f8: {  	v32 =	vld [tilespmem:$0x6548];
	v9 =	vadd.f32 v53, v9;
	v60, _, _ =	vpop (xrf0);
	v43 =	vmul.f32 v59, v15;
	v6 =	vadd.f32 v38, v6  }
0x1f9: {  	v45 =	vld [tilespmem:$0x6408];
	v8 =	vbroadcast v60, $0xF;
	v44 =	vmul.f32 v56, v16;
	v10 =	vadd.f32 v40, v10  }
0x1fa: {  	v42 =	vld [tilespmem:$0x6438];
	(xrf0) =	vmax.scan.msk.f32 $0xffff, v25;
	v53 =	vmul.f32 v41, v17;
	v48 =	vmul.f32 v63, v16;
	v6 =	vadd.f32 v43, v6  }
0x1fb: {  	v51 =	vld [tilespmem:$0x6448];
	v2 =	vmul.f32 v2, v8;
	v50 =	vmul.f32 v61, v17;
	v49 =	vadd.f32 v44, v10  }
0x1fc: {  	v47 =	vld [tilespmem:$0x6478];
	v55 =	vmul.f32 v37, v19;
	v9 =	vadd.f32 v31, v9;
	v6 =	vadd.f32 v48, v6  }
0x1fd: {  	v56 =	vld [tilespmem:$0x6488];
	v41 =	vmul.f32 v32, v18;
	v2 =	vadd.f32 v4, v2;
	v4 =	vadd.f32 v50, v49  }
0x1fe: {  	v52 =	vld [tilespmem:$0x64B8];
	v54 =	vmul.f32 v27, v22;
	v58 =	vmul.f32 v45, v19;
	v6 =	vadd.f32 v53, v6  }
0x1ff: {  	v60 =	vld [tilespmem:$0x64C8];
	v59 =	vmul.f32 v42, v20;
	v5 =	vmul.f32 v5, v8;
	v4 =	vadd.f32 v55, v4  }
0x200: {  	v61, _, _ =	vpop (xrf0);
	v9 =	vadd.f32 v39, v9;
	v57 =	vld [tilespmem:$0x64F8];
	v20 =	vmul.f32 v51, v20;
	v6 =	vadd.f32 v58, v6  }
0x201: {  	v28 =	vld [tilespmem:$0x6508];
	v25 =	vbroadcast v61, $0xF;
	v27 =	vmul.f32 v47, v21;
	v4 =	vadd.f32 v59, v4  }
0x202: {  	v63 =	vld [tilespmem:$0x6538];
	v9 =	vadd.f32 v46, v9;
	v30 =	vmul.f32 v56, v21;
	v6 =	vadd.f32 v20, v6  }
0x203: {  	v3 =	vld [tilespmem:$0x65A8];
	v62 =	vmul.f32 v24, v26;
	v31 =	vmul.f32 v52, v22;
	v4 =	vadd.f32 v27, v4  }
0x204: {  	v29 =	vld [tilespmem:$0x6578];
	v34 =	vmul.f32 v60, v22;
	v9 =	vadd.f32 v54, v9;
	v6 =	vadd.f32 v30, v6  }
0x205: {  	v36 =	vld [tilespmem:$0x6588];
	v1 =	vmul.f32 v1, v25;
	v35 =	vmul.f32 v57, v26;
	v4 =	vadd.f32 v31, v4  }
0x206: {  	v37 =	vmul.f32 v28, v26;
	v38 =	vld [tilespmem:$0x65C8];
	v9 =	vadd.f32 v62, v9;
	v6 =	vadd.f32 v34, v6  }
0x207: {  	v1 =	vadd.f32 v2, v1;
	v40 =	vld [tilespmem:$0x4E80];
	v39 =	vmul.f32 v63, v18;
	v2 =	vadd.f32 v35, v4  }
0x208: {  	v3 =	vmul.f32 v3, v25;
	v9 =	vadd.f32 v14, v9;
	v6 =	vadd.f32 v37, v6  }
0x209: {  	v46 =	vmul.f32 v33, v25;
	v43 =	vmul.f32 v29, v8;
	v2 =	vadd.f32 v39, v2  }
0x20a: {  	v45 =	vld [tilespmem:$0x4E88];
	v42 =	vpop (erf);
	v44 =	vmul.f32 v36, v8;
	v5 =	vadd.f32 v5, v9;
	v6 =	vadd.f32 v41, v6  }
0x20b: {  	v1 =	vmul.f32 v1, v42;
	v48 =	vmul.f32 v38, v25;
	v2 =	vadd.f32 v43, v2  }
0x20c: {  	v49 =	vsub.s32 v40, v0;
	v3 =	vadd.f32 v3, v5;
	v47 =	vadd.f32 v44, v6  }
0x20d: {  	v51 =	vand.u32 $0x7, v40;
	v50 =	vand.u32 $0xFFFFFFF8, v49;
	v2 =	vadd.f32 v46, v2  }
0x20e: {  	s18 =	sadd.s32 $0x4, s18;
	v3 =	vmul.f32 v3, v42;
	v4 =	vor.u32 v51, v50;
	v5 =	vadd.f32 v48, v47  }
0x20f: {  	v52 =	vmov s18;
	[tilespmem:$0x6D58] =	vst v1;
	v1 =	vmul.f32 v2, v42;
	v2 =	vsub.s32 v45, v0  }
0x210: {  	v53 =	vand.u32 $0x7, v45;
	[tilespmem:$0x6D68] =	vst v3;
	v2 =	vand.u32 $0xFFFFFFF8, v2;
	v3 =	vmul.f32 v5, v42  }
0x211: {  	[tilespmem:$0x6D78] =	vst v1;
	v1 =	vor.u32 v53, v2  }
0x212: {  	[tilespmem:$0x6D88] =	vst v3  }
0x213: {  	v2 =	vld.idx.msk [tilespmem:v4+s10+$0x0], $0xffff  }
0x214: {  	v3 =	vld.idx.msk [tilespmem:v52+s2+$0x0], $0xffff;
	_ =	sdelay $0x1  }
0x215: {  	v1 =	vld.idx.msk [tilespmem:v1+s10+$0x0], $0xffff;
	_ =	sdelay $0x2  }
0x216: {  	v2 =	vadd.f32 v3, v2;
	_ =	sdelay $0x1  }
0x217: {  	v1 =	vadd.f32 v3, v1;
	v3 =	vmul.f32 $2.000000030e-01, v2  }
0x218: {  	s17 =	sadd.s32 $0x4, s17;
	vm3 =	vgt.f32 v2, $0.0e+00  }
0x219: {  	v2 =	vsel vm3, v2, v3;
	v3 =	vmul.f32 $2.000000030e-01, v1;
	vm3 =	vne.s32 v45, s17  }
0x21a: {  	vm5 =	veq.s32 v40, s17;
	vm4 =	vgt.f32 v1, $0.0e+00;
	vm3 =	vmand vm3, vm8  }
0x21b: {  	v2 =	vsel vm5, $0xF149F2CA, v2;
	v1 =	vsel vm4, v1, v3;
	vm3 =	vmor vm3, vm7  }
0x21c: {  	(xrf0) =	vmax.scan.msk.f32 $0xffff, v2;
	v1 =	vnsel vm3, $0xF149F2CA, v1  }
0x21d: {  	(xrf0) =	vmax.scan.msk.f32 $0xffff, v1;
	_ =	sdelay $0x4  }
0x21e: {  	v3, _, _ =	vpop (xrf0)  }
0x21f: {  	(v2sf) =	vpush v3, $0xF;
	v3, _, _ =	vpop (xrf0)  }
0x220: {  	(v2sf) =	vpush v3, $0xF;
	_ =	sdelay $0xd  }
0x221: {  	s26 =	spop (v2sf)  }
0x222: {  	s28 =	spop (v2sf)  }
0x223: {  	s17 =	smax.f32 s26, s28  }
0x224: {  	v3 =	vmov s17  }
0x225: {  	v2 =	vsub.f32 v2, v3;
	_ =	sdelay $0x1  }
0x226: {  	v2 =	vmul.f32 $1.442695020e+00, v2;
	_ =	sdelay $0x1  }
0x227: {  	(erf) = vpow2.f32 v2  }
0x228: {  	v32 =	vld [tilespmem:$0x67A8]  }
0x229: {  	v56 =	vld [tilespmem:$0x6758]  }
0x22a: {  	v60 =	vld [tilespmem:$0x6818]  }
0x22b: {  	v21 =	vld [tilespmem:$0x6918]  }
0x22c: {  	v7 =	vld [tilespmem:$0x6A58]  }
0x22d: {  	v33 =	vld [tilespmem:$0x67E8]  }
0x22e: {  	v22 =	vld [tilespmem:$0x6958]  }
0x22f: {  	v54 =	vld [tilespmem:$0x66D8]  }
0x230: {  	v57 =	vld [tilespmem:$0x6798];
	v8 =	vpop (erf)  }
0x231: {  	v63 =	vld [tilespmem:$0x6898];
	vm5 =	vcmask $0x308;
	v58 =	vnsel vm10, $0x0, v8  }
0x232: {  	v26 =	vld [tilespmem:$0x6A18];
	v61 =	vsel vm5, $0x0, v8;
	(xrf0) =	vmax.scan.msk.f32 $0xffff, v58  }
0x233: {  	v62 =	vld [tilespmem:$0x6858];
	vm3 =	vmmov vm6;
	vm6 =	vcmask $0x70C;
	(xrf0) =	vmax.scan.msk.f32 $0xffff, v61  }
0x234: {  	v29 =	vld [tilespmem:$0x6A98];
	v36 =	vsel vm6, $0x0, v8  }
0x235: {  	v25 =	vld [tilespmem:$0x6998];
	(xrf0) =	vmax.scan.msk.f32 $0xffff, v36  }
0x236: {  	v2 =	vld [tilespmem:$0x6698]  }
0x237: {  	v55 =	vld [tilespmem:$0x6718];
	v37 =	vsel vm15, $0x0, v8  }
0x238: {  	v9 =	vld [tilespmem:$0x6AD8];
	v39 =	vsel vm9, $0x0, v8;
	v38, _, _ =	vpop (xrf0);
	(xrf0) =	vmax.scan.msk.f32 $0xffff, v37  }
0x239: {  	v59 =	vld [tilespmem:$0x67D8];
	v23 =	vbroadcast v38, $0xF;
	v40, _, _ =	vpop (xrf0);
	(xrf0) =	vmax.scan.msk.f32 $0xffff, v39  }
0x23a: {  	v20 =	vld [tilespmem:$0x68D8];
	v1 =	vsub.f32 v1, v3;
	v41 =	vsel vm3, $0x0, v8  }
0x23b: {  	v27 =	vld [tilespmem:$0x69D8];
	v19 =	vbroadcast v40, $0xF;
	v3, _, _ =	vpop (xrf0);
	(xrf0) =	vmax.scan.msk.f32 $0xffff, v41;
	v2 =	vmul.f32 v23, v2  }
0x23c: {  	v50 =	vld [tilespmem:$0x6728];
	v1 =	vmul.f32 $1.442695020e+00, v1;
	v42 =	vsel vm2, $0x0, v8  }
0x23d: {  	v46 =	vld [tilespmem:$0x66A8];
	(xrf2) =	vadd.scan.msk.f32 $0xffff, v8;
	v13 =	vbroadcast v3, $0xF;
	v43 =	vmul.f32 v19, v54;
	v2 =	vadd.f32 $0.0e+00, v2  }
0x23e: {  	v34 =	vld [tilespmem:$0x6828];
	(erf) = vpow2.f32 v1;
	v44 =	vsel vm11, $0x0, v8;
	v3, _, _ =	vpop (xrf0);
	(xrf0) =	vmax.scan.msk.f32 $0xffff, v42  }
0x23f: {  	v48 =	vld [tilespmem:$0x66E8];
	v5 =	vmul.f32 v13, v55;
	v15 =	vadd.f32 v2, v43;
	v14 =	vbroadcast v3, $0xF;
	v3, _, _ =	vpop (xrf0);
	(xrf0) =	vmax.scan.msk.f32 $0xffff, v44  }
0x240: {  	v35 =	vld [tilespmem:$0x68A8];
	vm5 =	vcmask $0x3338;
	v45 =	vsel vm12, $0x0, v8;
	v47 =	vsel vm13, $0x0, v8  }
0x241: {  	v52 =	vld [tilespmem:$0x6768];
	v16 =	vbroadcast v3, $0xF;
	v3, _, _ =	vpop (xrf0);
	(xrf0) =	vmax.scan.msk.f32 $0xffff, v45;
	v5 =	vadd.f32 v15, v5;
	v6 =	vmul.f32 v14, v56  }
0x242: {  	v4 =	vld [tilespmem:$0x6B18];
	v51 =	vsel vm14, $0x0, v8;
	v28 =	vmul.f32 v46, v23;
	v54 =	vsel vm1, $0x0, v8  }
0x243: {  	v1 =	vld [tilespmem:$0x6B98];
	v15 =	vbroadcast v3, $0xF;
	v49 =	vmul.f32 v16, v57;
	v5 =	vadd.f32 v5, v6  }
0x244: {  	v36 =	vld [tilespmem:$0x6868];
	v30 =	vmul.f32 v48, v19;
	v28 =	vadd.f32 $0.0e+00, v28;
	v10 =	vmul.f32 v50, v13;
	v3, _, _ =	vpop (xrf0);
	(xrf0) =	vmax.scan.msk.f32 $0xffff, v47  }
0x245: {  	v37 =	vld [tilespmem:$0x6928];
	v53 =	vmul.f32 v15, v59;
	v5 =	vadd.f32 v5, v49;
	v11 =	vbroadcast v3, $0xF;
	v3, _, _ =	vpop (xrf0);
	(xrf0) =	vmax.scan.msk.f32 $0xffff, v51  }
0x246: {  	v38 =	vld [tilespmem:$0x68E8];
	v31 =	vmul.f32 v52, v14;
	v57 =	vsel vm0, $0x0, v8;
	v47 =	vadd.f32 v30, v28  }
0x247: {  	v39 =	vld [tilespmem:$0x69A8];
	v12 =	vbroadcast v3, $0xF;
	v56, _, _ =	vpop (xrf0);
	v5 =	vadd.f32 v5, v53;
	v55 =	vmul.f32 v11, v60  }
0x248: {  	v40 =	vld [tilespmem:$0x6968];
	v32 =	vmul.f32 v32, v16;
	(xrf0) =	vmax.scan.msk.f32 $0xffff, v54;
	v3 =	vpop (erf);
	v51 =	vadd.f32 v10, v47;
	v17 =	vbroadcast v56, $0xF  }
0x249: {  	v44 =	vld [tilespmem:$0x1FFF0];
	v54, _, _ =	vpop (xrf2);
	v60 =	vsel vm5, $0x0, v8;
	(xrf2) =	vadd.scan.msk.f32 $0xffff, v3;
	v58 =	vmul.f32 v12, v62;
	v5 =	vadd.f32 v5, v55  }
0x24a: {  	v42 =	vld [tilespmem:$0x69E8];
	vm5 =	vcmask $0x373C;
	v50 =	vsel vm12, $0x0, v3;
	(v2sf) =	vpush v54, $0xF;
	v59, _, _ =	vpop (xrf0);
	(xrf0) =	vmax.scan.msk.f32 $0xffff, v57  }
0x24b: {  	v2 =	vld [tilespmem:$0x6B58];
	v61 =	vmul.f32 v17, v63;
	v5 =	vadd.f32 v5, v58;
	v18 =	vbroadcast v59, $0xF;
	v62, _, _ =	vpop (xrf0);
	(xrf0) =	vmax.scan.msk.f32 $0xffff, v60  }
0x24c: {  	v43 =	vld [tilespmem:$0x68B8];
	v31 =	vadd.f32 v31, v51;
	v51 =	vsel vm13, $0x0, v3;
	v63 =	vsel vm5, $0x0, v8  }
0x24d: {  	v6 =	vld [tilespmem:$0x6B28];
	v5 =	vadd.f32 v5, v61;
	v45 =	vmul.f32 v18, v20;
	v20 =	vbroadcast v62, $0xF  }
0x24e: {  	v30 =	vld [tilespmem:$0x6A28];
	vm5 =	vnez.u8 v44;
	v31 =	vadd.f32 v32, v31;
	v57 =	vmul.f32 v33, v15;
	v46, _, _ =	vpop (xrf0);
	(xrf0) =	vmax.scan.msk.f32 $0xffff, v63  }
0x24f: {  	v60 =	vld [tilespmem:$0x66B8];
	v5 =	vadd.f32 v5, v45;
	v48 =	vmul.f32 v20, v21;
	v21 =	vbroadcast v46, $0xF  }
0x250: {  	v8 =	vsel vm5, $0x0, v8;
	v31 =	vadd.f32 v57, v31;
	v63 =	vld [tilespmem:$0x66C8];
	v62 =	vmul.f32 v34, v11;
	v49, _, _ =	vpop (xrf0)  }
0x251: {  	v57 =	vld [tilespmem:$0x6738];
	(xrf0) =	vmax.scan.msk.f32 $0xffff, v8;
	v5 =	vadd.f32 v5, v48;
	v52 =	vmul.f32 v21, v22;
	v24 =	vbroadcast v49, $0xF;
	v53, _, _ =	vpop (xrf0)  }
0x252: {  	v31 =	vadd.f32 v62, v31;
	v62 =	vmul.f32 v37, v20;
	v49 =	vld [tilespmem:$0x66F8];
	v22 =	vbroadcast v53, $0xF  }
0x253: {  	v28 =	vld [tilespmem:$0x6A68];
	v58, _, _ =	vpop (xrf2);
	v55 =	vadd.f32 v5, v52;
	v25 =	vmul.f32 v24, v25;
	v52 =	vmul.f32 v36, v12  }
0x254: {  	v47 =	vld [tilespmem:$0x68F8];
	v56, _, _ =	vpop (xrf0);
	(v2sf) =	vpush v58, $0xF;
	v45 =	vmul.f32 v39, v24;
	v27 =	vmul.f32 v22, v27  }
0x255: {  	(xrf0) =	vmax.scan.msk.f32 $0xffff, v50;
	v53 =	vld [tilespmem:$0x6708];
	v59 =	vadd.f32 v55, v25;
	v25 =	vbroadcast v56, $0xF;
	v55 =	vmul.f32 v35, v17  }
0x256: {  	v58 =	vld [tilespmem:$0x6748];
	v31 =	vadd.f32 v52, v31;
	v56 =	vmul.f32 v60, v23;
	v23 =	vmul.f32 v63, v23  }
0x257: {  	v33 =	vld [tilespmem:$0x6A78];
	v61, _, _ =	vpop (xrf0);
	(xrf0) =	vmax.scan.msk.f32 $0xffff, v51;
	v41 =	vmul.f32 v49, v19;
	v49 =	vmul.f32 v57, v13;
	v51 =	vsel vm14, $0x0, v3  }
0x258: {  	v60 =	vld [tilespmem:$0x6778];
	v57 =	vmul.f32 v40, v21;
	v27 =	vadd.f32 v59, v27;
	v48 =	vmul.f32 v25, v26  }
0x259: {  	v63 =	vld [tilespmem:$0x67B8];
	v26 =	vbroadcast v61, $0xF;
	v31 =	vadd.f32 v55, v31;
	v59 =	vmul.f32 v38, v18  }
0x25a: {  	v35 =	vadd.f32 $0.0e+00, v56;
	v23 =	vadd.f32 $0.0e+00, v23;
	v19 =	vmul.f32 v53, v19;
	v61 =	vld [tilespmem:$0x6788]  }
0x25b: {  	v52 =	vld [tilespmem:$0x67F8];
	v50, _, _ =	vpop (xrf0);
	v13 =	vmul.f32 v58, v13;
	v34 =	vadd.f32 v27, v48;
	v54 =	vmul.f32 v26, v7  }
0x25c: {  	v27 =	vbroadcast v50, $0xF;
	v31 =	vadd.f32 v59, v31;
	v35 =	vadd.f32 v41, v35;
	v50 =	vld [tilespmem:$0x67C8]  }
0x25d: {  	v55 =	vld [tilespmem:$0x6808];
	v30 =	vmul.f32 v30, v25;
	v23 =	vadd.f32 v19, v23;
	v34 =	vadd.f32 v34, v54  }
0x25e: {  	v56 =	vld [tilespmem:$0x6838];
	v29 =	vmul.f32 v29, v27;
	v53 =	vadd.f32 v49, v35;
	v54 =	vmul.f32 v60, v14  }
0x25f: {  	v46 =	vld [tilespmem:$0x68C8];
	v41 =	vsel vm1, $0x0, v3;
	v13 =	vadd.f32 v13, v23;
	v14 =	vmul.f32 v61, v14  }
0x260: {  	v58 =	vld [tilespmem:$0x6848];
	v48, _, _ =	vpop (xrf0);
	(xrf0) =	vmax.scan.msk.f32 $0xffff, v51;
	v29 =	vadd.f32 v34, v29;
	v32 =	vadd.f32 v54, v53;
	v34 =	vmul.f32 v63, v16  }
0x261: {  	v28 =	vmul.f32 v28, v26;
	v60 =	vld [tilespmem:$0x6878];
	v13 =	vadd.f32 v14, v13;
	v59 =	vmul.f32 v50, v16  }
0x262: {  	v40 =	vld [tilespmem:$0x6888];
	v31 =	vadd.f32 v62, v31;
	v63 =	vmul.f32 v52, v15;
	v62 =	vadd.f32 v34, v32  }
0x263: {  	v8 =	vld [tilespmem:$0x6AE8];
	v23 =	vmul.f32 v56, v11;
	v15 =	vmul.f32 v55, v15;
	v13 =	vadd.f32 v59, v13  }
0x264: {  	v36 =	vld [tilespmem:$0x6AB8];
	v19 =	vbroadcast v48, $0xF;
	v61 =	vadd.f32 v57, v31;
	v31 =	vadd.f32 v63, v62  }
0x265: {  	v49 =	vld [tilespmem:$0x6938];
	v11 =	vmul.f32 v58, v11;
	v56 =	vmul.f32 v47, v18;
	v13 =	vadd.f32 v15, v13  }
0x266: {  	v48 =	vld [tilespmem:$0x6908];
	v9 =	vmul.f32 v9, v19;
	v16 =	vmul.f32 v60, v12;
	v44, _, _ =	vpop (xrf0);
	v23 =	vadd.f32 v23, v31  }
0x267: {  	v35 =	vld [tilespmem:$0x6A88];
	v12 =	vmul.f32 v40, v12;
	(xrf0) =	vmax.scan.msk.f32 $0xffff, v41;
	v15 =	vbroadcast v44, $0xF;
	v11 =	vadd.f32 v11, v13  }
0x268: {  	v51 =	vld [tilespmem:$0x6948];
	v53 =	vmul.f32 v46, v17;
	v14 =	vmul.f32 v43, v17;
	v16 =	vadd.f32 v16, v23  }
0x269: {  	v54 =	vld [tilespmem:$0x6978];
	v9 =	vadd.f32 v29, v9;
	v4 =	vmul.f32 v4, v15;
	v52 =	vadd.f32 v12, v11  }
0x26a: {  	v57 =	vld [tilespmem:$0x6988];
	v50 =	vmul.f32 v42, v22;
	v29 =	vadd.f32 v45, v61;
	v14 =	vadd.f32 v14, v16  }
0x26b: {  	v59 =	vld [tilespmem:$0x69B8];
	v18 =	vmul.f32 v48, v18;
	v4 =	vadd.f32 v9, v4;
	v9 =	vadd.f32 v53, v52  }
0x26c: {  	v3 =	vsel vm0, $0x0, v3;
	v60 =	vld [tilespmem:$0x69C8];
	v13 =	vmul.f32 v49, v20;
	v14 =	vadd.f32 v56, v14  }
0x26d: {  	v61 =	vmul.f32 v51, v20;
	v62 =	vld [tilespmem:$0x69F8];
	v55 =	vadd.f32 v50, v29;
	v58, _, _ =	vpop (xrf0);
	v9 =	vadd.f32 v18, v9  }
0x26e: {  	v63 =	vld [tilespmem:$0x6A08];
	v12 =	vmul.f32 v54, v21;
	v11 =	vbroadcast v58, $0xF;
	v13 =	vadd.f32 v13, v14  }
0x26f: {  	v29 =	vld [tilespmem:$0x6A38];
	v17 =	vadd.f32 v30, v55;
	v21 =	vmul.f32 v57, v21;
	v9 =	vadd.f32 v61, v9  }
0x270: {  	s29 =	spop (v2sf);
	v32 =	vld [tilespmem:$0x6A48];
	v31 =	vmul.f32 v59, v24;
	v2 =	vmul.f32 v2, v11;
	v30 =	vadd.f32 v12, v13  }
0x271: {  	v39 =	vld [tilespmem:$0x6AC8];
	v8 =	vmul.f32 v8, v19;
	s30 =	spop (v2sf);
	v16 =	vmul.f32 v60, v24;
	v9 =	vadd.f32 v21, v9  }
0x272: {  	v10 =	vld [tilespmem:$0x6AA8];
	s17 =	sadd.f32 s30, s29;
	v34 =	vmul.f32 v62, v22;
	v2 =	vadd.f32 v4, v2;
	v4 =	vadd.f32 v31, v30  }
0x273: {  	v42 =	vld [tilespmem:$0x6B08];
	v45 =	vmul.f32 v36, v27;
	v14 =	vmul.f32 v63, v22;
	v9 =	vadd.f32 v16, v9  }
0x274: {  	v40 =	vld [tilespmem:$0x6AF8];
	v41 =	vmul.f32 v33, v26;
	s17 =	sadd.f32 $1.000000020e-16, s17;
	v38 =	vmul.f32 v29, v25;
	v4 =	vadd.f32 v34, v4  }
0x275: {  	v43 =	vld [tilespmem:$0x6B38];
	v44 =	vmul.f32 v35, v26;
	(xrf0) =	vmax.scan.msk.f32 $0xffff, v3;
	v13 =	vmul.f32 v32, v25;
	v9 =	vadd.f32 v14, v9  }
0x276: {  	v46 =	vld [tilespmem:$0x6B48];
	v49 =	vmul.f32 v39, v27;
	v37 =	vmov s17;
	v4 =	vadd.f32 v38, v4  }
0x277: {  	v5 =	vld [tilespmem:$0x6B68];
	v17 =	vadd.f32 v28, v17;
	v3 =	vmul.f32 v10, v27;
	v9 =	vadd.f32 v13, v9  }
0x278: {  	v48 =	vld [tilespmem:$0x6B78];
	v6 =	vmul.f32 v6, v15;
	(erf) = vrcp.f32 v37;
	v4 =	vadd.f32 v41, v4  }
0x279: {  	v51 =	vld [tilespmem:$0x6B88];
	v50 =	vmul.f32 v40, v19;
	v3 =	vadd.f32 v3, v17;
	v9 =	vadd.f32 v44, v9  }
0x27a: {  	v7 =	vld [tilespmem:$0x6BA8];
	v54 =	vmul.f32 v43, v15;
	v53 =	vmul.f32 v42, v19;
	v4 =	vadd.f32 v45, v4  }
0x27b: {  	v52 =	vld [tilespmem:$0x6BB8];
	v10 =	vmul.f32 v46, v15;
	v3 =	vadd.f32 v8, v3;
	v47, _, _ =	vpop (xrf0);
	v9 =	vadd.f32 v49, v9  }
0x27c: {  	v55 =	vld [tilespmem:$0x6BC8];
	v5 =	vmul.f32 v5, v11;
	v12 =	vbroadcast v47, $0xF;
	v4 =	vadd.f32 v50, v4  }
0x27d: {  	v56 =	vmul.f32 v48, v11;
	v3 =	vadd.f32 v6, v3;
	v9 =	vadd.f32 v53, v9  }
0x27e: {  	v58 =	vmul.f32 v51, v11;
	v1 =	vmul.f32 v1, v12;
	v4 =	vadd.f32 v54, v4  }
0x27f: {  	v3 =	vadd.f32 v5, v3;
	v7 =	vmul.f32 v7, v12;
	v57 =	vadd.f32 v10, v9  }
0x280: {  	v59 =	vmul.f32 v52, v12;
	v1 =	vadd.f32 v2, v1;
	v2 =	vadd.f32 v56, v4  }
0x281: {  	v60 =	vpop (erf);
	v62 =	vmul.f32 v55, v12;
	v3 =	vadd.f32 v7, v3;
	v61 =	vadd.f32 v58, v57  }
0x282: {  	v1 =	vmul.f32 v1, v60;
	v2 =	vadd.f32 v59, v2  }
0x283: {  	v3 =	vmul.f32 v3, v60;
	v63 =	vadd.f32 v62, v61  }
0x284: {  	[tilespmem:$0x6D98] =	vst v1;
	v1 =	vmul.f32 v2, v60  }
0x285: {  	[tilespmem:$0x6DA8] =	vst v3;
	v2 =	vmul.f32 v63, v60  }
0x286: {  	p0 =	sne.s32 s16, $0x4DD;
	[tilespmem:$0x6DB8] =	vst v1  }
.Ltmp0:
0x287: {  	s31 =	rddreg [dreg:$0x6];
	[tilespmem:$0x6DC8] =	vst v2;
	(pc) =	sbr.rel @p0 .LBB2_2-.Ltmp0, $4  }
0x288: {  	[hbm4b:s14+s2] =	stream.linear.scatter [tilespmem:s31], [sflag:$0x2], $0x140, $0x38;
	[tilespmem:$0x6DD8] =	vst v63  }
0x289: {  	_ =	swait.ge [sflag:s9], $0x140  }
0x28a: {  	s15 =	sadd.s32 $0xF, s15;
	[sflag:s9] =	ssyncset.done $0x0  }
0x28b: {  	s16 =	sadd.s32 $0x5, s16;
	s14 =	sadd.s32 $0x28, s14;
	[sflag:s9] =	ssyncadd.s32 $0xFFFFFEC0  }
0x28c: {  	s13 =	sadd.s32 $0x1, s13  }
0x28d: {  	p0 =	sne.s32 s13, s5  }
.Ltmp1:
0x28e: {  	_ = 	snop;
	(pc) =	sbr.rel @p0 .LBB2_1-.Ltmp1, $1  }
0x28f: {  	_ =	sdelay $0x3  }
0x290: {  	_ =	sfence.sel $0x180000  }
0x291: {  	[bflag:$0x0] =	sbarrier.arrive $0xFFFF  }
0x292: {  	p0 =	sne.s32 s1, $0x0;
	_ =	strace $0x90000047  }
0x293: {  	s0 =	sadd.s32 @!p0 $0x100000, s0;
	[bflag:$0x2] =	sbarrier.arrive $0xFFFF  }
0x294: {  	[sflag:s0] =	ssyncadd.tile.s32 @!p0 $0x1;
	_ =	shalt  }
.Lfunc_end2:
_tile_overlayer_lowered:
.L_overlay_start_2:
0x295: {  	(tag) =	ssettag $0x2  }
0x296: {  	s0 =	rddreg [dreg:$0x0];
	s2 =	stileid.u32  }
0x297: {  	s1 =	rddreg [dreg:$0x1];
	p0 =	sne.s32 s2, $0x0  }
0x298: {  	s3 =	rddreg [dreg:$0x2];
	[bflag:$0x3] =	sbarrier.arrive $0xFFFF;
	s2 =	simm.s32 @!p0 $0x1C02  }
0x299: {  	[timem:s3], [sflag:s2] =	dma.local @!p0 [hbm:s0], s1  }
0x29a: {  	s0 =	simm.s32 @!p0 $0x2  }
0x29b: {  	_ =	swait.ge @!p0 [sflag:s0], s1  }
0x29c: {  	s1 =	ssub.s32 @!p0 $0x0, s1;
	[sflag:s0] =	ssyncset.done @!p0 $0x0  }
0x29d: {  	[sflag:s0] =	ssyncadd.s32 @!p0 s1  }
0x29e: {  	[bflag:$0x3] =	sbarrier.arrive $0xFFFF  }
0x29f: {  	_ =	shalt  }

</sc_bundles>
